<compile_context>
chip_gen: v7x
topology: tpu7x:2x2x1
jax: 0.10.2.dev20260603
libtpu: 0.0.44.dev20260713+nightly
codegen_flags: <defaults>
</compile_context>

<pallas_src>
import functools

import jax
import jax.numpy as jnp
from jax import lax
from jax.experimental import pallas as pl
from jax.experimental.pallas import tpu as pltpu
from jax.experimental.pallas import tpu_sc as plsc

N = 10000
C = 128
EPS = 1e-5
N_PAD = 10240
JUNK = N
B = 1024
NB = N_PAD // B

NW = 32
CH = 128
RPT = N_PAD // 16

_MESH = dict(core_axis_name="c", subcore_axis_name="s")



def _sc_deg_body(nchunks, epw, dst_hbm, ones_hbm, zeros_hbm, out_hbm,
                 didx_v, ones_v, s0, s1, acc_sh):
    cid = lax.axis_index("c")
    sid = lax.axis_index("s")
    wid = sid * 2 + cid
    sems = (s0, s1)
    base = wid * epw
    pltpu.sync_copy(zeros_hbm.at[pl.ds(sid * RPT, RPT)],
                    acc_sh.at[pl.ds(sid * RPT, RPT)])
    pltpu.sync_copy(ones_hbm, ones_v)
    plsc.subcore_barrier()

    def fire(j, b):
        pltpu.async_copy(dst_hbm.at[pl.ds(base + j * CH, CH)],
                         didx_v.at[b], sems[b])

    fire(0, 0)

    def body(jo, carry):
        for b in range(2):
            j = jo * 2 + b

            @pl.when(j + 1 < nchunks)
            def _():
                fire(j + 1, (b + 1) % 2)

            pltpu.make_async_copy(dst_hbm.at[pl.ds(base + j * CH, CH)],
                                  didx_v.at[b], sems[b]).wait()
            pltpu.sync_copy(ones_v, acc_sh.at[didx_v.at[b]], add=True)
        return carry

    lax.fori_loop(0, nchunks // 2, body, 0)
    if nchunks % 2:
        j = nchunks - 1
        pltpu.make_async_copy(dst_hbm.at[pl.ds(base + j * CH, CH)],
                              didx_v.at[0], sems[0]).wait()
        pltpu.sync_copy(ones_v, acc_sh.at[didx_v.at[0]], add=True)
    plsc.subcore_barrier()
    pltpu.sync_copy(acc_sh.at[pl.ds(sid * RPT, RPT)],
                    out_hbm.at[pl.ds(cid * N_PAD + sid * RPT, RPT)])


NBUF = 2

SPLIT0 = 0.70


def _sc_gs_body(nch0, epw0, nch1, epw1, src_hbm, dst_hbm, scaled_hbm,
                zeros_hbm, out_hbm, sidx_v, didx_v, rows_v, s0, s1, acc_sh):
    cid = lax.axis_index("c")
    sid = lax.axis_index("s")
    sems = (s0, s1)
    nch = jnp.where(cid == 0, nch0, nch1)
    base = jnp.where(cid == 0, sid * epw0, 16 * epw0 + sid * epw1)
    pltpu.sync_copy(zeros_hbm.at[pl.ds(sid * RPT, RPT)],
                    acc_sh.at[pl.ds(sid * RPT, RPT)])
    plsc.subcore_barrier()

    def fire(j, b):
        pltpu.sync_copy(src_hbm.at[pl.ds(base + j * CH, CH)], sidx_v.at[b])
        pltpu.async_copy(scaled_hbm.at[sidx_v.at[b]], rows_v.at[b], sems[b])

    for b in range(NBUF - 1):
        fire(b, b)

    def outer(jo, carry):
        for b in range(NBUF):
            j = jo * NBUF + b
            jn = j + NBUF - 1
            nb = (b + NBUF - 1) % NBUF

            @pl.when(jn < nch)
            def _():
                fire(jn, nb)

            pltpu.sync_copy(dst_hbm.at[pl.ds(base + j * CH, CH)], didx_v)
            pltpu.make_async_copy(scaled_hbm.at[sidx_v.at[b]],
                                  rows_v.at[b], sems[b]).wait()
            pltpu.sync_copy(rows_v.at[b], acc_sh.at[didx_v], add=True)
        return carry

    lax.fori_loop(0, nch // NBUF, outer, 0)
    plsc.subcore_barrier()
    pltpu.sync_copy(acc_sh.at[pl.ds(sid * RPT, RPT)],
                    out_hbm.at[pl.ds(cid * N_PAD + sid * RPT, RPT)])


def _make_sc_deg(nchunks, epw):
    return pl.kernel(
        functools.partial(_sc_deg_body, nchunks, epw),
        out_type=jax.ShapeDtypeStruct((2 * N_PAD, 16), jnp.float32),
        mesh=plsc.VectorSubcoreMesh(**_MESH),
        scratch_types=[
            pltpu.VMEM((2, CH), jnp.int32),
            pltpu.VMEM((CH, 16), jnp.float32),
            pltpu.SemaphoreType.DMA,
            pltpu.SemaphoreType.DMA,
            pltpu.VMEM_SHARED((N_PAD, 16), jnp.float32),
        ],
        compiler_params=pltpu.CompilerParams(use_tc_tiling_on_sc=False),
    )


def _make_sc_gs(nch0, epw0, nch1, epw1):
    return pl.kernel(
        functools.partial(_sc_gs_body, nch0, epw0, nch1, epw1),
        out_type=jax.ShapeDtypeStruct((2 * N_PAD, C), jnp.float32),
        mesh=plsc.VectorSubcoreMesh(**_MESH),
        scratch_types=[
            pltpu.VMEM((NBUF, CH), jnp.int32),
            pltpu.VMEM((CH,), jnp.int32),
            pltpu.VMEM((NBUF, CH, C), jnp.float32),
            pltpu.SemaphoreType.DMA,
            pltpu.SemaphoreType.DMA,
            pltpu.VMEM_SHARED((N_PAD, C), jnp.float32),
        ],
    )



def _mm_bias_body(x_ref, w_ref, b_ref, o_ref):
    o_ref[...] = jnp.dot(x_ref[...], w_ref[...],
                         preferred_element_type=jnp.float32) + b_ref[...]


def _mm_scale_body(x_ref, w_ref, s_ref, o_ref):
    o_ref[...] = jnp.dot(x_ref[...], w_ref[...],
                         preferred_element_type=jnp.float32) * s_ref[...]


def _dinv_body(d0_ref, d1_ref, o_ref):
    deg = jnp.maximum(d0_ref[...] + d1_ref[...], 1.0)
    o_ref[...] = jnp.broadcast_to(lax.rsqrt(deg)[:, :1], (B, C))


def _bn_body(has_res, r0_ref, r1_ref, s_ref, b_ref, g_ref, be_ref, res_ref,
             o_ref, sum_ref, ssq_ref):
    p = pl.program_id(0)
    i = pl.program_id(1)
    y = s_ref[...] * (r0_ref[...] + r1_ref[...]) + b_ref[...]

    @pl.when(jnp.logical_and(p == 0, i == 0))
    def _():
        sum_ref[...] = jnp.zeros_like(sum_ref)
        ssq_ref[...] = jnp.zeros_like(ssq_ref)

    @pl.when(p == 0)
    def _():
        rows = lax.broadcasted_iota(jnp.int32, (B, C), 0) + i * B
        ym = jnp.where(rows < N, y, 0.0)
        sum_ref[...] += jnp.sum(ym, axis=0, keepdims=True)
        ssq_ref[...] += jnp.sum(ym * ym, axis=0, keepdims=True)

    @pl.when(p == 1)
    def _():
        m = sum_ref[...] * (1.0 / N)
        v = ssq_ref[...] * (1.0 / N) - m * m
        h = (y - m) * lax.rsqrt(v + EPS) * g_ref[...] + be_ref[...]
        if has_res:
            h = h + res_ref[...]
        o_ref[...] = jnp.maximum(h, 0.0)


def _bn_mm_body(r0_ref, r1_ref, s_ref, b_ref, g_ref, be_ref, w_ref,
                o_ref, sum_ref, ssq_ref):
    p = pl.program_id(0)
    i = pl.program_id(1)
    y = s_ref[...] * (r0_ref[...] + r1_ref[...]) + b_ref[...]

    @pl.when(jnp.logical_and(p == 0, i == 0))
    def _():
        sum_ref[...] = jnp.zeros_like(sum_ref)
        ssq_ref[...] = jnp.zeros_like(ssq_ref)

    @pl.when(p == 0)
    def _():
        rows = lax.broadcasted_iota(jnp.int32, (B, C), 0) + i * B
        ym = jnp.where(rows < N, y, 0.0)
        sum_ref[...] += jnp.sum(ym, axis=0, keepdims=True)
        ssq_ref[...] += jnp.sum(ym * ym, axis=0, keepdims=True)

    @pl.when(p == 1)
    def _():
        m = sum_ref[...] * (1.0 / N)
        v = ssq_ref[...] * (1.0 / N) - m * m
        h = jnp.maximum((y - m) * lax.rsqrt(v + EPS) * g_ref[...]
                        + be_ref[...], 0.0)
        o_ref[...] = jnp.dot(h, w_ref[...],
                             preferred_element_type=jnp.float32) * s_ref[...]


def _bn_heads_body(r0_ref, r1_ref, s_ref, b_ref, g_ref, be_ref, res_ref,
                   wm_ref, bm_ref, wl_ref, bl_ref, mu_ref, lv_ref,
                   sum_ref, ssq_ref):
    p = pl.program_id(0)
    i = pl.program_id(1)
    y = s_ref[...] * (r0_ref[...] + r1_ref[...]) + b_ref[...]

    @pl.when(jnp.logical_and(p == 0, i == 0))
    def _():
        sum_ref[...] = jnp.zeros_like(sum_ref)
        ssq_ref[...] = jnp.zeros_like(ssq_ref)

    @pl.when(p == 0)
    def _():
        rows = lax.broadcasted_iota(jnp.int32, (B, C), 0) + i * B
        ym = jnp.where(rows < N, y, 0.0)
        sum_ref[...] += jnp.sum(ym, axis=0, keepdims=True)
        ssq_ref[...] += jnp.sum(ym * ym, axis=0, keepdims=True)

    @pl.when(p == 1)
    def _():
        m = sum_ref[...] * (1.0 / N)
        v = ssq_ref[...] * (1.0 / N) - m * m
        h = jnp.maximum((y - m) * lax.rsqrt(v + EPS) * g_ref[...]
                        + be_ref[...] + res_ref[...], 0.0)
        mu_ref[...] = jnp.dot(h, wm_ref[...],
                              preferred_element_type=jnp.float32) + bm_ref[...]
        lv_ref[...] = jnp.dot(h, wl_ref[...],
                              preferred_element_type=jnp.float32) + bl_ref[...]


def _heads_body(h_ref, wm_ref, bm_ref, wl_ref, bl_ref, mu_ref, lv_ref):
    h = h_ref[...]
    mu_ref[...] = jnp.dot(h, wm_ref[...],
                          preferred_element_type=jnp.float32) + bm_ref[...]
    lv_ref[...] = jnp.dot(h, wl_ref[...],
                          preferred_element_type=jnp.float32) + bl_ref[...]


_row_spec = pl.BlockSpec((B, C), lambda i: (i, 0))
_full_w = pl.BlockSpec((C, C), lambda i: (0, 0))
_full_b = pl.BlockSpec((1, C), lambda i: (0, 0))
_out_f32 = jax.ShapeDtypeStruct((N_PAD, C), jnp.float32)


def _mm_bias(x, w, b):
    return pl.pallas_call(
        _mm_bias_body, grid=(NB,),
        in_specs=[_row_spec, _full_w, _full_b],
        out_specs=_row_spec, out_shape=_out_f32,
    )(x, w, b.reshape(1, C))


def _mm_scale(x, w, s):
    return pl.pallas_call(
        _mm_scale_body, grid=(NB,),
        in_specs=[_row_spec, _full_w, _row_spec],
        out_specs=_row_spec, out_shape=_out_f32,
    )(x, w, s)


def _dinv(deg2):
    spec16 = pl.BlockSpec((B, 16), lambda i: (i, 0))
    return pl.pallas_call(
        _dinv_body, grid=(NB,),
        in_specs=[spec16, spec16],
        out_specs=_row_spec, out_shape=_out_f32,
    )(deg2[:N_PAD], deg2[N_PAD:])


def _bn(raw2, dinv, b, g, be, res):
    has_res = res is not None
    spec2 = pl.BlockSpec((B, C), lambda p, i: (i, 0))
    full2 = pl.BlockSpec((1, C), lambda p, i: (0, 0))
    out2 = pl.BlockSpec((B, C), lambda p, i: (jnp.where(p == 1, i, 0), 0))
    if not has_res:
        res = raw2[:N_PAD]
    return pl.pallas_call(
        functools.partial(_bn_body, has_res), grid=(2, NB),
        in_specs=[spec2, spec2, spec2, full2, full2, full2, spec2],
        out_specs=out2, out_shape=_out_f32,
        scratch_shapes=[pltpu.VMEM((1, C), jnp.float32),
                        pltpu.VMEM((1, C), jnp.float32)],
    )(raw2[:N_PAD], raw2[N_PAD:], dinv, b.reshape(1, C), g.reshape(1, C),
      be.reshape(1, C), res)


def _bn_mm(raw2, dinv, b, g, be, w):
    spec2 = pl.BlockSpec((B, C), lambda p, i: (i, 0))
    full2 = pl.BlockSpec((1, C), lambda p, i: (0, 0))
    fullw = pl.BlockSpec((C, C), lambda p, i: (0, 0))
    out2 = pl.BlockSpec((B, C), lambda p, i: (jnp.where(p == 1, i, 0), 0))
    return pl.pallas_call(
        _bn_mm_body, grid=(2, NB),
        in_specs=[spec2, spec2, spec2, full2, full2, full2, fullw],
        out_specs=out2, out_shape=_out_f32,
        scratch_shapes=[pltpu.VMEM((1, C), jnp.float32),
                        pltpu.VMEM((1, C), jnp.float32)],
    )(raw2[:N_PAD], raw2[N_PAD:], dinv, b.reshape(1, C), g.reshape(1, C),
      be.reshape(1, C), w)


def _bn_heads(raw2, dinv, b, g, be, res, wm, bm, wl, bl):
    spec2 = pl.BlockSpec((B, C), lambda p, i: (i, 0))
    full2 = pl.BlockSpec((1, C), lambda p, i: (0, 0))
    fullw = pl.BlockSpec((C, C), lambda p, i: (0, 0))
    out2 = pl.BlockSpec((B, C), lambda p, i: (jnp.where(p == 1, i, 0), 0))
    return pl.pallas_call(
        _bn_heads_body, grid=(2, NB),
        in_specs=[spec2, spec2, spec2, full2, full2, full2, spec2,
                  fullw, full2, fullw, full2],
        out_specs=(out2, out2), out_shape=(_out_f32, _out_f32),
        scratch_shapes=[pltpu.VMEM((1, C), jnp.float32),
                        pltpu.VMEM((1, C), jnp.float32)],
    )(raw2[:N_PAD], raw2[N_PAD:], dinv, b.reshape(1, C), g.reshape(1, C),
      be.reshape(1, C), res, wm, bm.reshape(1, C), wl, bl.reshape(1, C))


def _heads(h, wm, bm, wl, bl):
    return pl.pallas_call(
        _heads_body, grid=(NB,),
        in_specs=[_row_spec, _full_w, _full_b, _full_w, _full_b],
        out_specs=(_row_spec, _row_spec), out_shape=(_out_f32, _out_f32),
    )(h, wm, bm.reshape(1, C), wl, bl.reshape(1, C))



def kernel(x, edge_index, W1, b1, W2, b2, W3, b3, W4, b4,
           g1, be1, g2, be2, g3, be3, g4, be4,
           Wr, br, Wmu, bmu, Wlv, blv):
    e = edge_index.shape[1]
    e2 = e + N
    grain = CH * NBUF
    epw0 = max(grain, int(round(e2 * SPLIT0 / 16 / grain)) * grain)
    epw1 = max(grain, -(-(e2 - 16 * epw0) // (16 * grain)) * grain)
    nch0, nch1 = epw0 // CH, epw1 // CH
    e_pad = 16 * (epw0 + epw1)
    pad = e_pad - e2
    epw_deg = e_pad // NW
    nch_deg = epw_deg // CH

    loop = jnp.arange(N, dtype=jnp.int32)
    src = jnp.concatenate([edge_index[0].astype(jnp.int32), loop,
                           jnp.zeros((pad,), jnp.int32)])
    dst = jnp.concatenate([edge_index[1].astype(jnp.int32), loop,
                           jnp.full((pad,), JUNK, jnp.int32)])

    zeros_big = jnp.zeros((N_PAD, C), jnp.float32)
    x_pad = jnp.zeros((N_PAD, C), x.dtype).at[:N].set(x)

    deg2 = _make_sc_deg(nch_deg, epw_deg)(
        dst, jnp.ones((CH, 16), jnp.float32), jnp.zeros((N_PAD, 16),
                                                        jnp.float32))
    dinv = _dinv(deg2)

    identity = _mm_bias(x_pad, Wr, br)

    sc_gs = _make_sc_gs(nch0, epw0, nch1, epw1)
    scaled = _mm_scale(x_pad, W1, dinv)
    for b, g, be, Wn in ((b1, g1, be1, W2), (b2, g2, be2, W3),
                         (b3, g3, be3, W4)):
        raw2 = sc_gs(src, dst, scaled, zeros_big)
        scaled = _bn_mm(raw2, dinv, b, g, be, Wn)
    raw2 = sc_gs(src, dst, scaled, zeros_big)
    mu, lv = _bn_heads(raw2, dinv, b4, g4, be4, identity,
                       Wmu, bmu, Wlv, blv)
    return mu[:N], lv[:N]

# --- scband reference (transcript-rebuilt; emitter-appended) ---
"""Pipeline reference for scband-gcnencoder-59974923321344 (READ-ONLY COPY).

The authoritative reference and input builder live on the scoring server;
editing this copy changes nothing except your own understanding.
"""

import jax, jax.numpy as jnp
import numpy as np

N = 10000
E = 320000
IN_CH = 128
HID = 128
EPS = 1e-5


def _gcn_conv(x, src, dst, W, b):
    n = x.shape[0]
    h = x @ W
    deg = jax.ops.segment_sum(jnp.ones(src.shape[0], dtype=h.dtype), dst, num_segments=n)
    dinv = jnp.where(deg > 0, deg ** -0.5, 0.0)
    norm = dinv[src] * dinv[dst]
    out = jax.ops.segment_sum(h[src] * norm[:, None], dst, num_segments=n)
    return out + b


def _bn(x, g, b):
    m = jnp.mean(x, axis=0)
    v = jnp.var(x, axis=0)
    return (x - m) * jax.lax.rsqrt(v + EPS) * g + b


def setup_inputs(seed: int = 0):
    key = jax.random.key(seed)
    ks = jax.random.split(key, 16)
    x = jax.random.normal(ks[0], (N, IN_CH), dtype=jnp.float32)
    edge_index = jax.random.randint(ks[1], (2, E), 0, N, dtype=jnp.int32)
    s_in = 1.0 / np.sqrt(IN_CH)
    s_h = 1.0 / np.sqrt(HID)
    inp = {"x": x, "edge_index": edge_index}
    inp["W1"] = jax.random.uniform(ks[2], (IN_CH, HID), jnp.float32, -s_in, s_in)
    inp["b1"] = jnp.zeros((HID,), jnp.float32)
    inp["W2"] = jax.random.uniform(ks[3], (HID, HID), jnp.float32, -s_h, s_h)
    inp["b2"] = jnp.zeros((HID,), jnp.float32)
    inp["W3"] = jax.random.uniform(ks[4], (HID, HID), jnp.float32, -s_h, s_h)
    inp["b3"] = jnp.zeros((HID,), jnp.float32)
    inp["W4"] = jax.random.uniform(ks[5], (HID, HID), jnp.float32, -s_h, s_h)
    inp["b4"] = jnp.zeros((HID,), jnp.float32)
    for i in range(1, 5):
        inp["g%d" % i] = jnp.ones((HID,), jnp.float32)
        inp["be%d" % i] = jnp.zeros((HID,), jnp.float32)
    inp["Wr"] = jax.random.uniform(ks[6], (IN_CH, HID), jnp.float32, -s_in, s_in)
    inp["br"] = jnp.zeros((HID,), jnp.float32)
    inp["Wmu"] = jax.random.uniform(ks[7], (HID, HID), jnp.float32, -s_h, s_h)
    inp["bmu"] = jnp.zeros((HID,), jnp.float32)
    inp["Wlv"] = jax.random.uniform(ks[8], (HID, HID), jnp.float32, -s_h, s_h)
    inp["blv"] = jnp.zeros((HID,), jnp.float32)
    return inp


def reference(x, edge_index, W1, b1, W2, b2, W3, b3, W4, b4,
              g1, be1, g2, be2, g3, be3, g4, be4,
              Wr, br, Wmu, bmu, Wlv, blv):
    loop = jnp.arange(x.shape[0], dtype=edge_index.dtype)
    src = jnp.concatenate([edge_index[0], loop])
    dst = jnp.concatenate([edge_index[1], loop])
    identity = x @ Wr + br
    h = jax.nn.relu(_bn(_gcn_conv(x, src, dst, W1, b1), g1, be1))
    h = jax.nn.relu(_bn(_gcn_conv(h, src, dst, W2, b2), g2, be2))
    h = jax.nn.relu(_bn(_gcn_conv(h, src, dst, W3, b3), g3, be3))
    h = jax.nn.relu(_bn(_gcn_conv(h, src, dst, W4, b4), g4, be4) + identity)
    return (h @ Wmu + bmu, h @ Wlv + blv)

if __name__ == "__main__":
    import jax
    _d = setup_inputs()
    print(jax.jit(kernel)(*tuple(_d.values())))

</pallas_src>

<mosaic_0001>
#map = affine_map<(d0, d1) -> (0)>
#map1 = affine_map<(d0, d1) -> (0, 0)>
module attributes {stable_mosaic.version = 14 : i64} {
  func.func @_sc_gs_body(%arg0: i32, %arg1: i32, %arg2: memref<331776xi32, #tpu.memory_space<hbm>>, %arg3: memref<331776xi32, #tpu.memory_space<hbm>>, %arg4: memref<10240x128xf32, #tpu.memory_space<hbm>>, %arg5: memref<10240x128xf32, #tpu.memory_space<hbm>>, %arg6: memref<20480x128xf32, #tpu.memory_space<hbm>>, %arg7: memref<2x128xi32, #tpu.memory_space<vmem>>, %arg8: memref<128xi32, #tpu.memory_space<vmem>>, %arg9: memref<2x128x128xf32, #tpu.memory_space<vmem>>, %arg10: memref<!tpu.dma_semaphore, #tpu.memory_space<semaphore_mem>>, %arg11: memref<!tpu.dma_semaphore, #tpu.memory_space<semaphore_mem>>, %arg12: memref<10240x128xf32, #tpu.memory_space<vmem_shared>>) attributes {dimension_semantics = [#tpu.dimension_semantics<core_parallel>, #tpu.dimension_semantics<subcore_parallel>], iteration_bounds = array<i64: 2, 16>, scalar_prefetch = 0 : i64, scratch_operands = 6 : i64, tpu.core_type = #tpu.core_type<sc_vector_subcore>, window_params = [{transform_indices = #map}, {transform_indices = #map}, {transform_indices = #map1}, {transform_indices = #map1}, {transform_indices = #map1}]} {
    %eq3A = arith.constant 0 : i32
    %eq3A_0 = arith.cmpi eq, %arg0, %eq3A : i32
    %jit3A = arith.constant 112 : i32
    %jit3A_1 = arith.constant 50 : i32
    %select_n3A = arith.select %eq3A_0, %jit3A, %jit3A_1 : i32
    %eq3A_2 = arith.constant 0 : i32
    %eq3A_3 = arith.cmpi eq, %arg0, %eq3A_2 : i32
    %mul3A = arith.constant 14336 : i32
    %mul3A_4 = arith.muli %arg1, %mul3A : i32
    %mul3A_5 = arith.constant 6400 : i32
    %mul3A_6 = arith.muli %arg1, %mul3A_5 : i32
    %add3A = arith.constant 229376 : i32
    %add3A_7 = arith.addi %add3A, %mul3A_6 : i32
    %select_n3A_8 = arith.select %eq3A_3, %mul3A_4, %add3A_7 : i32
    %mul3A_9 = arith.constant 640 : i32
    %mul3A_10 = arith.muli %arg1, %mul3A_9 : i32
    %mul3A_11 = arith.constant 640 : i32
    %mul3A_12 = arith.muli %arg1, %mul3A_11 : i32
    "tpu.region"() ({
      %run_scoped3A_61 = tpu.sem_alloc : memref<!tpu.dma_semaphore, #tpu.memory_space<semaphore_mem>>
      %dma_start3A_62 = arith.constant 0 : i32
      %dma_start3A_63 = tpu.memref_slice %arg12[%mul3A_12, %dma_start3A_62] : memref<10240x128xf32, #tpu.memory_space<vmem_shared>> -> memref<640x128xf32, #tpu.memory_space<vmem_shared>>
      %dma_start3A_64 = arith.constant 0 : i32
      %dma_start3A_65 = tpu.memref_slice %arg5[%mul3A_10, %dma_start3A_64] : memref<10240x128xf32, #tpu.memory_space<hbm>> -> memref<640x128xf32, #tpu.memory_space<hbm>>
      tpu.enqueue_dma source(%dma_start3A_65 : memref<640x128xf32, #tpu.memory_space<hbm>>) target(%dma_start3A_63 : memref<640x128xf32, #tpu.memory_space<vmem_shared>>) target_semaphore(%run_scoped3A_61 : memref<!tpu.dma_semaphore, #tpu.memory_space<semaphore_mem>>)
      %dma_wait3A = arith.constant 0 : i32
      %dma_wait3A_66 = tpu.memref_slice %arg12[%mul3A_12, %dma_wait3A] : memref<10240x128xf32, #tpu.memory_space<vmem_shared>> -> memref<640x128xf32, #tpu.memory_space<vmem_shared>>
      %dma_wait3A_67 = arith.constant 0 : i32
      %dma_wait3A_68 = tpu.memref_slice %arg5[%mul3A_10, %dma_wait3A_67] : memref<10240x128xf32, #tpu.memory_space<hbm>> -> memref<640x128xf32, #tpu.memory_space<hbm>>
      tpu.wait_dma2 semaphore(%run_scoped3A_61 : memref<!tpu.dma_semaphore, #tpu.memory_space<semaphore_mem>>) src(%dma_wait3A_68 : memref<640x128xf32, #tpu.memory_space<hbm>>) dst(%dma_wait3A_66 : memref<640x128xf32, #tpu.memory_space<vmem_shared>>)
      tpu.yield
    }) : () -> ()
    %barrier3A = arith.constant 0 : index
    tpu.barrier barrier_id(%barrier3A)
    %add3A_13 = arith.constant 0 : i32
    %add3A_14 = arith.addi %select_n3A_8, %add3A_13 : i32
    %run_scoped3A = arith.constant 0 : i32
    "tpu.region"() ({
      %run_scoped3A_61 = tpu.sem_alloc : memref<!tpu.dma_semaphore, #tpu.memory_space<semaphore_mem>>
      %dma_start3A_62 = arith.constant 0 : i32
      %dma_start3A_63 = tpu.memref_slice %arg7[%run_scoped3A, %dma_start3A_62] : memref<2x128xi32, #tpu.memory_space<vmem>> -> memref<1x128xi32, #tpu.memory_space<vmem>>
      %dma_start3A_64 = tpu.memref_squeeze %dma_start3A_63 : memref<1x128xi32, #tpu.memory_space<vmem>> -> memref<128xi32, #tpu.memory_space<vmem>>
      %dma_start3A_65 = tpu.memref_slice %arg2[%add3A_14] : memref<331776xi32, #tpu.memory_space<hbm>> -> memref<128xi32, #tpu.memory_space<hbm>>
      %dma_start3A_66 = arith.constant 0 : i32
      %dma_start3A_67 = tpu.memref_slice %arg7[%run_scoped3A, %dma_start3A_66] : memref<2x128xi32, #tpu.memory_space<vmem>> -> memref<1x128xi32, #tpu.memory_space<vmem>>
      %dma_start3A_68 = tpu.memref_squeeze %dma_start3A_67 : memref<1x128xi32, #tpu.memory_space<vmem>> -> memref<128xi32, #tpu.memory_space<vmem>>
      %dma_start3A_69 = tpu.memref_slice %arg2[%add3A_14] : memref<331776xi32, #tpu.memory_space<hbm>> -> memref<128xi32, #tpu.memory_space<hbm>>
      tpu.enqueue_dma source(%dma_start3A_69 : memref<128xi32, #tpu.memory_space<hbm>>) target(%dma_start3A_68 : memref<128xi32, #tpu.memory_space<vmem>>) target_semaphore(%run_scoped3A_61 : memref<!tpu.dma_semaphore, #tpu.memory_space<semaphore_mem>>)
      %dma_wait3A = arith.constant 0 : i32
      %dma_wait3A_70 = tpu.memref_slice %arg7[%run_scoped3A, %dma_wait3A] : memref<2x128xi32, #tpu.memory_space<vmem>> -> memref<1x128xi32, #tpu.memory_space<vmem>>
      %dma_wait3A_71 = tpu.memref_squeeze %dma_wait3A_70 : memref<1x128xi32, #tpu.memory_space<vmem>> -> memref<128xi32, #tpu.memory_space<vmem>>
      %dma_wait3A_72 = tpu.memref_slice %arg2[%add3A_14] : memref<331776xi32, #tpu.memory_space<hbm>> -> memref<128xi32, #tpu.memory_space<hbm>>
      %dma_wait3A_73 = arith.constant 0 : i32
      %dma_wait3A_74 = tpu.memref_slice %arg7[%run_scoped3A, %dma_wait3A_73] : memref<2x128xi32, #tpu.memory_space<vmem>> -> memref<1x128xi32, #tpu.memory_space<vmem>>
      %dma_wait3A_75 = tpu.memref_squeeze %dma_wait3A_74 : memref<1x128xi32, #tpu.memory_space<vmem>> -> memref<128xi32, #tpu.memory_space<vmem>>
      %dma_wait3A_76 = tpu.memref_slice %arg2[%add3A_14] : memref<331776xi32, #tpu.memory_space<hbm>> -> memref<128xi32, #tpu.memory_space<hbm>>
      tpu.wait_dma2 semaphore(%run_scoped3A_61 : memref<!tpu.dma_semaphore, #tpu.memory_space<semaphore_mem>>) src(%dma_wait3A_76 : memref<128xi32, #tpu.memory_space<hbm>>) dst(%dma_wait3A_75 : memref<128xi32, #tpu.memory_space<vmem>>)
      tpu.yield
    }) : () -> ()
    %dma_start3A = arith.constant 0 : i32
    %dma_start3A_15 = arith.constant 0 : i32
    %dma_start3A_16 = arith.constant 0 : i32
    %dma_start3A_17 = arith.constant 0 : i32
    %dma_start3A_18 = tpu.memref_slice %arg9[%dma_start3A_15, %dma_start3A_16, %dma_start3A_17] : memref<2x128x128xf32, #tpu.memory_space<vmem>> -> memref<1x128x128xf32, #tpu.memory_space<vmem>>
    %dma_start3A_19 = tpu.memref_squeeze %dma_start3A_18 : memref<1x128x128xf32, #tpu.memory_space<vmem>> -> memref<128x128xf32, #tpu.memory_space<vmem>>
    %dma_start3A_20 = arith.constant 0 : i32
    %dma_start3A_21 = tpu.memref_slice %arg7[%dma_start3A, %dma_start3A_20] : memref<2x128xi32, #tpu.memory_space<vmem>> -> memref<1x128xi32, #tpu.memory_space<vmem>>
    %dma_start3A_22 = tpu.memref_squeeze %dma_start3A_21 : memref<1x128xi32, #tpu.memory_space<vmem>> -> memref<128xi32, #tpu.memory_space<vmem>>
    %dma_start3A_23 = arith.constant 0 : i32
    %dma_start3A_24 = arith.constant 0 : i32
    %dma_start3A_25 = tpu.memref_slice %arg4[%dma_start3A_23, %dma_start3A_24] : memref<10240x128xf32, #tpu.memory_space<hbm>> -> memref<10240x128xf32, #tpu.memory_space<hbm>>
    tpu.enqueue_indirect_dma source(%dma_start3A_25 : memref<10240x128xf32, #tpu.memory_space<hbm>>) target(%dma_start3A_19 : memref<128x128xf32, #tpu.memory_space<vmem>>) offsets(%dma_start3A_22 : memref<128xi32, #tpu.memory_space<vmem>>) semaphore(%arg10 : memref<!tpu.dma_semaphore, #tpu.memory_space<semaphore_mem>>)
    %jit3A_26 = arith.constant 2 : i32
    %div3A = arith.divsi %select_n3A, %jit3A_26 : i32
    %sign3A = arith.constant 0 : i32
    %sign3A_27 = arith.cmpi sgt, %select_n3A, %sign3A : i32
    %sign3A_28 = arith.extui %sign3A_27 : i1 to i32
    %sign3A_29 = arith.constant 0 : i32
    %sign3A_30 = arith.cmpi slt, %select_n3A, %sign3A_29 : i32
    %sign3A_31 = arith.extui %sign3A_30 : i1 to i32
    %sign3A_32 = arith.subi %sign3A_28, %sign3A_31 : i32
    %sign3A_33 = arith.constant 0 : i32
    %sign3A_34 = arith.cmpi sgt, %jit3A_26, %sign3A_33 : i32
    %sign3A_35 = arith.extui %sign3A_34 : i1 to i32
    %sign3A_36 = arith.constant 0 : i32
    %sign3A_37 = arith.cmpi slt, %jit3A_26, %sign3A_36 : i32
    %sign3A_38 = arith.extui %sign3A_37 : i1 to i32
    %sign3A_39 = arith.subi %sign3A_35, %sign3A_38 : i32
    %ne3A = arith.cmpi ne, %sign3A_32, %sign3A_39 : i32
    %rem3A = arith.remsi %select_n3A, %jit3A_26 : i32
    %ne3A_40 = arith.constant 0 : i32
    %ne3A_41 = arith.cmpi ne, %rem3A, %ne3A_40 : i32
    %and3A = arith.andi %ne3A, %ne3A_41 : i1
    %sub3A = arith.constant 1 : i32
    %sub3A_42 = arith.subi %div3A, %sub3A : i32
    %select_n3A_43 = arith.select %and3A, %sub3A_42, %div3A : i32
    %while3A = arith.constant 0 : i32
    %while3A_44 = arith.constant 0 : i32
    %while3A_45 = arith.subi %select_n3A_43, %while3A_44 : i32
    %while3A_46 = arith.addi %while3A_44, %while3A_45 : i32
    %while3A_47 = arith.constant 1 : i32
    %while3A_48 = arith.divsi %while3A_45, %while3A_47 : i32
    %while3A_49 = arith.muli %while3A_48, %while3A_47 : i32
    %while3A_50 = arith.addi %while3A_44, %while3A_49 : i32
    %while3A_51 = arith.constant 1 : i32
    scf.for %while3A_61 = %while3A_44 to %while3A_50 step %while3A_51  : i32 {
      %mul3A_62 = arith.constant 2 : i32
      %mul3A_63 = arith.muli %while3A_61, %mul3A_62 : i32
      %add3A_64 = arith.constant 0 : i32
      %add3A_65 = arith.addi %mul3A_63, %add3A_64 : i32
      %add3A_66 = arith.constant 2 : i32
      %add3A_67 = arith.addi %add3A_65, %add3A_66 : i32
      %sub3A_68 = arith.constant 1 : i32
      %sub3A_69 = arith.subi %add3A_67, %sub3A_68 : i32
      %lt3A = arith.cmpi slt, %sub3A_69, %select_n3A : i32
      %convert_element_type3A = arith.extui %lt3A : i1 to i32
      %cond3A = arith.constant 0 : i32
      %cond3A_70 = arith.cmpi ne, %convert_element_type3A, %cond3A : i32
      scf.if %cond3A_70 {
        %mul3A_114 = arith.constant 128 : i32
        %mul3A_115 = arith.muli %sub3A_69, %mul3A_114 : i32
        %add3A_116 = arith.addi %select_n3A_8, %mul3A_115 : i32
        %run_scoped3A_117 = arith.constant 1 : i32
        "tpu.region"() ({
          %run_scoped3A_130 = tpu.sem_alloc : memref<!tpu.dma_semaphore, #tpu.memory_space<semaphore_mem>>
          %dma_start3A_131 = arith.constant 0 : i32
          %dma_start3A_132 = tpu.memref_slice %arg7[%run_scoped3A_117, %dma_start3A_131] : memref<2x128xi32, #tpu.memory_space<vmem>> -> memref<1x128xi32, #tpu.memory_space<vmem>>
          %dma_start3A_133 = tpu.memref_squeeze %dma_start3A_132 : memref<1x128xi32, #tpu.memory_space<vmem>> -> memref<128xi32, #tpu.memory_space<vmem>>
          %dma_start3A_134 = tpu.memref_slice %arg2[%add3A_116] : memref<331776xi32, #tpu.memory_space<hbm>> -> memref<128xi32, #tpu.memory_space<hbm>>
          %dma_start3A_135 = arith.constant 0 : i32
          %dma_start3A_136 = tpu.memref_slice %arg7[%run_scoped3A_117, %dma_start3A_135] : memref<2x128xi32, #tpu.memory_space<vmem>> -> memref<1x128xi32, #tpu.memory_space<vmem>>
          %dma_start3A_137 = tpu.memref_squeeze %dma_start3A_136 : memref<1x128xi32, #tpu.memory_space<vmem>> -> memref<128xi32, #tpu.memory_space<vmem>>
          %dma_start3A_138 = tpu.memref_slice %arg2[%add3A_116] : memref<331776xi32, #tpu.memory_space<hbm>> -> memref<128xi32, #tpu.memory_space<hbm>>
          tpu.enqueue_dma source(%dma_start3A_138 : memref<128xi32, #tpu.memory_space<hbm>>) target(%dma_start3A_137 : memref<128xi32, #tpu.memory_space<vmem>>) target_semaphore(%run_scoped3A_130 : memref<!tpu.dma_semaphore, #tpu.memory_space<semaphore_mem>>)
          %dma_wait3A_139 = arith.constant 0 : i32
          %dma_wait3A_140 = tpu.memref_slice %arg7[%run_scoped3A_117, %dma_wait3A_139] : memref<2x128xi32, #tpu.memory_space<vmem>> -> memref<1x128xi32, #tpu.memory_space<vmem>>
          %dma_wait3A_141 = tpu.memref_squeeze %dma_wait3A_140 : memref<1x128xi32, #tpu.memory_space<vmem>> -> memref<128xi32, #tpu.memory_space<vmem>>
          %dma_wait3A_142 = tpu.memref_slice %arg2[%add3A_116] : memref<331776xi32, #tpu.memory_space<hbm>> -> memref<128xi32, #tpu.memory_space<hbm>>
          %dma_wait3A_143 = arith.constant 0 : i32
          %dma_wait3A_144 = tpu.memref_slice %arg7[%run_scoped3A_117, %dma_wait3A_143] : memref<2x128xi32, #tpu.memory_space<vmem>> -> memref<1x128xi32, #tpu.memory_space<vmem>>
          %dma_wait3A_145 = tpu.memref_squeeze %dma_wait3A_144 : memref<1x128xi32, #tpu.memory_space<vmem>> -> memref<128xi32, #tpu.memory_space<vmem>>
          %dma_wait3A_146 = tpu.memref_slice %arg2[%add3A_116] : memref<331776xi32, #tpu.memory_space<hbm>> -> memref<128xi32, #tpu.memory_space<hbm>>
          tpu.wait_dma2 semaphore(%run_scoped3A_130 : memref<!tpu.dma_semaphore, #tpu.memory_space<semaphore_mem>>) src(%dma_wait3A_146 : memref<128xi32, #tpu.memory_space<hbm>>) dst(%dma_wait3A_145 : memref<128xi32, #tpu.memory_space<vmem>>)
          tpu.yield
        }) : () -> ()
        %dma_start3A_118 = arith.constant 1 : i32
        %dma_start3A_119 = arith.constant 1 : i32
        %dma_start3A_120 = arith.constant 0 : i32
        %dma_start3A_121 = arith.constant 0 : i32
        %dma_start3A_122 = tpu.memref_slice %arg9[%dma_start3A_119, %dma_start3A_120, %dma_start3A_121] : memref<2x128x128xf32, #tpu.memory_space<vmem>> -> memref<1x128x128xf32, #tpu.memory_space<vmem>>
        %dma_start3A_123 = tpu.memref_squeeze %dma_start3A_122 : memref<1x128x128xf32, #tpu.memory_space<vmem>> -> memref<128x128xf32, #tpu.memory_space<vmem>>
        %dma_start3A_124 = arith.constant 0 : i32
        %dma_start3A_125 = tpu.memref_slice %arg7[%dma_start3A_118, %dma_start3A_124] : memref<2x128xi32, #tpu.memory_space<vmem>> -> memref<1x128xi32, #tpu.memory_space<vmem>>
        %dma_start3A_126 = tpu.memref_squeeze %dma_start3A_125 : memref<1x128xi32, #tpu.memory_space<vmem>> -> memref<128xi32, #tpu.memory_space<vmem>>
        %dma_start3A_127 = arith.constant 0 : i32
        %dma_start3A_128 = arith.constant 0 : i32
        %dma_start3A_129 = tpu.memref_slice %arg4[%dma_start3A_127, %dma_start3A_128] : memref<10240x128xf32, #tpu.memory_space<hbm>> -> memref<10240x128xf32, #tpu.memory_space<hbm>>
        tpu.enqueue_indirect_dma source(%dma_start3A_129 : memref<10240x128xf32, #tpu.memory_space<hbm>>) target(%dma_start3A_123 : memref<128x128xf32, #tpu.memory_space<vmem>>) offsets(%dma_start3A_126 : memref<128xi32, #tpu.memory_space<vmem>>) semaphore(%arg11 : memref<!tpu.dma_semaphore, #tpu.memory_space<semaphore_mem>>)
      } else {
      }
      %mul3A_71 = arith.constant 128 : i32
      %mul3A_72 = arith.muli %add3A_65, %mul3A_71 : i32
      %add3A_73 = arith.addi %select_n3A_8, %mul3A_72 : i32
      "tpu.region"() ({
        %run_scoped3A_114 = tpu.sem_alloc : memref<!tpu.dma_semaphore, #tpu.memory_space<semaphore_mem>>
        %dma_start3A_115 = tpu.memref_slice %arg3[%add3A_73] : memref<331776xi32, #tpu.memory_space<hbm>> -> memref<128xi32, #tpu.memory_space<hbm>>
        %dma_start3A_116 = tpu.memref_slice %arg3[%add3A_73] : memref<331776xi32, #tpu.memory_space<hbm>> -> memref<128xi32, #tpu.memory_space<hbm>>
        tpu.enqueue_dma source(%dma_start3A_116 : memref<128xi32, #tpu.memory_space<hbm>>) target(%arg8 : memref<128xi32, #tpu.memory_space<vmem>>) target_semaphore(%run_scoped3A_114 : memref<!tpu.dma_semaphore, #tpu.memory_space<semaphore_mem>>)
        %dma_wait3A_117 = tpu.memref_slice %arg3[%add3A_73] : memref<331776xi32, #tpu.memory_space<hbm>> -> memref<128xi32, #tpu.memory_space<hbm>>
        %dma_wait3A_118 = tpu.memref_slice %arg3[%add3A_73] : memref<331776xi32, #tpu.memory_space<hbm>> -> memref<128xi32, #tpu.memory_space<hbm>>
        tpu.wait_dma2 semaphore(%run_scoped3A_114 : memref<!tpu.dma_semaphore, #tpu.memory_space<semaphore_mem>>) src(%dma_wait3A_118 : memref<128xi32, #tpu.memory_space<hbm>>) dst(%arg8 : memref<128xi32, #tpu.memory_space<vmem>>)
        tpu.yield
      }) : () -> ()
      %dma_wait3A = arith.constant 0 : i32
      %dma_wait3A_74 = arith.constant 0 : i32
      %dma_wait3A_75 = arith.constant 0 : i32
      %dma_wait3A_76 = arith.constant 0 : i32
      %dma_wait3A_77 = tpu.memref_slice %arg9[%dma_wait3A_74, %dma_wait3A_75, %dma_wait3A_76] : memref<2x128x128xf32, #tpu.memory_space<vmem>> -> memref<1x128x128xf32, #tpu.memory_space<vmem>>
      %dma_wait3A_78 = tpu.memref_squeeze %dma_wait3A_77 : memref<1x128x128xf32, #tpu.memory_space<vmem>> -> memref<128x128xf32, #tpu.memory_space<vmem>>
      %dma_wait3A_79 = arith.constant 0 : i32
      %dma_wait3A_80 = tpu.memref_slice %arg7[%dma_wait3A, %dma_wait3A_79] : memref<2x128xi32, #tpu.memory_space<vmem>> -> memref<1x128xi32, #tpu.memory_space<vmem>>
      %dma_wait3A_81 = tpu.memref_squeeze %dma_wait3A_80 : memref<1x128xi32, #tpu.memory_space<vmem>> -> memref<128xi32, #tpu.memory_space<vmem>>
      %dma_wait3A_82 = arith.constant 0 : i32
      %dma_wait3A_83 = arith.constant 0 : i32
      %dma_wait3A_84 = tpu.memref_slice %arg4[%dma_wait3A_82, %dma_wait3A_83] : memref<10240x128xf32, #tpu.memory_space<hbm>> -> memref<10240x128xf32, #tpu.memory_space<hbm>>
      tpu.wait_indirect_dma semaphore(%arg10 : memref<!tpu.dma_semaphore, #tpu.memory_space<semaphore_mem>>) src(%dma_wait3A_84 : memref<10240x128xf32, #tpu.memory_space<hbm>>) dst(%dma_wait3A_78 : memref<128x128xf32, #tpu.memory_space<vmem>>)
      %run_scoped3A_85 = arith.constant 0 : i32
      "tpu.region"() ({
        %run_scoped3A_114 = tpu.sem_alloc : memref<!tpu.dma_semaphore, #tpu.memory_space<semaphore_mem>>
        %dma_start3A_115 = arith.constant 0 : i32
        %dma_start3A_116 = arith.constant 0 : i32
        %dma_start3A_117 = tpu.memref_slice %arg9[%run_scoped3A_85, %dma_start3A_115, %dma_start3A_116] : memref<2x128x128xf32, #tpu.memory_space<vmem>> -> memref<1x128x128xf32, #tpu.memory_space<vmem>>
        %dma_start3A_118 = tpu.memref_squeeze %dma_start3A_117 : memref<1x128x128xf32, #tpu.memory_space<vmem>> -> memref<128x128xf32, #tpu.memory_space<vmem>>
        %dma_start3A_119 = arith.constant 0 : i32
        %dma_start3A_120 = arith.constant 0 : i32
        %dma_start3A_121 = tpu.memref_slice %arg12[%dma_start3A_119, %dma_start3A_120] : memref<10240x128xf32, #tpu.memory_space<vmem_shared>> -> memref<10240x128xf32, #tpu.memory_space<vmem_shared>>
        tpu.enqueue_indirect_dma source(%dma_start3A_118 : memref<128x128xf32, #tpu.memory_space<vmem>>) target(%dma_start3A_121 : memref<10240x128xf32, #tpu.memory_space<vmem_shared>>) offsets(%arg8 : memref<128xi32, #tpu.memory_space<vmem>>) semaphore(%run_scoped3A_114 : memref<!tpu.dma_semaphore, #tpu.memory_space<semaphore_mem>>) {add = true}
        %dma_wait3A_122 = arith.constant 0 : i32
        %dma_wait3A_123 = arith.constant 0 : i32
        %dma_wait3A_124 = tpu.memref_slice %arg9[%run_scoped3A_85, %dma_wait3A_122, %dma_wait3A_123] : memref<2x128x128xf32, #tpu.memory_space<vmem>> -> memref<1x128x128xf32, #tpu.memory_space<vmem>>
        %dma_wait3A_125 = tpu.memref_squeeze %dma_wait3A_124 : memref<1x128x128xf32, #tpu.memory_space<vmem>> -> memref<128x128xf32, #tpu.memory_space<vmem>>
        %dma_wait3A_126 = arith.constant 0 : i32
        %dma_wait3A_127 = arith.constant 0 : i32
        %dma_wait3A_128 = tpu.memref_slice %arg12[%dma_wait3A_126, %dma_wait3A_127] : memref<10240x128xf32, #tpu.memory_space<vmem_shared>> -> memref<10240x128xf32, #tpu.memory_space<vmem_shared>>
        tpu.wait_indirect_dma semaphore(%run_scoped3A_114 : memref<!tpu.dma_semaphore, #tpu.memory_space<semaphore_mem>>) src(%dma_wait3A_125 : memref<128x128xf32, #tpu.memory_space<vmem>>) dst(%dma_wait3A_128 : memref<10240x128xf32, #tpu.memory_space<vmem_shared>>)
        tpu.yield
      }) : () -> ()
      %mul3A_86 = arith.constant 2 : i32
      %mul3A_87 = arith.muli %while3A_61, %mul3A_86 : i32
      %add3A_88 = arith.constant 1 : i32
      %add3A_89 = arith.addi %mul3A_87, %add3A_88 : i32
      %add3A_90 = arith.constant 2 : i32
      %add3A_91 = arith.addi %add3A_89, %add3A_90 : i32
      %sub3A_92 = arith.constant 1 : i32
      %sub3A_93 = arith.subi %add3A_91, %sub3A_92 : i32
      %lt3A_94 = arith.cmpi slt, %sub3A_93, %select_n3A : i32
      %convert_element_type3A_95 = arith.extui %lt3A_94 : i1 to i32
      %cond3A_96 = arith.constant 0 : i32
      %cond3A_97 = arith.cmpi ne, %convert_element_type3A_95, %cond3A_96 : i32
      scf.if %cond3A_97 {
        %mul3A_114 = arith.constant 128 : i32
        %mul3A_115 = arith.muli %sub3A_93, %mul3A_114 : i32
        %add3A_116 = arith.addi %select_n3A_8, %mul3A_115 : i32
        %run_scoped3A_117 = arith.constant 0 : i32
        "tpu.region"() ({
          %run_scoped3A_130 = tpu.sem_alloc : memref<!tpu.dma_semaphore, #tpu.memory_space<semaphore_mem>>
          %dma_start3A_131 = arith.constant 0 : i32
          %dma_start3A_132 = tpu.memref_slice %arg7[%run_scoped3A_117, %dma_start3A_131] : memref<2x128xi32, #tpu.memory_space<vmem>> -> memref<1x128xi32, #tpu.memory_space<vmem>>
          %dma_start3A_133 = tpu.memref_squeeze %dma_start3A_132 : memref<1x128xi32, #tpu.memory_space<vmem>> -> memref<128xi32, #tpu.memory_space<vmem>>
          %dma_start3A_134 = tpu.memref_slice %arg2[%add3A_116] : memref<331776xi32, #tpu.memory_space<hbm>> -> memref<128xi32, #tpu.memory_space<hbm>>
          %dma_start3A_135 = arith.constant 0 : i32
          %dma_start3A_136 = tpu.memref_slice %arg7[%run_scoped3A_117, %dma_start3A_135] : memref<2x128xi32, #tpu.memory_space<vmem>> -> memref<1x128xi32, #tpu.memory_space<vmem>>
          %dma_start3A_137 = tpu.memref_squeeze %dma_start3A_136 : memref<1x128xi32, #tpu.memory_space<vmem>> -> memref<128xi32, #tpu.memory_space<vmem>>
          %dma_start3A_138 = tpu.memref_slice %arg2[%add3A_116] : memref<331776xi32, #tpu.memory_space<hbm>> -> memref<128xi32, #tpu.memory_space<hbm>>
          tpu.enqueue_dma source(%dma_start3A_138 : memref<128xi32, #tpu.memory_space<hbm>>) target(%dma_start3A_137 : memref<128xi32, #tpu.memory_space<vmem>>) target_semaphore(%run_scoped3A_130 : memref<!tpu.dma_semaphore, #tpu.memory_space<semaphore_mem>>)
          %dma_wait3A_139 = arith.constant 0 : i32
          %dma_wait3A_140 = tpu.memref_slice %arg7[%run_scoped3A_117, %dma_wait3A_139] : memref<2x128xi32, #tpu.memory_space<vmem>> -> memref<1x128xi32, #tpu.memory_space<vmem>>
          %dma_wait3A_141 = tpu.memref_squeeze %dma_wait3A_140 : memref<1x128xi32, #tpu.memory_space<vmem>> -> memref<128xi32, #tpu.memory_space<vmem>>
          %dma_wait3A_142 = tpu.memref_slice %arg2[%add3A_116] : memref<331776xi32, #tpu.memory_space<hbm>> -> memref<128xi32, #tpu.memory_space<hbm>>
          %dma_wait3A_143 = arith.constant 0 : i32
          %dma_wait3A_144 = tpu.memref_slice %arg7[%run_scoped3A_117, %dma_wait3A_143] : memref<2x128xi32, #tpu.memory_space<vmem>> -> memref<1x128xi32, #tpu.memory_space<vmem>>
          %dma_wait3A_145 = tpu.memref_squeeze %dma_wait3A_144 : memref<1x128xi32, #tpu.memory_space<vmem>> -> memref<128xi32, #tpu.memory_space<vmem>>
          %dma_wait3A_146 = tpu.memref_slice %arg2[%add3A_116] : memref<331776xi32, #tpu.memory_space<hbm>> -> memref<128xi32, #tpu.memory_space<hbm>>
          tpu.wait_dma2 semaphore(%run_scoped3A_130 : memref<!tpu.dma_semaphore, #tpu.memory_space<semaphore_mem>>) src(%dma_wait3A_146 : memref<128xi32, #tpu.memory_space<hbm>>) dst(%dma_wait3A_145 : memref<128xi32, #tpu.memory_space<vmem>>)
          tpu.yield
        }) : () -> ()
        %dma_start3A_118 = arith.constant 0 : i32
        %dma_start3A_119 = arith.constant 0 : i32
        %dma_start3A_120 = arith.constant 0 : i32
        %dma_start3A_121 = arith.constant 0 : i32
        %dma_start3A_122 = tpu.memref_slice %arg9[%dma_start3A_119, %dma_start3A_120, %dma_start3A_121] : memref<2x128x128xf32, #tpu.memory_space<vmem>> -> memref<1x128x128xf32, #tpu.memory_space<vmem>>
        %dma_start3A_123 = tpu.memref_squeeze %dma_start3A_122 : memref<1x128x128xf32, #tpu.memory_space<vmem>> -> memref<128x128xf32, #tpu.memory_space<vmem>>
        %dma_start3A_124 = arith.constant 0 : i32
        %dma_start3A_125 = tpu.memref_slice %arg7[%dma_start3A_118, %dma_start3A_124] : memref<2x128xi32, #tpu.memory_space<vmem>> -> memref<1x128xi32, #tpu.memory_space<vmem>>
        %dma_start3A_126 = tpu.memref_squeeze %dma_start3A_125 : memref<1x128xi32, #tpu.memory_space<vmem>> -> memref<128xi32, #tpu.memory_space<vmem>>
        %dma_start3A_127 = arith.constant 0 : i32
        %dma_start3A_128 = arith.constant 0 : i32
        %dma_start3A_129 = tpu.memref_slice %arg4[%dma_start3A_127, %dma_start3A_128] : memref<10240x128xf32, #tpu.memory_space<hbm>> -> memref<10240x128xf32, #tpu.memory_space<hbm>>
        tpu.enqueue_indirect_dma source(%dma_start3A_129 : memref<10240x128xf32, #tpu.memory_space<hbm>>) target(%dma_start3A_123 : memref<128x128xf32, #tpu.memory_space<vmem>>) offsets(%dma_start3A_126 : memref<128xi32, #tpu.memory_space<vmem>>) semaphore(%arg10 : memref<!tpu.dma_semaphore, #tpu.memory_space<semaphore_mem>>)
      } else {
      }
      %mul3A_98 = arith.constant 128 : i32
      %mul3A_99 = arith.muli %add3A_89, %mul3A_98 : i32
      %add3A_100 = arith.addi %select_n3A_8, %mul3A_99 : i32
      "tpu.region"() ({
        %run_scoped3A_114 = tpu.sem_alloc : memref<!tpu.dma_semaphore, #tpu.memory_space<semaphore_mem>>
        %dma_start3A_115 = tpu.memref_slice %arg3[%add3A_100] : memref<331776xi32, #tpu.memory_space<hbm>> -> memref<128xi32, #tpu.memory_space<hbm>>
        %dma_start3A_116 = tpu.memref_slice %arg3[%add3A_100] : memref<331776xi32, #tpu.memory_space<hbm>> -> memref<128xi32, #tpu.memory_space<hbm>>
        tpu.enqueue_dma source(%dma_start3A_116 : memref<128xi32, #tpu.memory_space<hbm>>) target(%arg8 : memref<128xi32, #tpu.memory_space<vmem>>) target_semaphore(%run_scoped3A_114 : memref<!tpu.dma_semaphore, #tpu.memory_space<semaphore_mem>>)
        %dma_wait3A_117 = tpu.memref_slice %arg3[%add3A_100] : memref<331776xi32, #tpu.memory_space<hbm>> -> memref<128xi32, #tpu.memory_space<hbm>>
        %dma_wait3A_118 = tpu.memref_slice %arg3[%add3A_100] : memref<331776xi32, #tpu.memory_space<hbm>> -> memref<128xi32, #tpu.memory_space<hbm>>
        tpu.wait_dma2 semaphore(%run_scoped3A_114 : memref<!tpu.dma_semaphore, #tpu.memory_space<semaphore_mem>>) src(%dma_wait3A_118 : memref<128xi32, #tpu.memory_space<hbm>>) dst(%arg8 : memref<128xi32, #tpu.memory_space<vmem>>)
        tpu.yield
      }) : () -> ()
      %dma_wait3A_101 = arith.constant 1 : i32
      %dma_wait3A_102 = arith.constant 1 : i32
      %dma_wait3A_103 = arith.constant 0 : i32
      %dma_wait3A_104 = arith.constant 0 : i32
      %dma_wait3A_105 = tpu.memref_slice %arg9[%dma_wait3A_102, %dma_wait3A_103, %dma_wait3A_104] : memref<2x128x128xf32, #tpu.memory_space<vmem>> -> memref<1x128x128xf32, #tpu.memory_space<vmem>>
      %dma_wait3A_106 = tpu.memref_squeeze %dma_wait3A_105 : memref<1x128x128xf32, #tpu.memory_space<vmem>> -> memref<128x128xf32, #tpu.memory_space<vmem>>
      %dma_wait3A_107 = arith.constant 0 : i32
      %dma_wait3A_108 = tpu.memref_slice %arg7[%dma_wait3A_101, %dma_wait3A_107] : memref<2x128xi32, #tpu.memory_space<vmem>> -> memref<1x128xi32, #tpu.memory_space<vmem>>
      %dma_wait3A_109 = tpu.memref_squeeze %dma_wait3A_108 : memref<1x128xi32, #tpu.memory_space<vmem>> -> memref<128xi32, #tpu.memory_space<vmem>>
      %dma_wait3A_110 = arith.constant 0 : i32
      %dma_wait3A_111 = arith.constant 0 : i32
      %dma_wait3A_112 = tpu.memref_slice %arg4[%dma_wait3A_110, %dma_wait3A_111] : memref<10240x128xf32, #tpu.memory_space<hbm>> -> memref<10240x128xf32, #tpu.memory_space<hbm>>
      tpu.wait_indirect_dma semaphore(%arg11 : memref<!tpu.dma_semaphore, #tpu.memory_space<semaphore_mem>>) src(%dma_wait3A_112 : memref<10240x128xf32, #tpu.memory_space<hbm>>) dst(%dma_wait3A_106 : memref<128x128xf32, #tpu.memory_space<vmem>>)
      %run_scoped3A_113 = arith.constant 1 : i32
      "tpu.region"() ({
        %run_scoped3A_114 = tpu.sem_alloc : memref<!tpu.dma_semaphore, #tpu.memory_space<semaphore_mem>>
        %dma_start3A_115 = arith.constant 0 : i32
        %dma_start3A_116 = arith.constant 0 : i32
        %dma_start3A_117 = tpu.memref_slice %arg9[%run_scoped3A_113, %dma_start3A_115, %dma_start3A_116] : memref<2x128x128xf32, #tpu.memory_space<vmem>> -> memref<1x128x128xf32, #tpu.memory_space<vmem>>
        %dma_start3A_118 = tpu.memref_squeeze %dma_start3A_117 : memref<1x128x128xf32, #tpu.memory_space<vmem>> -> memref<128x128xf32, #tpu.memory_space<vmem>>
        %dma_start3A_119 = arith.constant 0 : i32
        %dma_start3A_120 = arith.constant 0 : i32
        %dma_start3A_121 = tpu.memref_slice %arg12[%dma_start3A_119, %dma_start3A_120] : memref<10240x128xf32, #tpu.memory_space<vmem_shared>> -> memref<10240x128xf32, #tpu.memory_space<vmem_shared>>
        tpu.enqueue_indirect_dma source(%dma_start3A_118 : memref<128x128xf32, #tpu.memory_space<vmem>>) target(%dma_start3A_121 : memref<10240x128xf32, #tpu.memory_space<vmem_shared>>) offsets(%arg8 : memref<128xi32, #tpu.memory_space<vmem>>) semaphore(%run_scoped3A_114 : memref<!tpu.dma_semaphore, #tpu.memory_space<semaphore_mem>>) {add = true}
        %dma_wait3A_122 = arith.constant 0 : i32
        %dma_wait3A_123 = arith.constant 0 : i32
        %dma_wait3A_124 = tpu.memref_slice %arg9[%run_scoped3A_113, %dma_wait3A_122, %dma_wait3A_123] : memref<2x128x128xf32, #tpu.memory_space<vmem>> -> memref<1x128x128xf32, #tpu.memory_space<vmem>>
        %dma_wait3A_125 = tpu.memref_squeeze %dma_wait3A_124 : memref<1x128x128xf32, #tpu.memory_space<vmem>> -> memref<128x128xf32, #tpu.memory_space<vmem>>
        %dma_wait3A_126 = arith.constant 0 : i32
        %dma_wait3A_127 = arith.constant 0 : i32
        %dma_wait3A_128 = tpu.memref_slice %arg12[%dma_wait3A_126, %dma_wait3A_127] : memref<10240x128xf32, #tpu.memory_space<vmem_shared>> -> memref<10240x128xf32, #tpu.memory_space<vmem_shared>>
        tpu.wait_indirect_dma semaphore(%run_scoped3A_114 : memref<!tpu.dma_semaphore, #tpu.memory_space<semaphore_mem>>) src(%dma_wait3A_125 : memref<128x128xf32, #tpu.memory_space<vmem>>) dst(%dma_wait3A_128 : memref<10240x128xf32, #tpu.memory_space<vmem_shared>>)
        tpu.yield
      }) : () -> ()
    }
    %while3A_52 = arith.constant 1 : i32
    scf.for %while3A_61 = %while3A_50 to %while3A_46 step %while3A_52  : i32 {
      %mul3A_62 = arith.constant 2 : i32
      %mul3A_63 = arith.muli %while3A_61, %mul3A_62 : i32
      %add3A_64 = arith.constant 0 : i32
      %add3A_65 = arith.addi %mul3A_63, %add3A_64 : i32
      %add3A_66 = arith.constant 2 : i32
      %add3A_67 = arith.addi %add3A_65, %add3A_66 : i32
      %sub3A_68 = arith.constant 1 : i32
      %sub3A_69 = arith.subi %add3A_67, %sub3A_68 : i32
      %lt3A = arith.cmpi slt, %sub3A_69, %select_n3A : i32
      %convert_element_type3A = arith.extui %lt3A : i1 to i32
      %cond3A = arith.constant 0 : i32
      %cond3A_70 = arith.cmpi ne, %convert_element_type3A, %cond3A : i32
      scf.if %cond3A_70 {
        %mul3A_114 = arith.constant 128 : i32
        %mul3A_115 = arith.muli %sub3A_69, %mul3A_114 : i32
        %add3A_116 = arith.addi %select_n3A_8, %mul3A_115 : i32
        %run_scoped3A_117 = arith.constant 1 : i32
        "tpu.region"() ({
          %run_scoped3A_130 = tpu.sem_alloc : memref<!tpu.dma_semaphore, #tpu.memory_space<semaphore_mem>>
          %dma_start3A_131 = arith.constant 0 : i32
          %dma_start3A_132 = tpu.memref_slice %arg7[%run_scoped3A_117, %dma_start3A_131] : memref<2x128xi32, #tpu.memory_space<vmem>> -> memref<1x128xi32, #tpu.memory_space<vmem>>
          %dma_start3A_133 = tpu.memref_squeeze %dma_start3A_132 : memref<1x128xi32, #tpu.memory_space<vmem>> -> memref<128xi32, #tpu.memory_space<vmem>>
          %dma_start3A_134 = tpu.memref_slice %arg2[%add3A_116] : memref<331776xi32, #tpu.memory_space<hbm>> -> memref<128xi32, #tpu.memory_space<hbm>>
          %dma_start3A_135 = arith.constant 0 : i32
          %dma_start3A_136 = tpu.memref_slice %arg7[%run_scoped3A_117, %dma_start3A_135] : memref<2x128xi32, #tpu.memory_space<vmem>> -> memref<1x128xi32, #tpu.memory_space<vmem>>
          %dma_start3A_137 = tpu.memref_squeeze %dma_start3A_136 : memref<1x128xi32, #tpu.memory_space<vmem>> -> memref<128xi32, #tpu.memory_space<vmem>>
          %dma_start3A_138 = tpu.memref_slice %arg2[%add3A_116] : memref<331776xi32, #tpu.memory_space<hbm>> -> memref<128xi32, #tpu.memory_space<hbm>>
          tpu.enqueue_dma source(%dma_start3A_138 : memref<128xi32, #tpu.memory_space<hbm>>) target(%dma_start3A_137 : memref<128xi32, #tpu.memory_space<vmem>>) target_semaphore(%run_scoped3A_130 : memref<!tpu.dma_semaphore, #tpu.memory_space<semaphore_mem>>)
          %dma_wait3A_139 = arith.constant 0 : i32
          %dma_wait3A_140 = tpu.memref_slice %arg7[%run_scoped3A_117, %dma_wait3A_139] : memref<2x128xi32, #tpu.memory_space<vmem>> -> memref<1x128xi32, #tpu.memory_space<vmem>>
          %dma_wait3A_141 = tpu.memref_squeeze %dma_wait3A_140 : memref<1x128xi32, #tpu.memory_space<vmem>> -> memref<128xi32, #tpu.memory_space<vmem>>
          %dma_wait3A_142 = tpu.memref_slice %arg2[%add3A_116] : memref<331776xi32, #tpu.memory_space<hbm>> -> memref<128xi32, #tpu.memory_space<hbm>>
          %dma_wait3A_143 = arith.constant 0 : i32
          %dma_wait3A_144 = tpu.memref_slice %arg7[%run_scoped3A_117, %dma_wait3A_143] : memref<2x128xi32, #tpu.memory_space<vmem>> -> memref<1x128xi32, #tpu.memory_space<vmem>>
          %dma_wait3A_145 = tpu.memref_squeeze %dma_wait3A_144 : memref<1x128xi32, #tpu.memory_space<vmem>> -> memref<128xi32, #tpu.memory_space<vmem>>
          %dma_wait3A_146 = tpu.memref_slice %arg2[%add3A_116] : memref<331776xi32, #tpu.memory_space<hbm>> -> memref<128xi32, #tpu.memory_space<hbm>>
          tpu.wait_dma2 semaphore(%run_scoped3A_130 : memref<!tpu.dma_semaphore, #tpu.memory_space<semaphore_mem>>) src(%dma_wait3A_146 : memref<128xi32, #tpu.memory_space<hbm>>) dst(%dma_wait3A_145 : memref<128xi32, #tpu.memory_space<vmem>>)
          tpu.yield
        }) : () -> ()
        %dma_start3A_118 = arith.constant 1 : i32
        %dma_start3A_119 = arith.constant 1 : i32
        %dma_start3A_120 = arith.constant 0 : i32
        %dma_start3A_121 = arith.constant 0 : i32
        %dma_start3A_122 = tpu.memref_slice %arg9[%dma_start3A_119, %dma_start3A_120, %dma_start3A_121] : memref<2x128x128xf32, #tpu.memory_space<vmem>> -> memref<1x128x128xf32, #tpu.memory_space<vmem>>
        %dma_start3A_123 = tpu.memref_squeeze %dma_start3A_122 : memref<1x128x128xf32, #tpu.memory_space<vmem>> -> memref<128x128xf32, #tpu.memory_space<vmem>>
        %dma_start3A_124 = arith.constant 0 : i32
        %dma_start3A_125 = tpu.memref_slice %arg7[%dma_start3A_118, %dma_start3A_124] : memref<2x128xi32, #tpu.memory_space<vmem>> -> memref<1x128xi32, #tpu.memory_space<vmem>>
        %dma_start3A_126 = tpu.memref_squeeze %dma_start3A_125 : memref<1x128xi32, #tpu.memory_space<vmem>> -> memref<128xi32, #tpu.memory_space<vmem>>
        %dma_start3A_127 = arith.constant 0 : i32
        %dma_start3A_128 = arith.constant 0 : i32
        %dma_start3A_129 = tpu.memref_slice %arg4[%dma_start3A_127, %dma_start3A_128] : memref<10240x128xf32, #tpu.memory_space<hbm>> -> memref<10240x128xf32, #tpu.memory_space<hbm>>
        tpu.enqueue_indirect_dma source(%dma_start3A_129 : memref<10240x128xf32, #tpu.memory_space<hbm>>) target(%dma_start3A_123 : memref<128x128xf32, #tpu.memory_space<vmem>>) offsets(%dma_start3A_126 : memref<128xi32, #tpu.memory_space<vmem>>) semaphore(%arg11 : memref<!tpu.dma_semaphore, #tpu.memory_space<semaphore_mem>>)
      } else {
      }
      %mul3A_71 = arith.constant 128 : i32
      %mul3A_72 = arith.muli %add3A_65, %mul3A_71 : i32
      %add3A_73 = arith.addi %select_n3A_8, %mul3A_72 : i32
      "tpu.region"() ({
        %run_scoped3A_114 = tpu.sem_alloc : memref<!tpu.dma_semaphore, #tpu.memory_space<semaphore_mem>>
        %dma_start3A_115 = tpu.memref_slice %arg3[%add3A_73] : memref<331776xi32, #tpu.memory_space<hbm>> -> memref<128xi32, #tpu.memory_space<hbm>>
        %dma_start3A_116 = tpu.memref_slice %arg3[%add3A_73] : memref<331776xi32, #tpu.memory_space<hbm>> -> memref<128xi32, #tpu.memory_space<hbm>>
        tpu.enqueue_dma source(%dma_start3A_116 : memref<128xi32, #tpu.memory_space<hbm>>) target(%arg8 : memref<128xi32, #tpu.memory_space<vmem>>) target_semaphore(%run_scoped3A_114 : memref<!tpu.dma_semaphore, #tpu.memory_space<semaphore_mem>>)
        %dma_wait3A_117 = tpu.memref_slice %arg3[%add3A_73] : memref<331776xi32, #tpu.memory_space<hbm>> -> memref<128xi32, #tpu.memory_space<hbm>>
        %dma_wait3A_118 = tpu.memref_slice %arg3[%add3A_73] : memref<331776xi32, #tpu.memory_space<hbm>> -> memref<128xi32, #tpu.memory_space<hbm>>
        tpu.wait_dma2 semaphore(%run_scoped3A_114 : memref<!tpu.dma_semaphore, #tpu.memory_space<semaphore_mem>>) src(%dma_wait3A_118 : memref<128xi32, #tpu.memory_space<hbm>>) dst(%arg8 : memref<128xi32, #tpu.memory_space<vmem>>)
        tpu.yield
      }) : () -> ()
      %dma_wait3A = arith.constant 0 : i32
      %dma_wait3A_74 = arith.constant 0 : i32
      %dma_wait3A_75 = arith.constant 0 : i32
      %dma_wait3A_76 = arith.constant 0 : i32
      %dma_wait3A_77 = tpu.memref_slice %arg9[%dma_wait3A_74, %dma_wait3A_75, %dma_wait3A_76] : memref<2x128x128xf32, #tpu.memory_space<vmem>> -> memref<1x128x128xf32, #tpu.memory_space<vmem>>
      %dma_wait3A_78 = tpu.memref_squeeze %dma_wait3A_77 : memref<1x128x128xf32, #tpu.memory_space<vmem>> -> memref<128x128xf32, #tpu.memory_space<vmem>>
      %dma_wait3A_79 = arith.constant 0 : i32
      %dma_wait3A_80 = tpu.memref_slice %arg7[%dma_wait3A, %dma_wait3A_79] : memref<2x128xi32, #tpu.memory_space<vmem>> -> memref<1x128xi32, #tpu.memory_space<vmem>>
      %dma_wait3A_81 = tpu.memref_squeeze %dma_wait3A_80 : memref<1x128xi32, #tpu.memory_space<vmem>> -> memref<128xi32, #tpu.memory_space<vmem>>
      %dma_wait3A_82 = arith.constant 0 : i32
      %dma_wait3A_83 = arith.constant 0 : i32
      %dma_wait3A_84 = tpu.memref_slice %arg4[%dma_wait3A_82, %dma_wait3A_83] : memref<10240x128xf32, #tpu.memory_space<hbm>> -> memref<10240x128xf32, #tpu.memory_space<hbm>>
      tpu.wait_indirect_dma semaphore(%arg10 : memref<!tpu.dma_semaphore, #tpu.memory_space<semaphore_mem>>) src(%dma_wait3A_84 : memref<10240x128xf32, #tpu.memory_space<hbm>>) dst(%dma_wait3A_78 : memref<128x128xf32, #tpu.memory_space<vmem>>)
      %run_scoped3A_85 = arith.constant 0 : i32
      "tpu.region"() ({
        %run_scoped3A_114 = tpu.sem_alloc : memref<!tpu.dma_semaphore, #tpu.memory_space<semaphore_mem>>
        %dma_start3A_115 = arith.constant 0 : i32
        %dma_start3A_116 = arith.constant 0 : i32
        %dma_start3A_117 = tpu.memref_slice %arg9[%run_scoped3A_85, %dma_start3A_115, %dma_start3A_116] : memref<2x128x128xf32, #tpu.memory_space<vmem>> -> memref<1x128x128xf32, #tpu.memory_space<vmem>>
        %dma_start3A_118 = tpu.memref_squeeze %dma_start3A_117 : memref<1x128x128xf32, #tpu.memory_space<vmem>> -> memref<128x128xf32, #tpu.memory_space<vmem>>
        %dma_start3A_119 = arith.constant 0 : i32
        %dma_start3A_120 = arith.constant 0 : i32
        %dma_start3A_121 = tpu.memref_slice %arg12[%dma_start3A_119, %dma_start3A_120] : memref<10240x128xf32, #tpu.memory_space<vmem_shared>> -> memref<10240x128xf32, #tpu.memory_space<vmem_shared>>
        tpu.enqueue_indirect_dma source(%dma_start3A_118 : memref<128x128xf32, #tpu.memory_space<vmem>>) target(%dma_start3A_121 : memref<10240x128xf32, #tpu.memory_space<vmem_shared>>) offsets(%arg8 : memref<128xi32, #tpu.memory_space<vmem>>) semaphore(%run_scoped3A_114 : memref<!tpu.dma_semaphore, #tpu.memory_space<semaphore_mem>>) {add = true}
        %dma_wait3A_122 = arith.constant 0 : i32
        %dma_wait3A_123 = arith.constant 0 : i32
        %dma_wait3A_124 = tpu.memref_slice %arg9[%run_scoped3A_85, %dma_wait3A_122, %dma_wait3A_123] : memref<2x128x128xf32, #tpu.memory_space<vmem>> -> memref<1x128x128xf32, #tpu.memory_space<vmem>>
        %dma_wait3A_125 = tpu.memref_squeeze %dma_wait3A_124 : memref<1x128x128xf32, #tpu.memory_space<vmem>> -> memref<128x128xf32, #tpu.memory_space<vmem>>
        %dma_wait3A_126 = arith.constant 0 : i32
        %dma_wait3A_127 = arith.constant 0 : i32
        %dma_wait3A_128 = tpu.memref_slice %arg12[%dma_wait3A_126, %dma_wait3A_127] : memref<10240x128xf32, #tpu.memory_space<vmem_shared>> -> memref<10240x128xf32, #tpu.memory_space<vmem_shared>>
        tpu.wait_indirect_dma semaphore(%run_scoped3A_114 : memref<!tpu.dma_semaphore, #tpu.memory_space<semaphore_mem>>) src(%dma_wait3A_125 : memref<128x128xf32, #tpu.memory_space<vmem>>) dst(%dma_wait3A_128 : memref<10240x128xf32, #tpu.memory_space<vmem_shared>>)
        tpu.yield
      }) : () -> ()
      %mul3A_86 = arith.constant 2 : i32
      %mul3A_87 = arith.muli %while3A_61, %mul3A_86 : i32
      %add3A_88 = arith.constant 1 : i32
      %add3A_89 = arith.addi %mul3A_87, %add3A_88 : i32
      %add3A_90 = arith.constant 2 : i32
      %add3A_91 = arith.addi %add3A_89, %add3A_90 : i32
      %sub3A_92 = arith.constant 1 : i32
      %sub3A_93 = arith.subi %add3A_91, %sub3A_92 : i32
      %lt3A_94 = arith.cmpi slt, %sub3A_93, %select_n3A : i32
      %convert_element_type3A_95 = arith.extui %lt3A_94 : i1 to i32
      %cond3A_96 = arith.constant 0 : i32
      %cond3A_97 = arith.cmpi ne, %convert_element_type3A_95, %cond3A_96 : i32
      scf.if %cond3A_97 {
        %mul3A_114 = arith.constant 128 : i32
        %mul3A_115 = arith.muli %sub3A_93, %mul3A_114 : i32
        %add3A_116 = arith.addi %select_n3A_8, %mul3A_115 : i32
        %run_scoped3A_117 = arith.constant 0 : i32
        "tpu.region"() ({
          %run_scoped3A_130 = tpu.sem_alloc : memref<!tpu.dma_semaphore, #tpu.memory_space<semaphore_mem>>
          %dma_start3A_131 = arith.constant 0 : i32
          %dma_start3A_132 = tpu.memref_slice %arg7[%run_scoped3A_117, %dma_start3A_131] : memref<2x128xi32, #tpu.memory_space<vmem>> -> memref<1x128xi32, #tpu.memory_space<vmem>>
          %dma_start3A_133 = tpu.memref_squeeze %dma_start3A_132 : memref<1x128xi32, #tpu.memory_space<vmem>> -> memref<128xi32, #tpu.memory_space<vmem>>
          %dma_start3A_134 = tpu.memref_slice %arg2[%add3A_116] : memref<331776xi32, #tpu.memory_space<hbm>> -> memref<128xi32, #tpu.memory_space<hbm>>
          %dma_start3A_135 = arith.constant 0 : i32
          %dma_start3A_136 = tpu.memref_slice %arg7[%run_scoped3A_117, %dma_start3A_135] : memref<2x128xi32, #tpu.memory_space<vmem>> -> memref<1x128xi32, #tpu.memory_space<vmem>>
          %dma_start3A_137 = tpu.memref_squeeze %dma_start3A_136 : memref<1x128xi32, #tpu.memory_space<vmem>> -> memref<128xi32, #tpu.memory_space<vmem>>
          %dma_start3A_138 = tpu.memref_slice %arg2[%add3A_116] : memref<331776xi32, #tpu.memory_space<hbm>> -> memref<128xi32, #tpu.memory_space<hbm>>
          tpu.enqueue_dma source(%dma_start3A_138 : memref<128xi32, #tpu.memory_space<hbm>>) target(%dma_start3A_137 : memref<128xi32, #tpu.memory_space<vmem>>) target_semaphore(%run_scoped3A_130 : memref<!tpu.dma_semaphore, #tpu.memory_space<semaphore_mem>>)
          %dma_wait3A_139 = arith.constant 0 : i32
          %dma_wait3A_140 = tpu.memref_slice %arg7[%run_scoped3A_117, %dma_wait3A_139] : memref<2x128xi32, #tpu.memory_space<vmem>> -> memref<1x128xi32, #tpu.memory_space<vmem>>
          %dma_wait3A_141 = tpu.memref_squeeze %dma_wait3A_140 : memref<1x128xi32, #tpu.memory_space<vmem>> -> memref<128xi32, #tpu.memory_space<vmem>>
          %dma_wait3A_142 = tpu.memref_slice %arg2[%add3A_116] : memref<331776xi32, #tpu.memory_space<hbm>> -> memref<128xi32, #tpu.memory_space<hbm>>
          %dma_wait3A_143 = arith.constant 0 : i32
          %dma_wait3A_144 = tpu.memref_slice %arg7[%run_scoped3A_117, %dma_wait3A_143] : memref<2x128xi32, #tpu.memory_space<vmem>> -> memref<1x128xi32, #tpu.memory_space<vmem>>
          %dma_wait3A_145 = tpu.memref_squeeze %dma_wait3A_144 : memref<1x128xi32, #tpu.memory_space<vmem>> -> memref<128xi32, #tpu.memory_space<vmem>>
          %dma_wait3A_146 = tpu.memref_slice %arg2[%add3A_116] : memref<331776xi32, #tpu.memory_space<hbm>> -> memref<128xi32, #tpu.memory_space<hbm>>
          tpu.wait_dma2 semaphore(%run_scoped3A_130 : memref<!tpu.dma_semaphore, #tpu.memory_space<semaphore_mem>>) src(%dma_wait3A_146 : memref<128xi32, #tpu.memory_space<hbm>>) dst(%dma_wait3A_145 : memref<128xi32, #tpu.memory_space<vmem>>)
          tpu.yield
        }) : () -> ()
        %dma_start3A_118 = arith.constant 0 : i32
        %dma_start3A_119 = arith.constant 0 : i32
        %dma_start3A_120 = arith.constant 0 : i32
        %dma_start3A_121 = arith.constant 0 : i32
        %dma_start3A_122 = tpu.memref_slice %arg9[%dma_start3A_119, %dma_start3A_120, %dma_start3A_121] : memref<2x128x128xf32, #tpu.memory_space<vmem>> -> memref<1x128x128xf32, #tpu.memory_space<vmem>>
        %dma_start3A_123 = tpu.memref_squeeze %dma_start3A_122 : memref<1x128x128xf32, #tpu.memory_space<vmem>> -> memref<128x128xf32, #tpu.memory_space<vmem>>
        %dma_start3A_124 = arith.constant 0 : i32
        %dma_start3A_125 = tpu.memref_slice %arg7[%dma_start3A_118, %dma_start3A_124] : memref<2x128xi32, #tpu.memory_space<vmem>> -> memref<1x128xi32, #tpu.memory_space<vmem>>
        %dma_start3A_126 = tpu.memref_squeeze %dma_start3A_125 : memref<1x128xi32, #tpu.memory_space<vmem>> -> memref<128xi32, #tpu.memory_space<vmem>>
        %dma_start3A_127 = arith.constant 0 : i32
        %dma_start3A_128 = arith.constant 0 : i32
        %dma_start3A_129 = tpu.memref_slice %arg4[%dma_start3A_127, %dma_start3A_128] : memref<10240x128xf32, #tpu.memory_space<hbm>> -> memref<10240x128xf32, #tpu.memory_space<hbm>>
        tpu.enqueue_indirect_dma source(%dma_start3A_129 : memref<10240x128xf32, #tpu.memory_space<hbm>>) target(%dma_start3A_123 : memref<128x128xf32, #tpu.memory_space<vmem>>) offsets(%dma_start3A_126 : memref<128xi32, #tpu.memory_space<vmem>>) semaphore(%arg10 : memref<!tpu.dma_semaphore, #tpu.memory_space<semaphore_mem>>)
      } else {
      }
      %mul3A_98 = arith.constant 128 : i32
      %mul3A_99 = arith.muli %add3A_89, %mul3A_98 : i32
      %add3A_100 = arith.addi %select_n3A_8, %mul3A_99 : i32
      "tpu.region"() ({
        %run_scoped3A_114 = tpu.sem_alloc : memref<!tpu.dma_semaphore, #tpu.memory_space<semaphore_mem>>
        %dma_start3A_115 = tpu.memref_slice %arg3[%add3A_100] : memref<331776xi32, #tpu.memory_space<hbm>> -> memref<128xi32, #tpu.memory_space<hbm>>
        %dma_start3A_116 = tpu.memref_slice %arg3[%add3A_100] : memref<331776xi32, #tpu.memory_space<hbm>> -> memref<128xi32, #tpu.memory_space<hbm>>
        tpu.enqueue_dma source(%dma_start3A_116 : memref<128xi32, #tpu.memory_space<hbm>>) target(%arg8 : memref<128xi32, #tpu.memory_space<vmem>>) target_semaphore(%run_scoped3A_114 : memref<!tpu.dma_semaphore, #tpu.memory_space<semaphore_mem>>)
        %dma_wait3A_117 = tpu.memref_slice %arg3[%add3A_100] : memref<331776xi32, #tpu.memory_space<hbm>> -> memref<128xi32, #tpu.memory_space<hbm>>
        %dma_wait3A_118 = tpu.memref_slice %arg3[%add3A_100] : memref<331776xi32, #tpu.memory_space<hbm>> -> memref<128xi32, #tpu.memory_space<hbm>>
        tpu.wait_dma2 semaphore(%run_scoped3A_114 : memref<!tpu.dma_semaphore, #tpu.memory_space<semaphore_mem>>) src(%dma_wait3A_118 : memref<128xi32, #tpu.memory_space<hbm>>) dst(%arg8 : memref<128xi32, #tpu.memory_space<vmem>>)
        tpu.yield
      }) : () -> ()
      %dma_wait3A_101 = arith.constant 1 : i32
      %dma_wait3A_102 = arith.constant 1 : i32
      %dma_wait3A_103 = arith.constant 0 : i32
      %dma_wait3A_104 = arith.constant 0 : i32
      %dma_wait3A_105 = tpu.memref_slice %arg9[%dma_wait3A_102, %dma_wait3A_103, %dma_wait3A_104] : memref<2x128x128xf32, #tpu.memory_space<vmem>> -> memref<1x128x128xf32, #tpu.memory_space<vmem>>
      %dma_wait3A_106 = tpu.memref_squeeze %dma_wait3A_105 : memref<1x128x128xf32, #tpu.memory_space<vmem>> -> memref<128x128xf32, #tpu.memory_space<vmem>>
      %dma_wait3A_107 = arith.constant 0 : i32
      %dma_wait3A_108 = tpu.memref_slice %arg7[%dma_wait3A_101, %dma_wait3A_107] : memref<2x128xi32, #tpu.memory_space<vmem>> -> memref<1x128xi32, #tpu.memory_space<vmem>>
      %dma_wait3A_109 = tpu.memref_squeeze %dma_wait3A_108 : memref<1x128xi32, #tpu.memory_space<vmem>> -> memref<128xi32, #tpu.memory_space<vmem>>
      %dma_wait3A_110 = arith.constant 0 : i32
      %dma_wait3A_111 = arith.constant 0 : i32
      %dma_wait3A_112 = tpu.memref_slice %arg4[%dma_wait3A_110, %dma_wait3A_111] : memref<10240x128xf32, #tpu.memory_space<hbm>> -> memref<10240x128xf32, #tpu.memory_space<hbm>>
      tpu.wait_indirect_dma semaphore(%arg11 : memref<!tpu.dma_semaphore, #tpu.memory_space<semaphore_mem>>) src(%dma_wait3A_112 : memref<10240x128xf32, #tpu.memory_space<hbm>>) dst(%dma_wait3A_106 : memref<128x128xf32, #tpu.memory_space<vmem>>)
      %run_scoped3A_113 = arith.constant 1 : i32
      "tpu.region"() ({
        %run_scoped3A_114 = tpu.sem_alloc : memref<!tpu.dma_semaphore, #tpu.memory_space<semaphore_mem>>
        %dma_start3A_115 = arith.constant 0 : i32
        %dma_start3A_116 = arith.constant 0 : i32
        %dma_start3A_117 = tpu.memref_slice %arg9[%run_scoped3A_113, %dma_start3A_115, %dma_start3A_116] : memref<2x128x128xf32, #tpu.memory_space<vmem>> -> memref<1x128x128xf32, #tpu.memory_space<vmem>>
        %dma_start3A_118 = tpu.memref_squeeze %dma_start3A_117 : memref<1x128x128xf32, #tpu.memory_space<vmem>> -> memref<128x128xf32, #tpu.memory_space<vmem>>
        %dma_start3A_119 = arith.constant 0 : i32
        %dma_start3A_120 = arith.constant 0 : i32
        %dma_start3A_121 = tpu.memref_slice %arg12[%dma_start3A_119, %dma_start3A_120] : memref<10240x128xf32, #tpu.memory_space<vmem_shared>> -> memref<10240x128xf32, #tpu.memory_space<vmem_shared>>
        tpu.enqueue_indirect_dma source(%dma_start3A_118 : memref<128x128xf32, #tpu.memory_space<vmem>>) target(%dma_start3A_121 : memref<10240x128xf32, #tpu.memory_space<vmem_shared>>) offsets(%arg8 : memref<128xi32, #tpu.memory_space<vmem>>) semaphore(%run_scoped3A_114 : memref<!tpu.dma_semaphore, #tpu.memory_space<semaphore_mem>>) {add = true}
        %dma_wait3A_122 = arith.constant 0 : i32
        %dma_wait3A_123 = arith.constant 0 : i32
        %dma_wait3A_124 = tpu.memref_slice %arg9[%run_scoped3A_113, %dma_wait3A_122, %dma_wait3A_123] : memref<2x128x128xf32, #tpu.memory_space<vmem>> -> memref<1x128x128xf32, #tpu.memory_space<vmem>>
        %dma_wait3A_125 = tpu.memref_squeeze %dma_wait3A_124 : memref<1x128x128xf32, #tpu.memory_space<vmem>> -> memref<128x128xf32, #tpu.memory_space<vmem>>
        %dma_wait3A_126 = arith.constant 0 : i32
        %dma_wait3A_127 = arith.constant 0 : i32
        %dma_wait3A_128 = tpu.memref_slice %arg12[%dma_wait3A_126, %dma_wait3A_127] : memref<10240x128xf32, #tpu.memory_space<vmem_shared>> -> memref<10240x128xf32, #tpu.memory_space<vmem_shared>>
        tpu.wait_indirect_dma semaphore(%run_scoped3A_114 : memref<!tpu.dma_semaphore, #tpu.memory_space<semaphore_mem>>) src(%dma_wait3A_125 : memref<128x128xf32, #tpu.memory_space<vmem>>) dst(%dma_wait3A_128 : memref<10240x128xf32, #tpu.memory_space<vmem_shared>>)
        tpu.yield
      }) : () -> ()
    }
    %barrier3A_53 = arith.constant 0 : index
    tpu.barrier barrier_id(%barrier3A_53)
    %mul3A_54 = arith.constant 640 : i32
    %mul3A_55 = arith.muli %arg1, %mul3A_54 : i32
    %mul3A_56 = arith.constant 10240 : i32
    %mul3A_57 = arith.muli %arg0, %mul3A_56 : i32
    %mul3A_58 = arith.constant 640 : i32
    %mul3A_59 = arith.muli %arg1, %mul3A_58 : i32
    %add3A_60 = arith.addi %mul3A_57, %mul3A_59 : i32
    "tpu.region"() ({
      %run_scoped3A_61 = tpu.sem_alloc : memref<!tpu.dma_semaphore, #tpu.memory_space<semaphore_mem>>
      %dma_start3A_62 = arith.constant 0 : i32
      %dma_start3A_63 = tpu.memref_slice %arg6[%add3A_60, %dma_start3A_62] : memref<20480x128xf32, #tpu.memory_space<hbm>> -> memref<640x128xf32, #tpu.memory_space<hbm>>
      %dma_start3A_64 = arith.constant 0 : i32
      %dma_start3A_65 = tpu.memref_slice %arg12[%mul3A_55, %dma_start3A_64] : memref<10240x128xf32, #tpu.memory_space<vmem_shared>> -> memref<640x128xf32, #tpu.memory_space<vmem_shared>>
      tpu.enqueue_dma source(%dma_start3A_65 : memref<640x128xf32, #tpu.memory_space<vmem_shared>>) target(%dma_start3A_63 : memref<640x128xf32, #tpu.memory_space<hbm>>) target_semaphore(%run_scoped3A_61 : memref<!tpu.dma_semaphore, #tpu.memory_space<semaphore_mem>>)
      %dma_wait3A = arith.constant 0 : i32
      %dma_wait3A_66 = tpu.memref_slice %arg6[%add3A_60, %dma_wait3A] : memref<20480x128xf32, #tpu.memory_space<hbm>> -> memref<640x128xf32, #tpu.memory_space<hbm>>
      %dma_wait3A_67 = arith.constant 0 : i32
      %dma_wait3A_68 = tpu.memref_slice %arg12[%mul3A_55, %dma_wait3A_67] : memref<10240x128xf32, #tpu.memory_space<vmem_shared>> -> memref<640x128xf32, #tpu.memory_space<vmem_shared>>
      tpu.wait_dma2 semaphore(%run_scoped3A_61 : memref<!tpu.dma_semaphore, #tpu.memory_space<semaphore_mem>>) src(%dma_wait3A_68 : memref<640x128xf32, #tpu.memory_space<vmem_shared>>) dst(%dma_wait3A_66 : memref<640x128xf32, #tpu.memory_space<hbm>>)
      tpu.yield
    }) : () -> ()
    return
  }
}

#map = affine_map<(d0, d1) -> (0)>
#map1 = affine_map<(d0, d1) -> (0, 0)>
module attributes {stable_mosaic.version = 14 : i64} {
  func.func @_sc_deg_body(%arg0: i32, %arg1: i32, %arg2: memref<331776xi32, #tpu.memory_space<hbm>>, %arg3: memref<128x16xf32, #tpu.memory_space<hbm>>, %arg4: memref<10240x16xf32, #tpu.memory_space<hbm>>, %arg5: memref<20480x16xf32, #tpu.memory_space<hbm>>, %arg6: memref<2x128xi32, #tpu.memory_space<vmem>>, %arg7: memref<128x16xf32, #tpu.memory_space<vmem>>, %arg8: memref<!tpu.dma_semaphore, #tpu.memory_space<semaphore_mem>>, %arg9: memref<!tpu.dma_semaphore, #tpu.memory_space<semaphore_mem>>, %arg10: memref<10240x16xf32, #tpu.memory_space<vmem_shared>>) attributes {dimension_semantics = [#tpu.dimension_semantics<core_parallel>, #tpu.dimension_semantics<subcore_parallel>], iteration_bounds = array<i64: 2, 16>, scalar_prefetch = 0 : i64, scratch_operands = 5 : i64, tpu.core_type = #tpu.core_type<sc_vector_subcore>, window_params = [{transform_indices = #map}, {transform_indices = #map1}, {transform_indices = #map1}, {transform_indices = #map1}]} {
    %mul3A = arith.constant 2 : i32
    %mul3A_0 = arith.muli %arg1, %mul3A : i32
    %add3A = arith.addi %mul3A_0, %arg0 : i32
    %mul3A_1 = arith.constant 10368 : i32
    %mul3A_2 = arith.muli %add3A, %mul3A_1 : i32
    %mul3A_3 = arith.constant 640 : i32
    %mul3A_4 = arith.muli %arg1, %mul3A_3 : i32
    %mul3A_5 = arith.constant 640 : i32
    %mul3A_6 = arith.muli %arg1, %mul3A_5 : i32
    "tpu.region"() ({
      %run_scoped3A_40 = tpu.sem_alloc : memref<!tpu.dma_semaphore, #tpu.memory_space<semaphore_mem>>
      %dma_start3A_41 = arith.constant 0 : i32
      %dma_start3A_42 = tpu.memref_slice %arg10[%mul3A_6, %dma_start3A_41] : memref<10240x16xf32, #tpu.memory_space<vmem_shared>> -> memref<640x16xf32, #tpu.memory_space<vmem_shared>>
      %dma_start3A_43 = arith.constant 0 : i32
      %dma_start3A_44 = tpu.memref_slice %arg4[%mul3A_4, %dma_start3A_43] : memref<10240x16xf32, #tpu.memory_space<hbm>> -> memref<640x16xf32, #tpu.memory_space<hbm>>
      tpu.enqueue_dma source(%dma_start3A_44 : memref<640x16xf32, #tpu.memory_space<hbm>>) target(%dma_start3A_42 : memref<640x16xf32, #tpu.memory_space<vmem_shared>>) target_semaphore(%run_scoped3A_40 : memref<!tpu.dma_semaphore, #tpu.memory_space<semaphore_mem>>)
      %dma_wait3A_45 = arith.constant 0 : i32
      %dma_wait3A_46 = tpu.memref_slice %arg10[%mul3A_6, %dma_wait3A_45] : memref<10240x16xf32, #tpu.memory_space<vmem_shared>> -> memref<640x16xf32, #tpu.memory_space<vmem_shared>>
      %dma_wait3A_47 = arith.constant 0 : i32
      %dma_wait3A_48 = tpu.memref_slice %arg4[%mul3A_4, %dma_wait3A_47] : memref<10240x16xf32, #tpu.memory_space<hbm>> -> memref<640x16xf32, #tpu.memory_space<hbm>>
      tpu.wait_dma2 semaphore(%run_scoped3A_40 : memref<!tpu.dma_semaphore, #tpu.memory_space<semaphore_mem>>) src(%dma_wait3A_48 : memref<640x16xf32, #tpu.memory_space<hbm>>) dst(%dma_wait3A_46 : memref<640x16xf32, #tpu.memory_space<vmem_shared>>)
      tpu.yield
    }) : () -> ()
    "tpu.region"() ({
      %run_scoped3A_40 = tpu.sem_alloc : memref<!tpu.dma_semaphore, #tpu.memory_space<semaphore_mem>>
      tpu.enqueue_dma source(%arg3 : memref<128x16xf32, #tpu.memory_space<hbm>>) target(%arg7 : memref<128x16xf32, #tpu.memory_space<vmem>>) target_semaphore(%run_scoped3A_40 : memref<!tpu.dma_semaphore, #tpu.memory_space<semaphore_mem>>)
      tpu.wait_dma2 semaphore(%run_scoped3A_40 : memref<!tpu.dma_semaphore, #tpu.memory_space<semaphore_mem>>) src(%arg3 : memref<128x16xf32, #tpu.memory_space<hbm>>) dst(%arg7 : memref<128x16xf32, #tpu.memory_space<vmem>>)
      tpu.yield
    }) : () -> ()
    %barrier3A = arith.constant 0 : index
    tpu.barrier barrier_id(%barrier3A)
    %add3A_7 = arith.constant 0 : i32
    %add3A_8 = arith.addi %mul3A_2, %add3A_7 : i32
    %dma_start3A = arith.constant 0 : i32
    %dma_start3A_9 = arith.constant 0 : i32
    %dma_start3A_10 = tpu.memref_slice %arg6[%dma_start3A, %dma_start3A_9] : memref<2x128xi32, #tpu.memory_space<vmem>> -> memref<1x128xi32, #tpu.memory_space<vmem>>
    %dma_start3A_11 = tpu.memref_squeeze %dma_start3A_10 : memref<1x128xi32, #tpu.memory_space<vmem>> -> memref<128xi32, #tpu.memory_space<vmem>>
    %dma_start3A_12 = tpu.memref_slice %arg2[%add3A_8] : memref<331776xi32, #tpu.memory_space<hbm>> -> memref<128xi32, #tpu.memory_space<hbm>>
    %dma_start3A_13 = arith.constant 0 : i32
    %dma_start3A_14 = tpu.memref_slice %arg6[%dma_start3A, %dma_start3A_13] : memref<2x128xi32, #tpu.memory_space<vmem>> -> memref<1x128xi32, #tpu.memory_space<vmem>>
    %dma_start3A_15 = tpu.memref_squeeze %dma_start3A_14 : memref<1x128xi32, #tpu.memory_space<vmem>> -> memref<128xi32, #tpu.memory_space<vmem>>
    %dma_start3A_16 = tpu.memref_slice %arg2[%add3A_8] : memref<331776xi32, #tpu.memory_space<hbm>> -> memref<128xi32, #tpu.memory_space<hbm>>
    tpu.enqueue_dma source(%dma_start3A_16 : memref<128xi32, #tpu.memory_space<hbm>>) target(%dma_start3A_15 : memref<128xi32, #tpu.memory_space<vmem>>) target_semaphore(%arg8 : memref<!tpu.dma_semaphore, #tpu.memory_space<semaphore_mem>>)
    %scan3A = arith.constant 0 : i32
    %scan3A_17 = arith.constant 0 : i32
    %scan3A_18 = arith.constant 40 : i32
    %scan3A_19 = arith.addi %scan3A_17, %scan3A_18 : i32
    %scan3A_20 = arith.constant 1 : i32
    scf.for %scan3A_40 = %scan3A_17 to %scan3A_19 step %scan3A_20  : i32 {
      %mul3A_41 = arith.constant 2 : i32
      %mul3A_42 = arith.muli %scan3A_40, %mul3A_41 : i32
      %add3A_43 = arith.constant 0 : i32
      %add3A_44 = arith.addi %mul3A_42, %add3A_43 : i32
      %add3A_45 = arith.constant 1 : i32
      %add3A_46 = arith.addi %add3A_44, %add3A_45 : i32
      %lt3A = arith.constant 81 : i32
      %lt3A_47 = arith.cmpi slt, %add3A_46, %lt3A : i32
      %convert_element_type3A = arith.extui %lt3A_47 : i1 to i32
      %cond3A = arith.constant 0 : i32
      %cond3A_48 = arith.cmpi ne, %convert_element_type3A, %cond3A : i32
      scf.if %cond3A_48 {
        %add3A_86 = arith.constant 1 : i32
        %add3A_87 = arith.addi %add3A_44, %add3A_86 : i32
        %mul3A_88 = arith.constant 128 : i32
        %mul3A_89 = arith.muli %add3A_87, %mul3A_88 : i32
        %add3A_90 = arith.addi %mul3A_2, %mul3A_89 : i32
        %dma_start3A_91 = arith.constant 1 : i32
        %dma_start3A_92 = arith.constant 0 : i32
        %dma_start3A_93 = tpu.memref_slice %arg6[%dma_start3A_91, %dma_start3A_92] : memref<2x128xi32, #tpu.memory_space<vmem>> -> memref<1x128xi32, #tpu.memory_space<vmem>>
        %dma_start3A_94 = tpu.memref_squeeze %dma_start3A_93 : memref<1x128xi32, #tpu.memory_space<vmem>> -> memref<128xi32, #tpu.memory_space<vmem>>
        %dma_start3A_95 = tpu.memref_slice %arg2[%add3A_90] : memref<331776xi32, #tpu.memory_space<hbm>> -> memref<128xi32, #tpu.memory_space<hbm>>
        %dma_start3A_96 = arith.constant 0 : i32
        %dma_start3A_97 = tpu.memref_slice %arg6[%dma_start3A_91, %dma_start3A_96] : memref<2x128xi32, #tpu.memory_space<vmem>> -> memref<1x128xi32, #tpu.memory_space<vmem>>
        %dma_start3A_98 = tpu.memref_squeeze %dma_start3A_97 : memref<1x128xi32, #tpu.memory_space<vmem>> -> memref<128xi32, #tpu.memory_space<vmem>>
        %dma_start3A_99 = tpu.memref_slice %arg2[%add3A_90] : memref<331776xi32, #tpu.memory_space<hbm>> -> memref<128xi32, #tpu.memory_space<hbm>>
        tpu.enqueue_dma source(%dma_start3A_99 : memref<128xi32, #tpu.memory_space<hbm>>) target(%dma_start3A_98 : memref<128xi32, #tpu.memory_space<vmem>>) target_semaphore(%arg9 : memref<!tpu.dma_semaphore, #tpu.memory_space<semaphore_mem>>)
      } else {
      }
      %mul3A_49 = arith.constant 128 : i32
      %mul3A_50 = arith.muli %add3A_44, %mul3A_49 : i32
      %add3A_51 = arith.addi %mul3A_2, %mul3A_50 : i32
      %dma_wait3A_52 = arith.constant 0 : i32
      %dma_wait3A_53 = arith.constant 0 : i32
      %dma_wait3A_54 = tpu.memref_slice %arg6[%dma_wait3A_52, %dma_wait3A_53] : memref<2x128xi32, #tpu.memory_space<vmem>> -> memref<1x128xi32, #tpu.memory_space<vmem>>
      %dma_wait3A_55 = tpu.memref_squeeze %dma_wait3A_54 : memref<1x128xi32, #tpu.memory_space<vmem>> -> memref<128xi32, #tpu.memory_space<vmem>>
      %dma_wait3A_56 = tpu.memref_slice %arg2[%add3A_51] : memref<331776xi32, #tpu.memory_space<hbm>> -> memref<128xi32, #tpu.memory_space<hbm>>
      %dma_wait3A_57 = arith.constant 0 : i32
      %dma_wait3A_58 = tpu.memref_slice %arg6[%dma_wait3A_52, %dma_wait3A_57] : memref<2x128xi32, #tpu.memory_space<vmem>> -> memref<1x128xi32, #tpu.memory_space<vmem>>
      %dma_wait3A_59 = tpu.memref_squeeze %dma_wait3A_58 : memref<1x128xi32, #tpu.memory_space<vmem>> -> memref<128xi32, #tpu.memory_space<vmem>>
      %dma_wait3A_60 = tpu.memref_slice %arg2[%add3A_51] : memref<331776xi32, #tpu.memory_space<hbm>> -> memref<128xi32, #tpu.memory_space<hbm>>
      tpu.wait_dma2 semaphore(%arg8 : memref<!tpu.dma_semaphore, #tpu.memory_space<semaphore_mem>>) src(%dma_wait3A_60 : memref<128xi32, #tpu.memory_space<hbm>>) dst(%dma_wait3A_59 : memref<128xi32, #tpu.memory_space<vmem>>)
      %run_scoped3A_61 = arith.constant 0 : i32
      "tpu.region"() ({
        %run_scoped3A_86 = tpu.sem_alloc : memref<!tpu.dma_semaphore, #tpu.memory_space<semaphore_mem>>
        %dma_start3A_87 = arith.constant 0 : i32
        %dma_start3A_88 = tpu.memref_slice %arg6[%run_scoped3A_61, %dma_start3A_87] : memref<2x128xi32, #tpu.memory_space<vmem>> -> memref<1x128xi32, #tpu.memory_space<vmem>>
        %dma_start3A_89 = tpu.memref_squeeze %dma_start3A_88 : memref<1x128xi32, #tpu.memory_space<vmem>> -> memref<128xi32, #tpu.memory_space<vmem>>
        %dma_start3A_90 = arith.constant 0 : i32
        %dma_start3A_91 = arith.constant 0 : i32
        %dma_start3A_92 = tpu.memref_slice %arg10[%dma_start3A_90, %dma_start3A_91] : memref<10240x16xf32, #tpu.memory_space<vmem_shared>> -> memref<10240x16xf32, #tpu.memory_space<vmem_shared>>
        tpu.enqueue_indirect_dma source(%arg7 : memref<128x16xf32, #tpu.memory_space<vmem>>) target(%dma_start3A_92 : memref<10240x16xf32, #tpu.memory_space<vmem_shared>>) offsets(%dma_start3A_89 : memref<128xi32, #tpu.memory_space<vmem>>) semaphore(%run_scoped3A_86 : memref<!tpu.dma_semaphore, #tpu.memory_space<semaphore_mem>>) {add = true}
        %dma_wait3A_93 = arith.constant 0 : i32
        %dma_wait3A_94 = tpu.memref_slice %arg6[%run_scoped3A_61, %dma_wait3A_93] : memref<2x128xi32, #tpu.memory_space<vmem>> -> memref<1x128xi32, #tpu.memory_space<vmem>>
        %dma_wait3A_95 = tpu.memref_squeeze %dma_wait3A_94 : memref<1x128xi32, #tpu.memory_space<vmem>> -> memref<128xi32, #tpu.memory_space<vmem>>
        %dma_wait3A_96 = arith.constant 0 : i32
        %dma_wait3A_97 = arith.constant 0 : i32
        %dma_wait3A_98 = tpu.memref_slice %arg10[%dma_wait3A_96, %dma_wait3A_97] : memref<10240x16xf32, #tpu.memory_space<vmem_shared>> -> memref<10240x16xf32, #tpu.memory_space<vmem_shared>>
        tpu.wait_indirect_dma semaphore(%run_scoped3A_86 : memref<!tpu.dma_semaphore, #tpu.memory_space<semaphore_mem>>) src(%arg7 : memref<128x16xf32, #tpu.memory_space<vmem>>) dst(%dma_wait3A_98 : memref<10240x16xf32, #tpu.memory_space<vmem_shared>>)
        tpu.yield
      }) : () -> ()
      %mul3A_62 = arith.constant 2 : i32
      %mul3A_63 = arith.muli %scan3A_40, %mul3A_62 : i32
      %add3A_64 = arith.constant 1 : i32
      %add3A_65 = arith.addi %mul3A_63, %add3A_64 : i32
      %add3A_66 = arith.constant 1 : i32
      %add3A_67 = arith.addi %add3A_65, %add3A_66 : i32
      %lt3A_68 = arith.constant 81 : i32
      %lt3A_69 = arith.cmpi slt, %add3A_67, %lt3A_68 : i32
      %convert_element_type3A_70 = arith.extui %lt3A_69 : i1 to i32
      %cond3A_71 = arith.constant 0 : i32
      %cond3A_72 = arith.cmpi ne, %convert_element_type3A_70, %cond3A_71 : i32
      scf.if %cond3A_72 {
        %add3A_86 = arith.constant 1 : i32
        %add3A_87 = arith.addi %add3A_65, %add3A_86 : i32
        %mul3A_88 = arith.constant 128 : i32
        %mul3A_89 = arith.muli %add3A_87, %mul3A_88 : i32
        %add3A_90 = arith.addi %mul3A_2, %mul3A_89 : i32
        %dma_start3A_91 = arith.constant 0 : i32
        %dma_start3A_92 = arith.constant 0 : i32
        %dma_start3A_93 = tpu.memref_slice %arg6[%dma_start3A_91, %dma_start3A_92] : memref<2x128xi32, #tpu.memory_space<vmem>> -> memref<1x128xi32, #tpu.memory_space<vmem>>
        %dma_start3A_94 = tpu.memref_squeeze %dma_start3A_93 : memref<1x128xi32, #tpu.memory_space<vmem>> -> memref<128xi32, #tpu.memory_space<vmem>>
        %dma_start3A_95 = tpu.memref_slice %arg2[%add3A_90] : memref<331776xi32, #tpu.memory_space<hbm>> -> memref<128xi32, #tpu.memory_space<hbm>>
        %dma_start3A_96 = arith.constant 0 : i32
        %dma_start3A_97 = tpu.memref_slice %arg6[%dma_start3A_91, %dma_start3A_96] : memref<2x128xi32, #tpu.memory_space<vmem>> -> memref<1x128xi32, #tpu.memory_space<vmem>>
        %dma_start3A_98 = tpu.memref_squeeze %dma_start3A_97 : memref<1x128xi32, #tpu.memory_space<vmem>> -> memref<128xi32, #tpu.memory_space<vmem>>
        %dma_start3A_99 = tpu.memref_slice %arg2[%add3A_90] : memref<331776xi32, #tpu.memory_space<hbm>> -> memref<128xi32, #tpu.memory_space<hbm>>
        tpu.enqueue_dma source(%dma_start3A_99 : memref<128xi32, #tpu.memory_space<hbm>>) target(%dma_start3A_98 : memref<128xi32, #tpu.memory_space<vmem>>) target_semaphore(%arg8 : memref<!tpu.dma_semaphore, #tpu.memory_space<semaphore_mem>>)
      } else {
      }
      %mul3A_73 = arith.constant 128 : i32
      %mul3A_74 = arith.muli %add3A_65, %mul3A_73 : i32
      %add3A_75 = arith.addi %mul3A_2, %mul3A_74 : i32
      %dma_wait3A_76 = arith.constant 1 : i32
      %dma_wait3A_77 = arith.constant 0 : i32
      %dma_wait3A_78 = tpu.memref_slice %arg6[%dma_wait3A_76, %dma_wait3A_77] : memref<2x128xi32, #tpu.memory_space<vmem>> -> memref<1x128xi32, #tpu.memory_space<vmem>>
      %dma_wait3A_79 = tpu.memref_squeeze %dma_wait3A_78 : memref<1x128xi32, #tpu.memory_space<vmem>> -> memref<128xi32, #tpu.memory_space<vmem>>
      %dma_wait3A_80 = tpu.memref_slice %arg2[%add3A_75] : memref<331776xi32, #tpu.memory_space<hbm>> -> memref<128xi32, #tpu.memory_space<hbm>>
      %dma_wait3A_81 = arith.constant 0 : i32
      %dma_wait3A_82 = tpu.memref_slice %arg6[%dma_wait3A_76, %dma_wait3A_81] : memref<2x128xi32, #tpu.memory_space<vmem>> -> memref<1x128xi32, #tpu.memory_space<vmem>>
      %dma_wait3A_83 = tpu.memref_squeeze %dma_wait3A_82 : memref<1x128xi32, #tpu.memory_space<vmem>> -> memref<128xi32, #tpu.memory_space<vmem>>
      %dma_wait3A_84 = tpu.memref_slice %arg2[%add3A_75] : memref<331776xi32, #tpu.memory_space<hbm>> -> memref<128xi32, #tpu.memory_space<hbm>>
      tpu.wait_dma2 semaphore(%arg9 : memref<!tpu.dma_semaphore, #tpu.memory_space<semaphore_mem>>) src(%dma_wait3A_84 : memref<128xi32, #tpu.memory_space<hbm>>) dst(%dma_wait3A_83 : memref<128xi32, #tpu.memory_space<vmem>>)
      %run_scoped3A_85 = arith.constant 1 : i32
      "tpu.region"() ({
        %run_scoped3A_86 = tpu.sem_alloc : memref<!tpu.dma_semaphore, #tpu.memory_space<semaphore_mem>>
        %dma_start3A_87 = arith.constant 0 : i32
        %dma_start3A_88 = tpu.memref_slice %arg6[%run_scoped3A_85, %dma_start3A_87] : memref<2x128xi32, #tpu.memory_space<vmem>> -> memref<1x128xi32, #tpu.memory_space<vmem>>
        %dma_start3A_89 = tpu.memref_squeeze %dma_start3A_88 : memref<1x128xi32, #tpu.memory_space<vmem>> -> memref<128xi32, #tpu.memory_space<vmem>>
        %dma_start3A_90 = arith.constant 0 : i32
        %dma_start3A_91 = arith.constant 0 : i32
        %dma_start3A_92 = tpu.memref_slice %arg10[%dma_start3A_90, %dma_start3A_91] : memref<10240x16xf32, #tpu.memory_space<vmem_shared>> -> memref<10240x16xf32, #tpu.memory_space<vmem_shared>>
        tpu.enqueue_indirect_dma source(%arg7 : memref<128x16xf32, #tpu.memory_space<vmem>>) target(%dma_start3A_92 : memref<10240x16xf32, #tpu.memory_space<vmem_shared>>) offsets(%dma_start3A_89 : memref<128xi32, #tpu.memory_space<vmem>>) semaphore(%run_scoped3A_86 : memref<!tpu.dma_semaphore, #tpu.memory_space<semaphore_mem>>) {add = true}
        %dma_wait3A_93 = arith.constant 0 : i32
        %dma_wait3A_94 = tpu.memref_slice %arg6[%run_scoped3A_85, %dma_wait3A_93] : memref<2x128xi32, #tpu.memory_space<vmem>> -> memref<1x128xi32, #tpu.memory_space<vmem>>
        %dma_wait3A_95 = tpu.memref_squeeze %dma_wait3A_94 : memref<1x128xi32, #tpu.memory_space<vmem>> -> memref<128xi32, #tpu.memory_space<vmem>>
        %dma_wait3A_96 = arith.constant 0 : i32
        %dma_wait3A_97 = arith.constant 0 : i32
        %dma_wait3A_98 = tpu.memref_slice %arg10[%dma_wait3A_96, %dma_wait3A_97] : memref<10240x16xf32, #tpu.memory_space<vmem_shared>> -> memref<10240x16xf32, #tpu.memory_space<vmem_shared>>
        tpu.wait_indirect_dma semaphore(%run_scoped3A_86 : memref<!tpu.dma_semaphore, #tpu.memory_space<semaphore_mem>>) src(%arg7 : memref<128x16xf32, #tpu.memory_space<vmem>>) dst(%dma_wait3A_98 : memref<10240x16xf32, #tpu.memory_space<vmem_shared>>)
        tpu.yield
      }) : () -> ()
    }
    %scan3A_21 = arith.constant 40 : i32
    %add3A_22 = arith.constant 10240 : i32
    %add3A_23 = arith.addi %mul3A_2, %add3A_22 : i32
    %dma_wait3A = arith.constant 0 : i32
    %dma_wait3A_24 = arith.constant 0 : i32
    %dma_wait3A_25 = tpu.memref_slice %arg6[%dma_wait3A, %dma_wait3A_24] : memref<2x128xi32, #tpu.memory_space<vmem>> -> memref<1x128xi32, #tpu.memory_space<vmem>>
    %dma_wait3A_26 = tpu.memref_squeeze %dma_wait3A_25 : memref<1x128xi32, #tpu.memory_space<vmem>> -> memref<128xi32, #tpu.memory_space<vmem>>
    %dma_wait3A_27 = tpu.memref_slice %arg2[%add3A_23] : memref<331776xi32, #tpu.memory_space<hbm>> -> memref<128xi32, #tpu.memory_space<hbm>>
    %dma_wait3A_28 = arith.constant 0 : i32
    %dma_wait3A_29 = tpu.memref_slice %arg6[%dma_wait3A, %dma_wait3A_28] : memref<2x128xi32, #tpu.memory_space<vmem>> -> memref<1x128xi32, #tpu.memory_space<vmem>>
    %dma_wait3A_30 = tpu.memref_squeeze %dma_wait3A_29 : memref<1x128xi32, #tpu.memory_space<vmem>> -> memref<128xi32, #tpu.memory_space<vmem>>
    %dma_wait3A_31 = tpu.memref_slice %arg2[%add3A_23] : memref<331776xi32, #tpu.memory_space<hbm>> -> memref<128xi32, #tpu.memory_space<hbm>>
    tpu.wait_dma2 semaphore(%arg8 : memref<!tpu.dma_semaphore, #tpu.memory_space<semaphore_mem>>) src(%dma_wait3A_31 : memref<128xi32, #tpu.memory_space<hbm>>) dst(%dma_wait3A_30 : memref<128xi32, #tpu.memory_space<vmem>>)
    %run_scoped3A = arith.constant 0 : i32
    "tpu.region"() ({
      %run_scoped3A_40 = tpu.sem_alloc : memref<!tpu.dma_semaphore, #tpu.memory_space<semaphore_mem>>
      %dma_start3A_41 = arith.constant 0 : i32
      %dma_start3A_42 = tpu.memref_slice %arg6[%run_scoped3A, %dma_start3A_41] : memref<2x128xi32, #tpu.memory_space<vmem>> -> memref<1x128xi32, #tpu.memory_space<vmem>>
      %dma_start3A_43 = tpu.memref_squeeze %dma_start3A_42 : memref<1x128xi32, #tpu.memory_space<vmem>> -> memref<128xi32, #tpu.memory_space<vmem>>
      %dma_start3A_44 = arith.constant 0 : i32
      %dma_start3A_45 = arith.constant 0 : i32
      %dma_start3A_46 = tpu.memref_slice %arg10[%dma_start3A_44, %dma_start3A_45] : memref<10240x16xf32, #tpu.memory_space<vmem_shared>> -> memref<10240x16xf32, #tpu.memory_space<vmem_shared>>
      tpu.enqueue_indirect_dma source(%arg7 : memref<128x16xf32, #tpu.memory_space<vmem>>) target(%dma_start3A_46 : memref<10240x16xf32, #tpu.memory_space<vmem_shared>>) offsets(%dma_start3A_43 : memref<128xi32, #tpu.memory_space<vmem>>) semaphore(%run_scoped3A_40 : memref<!tpu.dma_semaphore, #tpu.memory_space<semaphore_mem>>) {add = true}
      %dma_wait3A_47 = arith.constant 0 : i32
      %dma_wait3A_48 = tpu.memref_slice %arg6[%run_scoped3A, %dma_wait3A_47] : memref<2x128xi32, #tpu.memory_space<vmem>> -> memref<1x128xi32, #tpu.memory_space<vmem>>
      %dma_wait3A_49 = tpu.memref_squeeze %dma_wait3A_48 : memref<1x128xi32, #tpu.memory_space<vmem>> -> memref<128xi32, #tpu.memory_space<vmem>>
      %dma_wait3A_50 = arith.constant 0 : i32
      %dma_wait3A_51 = arith.constant 0 : i32
      %dma_wait3A_52 = tpu.memref_slice %arg10[%dma_wait3A_50, %dma_wait3A_51] : memref<10240x16xf32, #tpu.memory_space<vmem_shared>> -> memref<10240x16xf32, #tpu.memory_space<vmem_shared>>
      tpu.wait_indirect_dma semaphore(%run_scoped3A_40 : memref<!tpu.dma_semaphore, #tpu.memory_space<semaphore_mem>>) src(%arg7 : memref<128x16xf32, #tpu.memory_space<vmem>>) dst(%dma_wait3A_52 : memref<10240x16xf32, #tpu.memory_space<vmem_shared>>)
      tpu.yield
    }) : () -> ()
    %barrier3A_32 = arith.constant 0 : index
    tpu.barrier barrier_id(%barrier3A_32)
    %mul3A_33 = arith.constant 640 : i32
    %mul3A_34 = arith.muli %arg1, %mul3A_33 : i32
    %mul3A_35 = arith.constant 10240 : i32
    %mul3A_36 = arith.muli %arg0, %mul3A_35 : i32
    %mul3A_37 = arith.constant 640 : i32
    %mul3A_38 = arith.muli %arg1, %mul3A_37 : i32
    %add3A_39 = arith.addi %mul3A_36, %mul3A_38 : i32
    "tpu.region"() ({
      %run_scoped3A_40 = tpu.sem_alloc : memref<!tpu.dma_semaphore, #tpu.memory_space<semaphore_mem>>
      %dma_start3A_41 = arith.constant 0 : i32
      %dma_start3A_42 = tpu.memref_slice %arg5[%add3A_39, %dma_start3A_41] : memref<20480x16xf32, #tpu.memory_space<hbm>> -> memref<640x16xf32, #tpu.memory_space<hbm>>
      %dma_start3A_43 = arith.constant 0 : i32
      %dma_start3A_44 = tpu.memref_slice %arg10[%mul3A_34, %dma_start3A_43] : memref<10240x16xf32, #tpu.memory_space<vmem_shared>> -> memref<640x16xf32, #tpu.memory_space<vmem_shared>>
      tpu.enqueue_dma source(%dma_start3A_44 : memref<640x16xf32, #tpu.memory_space<vmem_shared>>) target(%dma_start3A_42 : memref<640x16xf32, #tpu.memory_space<hbm>>) target_semaphore(%run_scoped3A_40 : memref<!tpu.dma_semaphore, #tpu.memory_space<semaphore_mem>>)
      %dma_wait3A_45 = arith.constant 0 : i32
      %dma_wait3A_46 = tpu.memref_slice %arg5[%add3A_39, %dma_wait3A_45] : memref<20480x16xf32, #tpu.memory_space<hbm>> -> memref<640x16xf32, #tpu.memory_space<hbm>>
      %dma_wait3A_47 = arith.constant 0 : i32
      %dma_wait3A_48 = tpu.memref_slice %arg10[%mul3A_34, %dma_wait3A_47] : memref<10240x16xf32, #tpu.memory_space<vmem_shared>> -> memref<640x16xf32, #tpu.memory_space<vmem_shared>>
      tpu.wait_dma2 semaphore(%run_scoped3A_40 : memref<!tpu.dma_semaphore, #tpu.memory_space<semaphore_mem>>) src(%dma_wait3A_48 : memref<640x16xf32, #tpu.memory_space<vmem_shared>>) dst(%dma_wait3A_46 : memref<640x16xf32, #tpu.memory_space<hbm>>)
      tpu.yield
    }) : () -> ()
    return
  }
}

#map = affine_map<(d0, d1) -> (0)>
#map1 = affine_map<(d0, d1) -> (0, 0)>
module attributes {stable_mosaic.version = 14 : i64} {
  func.func @_sc_gs_body(%arg0: i32, %arg1: i32, %arg2: memref<331776xi32, #tpu.memory_space<hbm>>, %arg3: memref<331776xi32, #tpu.memory_space<hbm>>, %arg4: memref<10240x128xf32, #tpu.memory_space<hbm>>, %arg5: memref<10240x128xf32, #tpu.memory_space<hbm>>, %arg6: memref<20480x128xf32, #tpu.memory_space<hbm>>, %arg7: memref<2x128xi32, #tpu.memory_space<vmem>>, %arg8: memref<128xi32, #tpu.memory_space<vmem>>, %arg9: memref<2x128x128xf32, #tpu.memory_space<vmem>>, %arg10: memref<!tpu.dma_semaphore, #tpu.memory_space<semaphore_mem>>, %arg11: memref<!tpu.dma_semaphore, #tpu.memory_space<semaphore_mem>>, %arg12: memref<10240x128xf32, #tpu.memory_space<vmem_shared>>) attributes {dimension_semantics = [#tpu.dimension_semantics<core_parallel>, #tpu.dimension_semantics<subcore_parallel>], iteration_bounds = array<i64: 2, 16>, scalar_prefetch = 0 : i64, scratch_operands = 6 : i64, tpu.core_type = #tpu.core_type<sc_vector_subcore>, window_params = [{transform_indices = #map}, {transform_indices = #map}, {transform_indices = #map1}, {transform_indices = #map1}, {transform_indices = #map1}]} {
    %eq3A = arith.constant 0 : i32
    %eq3A_0 = arith.cmpi eq, %arg0, %eq3A : i32
    %jit3A = arith.constant 112 : i32
    %jit3A_1 = arith.constant 50 : i32
    %select_n3A = arith.select %eq3A_0, %jit3A, %jit3A_1 : i32
    %eq3A_2 = arith.constant 0 : i32
    %eq3A_3 = arith.cmpi eq, %arg0, %eq3A_2 : i32
    %mul3A = arith.constant 14336 : i32
    %mul3A_4 = arith.muli %arg1, %mul3A : i32
    %mul3A_5 = arith.constant 6400 : i32
    %mul3A_6 = arith.muli %arg1, %mul3A_5 : i32
    %add3A = arith.constant 229376 : i32
    %add3A_7 = arith.addi %add3A, %mul3A_6 : i32
    %select_n3A_8 = arith.select %eq3A_3, %mul3A_4, %add3A_7 : i32
    %mul3A_9 = arith.constant 640 : i32
    %mul3A_10 = arith.muli %arg1, %mul3A_9 : i32
    %mul3A_11 = arith.constant 640 : i32
    %mul3A_12 = arith.muli %arg1, %mul3A_11 : i32
    "tpu.region"() ({
      %run_scoped3A_61 = tpu.sem_alloc : memref<!tpu.dma_semaphore, #tpu.memory_space<semaphore_mem>>
      %dma_start3A_62 = arith.constant 0 : i32
      %dma_start3A_63 = tpu.memref_slice %arg12[%mul3A_12, %dma_start3A_62] : memref<10240x128xf32, #tpu.memory_space<vmem_shared>> -> memref<640x128xf32, #tpu.memory_space<vmem_shared>>
      %dma_start3A_64 = arith.constant 0 : i32
      %dma_start3A_65 = tpu.memref_slice %arg5[%mul3A_10, %dma_start3A_64] : memref<10240x128xf32, #tpu.memory_space<hbm>> -> memref<640x128xf32, #tpu.memory_space<hbm>>
      tpu.enqueue_dma source(%dma_start3A_65 : memref<640x128xf32, #tpu.memory_space<hbm>>) target(%dma_start3A_63 : memref<640x128xf32, #tpu.memory_space<vmem_shared>>) target_semaphore(%run_scoped3A_61 : memref<!tpu.dma_semaphore, #tpu.memory_space<semaphore_mem>>)
      %dma_wait3A = arith.constant 0 : i32
      %dma_wait3A_66 = tpu.memref_slice %arg12[%mul3A_12, %dma_wait3A] : memref<10240x128xf32, #tpu.memory_space<vmem_shared>> -> memref<640x128xf32, #tpu.memory_space<vmem_shared>>
      %dma_wait3A_67 = arith.constant 0 : i32
      %dma_wait3A_68 = tpu.memref_slice %arg5[%mul3A_10, %dma_wait3A_67] : memref<10240x128xf32, #tpu.memory_space<hbm>> -> memref<640x128xf32, #tpu.memory_space<hbm>>
      tpu.wait_dma2 semaphore(%run_scoped3A_61 : memref<!tpu.dma_semaphore, #tpu.memory_space<semaphore_mem>>) src(%dma_wait3A_68 : memref<640x128xf32, #tpu.memory_space<hbm>>) dst(%dma_wait3A_66 : memref<640x128xf32, #tpu.memory_space<vmem_shared>>)
      tpu.yield
    }) : () -> ()
    %barrier3A = arith.constant 0 : index
    tpu.barrier barrier_id(%barrier3A)
    %add3A_13 = arith.constant 0 : i32
    %add3A_14 = arith.addi %select_n3A_8, %add3A_13 : i32
    %run_scoped3A = arith.constant 0 : i32
    "tpu.region"() ({
      %run_scoped3A_61 = tpu.sem_alloc : memref<!tpu.dma_semaphore, #tpu.memory_space<semaphore_mem>>
      %dma_start3A_62 = arith.constant 0 : i32
      %dma_start3A_63 = tpu.memref_slice %arg7[%run_scoped3A, %dma_start3A_62] : memref<2x128xi32, #tpu.memory_space<vmem>> -> memref<1x128xi32, #tpu.memory_space<vmem>>
      %dma_start3A_64 = tpu.memref_squeeze %dma_start3A_63 : memref<1x128xi32, #tpu.memory_space<vmem>> -> memref<128xi32, #tpu.memory_space<vmem>>
      %dma_start3A_65 = tpu.memref_slice %arg2[%add3A_14] : memref<331776xi32, #tpu.memory_space<hbm>> -> memref<128xi32, #tpu.memory_space<hbm>>
      %dma_start3A_66 = arith.constant 0 : i32
      %dma_start3A_67 = tpu.memref_slice %arg7[%run_scoped3A, %dma_start3A_66] : memref<2x128xi32, #tpu.memory_space<vmem>> -> memref<1x128xi32, #tpu.memory_space<vmem>>
      %dma_start3A_68 = tpu.memref_squeeze %dma_start3A_67 : memref<1x128xi32, #tpu.memory_space<vmem>> -> memref<128xi32, #tpu.memory_space<vmem>>
      %dma_start3A_69 = tpu.memref_slice %arg2[%add3A_14] : memref<331776xi32, #tpu.memory_space<hbm>> -> memref<128xi32, #tpu.memory_space<hbm>>
      tpu.enqueue_dma source(%dma_start3A_69 : memref<128xi32, #tpu.memory_space<hbm>>) target(%dma_start3A_68 : memref<128xi32, #tpu.memory_space<vmem>>) target_semaphore(%run_scoped3A_61 : memref<!tpu.dma_semaphore, #tpu.memory_space<semaphore_mem>>)
      %dma_wait3A = arith.constant 0 : i32
      %dma_wait3A_70 = tpu.memref_slice %arg7[%run_scoped3A, %dma_wait3A] : memref<2x128xi32, #tpu.memory_space<vmem>> -> memref<1x128xi32, #tpu.memory_space<vmem>>
      %dma_wait3A_71 = tpu.memref_squeeze %dma_wait3A_70 : memref<1x128xi32, #tpu.memory_space<vmem>> -> memref<128xi32, #tpu.memory_space<vmem>>
      %dma_wait3A_72 = tpu.memref_slice %arg2[%add3A_14] : memref<331776xi32, #tpu.memory_space<hbm>> -> memref<128xi32, #tpu.memory_space<hbm>>
      %dma_wait3A_73 = arith.constant 0 : i32
      %dma_wait3A_74 = tpu.memref_slice %arg7[%run_scoped3A, %dma_wait3A_73] : memref<2x128xi32, #tpu.memory_space<vmem>> -> memref<1x128xi32, #tpu.memory_space<vmem>>
      %dma_wait3A_75 = tpu.memref_squeeze %dma_wait3A_74 : memref<1x128xi32, #tpu.memory_space<vmem>> -> memref<128xi32, #tpu.memory_space<vmem>>
      %dma_wait3A_76 = tpu.memref_slice %arg2[%add3A_14] : memref<331776xi32, #tpu.memory_space<hbm>> -> memref<128xi32, #tpu.memory_space<hbm>>
      tpu.wait_dma2 semaphore(%run_scoped3A_61 : memref<!tpu.dma_semaphore, #tpu.memory_space<semaphore_mem>>) src(%dma_wait3A_76 : memref<128xi32, #tpu.memory_space<hbm>>) dst(%dma_wait3A_75 : memref<128xi32, #tpu.memory_space<vmem>>)
      tpu.yield
    }) : () -> ()
    %dma_start3A = arith.constant 0 : i32
    %dma_start3A_15 = arith.constant 0 : i32
    %dma_start3A_16 = arith.constant 0 : i32
    %dma_start3A_17 = arith.constant 0 : i32
    %dma_start3A_18 = tpu.memref_slice %arg9[%dma_start3A_15, %dma_start3A_16, %dma_start3A_17] : memref<2x128x128xf32, #tpu.memory_space<vmem>> -> memref<1x128x128xf32, #tpu.memory_space<vmem>>
    %dma_start3A_19 = tpu.memref_squeeze %dma_start3A_18 : memref<1x128x128xf32, #tpu.memory_space<vmem>> -> memref<128x128xf32, #tpu.memory_space<vmem>>
    %dma_start3A_20 = arith.constant 0 : i32
    %dma_start3A_21 = tpu.memref_slice %arg7[%dma_start3A, %dma_start3A_20] : memref<2x128xi32, #tpu.memory_space<vmem>> -> memref<1x128xi32, #tpu.memory_space<vmem>>
    %dma_start3A_22 = tpu.memref_squeeze %dma_start3A_21 : memref<1x128xi32, #tpu.memory_space<vmem>> -> memref<128xi32, #tpu.memory_space<vmem>>
    %dma_start3A_23 = arith.constant 0 : i32
    %dma_start3A_24 = arith.constant 0 : i32
    %dma_start3A_25 = tpu.memref_slice %arg4[%dma_start3A_23, %dma_start3A_24] : memref<10240x128xf32, #tpu.memory_space<hbm>> -> memref<10240x128xf32, #tpu.memory_space<hbm>>
    tpu.enqueue_indirect_dma source(%dma_start3A_25 : memref<10240x128xf32, #tpu.memory_space<hbm>>) target(%dma_start3A_19 : memref<128x128xf32, #tpu.memory_space<vmem>>) offsets(%dma_start3A_22 : memref<128xi32, #tpu.memory_space<vmem>>) semaphore(%arg10 : memref<!tpu.dma_semaphore, #tpu.memory_space<semaphore_mem>>)
    %jit3A_26 = arith.constant 2 : i32
    %div3A = arith.divsi %select_n3A, %jit3A_26 : i32
    %sign3A = arith.constant 0 : i32
    %sign3A_27 = arith.cmpi sgt, %select_n3A, %sign3A : i32
    %sign3A_28 = arith.extui %sign3A_27 : i1 to i32
    %sign3A_29 = arith.constant 0 : i32
    %sign3A_30 = arith.cmpi slt, %select_n3A, %sign3A_29 : i32
    %sign3A_31 = arith.extui %sign3A_30 : i1 to i32
    %sign3A_32 = arith.subi %sign3A_28, %sign3A_31 : i32
    %sign3A_33 = arith.constant 0 : i32
    %sign3A_34 = arith.cmpi sgt, %jit3A_26, %sign3A_33 : i32
    %sign3A_35 = arith.extui %sign3A_34 : i1 to i32
    %sign3A_36 = arith.constant 0 : i32
    %sign3A_37 = arith.cmpi slt, %jit3A_26, %sign3A_36 : i32
    %sign3A_38 = arith.extui %sign3A_37 : i1 to i32
    %sign3A_39 = arith.subi %sign3A_35, %sign3A_38 : i32
    %ne3A = arith.cmpi ne, %sign3A_32, %sign3A_39 : i32
    %rem3A = arith.remsi %select_n3A, %jit3A_26 : i32
    %ne3A_40 = arith.constant 0 : i32
    %ne3A_41 = arith.cmpi ne, %rem3A, %ne3A_40 : i32
    %and3A = arith.andi %ne3A, %ne3A_41 : i1
    %sub3A = arith.constant 1 : i32
    %sub3A_42 = arith.subi %div3A, %sub3A : i32
    %select_n3A_43 = arith.select %and3A, %sub3A_42, %div3A : i32
    %while3A = arith.constant 0 : i32
    %while3A_44 = arith.constant 0 : i32
    %while3A_45 = arith.subi %select_n3A_43, %while3A_44 : i32
    %while3A_46 = arith.addi %while3A_44, %while3A_45 : i32
    %while3A_47 = arith.constant 1 : i32
    %while3A_48 = arith.divsi %while3A_45, %while3A_47 : i32
    %while3A_49 = arith.muli %while3A_48, %while3A_47 : i32
    %while3A_50 = arith.addi %while3A_44, %while3A_49 : i32
    %while3A_51 = arith.constant 1 : i32
    scf.for %while3A_61 = %while3A_44 to %while3A_50 step %while3A_51  : i32 {
      %mul3A_62 = arith.constant 2 : i32
      %mul3A_63 = arith.muli %while3A_61, %mul3A_62 : i32
      %add3A_64 = arith.constant 0 : i32
      %add3A_65 = arith.addi %mul3A_63, %add3A_64 : i32
      %add3A_66 = arith.constant 2 : i32
      %add3A_67 = arith.addi %add3A_65, %add3A_66 : i32
      %sub3A_68 = arith.constant 1 : i32
      %sub3A_69 = arith.subi %add3A_67, %sub3A_68 : i32
      %lt3A = arith.cmpi slt, %sub3A_69, %select_n3A : i32
      %convert_element_type3A = arith.extui %lt3A : i1 to i32
      %cond3A = arith.constant 0 : i32
      %cond3A_70 = arith.cmpi ne, %convert_element_type3A, %cond3A : i32
      scf.if %cond3A_70 {
        %mul3A_114 = arith.constant 128 : i32
        %mul3A_115 = arith.muli %sub3A_69, %mul3A_114 : i32
        %add3A_116 = arith.addi %select_n3A_8, %mul3A_115 : i32
        %run_scoped3A_117 = arith.constant 1 : i32
        "tpu.region"() ({
          %run_scoped3A_130 = tpu.sem_alloc : memref<!tpu.dma_semaphore, #tpu.memory_space<semaphore_mem>>
          %dma_start3A_131 = arith.constant 0 : i32
          %dma_start3A_132 = tpu.memref_slice %arg7[%run_scoped3A_117, %dma_start3A_131] : memref<2x128xi32, #tpu.memory_space<vmem>> -> memref<1x128xi32, #tpu.memory_space<vmem>>
          %dma_start3A_133 = tpu.memref_squeeze %dma_start3A_132 : memref<1x128xi32, #tpu.memory_space<vmem>> -> memref<128xi32, #tpu.memory_space<vmem>>
          %dma_start3A_134 = tpu.memref_slice %arg2[%add3A_116] : memref<331776xi32, #tpu.memory_space<hbm>> -> memref<128xi32, #tpu.memory_space<hbm>>
          %dma_start3A_135 = arith.constant 0 : i32
          %dma_start3A_136 = tpu.memref_slice %arg7[%run_scoped3A_117, %dma_start3A_135] : memref<2x128xi32, #tpu.memory_space<vmem>> -> memref<1x128xi32, #tpu.memory_space<vmem>>
          %dma_start3A_137 = tpu.memref_squeeze %dma_start3A_136 : memref<1x128xi32, #tpu.memory_space<vmem>> -> memref<128xi32, #tpu.memory_space<vmem>>
          %dma_start3A_138 = tpu.memref_slice %arg2[%add3A_116] : memref<331776xi32, #tpu.memory_space<hbm>> -> memref<128xi32, #tpu.memory_space<hbm>>
          tpu.enqueue_dma source(%dma_start3A_138 : memref<128xi32, #tpu.memory_space<hbm>>) target(%dma_start3A_137 : memref<128xi32, #tpu.memory_space<vmem>>) target_semaphore(%run_scoped3A_130 : memref<!tpu.dma_semaphore, #tpu.memory_space<semaphore_mem>>)
          %dma_wait3A_139 = arith.constant 0 : i32
          %dma_wait3A_140 = tpu.memref_slice %arg7[%run_scoped3A_117, %dma_wait3A_139] : memref<2x128xi32, #tpu.memory_space<vmem>> -> memref<1x128xi32, #tpu.memory_space<vmem>>
          %dma_wait3A_141 = tpu.memref_squeeze %dma_wait3A_140 : memref<1x128xi32, #tpu.memory_space<vmem>> -> memref<128xi32, #tpu.memory_space<vmem>>
          %dma_wait3A_142 = tpu.memref_slice %arg2[%add3A_116] : memref<331776xi32, #tpu.memory_space<hbm>> -> memref<128xi32, #tpu.memory_space<hbm>>
          %dma_wait3A_143 = arith.constant 0 : i32
          %dma_wait3A_144 = tpu.memref_slice %arg7[%run_scoped3A_117, %dma_wait3A_143] : memref<2x128xi32, #tpu.memory_space<vmem>> -> memref<1x128xi32, #tpu.memory_space<vmem>>
          %dma_wait3A_145 = tpu.memref_squeeze %dma_wait3A_144 : memref<1x128xi32, #tpu.memory_space<vmem>> -> memref<128xi32, #tpu.memory_space<vmem>>
          %dma_wait3A_146 = tpu.memref_slice %arg2[%add3A_116] : memref<331776xi32, #tpu.memory_space<hbm>> -> memref<128xi32, #tpu.memory_space<hbm>>
          tpu.wait_dma2 semaphore(%run_scoped3A_130 : memref<!tpu.dma_semaphore, #tpu.memory_space<semaphore_mem>>) src(%dma_wait3A_146 : memref<128xi32, #tpu.memory_space<hbm>>) dst(%dma_wait3A_145 : memref<128xi32, #tpu.memory_space<vmem>>)
          tpu.yield
        }) : () -> ()
        %dma_start3A_118 = arith.constant 1 : i32
        %dma_start3A_119 = arith.constant 1 : i32
        %dma_start3A_120 = arith.constant 0 : i32
        %dma_start3A_121 = arith.constant 0 : i32
        %dma_start3A_122 = tpu.memref_slice %arg9[%dma_start3A_119, %dma_start3A_120, %dma_start3A_121] : memref<2x128x128xf32, #tpu.memory_space<vmem>> -> memref<1x128x128xf32, #tpu.memory_space<vmem>>
        %dma_start3A_123 = tpu.memref_squeeze %dma_start3A_122 : memref<1x128x128xf32, #tpu.memory_space<vmem>> -> memref<128x128xf32, #tpu.memory_space<vmem>>
        %dma_start3A_124 = arith.constant 0 : i32
        %dma_start3A_125 = tpu.memref_slice %arg7[%dma_start3A_118, %dma_start3A_124] : memref<2x128xi32, #tpu.memory_space<vmem>> -> memref<1x128xi32, #tpu.memory_space<vmem>>
        %dma_start3A_126 = tpu.memref_squeeze %dma_start3A_125 : memref<1x128xi32, #tpu.memory_space<vmem>> -> memref<128xi32, #tpu.memory_space<vmem>>
        %dma_start3A_127 = arith.constant 0 : i32
        %dma_start3A_128 = arith.constant 0 : i32
        %dma_start3A_129 = tpu.memref_slice %arg4[%dma_start3A_127, %dma_start3A_128] : memref<10240x128xf32, #tpu.memory_space<hbm>> -> memref<10240x128xf32, #tpu.memory_space<hbm>>
        tpu.enqueue_indirect_dma source(%dma_start3A_129 : memref<10240x128xf32, #tpu.memory_space<hbm>>) target(%dma_start3A_123 : memref<128x128xf32, #tpu.memory_space<vmem>>) offsets(%dma_start3A_126 : memref<128xi32, #tpu.memory_space<vmem>>) semaphore(%arg11 : memref<!tpu.dma_semaphore, #tpu.memory_space<semaphore_mem>>)
      } else {
      }
      %mul3A_71 = arith.constant 128 : i32
      %mul3A_72 = arith.muli %add3A_65, %mul3A_71 : i32
      %add3A_73 = arith.addi %select_n3A_8, %mul3A_72 : i32
      "tpu.region"() ({
        %run_scoped3A_114 = tpu.sem_alloc : memref<!tpu.dma_semaphore, #tpu.memory_space<semaphore_mem>>
        %dma_start3A_115 = tpu.memref_slice %arg3[%add3A_73] : memref<331776xi32, #tpu.memory_space<hbm>> -> memref<128xi32, #tpu.memory_space<hbm>>
        %dma_start3A_116 = tpu.memref_slice %arg3[%add3A_73] : memref<331776xi32, #tpu.memory_space<hbm>> -> memref<128xi32, #tpu.memory_space<hbm>>
        tpu.enqueue_dma source(%dma_start3A_116 : memref<128xi32, #tpu.memory_space<hbm>>) target(%arg8 : memref<128xi32, #tpu.memory_space<vmem>>) target_semaphore(%run_scoped3A_114 : memref<!tpu.dma_semaphore, #tpu.memory_space<semaphore_mem>>)
        %dma_wait3A_117 = tpu.memref_slice %arg3[%add3A_73] : memref<331776xi32, #tpu.memory_space<hbm>> -> memref<128xi32, #tpu.memory_space<hbm>>
        %dma_wait3A_118 = tpu.memref_slice %arg3[%add3A_73] : memref<331776xi32, #tpu.memory_space<hbm>> -> memref<128xi32, #tpu.memory_space<hbm>>
        tpu.wait_dma2 semaphore(%run_scoped3A_114 : memref<!tpu.dma_semaphore, #tpu.memory_space<semaphore_mem>>) src(%dma_wait3A_118 : memref<128xi32, #tpu.memory_space<hbm>>) dst(%arg8 : memref<128xi32, #tpu.memory_space<vmem>>)
        tpu.yield
      }) : () -> ()
      %dma_wait3A = arith.constant 0 : i32
      %dma_wait3A_74 = arith.constant 0 : i32
      %dma_wait3A_75 = arith.constant 0 : i32
      %dma_wait3A_76 = arith.constant 0 : i32
      %dma_wait3A_77 = tpu.memref_slice %arg9[%dma_wait3A_74, %dma_wait3A_75, %dma_wait3A_76] : memref<2x128x128xf32, #tpu.memory_space<vmem>> -> memref<1x128x128xf32, #tpu.memory_space<vmem>>
      %dma_wait3A_78 = tpu.memref_squeeze %dma_wait3A_77 : memref<1x128x128xf32, #tpu.memory_space<vmem>> -> memref<128x128xf32, #tpu.memory_space<vmem>>
      %dma_wait3A_79 = arith.constant 0 : i32
      %dma_wait3A_80 = tpu.memref_slice %arg7[%dma_wait3A, %dma_wait3A_79] : memref<2x128xi32, #tpu.memory_space<vmem>> -> memref<1x128xi32, #tpu.memory_space<vmem>>
      %dma_wait3A_81 = tpu.memref_squeeze %dma_wait3A_80 : memref<1x128xi32, #tpu.memory_space<vmem>> -> memref<128xi32, #tpu.memory_space<vmem>>
      %dma_wait3A_82 = arith.constant 0 : i32
      %dma_wait3A_83 = arith.constant 0 : i32
      %dma_wait3A_84 = tpu.memref_slice %arg4[%dma_wait3A_82, %dma_wait3A_83] : memref<10240x128xf32, #tpu.memory_space<hbm>> -> memref<10240x128xf32, #tpu.memory_space<hbm>>
      tpu.wait_indirect_dma semaphore(%arg10 : memref<!tpu.dma_semaphore, #tpu.memory_space<semaphore_mem>>) src(%dma_wait3A_84 : memref<10240x128xf32, #tpu.memory_space<hbm>>) dst(%dma_wait3A_78 : memref<128x128xf32, #tpu.memory_space<vmem>>)
      %run_scoped3A_85 = arith.constant 0 : i32
      "tpu.region"() ({
        %run_scoped3A_114 = tpu.sem_alloc : memref<!tpu.dma_semaphore, #tpu.memory_space<semaphore_mem>>
        %dma_start3A_115 = arith.constant 0 : i32
        %dma_start3A_116 = arith.constant 0 : i32
        %dma_start3A_117 = tpu.memref_slice %arg9[%run_scoped3A_85, %dma_start3A_115, %dma_start3A_116] : memref<2x128x128xf32, #tpu.memory_space<vmem>> -> memref<1x128x128xf32, #tpu.memory_space<vmem>>
        %dma_start3A_118 = tpu.memref_squeeze %dma_start3A_117 : memref<1x128x128xf32, #tpu.memory_space<vmem>> -> memref<128x128xf32, #tpu.memory_space<vmem>>
        %dma_start3A_119 = arith.constant 0 : i32
        %dma_start3A_120 = arith.constant 0 : i32
        %dma_start3A_121 = tpu.memref_slice %arg12[%dma_start3A_119, %dma_start3A_120] : memref<10240x128xf32, #tpu.memory_space<vmem_shared>> -> memref<10240x128xf32, #tpu.memory_space<vmem_shared>>
        tpu.enqueue_indirect_dma source(%dma_start3A_118 : memref<128x128xf32, #tpu.memory_space<vmem>>) target(%dma_start3A_121 : memref<10240x128xf32, #tpu.memory_space<vmem_shared>>) offsets(%arg8 : memref<128xi32, #tpu.memory_space<vmem>>) semaphore(%run_scoped3A_114 : memref<!tpu.dma_semaphore, #tpu.memory_space<semaphore_mem>>) {add = true}
        %dma_wait3A_122 = arith.constant 0 : i32
        %dma_wait3A_123 = arith.constant 0 : i32
        %dma_wait3A_124 = tpu.memref_slice %arg9[%run_scoped3A_85, %dma_wait3A_122, %dma_wait3A_123] : memref<2x128x128xf32, #tpu.memory_space<vmem>> -> memref<1x128x128xf32, #tpu.memory_space<vmem>>
        %dma_wait3A_125 = tpu.memref_squeeze %dma_wait3A_124 : memref<1x128x128xf32, #tpu.memory_space<vmem>> -> memref<128x128xf32, #tpu.memory_space<vmem>>
        %dma_wait3A_126 = arith.constant 0 : i32
        %dma_wait3A_127 = arith.constant 0 : i32
        %dma_wait3A_128 = tpu.memref_slice %arg12[%dma_wait3A_126, %dma_wait3A_127] : memref<10240x128xf32, #tpu.memory_space<vmem_shared>> -> memref<10240x128xf32, #tpu.memory_space<vmem_shared>>
        tpu.wait_indirect_dma semaphore(%run_scoped3A_114 : memref<!tpu.dma_semaphore, #tpu.memory_space<semaphore_mem>>) src(%dma_wait3A_125 : memref<128x128xf32, #tpu.memory_space<vmem>>) dst(%dma_wait3A_128 : memref<10240x128xf32, #tpu.memory_space<vmem_shared>>)
        tpu.yield
      }) : () -> ()
      %mul3A_86 = arith.constant 2 : i32
      %mul3A_87 = arith.muli %while3A_61, %mul3A_86 : i32
      %add3A_88 = arith.constant 1 : i32
      %add3A_89 = arith.addi %mul3A_87, %add3A_88 : i32
      %add3A_90 = arith.constant 2 : i32
      %add3A_91 = arith.addi %add3A_89, %add3A_90 : i32
      %sub3A_92 = arith.constant 1 : i32
      %sub3A_93 = arith.subi %add3A_91, %sub3A_92 : i32
      %lt3A_94 = arith.cmpi slt, %sub3A_93, %select_n3A : i32
      %convert_element_type3A_95 = arith.extui %lt3A_94 : i1 to i32
      %cond3A_96 = arith.constant 0 : i32
      %cond3A_97 = arith.cmpi ne, %convert_element_type3A_95, %cond3A_96 : i32
      scf.if %cond3A_97 {
        %mul3A_114 = arith.constant 128 : i32
        %mul3A_115 = arith.muli %sub3A_93, %mul3A_114 : i32
        %add3A_116 = arith.addi %select_n3A_8, %mul3A_115 : i32
        %run_scoped3A_117 = arith.constant 0 : i32
        "tpu.region"() ({
          %run_scoped3A_130 = tpu.sem_alloc : memref<!tpu.dma_semaphore, #tpu.memory_space<semaphore_mem>>
          %dma_start3A_131 = arith.constant 0 : i32
          %dma_start3A_132 = tpu.memref_slice %arg7[%run_scoped3A_117, %dma_start3A_131] : memref<2x128xi32, #tpu.memory_space<vmem>> -> memref<1x128xi32, #tpu.memory_space<vmem>>
          %dma_start3A_133 = tpu.memref_squeeze %dma_start3A_132 : memref<1x128xi32, #tpu.memory_space<vmem>> -> memref<128xi32, #tpu.memory_space<vmem>>
          %dma_start3A_134 = tpu.memref_slice %arg2[%add3A_116] : memref<331776xi32, #tpu.memory_space<hbm>> -> memref<128xi32, #tpu.memory_space<hbm>>
          %dma_start3A_135 = arith.constant 0 : i32
          %dma_start3A_136 = tpu.memref_slice %arg7[%run_scoped3A_117, %dma_start3A_135] : memref<2x128xi32, #tpu.memory_space<vmem>> -> memref<1x128xi32, #tpu.memory_space<vmem>>
          %dma_start3A_137 = tpu.memref_squeeze %dma_start3A_136 : memref<1x128xi32, #tpu.memory_space<vmem>> -> memref<128xi32, #tpu.memory_space<vmem>>
          %dma_start3A_138 = tpu.memref_slice %arg2[%add3A_116] : memref<331776xi32, #tpu.memory_space<hbm>> -> memref<128xi32, #tpu.memory_space<hbm>>
          tpu.enqueue_dma source(%dma_start3A_138 : memref<128xi32, #tpu.memory_space<hbm>>) target(%dma_start3A_137 : memref<128xi32, #tpu.memory_space<vmem>>) target_semaphore(%run_scoped3A_130 : memref<!tpu.dma_semaphore, #tpu.memory_space<semaphore_mem>>)
          %dma_wait3A_139 = arith.constant 0 : i32
          %dma_wait3A_140 = tpu.memref_slice %arg7[%run_scoped3A_117, %dma_wait3A_139] : memref<2x128xi32, #tpu.memory_space<vmem>> -> memref<1x128xi32, #tpu.memory_space<vmem>>
          %dma_wait3A_141 = tpu.memref_squeeze %dma_wait3A_140 : memref<1x128xi32, #tpu.memory_space<vmem>> -> memref<128xi32, #tpu.memory_space<vmem>>
          %dma_wait3A_142 = tpu.memref_slice %arg2[%add3A_116] : memref<331776xi32, #tpu.memory_space<hbm>> -> memref<128xi32, #tpu.memory_space<hbm>>
          %dma_wait3A_143 = arith.constant 0 : i32
          %dma_wait3A_144 = tpu.memref_slice %arg7[%run_scoped3A_117, %dma_wait3A_143] : memref<2x128xi32, #tpu.memory_space<vmem>> -> memref<1x128xi32, #tpu.memory_space<vmem>>
          %dma_wait3A_145 = tpu.memref_squeeze %dma_wait3A_144 : memref<1x128xi32, #tpu.memory_space<vmem>> -> memref<128xi32, #tpu.memory_space<vmem>>
          %dma_wait3A_146 = tpu.memref_slice %arg2[%add3A_116] : memref<331776xi32, #tpu.memory_space<hbm>> -> memref<128xi32, #tpu.memory_space<hbm>>
          tpu.wait_dma2 semaphore(%run_scoped3A_130 : memref<!tpu.dma_semaphore, #tpu.memory_space<semaphore_mem>>) src(%dma_wait3A_146 : memref<128xi32, #tpu.memory_space<hbm>>) dst(%dma_wait3A_145 : memref<128xi32, #tpu.memory_space<vmem>>)
          tpu.yield
        }) : () -> ()
        %dma_start3A_118 = arith.constant 0 : i32
        %dma_start3A_119 = arith.constant 0 : i32
        %dma_start3A_120 = arith.constant 0 : i32
        %dma_start3A_121 = arith.constant 0 : i32
        %dma_start3A_122 = tpu.memref_slice %arg9[%dma_start3A_119, %dma_start3A_120, %dma_start3A_121] : memref<2x128x128xf32, #tpu.memory_space<vmem>> -> memref<1x128x128xf32, #tpu.memory_space<vmem>>
        %dma_start3A_123 = tpu.memref_squeeze %dma_start3A_122 : memref<1x128x128xf32, #tpu.memory_space<vmem>> -> memref<128x128xf32, #tpu.memory_space<vmem>>
        %dma_start3A_124 = arith.constant 0 : i32
        %dma_start3A_125 = tpu.memref_slice %arg7[%dma_start3A_118, %dma_start3A_124] : memref<2x128xi32, #tpu.memory_space<vmem>> -> memref<1x128xi32, #tpu.memory_space<vmem>>
        %dma_start3A_126 = tpu.memref_squeeze %dma_start3A_125 : memref<1x128xi32, #tpu.memory_space<vmem>> -> memref<128xi32, #tpu.memory_space<vmem>>
        %dma_start3A_127 = arith.constant 0 : i32
        %dma_start3A_128 = arith.constant 0 : i32
        %dma_start3A_129 = tpu.memref_slice %arg4[%dma_start3A_127, %dma_start3A_128] : memref<10240x128xf32, #tpu.memory_space<hbm>> -> memref<10240x128xf32, #tpu.memory_space<hbm>>
        tpu.enqueue_indirect_dma source(%dma_start3A_129 : memref<10240x128xf32, #tpu.memory_space<hbm>>) target(%dma_start3A_123 : memref<128x128xf32, #tpu.memory_space<vmem>>) offsets(%dma_start3A_126 : memref<128xi32, #tpu.memory_space<vmem>>) semaphore(%arg10 : memref<!tpu.dma_semaphore, #tpu.memory_space<semaphore_mem>>)
      } else {
      }
      %mul3A_98 = arith.constant 128 : i32
      %mul3A_99 = arith.muli %add3A_89, %mul3A_98 : i32
      %add3A_100 = arith.addi %select_n3A_8, %mul3A_99 : i32
      "tpu.region"() ({
        %run_scoped3A_114 = tpu.sem_alloc : memref<!tpu.dma_semaphore, #tpu.memory_space<semaphore_mem>>
        %dma_start3A_115 = tpu.memref_slice %arg3[%add3A_100] : memref<331776xi32, #tpu.memory_space<hbm>> -> memref<128xi32, #tpu.memory_space<hbm>>
        %dma_start3A_116 = tpu.memref_slice %arg3[%add3A_100] : memref<331776xi32, #tpu.memory_space<hbm>> -> memref<128xi32, #tpu.memory_space<hbm>>
        tpu.enqueue_dma source(%dma_start3A_116 : memref<128xi32, #tpu.memory_space<hbm>>) target(%arg8 : memref<128xi32, #tpu.memory_space<vmem>>) target_semaphore(%run_scoped3A_114 : memref<!tpu.dma_semaphore, #tpu.memory_space<semaphore_mem>>)
        %dma_wait3A_117 = tpu.memref_slice %arg3[%add3A_100] : memref<331776xi32, #tpu.memory_space<hbm>> -> memref<128xi32, #tpu.memory_space<hbm>>
        %dma_wait3A_118 = tpu.memref_slice %arg3[%add3A_100] : memref<331776xi32, #tpu.memory_space<hbm>> -> memref<128xi32, #tpu.memory_space<hbm>>
        tpu.wait_dma2 semaphore(%run_scoped3A_114 : memref<!tpu.dma_semaphore, #tpu.memory_space<semaphore_mem>>) src(%dma_wait3A_118 : memref<128xi32, #tpu.memory_space<hbm>>) dst(%arg8 : memref<128xi32, #tpu.memory_space<vmem>>)
        tpu.yield
      }) : () -> ()
      %dma_wait3A_101 = arith.constant 1 : i32
      %dma_wait3A_102 = arith.constant 1 : i32
      %dma_wait3A_103 = arith.constant 0 : i32
      %dma_wait3A_104 = arith.constant 0 : i32
      %dma_wait3A_105 = tpu.memref_slice %arg9[%dma_wait3A_102, %dma_wait3A_103, %dma_wait3A_104] : memref<2x128x128xf32, #tpu.memory_space<vmem>> -> memref<1x128x128xf32, #tpu.memory_space<vmem>>
      %dma_wait3A_106 = tpu.memref_squeeze %dma_wait3A_105 : memref<1x128x128xf32, #tpu.memory_space<vmem>> -> memref<128x128xf32, #tpu.memory_space<vmem>>
      %dma_wait3A_107 = arith.constant 0 : i32
      %dma_wait3A_108 = tpu.memref_slice %arg7[%dma_wait3A_101, %dma_wait3A_107] : memref<2x128xi32, #tpu.memory_space<vmem>> -> memref<1x128xi32, #tpu.memory_space<vmem>>
      %dma_wait3A_109 = tpu.memref_squeeze %dma_wait3A_108 : memref<1x128xi32, #tpu.memory_space<vmem>> -> memref<128xi32, #tpu.memory_space<vmem>>
      %dma_wait3A_110 = arith.constant 0 : i32
      %dma_wait3A_111 = arith.constant 0 : i32
      %dma_wait3A_112 = tpu.memref_slice %arg4[%dma_wait3A_110, %dma_wait3A_111] : memref<10240x128xf32, #tpu.memory_space<hbm>> -> memref<10240x128xf32, #tpu.memory_space<hbm>>
      tpu.wait_indirect_dma semaphore(%arg11 : memref<!tpu.dma_semaphore, #tpu.memory_space<semaphore_mem>>) src(%dma_wait3A_112 : memref<10240x128xf32, #tpu.memory_space<hbm>>) dst(%dma_wait3A_106 : memref<128x128xf32, #tpu.memory_space<vmem>>)
      %run_scoped3A_113 = arith.constant 1 : i32
      "tpu.region"() ({
        %run_scoped3A_114 = tpu.sem_alloc : memref<!tpu.dma_semaphore, #tpu.memory_space<semaphore_mem>>
        %dma_start3A_115 = arith.constant 0 : i32
        %dma_start3A_116 = arith.constant 0 : i32
        %dma_start3A_117 = tpu.memref_slice %arg9[%run_scoped3A_113, %dma_start3A_115, %dma_start3A_116] : memref<2x128x128xf32, #tpu.memory_space<vmem>> -> memref<1x128x128xf32, #tpu.memory_space<vmem>>
        %dma_start3A_118 = tpu.memref_squeeze %dma_start3A_117 : memref<1x128x128xf32, #tpu.memory_space<vmem>> -> memref<128x128xf32, #tpu.memory_space<vmem>>
        %dma_start3A_119 = arith.constant 0 : i32
        %dma_start3A_120 = arith.constant 0 : i32
        %dma_start3A_121 = tpu.memref_slice %arg12[%dma_start3A_119, %dma_start3A_120] : memref<10240x128xf32, #tpu.memory_space<vmem_shared>> -> memref<10240x128xf32, #tpu.memory_space<vmem_shared>>
        tpu.enqueue_indirect_dma source(%dma_start3A_118 : memref<128x128xf32, #tpu.memory_space<vmem>>) target(%dma_start3A_121 : memref<10240x128xf32, #tpu.memory_space<vmem_shared>>) offsets(%arg8 : memref<128xi32, #tpu.memory_space<vmem>>) semaphore(%run_scoped3A_114 : memref<!tpu.dma_semaphore, #tpu.memory_space<semaphore_mem>>) {add = true}
        %dma_wait3A_122 = arith.constant 0 : i32
        %dma_wait3A_123 = arith.constant 0 : i32
        %dma_wait3A_124 = tpu.memref_slice %arg9[%run_scoped3A_113, %dma_wait3A_122, %dma_wait3A_123] : memref<2x128x128xf32, #tpu.memory_space<vmem>> -> memref<1x128x128xf32, #tpu.memory_space<vmem>>
        %dma_wait3A_125 = tpu.memref_squeeze %dma_wait3A_124 : memref<1x128x128xf32, #tpu.memory_space<vmem>> -> memref<128x128xf32, #tpu.memory_space<vmem>>
        %dma_wait3A_126 = arith.constant 0 : i32
        %dma_wait3A_127 = arith.constant 0 : i32
        %dma_wait3A_128 = tpu.memref_slice %arg12[%dma_wait3A_126, %dma_wait3A_127] : memref<10240x128xf32, #tpu.memory_space<vmem_shared>> -> memref<10240x128xf32, #tpu.memory_space<vmem_shared>>
        tpu.wait_indirect_dma semaphore(%run_scoped3A_114 : memref<!tpu.dma_semaphore, #tpu.memory_space<semaphore_mem>>) src(%dma_wait3A_125 : memref<128x128xf32, #tpu.memory_space<vmem>>) dst(%dma_wait3A_128 : memref<10240x128xf32, #tpu.memory_space<vmem_shared>>)
        tpu.yield
      }) : () -> ()
    }
    %while3A_52 = arith.constant 1 : i32
    scf.for %while3A_61 = %while3A_50 to %while3A_46 step %while3A_52  : i32 {
      %mul3A_62 = arith.constant 2 : i32
      %mul3A_63 = arith.muli %while3A_61, %mul3A_62 : i32
      %add3A_64 = arith.constant 0 : i32
      %add3A_65 = arith.addi %mul3A_63, %add3A_64 : i32
      %add3A_66 = arith.constant 2 : i32
      %add3A_67 = arith.addi %add3A_65, %add3A_66 : i32
      %sub3A_68 = arith.constant 1 : i32
      %sub3A_69 = arith.subi %add3A_67, %sub3A_68 : i32
      %lt3A = arith.cmpi slt, %sub3A_69, %select_n3A : i32
      %convert_element_type3A = arith.extui %lt3A : i1 to i32
      %cond3A = arith.constant 0 : i32
      %cond3A_70 = arith.cmpi ne, %convert_element_type3A, %cond3A : i32
      scf.if %cond3A_70 {
        %mul3A_114 = arith.constant 128 : i32
        %mul3A_115 = arith.muli %sub3A_69, %mul3A_114 : i32
        %add3A_116 = arith.addi %select_n3A_8, %mul3A_115 : i32
        %run_scoped3A_117 = arith.constant 1 : i32
        "tpu.region"() ({
          %run_scoped3A_130 = tpu.sem_alloc : memref<!tpu.dma_semaphore, #tpu.memory_space<semaphore_mem>>
          %dma_start3A_131 = arith.constant 0 : i32
          %dma_start3A_132 = tpu.memref_slice %arg7[%run_scoped3A_117, %dma_start3A_131] : memref<2x128xi32, #tpu.memory_space<vmem>> -> memref<1x128xi32, #tpu.memory_space<vmem>>
          %dma_start3A_133 = tpu.memref_squeeze %dma_start3A_132 : memref<1x128xi32, #tpu.memory_space<vmem>> -> memref<128xi32, #tpu.memory_space<vmem>>
          %dma_start3A_134 = tpu.memref_slice %arg2[%add3A_116] : memref<331776xi32, #tpu.memory_space<hbm>> -> memref<128xi32, #tpu.memory_space<hbm>>
          %dma_start3A_135 = arith.constant 0 : i32
          %dma_start3A_136 = tpu.memref_slice %arg7[%run_scoped3A_117, %dma_start3A_135] : memref<2x128xi32, #tpu.memory_space<vmem>> -> memref<1x128xi32, #tpu.memory_space<vmem>>
          %dma_start3A_137 = tpu.memref_squeeze %dma_start3A_136 : memref<1x128xi32, #tpu.memory_space<vmem>> -> memref<128xi32, #tpu.memory_space<vmem>>
          %dma_start3A_138 = tpu.memref_slice %arg2[%add3A_116] : memref<331776xi32, #tpu.memory_space<hbm>> -> memref<128xi32, #tpu.memory_space<hbm>>
          tpu.enqueue_dma source(%dma_start3A_138 : memref<128xi32, #tpu.memory_space<hbm>>) target(%dma_start3A_137 : memref<128xi32, #tpu.memory_space<vmem>>) target_semaphore(%run_scoped3A_130 : memref<!tpu.dma_semaphore, #tpu.memory_space<semaphore_mem>>)
          %dma_wait3A_139 = arith.constant 0 : i32
          %dma_wait3A_140 = tpu.memref_slice %arg7[%run_scoped3A_117, %dma_wait3A_139] : memref<2x128xi32, #tpu.memory_space<vmem>> -> memref<1x128xi32, #tpu.memory_space<vmem>>
          %dma_wait3A_141 = tpu.memref_squeeze %dma_wait3A_140 : memref<1x128xi32, #tpu.memory_space<vmem>> -> memref<128xi32, #tpu.memory_space<vmem>>
          %dma_wait3A_142 = tpu.memref_slice %arg2[%add3A_116] : memref<331776xi32, #tpu.memory_space<hbm>> -> memref<128xi32, #tpu.memory_space<hbm>>
          %dma_wait3A_143 = arith.constant 0 : i32
          %dma_wait3A_144 = tpu.memref_slice %arg7[%run_scoped3A_117, %dma_wait3A_143] : memref<2x128xi32, #tpu.memory_space<vmem>> -> memref<1x128xi32, #tpu.memory_space<vmem>>
          %dma_wait3A_145 = tpu.memref_squeeze %dma_wait3A_144 : memref<1x128xi32, #tpu.memory_space<vmem>> -> memref<128xi32, #tpu.memory_space<vmem>>
          %dma_wait3A_146 = tpu.memref_slice %arg2[%add3A_116] : memref<331776xi32, #tpu.memory_space<hbm>> -> memref<128xi32, #tpu.memory_space<hbm>>
          tpu.wait_dma2 semaphore(%run_scoped3A_130 : memref<!tpu.dma_semaphore, #tpu.memory_space<semaphore_mem>>) src(%dma_wait3A_146 : memref<128xi32, #tpu.memory_space<hbm>>) dst(%dma_wait3A_145 : memref<128xi32, #tpu.memory_space<vmem>>)
          tpu.yield
        }) : () -> ()
        %dma_start3A_118 = arith.constant 1 : i32
        %dma_start3A_119 = arith.constant 1 : i32
        %dma_start3A_120 = arith.constant 0 : i32
        %dma_start3A_121 = arith.constant 0 : i32
        %dma_start3A_122 = tpu.memref_slice %arg9[%dma_start3A_119, %dma_start3A_120, %dma_start3A_121] : memref<2x128x128xf32, #tpu.memory_space<vmem>> -> memref<1x128x128xf32, #tpu.memory_space<vmem>>
        %dma_start3A_123 = tpu.memref_squeeze %dma_start3A_122 : memref<1x128x128xf32, #tpu.memory_space<vmem>> -> memref<128x128xf32, #tpu.memory_space<vmem>>
        %dma_start3A_124 = arith.constant 0 : i32
        %dma_start3A_125 = tpu.memref_slice %arg7[%dma_start3A_118, %dma_start3A_124] : memref<2x128xi32, #tpu.memory_space<vmem>> -> memref<1x128xi32, #tpu.memory_space<vmem>>
        %dma_start3A_126 = tpu.memref_squeeze %dma_start3A_125 : memref<1x128xi32, #tpu.memory_space<vmem>> -> memref<128xi32, #tpu.memory_space<vmem>>
        %dma_start3A_127 = arith.constant 0 : i32
        %dma_start3A_128 = arith.constant 0 : i32
        %dma_start3A_129 = tpu.memref_slice %arg4[%dma_start3A_127, %dma_start3A_128] : memref<10240x128xf32, #tpu.memory_space<hbm>> -> memref<10240x128xf32, #tpu.memory_space<hbm>>
        tpu.enqueue_indirect_dma source(%dma_start3A_129 : memref<10240x128xf32, #tpu.memory_space<hbm>>) target(%dma_start3A_123 : memref<128x128xf32, #tpu.memory_space<vmem>>) offsets(%dma_start3A_126 : memref<128xi32, #tpu.memory_space<vmem>>) semaphore(%arg11 : memref<!tpu.dma_semaphore, #tpu.memory_space<semaphore_mem>>)
      } else {
      }
      %mul3A_71 = arith.constant 128 : i32
      %mul3A_72 = arith.muli %add3A_65, %mul3A_71 : i32
      %add3A_73 = arith.addi %select_n3A_8, %mul3A_72 : i32
      "tpu.region"() ({
        %run_scoped3A_114 = tpu.sem_alloc : memref<!tpu.dma_semaphore, #tpu.memory_space<semaphore_mem>>
        %dma_start3A_115 = tpu.memref_slice %arg3[%add3A_73] : memref<331776xi32, #tpu.memory_space<hbm>> -> memref<128xi32, #tpu.memory_space<hbm>>
        %dma_start3A_116 = tpu.memref_slice %arg3[%add3A_73] : memref<331776xi32, #tpu.memory_space<hbm>> -> memref<128xi32, #tpu.memory_space<hbm>>
        tpu.enqueue_dma source(%dma_start3A_116 : memref<128xi32, #tpu.memory_space<hbm>>) target(%arg8 : memref<128xi32, #tpu.memory_space<vmem>>) target_semaphore(%run_scoped3A_114 : memref<!tpu.dma_semaphore, #tpu.memory_space<semaphore_mem>>)
        %dma_wait3A_117 = tpu.memref_slice %arg3[%add3A_73] : memref<331776xi32, #tpu.memory_space<hbm>> -> memref<128xi32, #tpu.memory_space<hbm>>
        %dma_wait3A_118 = tpu.memref_slice %arg3[%add3A_73] : memref<331776xi32, #tpu.memory_space<hbm>> -> memref<128xi32, #tpu.memory_space<hbm>>
        tpu.wait_dma2 semaphore(%run_scoped3A_114 : memref<!tpu.dma_semaphore, #tpu.memory_space<semaphore_mem>>) src(%dma_wait3A_118 : memref<128xi32, #tpu.memory_space<hbm>>) dst(%arg8 : memref<128xi32, #tpu.memory_space<vmem>>)
        tpu.yield
      }) : () -> ()
      %dma_wait3A = arith.constant 0 : i32
      %dma_wait3A_74 = arith.constant 0 : i32
      %dma_wait3A_75 = arith.constant 0 : i32
      %dma_wait3A_76 = arith.constant 0 : i32
      %dma_wait3A_77 = tpu.memref_slice %arg9[%dma_wait3A_74, %dma_wait3A_75, %dma_wait3A_76] : memref<2x128x128xf32, #tpu.memory_space<vmem>> -> memref<1x128x128xf32, #tpu.memory_space<vmem>>
      %dma_wait3A_78 = tpu.memref_squeeze %dma_wait3A_77 : memref<1x128x128xf32, #tpu.memory_space<vmem>> -> memref<128x128xf32, #tpu.memory_space<vmem>>
      %dma_wait3A_79 = arith.constant 0 : i32
      %dma_wait3A_80 = tpu.memref_slice %arg7[%dma_wait3A, %dma_wait3A_79] : memref<2x128xi32, #tpu.memory_space<vmem>> -> memref<1x128xi32, #tpu.memory_space<vmem>>
      %dma_wait3A_81 = tpu.memref_squeeze %dma_wait3A_80 : memref<1x128xi32, #tpu.memory_space<vmem>> -> memref<128xi32, #tpu.memory_space<vmem>>
      %dma_wait3A_82 = arith.constant 0 : i32
      %dma_wait3A_83 = arith.constant 0 : i32
      %dma_wait3A_84 = tpu.memref_slice %arg4[%dma_wait3A_82, %dma_wait3A_83] : memref<10240x128xf32, #tpu.memory_space<hbm>> -> memref<10240x128xf32, #tpu.memory_space<hbm>>
      tpu.wait_indirect_dma semaphore(%arg10 : memref<!tpu.dma_semaphore, #tpu.memory_space<semaphore_mem>>) src(%dma_wait3A_84 : memref<10240x128xf32, #tpu.memory_space<hbm>>) dst(%dma_wait3A_78 : memref<128x128xf32, #tpu.memory_space<vmem>>)
      %run_scoped3A_85 = arith.constant 0 : i32
      "tpu.region"() ({
        %run_scoped3A_114 = tpu.sem_alloc : memref<!tpu.dma_semaphore, #tpu.memory_space<semaphore_mem>>
        %dma_start3A_115 = arith.constant 0 : i32
        %dma_start3A_116 = arith.constant 0 : i32
        %dma_start3A_117 = tpu.memref_slice %arg9[%run_scoped3A_85, %dma_start3A_115, %dma_start3A_116] : memref<2x128x128xf32, #tpu.memory_space<vmem>> -> memref<1x128x128xf32, #tpu.memory_space<vmem>>
        %dma_start3A_118 = tpu.memref_squeeze %dma_start3A_117 : memref<1x128x128xf32, #tpu.memory_space<vmem>> -> memref<128x128xf32, #tpu.memory_space<vmem>>
        %dma_start3A_119 = arith.constant 0 : i32
        %dma_start3A_120 = arith.constant 0 : i32
        %dma_start3A_121 = tpu.memref_slice %arg12[%dma_start3A_119, %dma_start3A_120] : memref<10240x128xf32, #tpu.memory_space<vmem_shared>> -> memref<10240x128xf32, #tpu.memory_space<vmem_shared>>
        tpu.enqueue_indirect_dma source(%dma_start3A_118 : memref<128x128xf32, #tpu.memory_space<vmem>>) target(%dma_start3A_121 : memref<10240x128xf32, #tpu.memory_space<vmem_shared>>) offsets(%arg8 : memref<128xi32, #tpu.memory_space<vmem>>) semaphore(%run_scoped3A_114 : memref<!tpu.dma_semaphore, #tpu.memory_space<semaphore_mem>>) {add = true}
        %dma_wait3A_122 = arith.constant 0 : i32
        %dma_wait3A_123 = arith.constant 0 : i32
        %dma_wait3A_124 = tpu.memref_slice %arg9[%run_scoped3A_85, %dma_wait3A_122, %dma_wait3A_123] : memref<2x128x128xf32, #tpu.memory_space<vmem>> -> memref<1x128x128xf32, #tpu.memory_space<vmem>>
        %dma_wait3A_125 = tpu.memref_squeeze %dma_wait3A_124 : memref<1x128x128xf32, #tpu.memory_space<vmem>> -> memref<128x128xf32, #tpu.memory_space<vmem>>
        %dma_wait3A_126 = arith.constant 0 : i32
        %dma_wait3A_127 = arith.constant 0 : i32
        %dma_wait3A_128 = tpu.memref_slice %arg12[%dma_wait3A_126, %dma_wait3A_127] : memref<10240x128xf32, #tpu.memory_space<vmem_shared>> -> memref<10240x128xf32, #tpu.memory_space<vmem_shared>>
        tpu.wait_indirect_dma semaphore(%run_scoped3A_114 : memref<!tpu.dma_semaphore, #tpu.memory_space<semaphore_mem>>) src(%dma_wait3A_125 : memref<128x128xf32, #tpu.memory_space<vmem>>) dst(%dma_wait3A_128 : memref<10240x128xf32, #tpu.memory_space<vmem_shared>>)
        tpu.yield
      }) : () -> ()
      %mul3A_86 = arith.constant 2 : i32
      %mul3A_87 = arith.muli %while3A_61, %mul3A_86 : i32
      %add3A_88 = arith.constant 1 : i32
      %add3A_89 = arith.addi %mul3A_87, %add3A_88 : i32
      %add3A_90 = arith.constant 2 : i32
      %add3A_91 = arith.addi %add3A_89, %add3A_90 : i32
      %sub3A_92 = arith.constant 1 : i32
      %sub3A_93 = arith.subi %add3A_91, %sub3A_92 : i32
      %lt3A_94 = arith.cmpi slt, %sub3A_93, %select_n3A : i32
      %convert_element_type3A_95 = arith.extui %lt3A_94 : i1 to i32
      %cond3A_96 = arith.constant 0 : i32
      %cond3A_97 = arith.cmpi ne, %convert_element_type3A_95, %cond3A_96 : i32
      scf.if %cond3A_97 {
        %mul3A_114 = arith.constant 128 : i32
        %mul3A_115 = arith.muli %sub3A_93, %mul3A_114 : i32
        %add3A_116 = arith.addi %select_n3A_8, %mul3A_115 : i32
        %run_scoped3A_117 = arith.constant 0 : i32
        "tpu.region"() ({
          %run_scoped3A_130 = tpu.sem_alloc : memref<!tpu.dma_semaphore, #tpu.memory_space<semaphore_mem>>
          %dma_start3A_131 = arith.constant 0 : i32
          %dma_start3A_132 = tpu.memref_slice %arg7[%run_scoped3A_117, %dma_start3A_131] : memref<2x128xi32, #tpu.memory_space<vmem>> -> memref<1x128xi32, #tpu.memory_space<vmem>>
          %dma_start3A_133 = tpu.memref_squeeze %dma_start3A_132 : memref<1x128xi32, #tpu.memory_space<vmem>> -> memref<128xi32, #tpu.memory_space<vmem>>
          %dma_start3A_134 = tpu.memref_slice %arg2[%add3A_116] : memref<331776xi32, #tpu.memory_space<hbm>> -> memref<128xi32, #tpu.memory_space<hbm>>
          %dma_start3A_135 = arith.constant 0 : i32
          %dma_start3A_136 = tpu.memref_slice %arg7[%run_scoped3A_117, %dma_start3A_135] : memref<2x128xi32, #tpu.memory_space<vmem>> -> memref<1x128xi32, #tpu.memory_space<vmem>>
          %dma_start3A_137 = tpu.memref_squeeze %dma_start3A_136 : memref<1x128xi32, #tpu.memory_space<vmem>> -> memref<128xi32, #tpu.memory_space<vmem>>
          %dma_start3A_138 = tpu.memref_slice %arg2[%add3A_116] : memref<331776xi32, #tpu.memory_space<hbm>> -> memref<128xi32, #tpu.memory_space<hbm>>
          tpu.enqueue_dma source(%dma_start3A_138 : memref<128xi32, #tpu.memory_space<hbm>>) target(%dma_start3A_137 : memref<128xi32, #tpu.memory_space<vmem>>) target_semaphore(%run_scoped3A_130 : memref<!tpu.dma_semaphore, #tpu.memory_space<semaphore_mem>>)
          %dma_wait3A_139 = arith.constant 0 : i32
          %dma_wait3A_140 = tpu.memref_slice %arg7[%run_scoped3A_117, %dma_wait3A_139] : memref<2x128xi32, #tpu.memory_space<vmem>> -> memref<1x128xi32, #tpu.memory_space<vmem>>
          %dma_wait3A_141 = tpu.memref_squeeze %dma_wait3A_140 : memref<1x128xi32, #tpu.memory_space<vmem>> -> memref<128xi32, #tpu.memory_space<vmem>>
          %dma_wait3A_142 = tpu.memref_slice %arg2[%add3A_116] : memref<331776xi32, #tpu.memory_space<hbm>> -> memref<128xi32, #tpu.memory_space<hbm>>
          %dma_wait3A_143 = arith.constant 0 : i32
          %dma_wait3A_144 = tpu.memref_slice %arg7[%run_scoped3A_117, %dma_wait3A_143] : memref<2x128xi32, #tpu.memory_space<vmem>> -> memref<1x128xi32, #tpu.memory_space<vmem>>
          %dma_wait3A_145 = tpu.memref_squeeze %dma_wait3A_144 : memref<1x128xi32, #tpu.memory_space<vmem>> -> memref<128xi32, #tpu.memory_space<vmem>>
          %dma_wait3A_146 = tpu.memref_slice %arg2[%add3A_116] : memref<331776xi32, #tpu.memory_space<hbm>> -> memref<128xi32, #tpu.memory_space<hbm>>
          tpu.wait_dma2 semaphore(%run_scoped3A_130 : memref<!tpu.dma_semaphore, #tpu.memory_space<semaphore_mem>>) src(%dma_wait3A_146 : memref<128xi32, #tpu.memory_space<hbm>>) dst(%dma_wait3A_145 : memref<128xi32, #tpu.memory_space<vmem>>)
          tpu.yield
        }) : () -> ()
        %dma_start3A_118 = arith.constant 0 : i32
        %dma_start3A_119 = arith.constant 0 : i32
        %dma_start3A_120 = arith.constant 0 : i32
        %dma_start3A_121 = arith.constant 0 : i32
        %dma_start3A_122 = tpu.memref_slice %arg9[%dma_start3A_119, %dma_start3A_120, %dma_start3A_121] : memref<2x128x128xf32, #tpu.memory_space<vmem>> -> memref<1x128x128xf32, #tpu.memory_space<vmem>>
        %dma_start3A_123 = tpu.memref_squeeze %dma_start3A_122 : memref<1x128x128xf32, #tpu.memory_space<vmem>> -> memref<128x128xf32, #tpu.memory_space<vmem>>
        %dma_start3A_124 = arith.constant 0 : i32
        %dma_start3A_125 = tpu.memref_slice %arg7[%dma_start3A_118, %dma_start3A_124] : memref<2x128xi32, #tpu.memory_space<vmem>> -> memref<1x128xi32, #tpu.memory_space<vmem>>
        %dma_start3A_126 = tpu.memref_squeeze %dma_start3A_125 : memref<1x128xi32, #tpu.memory_space<vmem>> -> memref<128xi32, #tpu.memory_space<vmem>>
        %dma_start3A_127 = arith.constant 0 : i32
        %dma_start3A_128 = arith.constant 0 : i32
        %dma_start3A_129 = tpu.memref_slice %arg4[%dma_start3A_127, %dma_start3A_128] : memref<10240x128xf32, #tpu.memory_space<hbm>> -> memref<10240x128xf32, #tpu.memory_space<hbm>>
        tpu.enqueue_indirect_dma source(%dma_start3A_129 : memref<10240x128xf32, #tpu.memory_space<hbm>>) target(%dma_start3A_123 : memref<128x128xf32, #tpu.memory_space<vmem>>) offsets(%dma_start3A_126 : memref<128xi32, #tpu.memory_space<vmem>>) semaphore(%arg10 : memref<!tpu.dma_semaphore, #tpu.memory_space<semaphore_mem>>)
      } else {
      }
      %mul3A_98 = arith.constant 128 : i32
      %mul3A_99 = arith.muli %add3A_89, %mul3A_98 : i32
      %add3A_100 = arith.addi %select_n3A_8, %mul3A_99 : i32
      "tpu.region"() ({
        %run_scoped3A_114 = tpu.sem_alloc : memref<!tpu.dma_semaphore, #tpu.memory_space<semaphore_mem>>
        %dma_start3A_115 = tpu.memref_slice %arg3[%add3A_100] : memref<331776xi32, #tpu.memory_space<hbm>> -> memref<128xi32, #tpu.memory_space<hbm>>
        %dma_start3A_116 = tpu.memref_slice %arg3[%add3A_100] : memref<331776xi32, #tpu.memory_space<hbm>> -> memref<128xi32, #tpu.memory_space<hbm>>
        tpu.enqueue_dma source(%dma_start3A_116 : memref<128xi32, #tpu.memory_space<hbm>>) target(%arg8 : memref<128xi32, #tpu.memory_space<vmem>>) target_semaphore(%run_scoped3A_114 : memref<!tpu.dma_semaphore, #tpu.memory_space<semaphore_mem>>)
        %dma_wait3A_117 = tpu.memref_slice %arg3[%add3A_100] : memref<331776xi32, #tpu.memory_space<hbm>> -> memref<128xi32, #tpu.memory_space<hbm>>
        %dma_wait3A_118 = tpu.memref_slice %arg3[%add3A_100] : memref<331776xi32, #tpu.memory_space<hbm>> -> memref<128xi32, #tpu.memory_space<hbm>>
        tpu.wait_dma2 semaphore(%run_scoped3A_114 : memref<!tpu.dma_semaphore, #tpu.memory_space<semaphore_mem>>) src(%dma_wait3A_118 : memref<128xi32, #tpu.memory_space<hbm>>) dst(%arg8 : memref<128xi32, #tpu.memory_space<vmem>>)
        tpu.yield
      }) : () -> ()
      %dma_wait3A_101 = arith.constant 1 : i32
      %dma_wait3A_102 = arith.constant 1 : i32
      %dma_wait3A_103 = arith.constant 0 : i32
      %dma_wait3A_104 = arith.constant 0 : i32
      %dma_wait3A_105 = tpu.memref_slice %arg9[%dma_wait3A_102, %dma_wait3A_103, %dma_wait3A_104] : memref<2x128x128xf32, #tpu.memory_space<vmem>> -> memref<1x128x128xf32, #tpu.memory_space<vmem>>
      %dma_wait3A_106 = tpu.memref_squeeze %dma_wait3A_105 : memref<1x128x128xf32, #tpu.memory_space<vmem>> -> memref<128x128xf32, #tpu.memory_space<vmem>>
      %dma_wait3A_107 = arith.constant 0 : i32
      %dma_wait3A_108 = tpu.memref_slice %arg7[%dma_wait3A_101, %dma_wait3A_107] : memref<2x128xi32, #tpu.memory_space<vmem>> -> memref<1x128xi32, #tpu.memory_space<vmem>>
      %dma_wait3A_109 = tpu.memref_squeeze %dma_wait3A_108 : memref<1x128xi32, #tpu.memory_space<vmem>> -> memref<128xi32, #tpu.memory_space<vmem>>
      %dma_wait3A_110 = arith.constant 0 : i32
      %dma_wait3A_111 = arith.constant 0 : i32
      %dma_wait3A_112 = tpu.memref_slice %arg4[%dma_wait3A_110, %dma_wait3A_111] : memref<10240x128xf32, #tpu.memory_space<hbm>> -> memref<10240x128xf32, #tpu.memory_space<hbm>>
      tpu.wait_indirect_dma semaphore(%arg11 : memref<!tpu.dma_semaphore, #tpu.memory_space<semaphore_mem>>) src(%dma_wait3A_112 : memref<10240x128xf32, #tpu.memory_space<hbm>>) dst(%dma_wait3A_106 : memref<128x128xf32, #tpu.memory_space<vmem>>)
      %run_scoped3A_113 = arith.constant 1 : i32
      "tpu.region"() ({
        %run_scoped3A_114 = tpu.sem_alloc : memref<!tpu.dma_semaphore, #tpu.memory_space<semaphore_mem>>
        %dma_start3A_115 = arith.constant 0 : i32
        %dma_start3A_116 = arith.constant 0 : i32
        %dma_start3A_117 = tpu.memref_slice %arg9[%run_scoped3A_113, %dma_start3A_115, %dma_start3A_116] : memref<2x128x128xf32, #tpu.memory_space<vmem>> -> memref<1x128x128xf32, #tpu.memory_space<vmem>>
        %dma_start3A_118 = tpu.memref_squeeze %dma_start3A_117 : memref<1x128x128xf32, #tpu.memory_space<vmem>> -> memref<128x128xf32, #tpu.memory_space<vmem>>
        %dma_start3A_119 = arith.constant 0 : i32
        %dma_start3A_120 = arith.constant 0 : i32
        %dma_start3A_121 = tpu.memref_slice %arg12[%dma_start3A_119, %dma_start3A_120] : memref<10240x128xf32, #tpu.memory_space<vmem_shared>> -> memref<10240x128xf32, #tpu.memory_space<vmem_shared>>
        tpu.enqueue_indirect_dma source(%dma_start3A_118 : memref<128x128xf32, #tpu.memory_space<vmem>>) target(%dma_start3A_121 : memref<10240x128xf32, #tpu.memory_space<vmem_shared>>) offsets(%arg8 : memref<128xi32, #tpu.memory_space<vmem>>) semaphore(%run_scoped3A_114 : memref<!tpu.dma_semaphore, #tpu.memory_space<semaphore_mem>>) {add = true}
        %dma_wait3A_122 = arith.constant 0 : i32
        %dma_wait3A_123 = arith.constant 0 : i32
        %dma_wait3A_124 = tpu.memref_slice %arg9[%run_scoped3A_113, %dma_wait3A_122, %dma_wait3A_123] : memref<2x128x128xf32, #tpu.memory_space<vmem>> -> memref<1x128x128xf32, #tpu.memory_space<vmem>>
        %dma_wait3A_125 = tpu.memref_squeeze %dma_wait3A_124 : memref<1x128x128xf32, #tpu.memory_space<vmem>> -> memref<128x128xf32, #tpu.memory_space<vmem>>
        %dma_wait3A_126 = arith.constant 0 : i32
        %dma_wait3A_127 = arith.constant 0 : i32
        %dma_wait3A_128 = tpu.memref_slice %arg12[%dma_wait3A_126, %dma_wait3A_127] : memref<10240x128xf32, #tpu.memory_space<vmem_shared>> -> memref<10240x128xf32, #tpu.memory_space<vmem_shared>>
        tpu.wait_indirect_dma semaphore(%run_scoped3A_114 : memref<!tpu.dma_semaphore, #tpu.memory_space<semaphore_mem>>) src(%dma_wait3A_125 : memref<128x128xf32, #tpu.memory_space<vmem>>) dst(%dma_wait3A_128 : memref<10240x128xf32, #tpu.memory_space<vmem_shared>>)
        tpu.yield
      }) : () -> ()
    }
    %barrier3A_53 = arith.constant 0 : index
    tpu.barrier barrier_id(%barrier3A_53)
    %mul3A_54 = arith.constant 640 : i32
    %mul3A_55 = arith.muli %arg1, %mul3A_54 : i32
    %mul3A_56 = arith.constant 10240 : i32
    %mul3A_57 = arith.muli %arg0, %mul3A_56 : i32
    %mul3A_58 = arith.constant 640 : i32
    %mul3A_59 = arith.muli %arg1, %mul3A_58 : i32
    %add3A_60 = arith.addi %mul3A_57, %mul3A_59 : i32
    "tpu.region"() ({
      %run_scoped3A_61 = tpu.sem_alloc : memref<!tpu.dma_semaphore, #tpu.memory_space<semaphore_mem>>
      %dma_start3A_62 = arith.constant 0 : i32
      %dma_start3A_63 = tpu.memref_slice %arg6[%add3A_60, %dma_start3A_62] : memref<20480x128xf32, #tpu.memory_space<hbm>> -> memref<640x128xf32, #tpu.memory_space<hbm>>
      %dma_start3A_64 = arith.constant 0 : i32
      %dma_start3A_65 = tpu.memref_slice %arg12[%mul3A_55, %dma_start3A_64] : memref<10240x128xf32, #tpu.memory_space<vmem_shared>> -> memref<640x128xf32, #tpu.memory_space<vmem_shared>>
      tpu.enqueue_dma source(%dma_start3A_65 : memref<640x128xf32, #tpu.memory_space<vmem_shared>>) target(%dma_start3A_63 : memref<640x128xf32, #tpu.memory_space<hbm>>) target_semaphore(%run_scoped3A_61 : memref<!tpu.dma_semaphore, #tpu.memory_space<semaphore_mem>>)
      %dma_wait3A = arith.constant 0 : i32
      %dma_wait3A_66 = tpu.memref_slice %arg6[%add3A_60, %dma_wait3A] : memref<20480x128xf32, #tpu.memory_space<hbm>> -> memref<640x128xf32, #tpu.memory_space<hbm>>
      %dma_wait3A_67 = arith.constant 0 : i32
      %dma_wait3A_68 = tpu.memref_slice %arg12[%mul3A_55, %dma_wait3A_67] : memref<10240x128xf32, #tpu.memory_space<vmem_shared>> -> memref<640x128xf32, #tpu.memory_space<vmem_shared>>
      tpu.wait_dma2 semaphore(%run_scoped3A_61 : memref<!tpu.dma_semaphore, #tpu.memory_space<semaphore_mem>>) src(%dma_wait3A_68 : memref<640x128xf32, #tpu.memory_space<vmem_shared>>) dst(%dma_wait3A_66 : memref<640x128xf32, #tpu.memory_space<hbm>>)
      tpu.yield
    }) : () -> ()
    return
  }
}

#map = affine_map<(d0, d1) -> (0)>
#map1 = affine_map<(d0, d1) -> (0, 0)>
module attributes {stable_mosaic.version = 14 : i64} {
  func.func @_sc_gs_body(%arg0: i32, %arg1: i32, %arg2: memref<331776xi32, #tpu.memory_space<hbm>>, %arg3: memref<331776xi32, #tpu.memory_space<hbm>>, %arg4: memref<10240x128xf32, #tpu.memory_space<hbm>>, %arg5: memref<10240x128xf32, #tpu.memory_space<hbm>>, %arg6: memref<20480x128xf32, #tpu.memory_space<hbm>>, %arg7: memref<2x128xi32, #tpu.memory_space<vmem>>, %arg8: memref<128xi32, #tpu.memory_space<vmem>>, %arg9: memref<2x128x128xf32, #tpu.memory_space<vmem>>, %arg10: memref<!tpu.dma_semaphore, #tpu.memory_space<semaphore_mem>>, %arg11: memref<!tpu.dma_semaphore, #tpu.memory_space<semaphore_mem>>, %arg12: memref<10240x128xf32, #tpu.memory_space<vmem_shared>>) attributes {dimension_semantics = [#tpu.dimension_semantics<core_parallel>, #tpu.dimension_semantics<subcore_parallel>], iteration_bounds = array<i64: 2, 16>, scalar_prefetch = 0 : i64, scratch_operands = 6 : i64, tpu.core_type = #tpu.core_type<sc_vector_subcore>, window_params = [{transform_indices = #map}, {transform_indices = #map}, {transform_indices = #map1}, {transform_indices = #map1}, {transform_indices = #map1}]} {
    %eq3A = arith.constant 0 : i32
    %eq3A_0 = arith.cmpi eq, %arg0, %eq3A : i32
    %jit3A = arith.constant 112 : i32
    %jit3A_1 = arith.constant 50 : i32
    %select_n3A = arith.select %eq3A_0, %jit3A, %jit3A_1 : i32
    %eq3A_2 = arith.constant 0 : i32
    %eq3A_3 = arith.cmpi eq, %arg0, %eq3A_2 : i32
    %mul3A = arith.constant 14336 : i32
    %mul3A_4 = arith.muli %arg1, %mul3A : i32
    %mul3A_5 = arith.constant 6400 : i32
    %mul3A_6 = arith.muli %arg1, %mul3A_5 : i32
    %add3A = arith.constant 229376 : i32
    %add3A_7 = arith.addi %add3A, %mul3A_6 : i32
    %select_n3A_8 = arith.select %eq3A_3, %mul3A_4, %add3A_7 : i32
    %mul3A_9 = arith.constant 640 : i32
    %mul3A_10 = arith.muli %arg1, %mul3A_9 : i32
    %mul3A_11 = arith.constant 640 : i32
    %mul3A_12 = arith.muli %arg1, %mul3A_11 : i32
    "tpu.region"() ({
      %run_scoped3A_61 = tpu.sem_alloc : memref<!tpu.dma_semaphore, #tpu.memory_space<semaphore_mem>>
      %dma_start3A_62 = arith.constant 0 : i32
      %dma_start3A_63 = tpu.memref_slice %arg12[%mul3A_12, %dma_start3A_62] : memref<10240x128xf32, #tpu.memory_space<vmem_shared>> -> memref<640x128xf32, #tpu.memory_space<vmem_shared>>
      %dma_start3A_64 = arith.constant 0 : i32
      %dma_start3A_65 = tpu.memref_slice %arg5[%mul3A_10, %dma_start3A_64] : memref<10240x128xf32, #tpu.memory_space<hbm>> -> memref<640x128xf32, #tpu.memory_space<hbm>>
      tpu.enqueue_dma source(%dma_start3A_65 : memref<640x128xf32, #tpu.memory_space<hbm>>) target(%dma_start3A_63 : memref<640x128xf32, #tpu.memory_space<vmem_shared>>) target_semaphore(%run_scoped3A_61 : memref<!tpu.dma_semaphore, #tpu.memory_space<semaphore_mem>>)
      %dma_wait3A = arith.constant 0 : i32
      %dma_wait3A_66 = tpu.memref_slice %arg12[%mul3A_12, %dma_wait3A] : memref<10240x128xf32, #tpu.memory_space<vmem_shared>> -> memref<640x128xf32, #tpu.memory_space<vmem_shared>>
      %dma_wait3A_67 = arith.constant 0 : i32
      %dma_wait3A_68 = tpu.memref_slice %arg5[%mul3A_10, %dma_wait3A_67] : memref<10240x128xf32, #tpu.memory_space<hbm>> -> memref<640x128xf32, #tpu.memory_space<hbm>>
      tpu.wait_dma2 semaphore(%run_scoped3A_61 : memref<!tpu.dma_semaphore, #tpu.memory_space<semaphore_mem>>) src(%dma_wait3A_68 : memref<640x128xf32, #tpu.memory_space<hbm>>) dst(%dma_wait3A_66 : memref<640x128xf32, #tpu.memory_space<vmem_shared>>)
      tpu.yield
    }) : () -> ()
    %barrier3A = arith.constant 0 : index
    tpu.barrier barrier_id(%barrier3A)
    %add3A_13 = arith.constant 0 : i32
    %add3A_14 = arith.addi %select_n3A_8, %add3A_13 : i32
    %run_scoped3A = arith.constant 0 : i32
    "tpu.region"() ({
      %run_scoped3A_61 = tpu.sem_alloc : memref<!tpu.dma_semaphore, #tpu.memory_space<semaphore_mem>>
      %dma_start3A_62 = arith.constant 0 : i32
      %dma_start3A_63 = tpu.memref_slice %arg7[%run_scoped3A, %dma_start3A_62] : memref<2x128xi32, #tpu.memory_space<vmem>> -> memref<1x128xi32, #tpu.memory_space<vmem>>
      %dma_start3A_64 = tpu.memref_squeeze %dma_start3A_63 : memref<1x128xi32, #tpu.memory_space<vmem>> -> memref<128xi32, #tpu.memory_space<vmem>>
      %dma_start3A_65 = tpu.memref_slice %arg2[%add3A_14] : memref<331776xi32, #tpu.memory_space<hbm>> -> memref<128xi32, #tpu.memory_space<hbm>>
      %dma_start3A_66 = arith.constant 0 : i32
      %dma_start3A_67 = tpu.memref_slice %arg7[%run_scoped3A, %dma_start3A_66] : memref<2x128xi32, #tpu.memory_space<vmem>> -> memref<1x128xi32, #tpu.memory_space<vmem>>
      %dma_start3A_68 = tpu.memref_squeeze %dma_start3A_67 : memref<1x128xi32, #tpu.memory_space<vmem>> -> memref<128xi32, #tpu.memory_space<vmem>>
      %dma_start3A_69 = tpu.memref_slice %arg2[%add3A_14] : memref<331776xi32, #tpu.memory_space<hbm>> -> memref<128xi32, #tpu.memory_space<hbm>>
      tpu.enqueue_dma source(%dma_start3A_69 : memref<128xi32, #tpu.memory_space<hbm>>) target(%dma_start3A_68 : memref<128xi32, #tpu.memory_space<vmem>>) target_semaphore(%run_scoped3A_61 : memref<!tpu.dma_semaphore, #tpu.memory_space<semaphore_mem>>)
      %dma_wait3A = arith.constant 0 : i32
      %dma_wait3A_70 = tpu.memref_slice %arg7[%run_scoped3A, %dma_wait3A] : memref<2x128xi32, #tpu.memory_space<vmem>> -> memref<1x128xi32, #tpu.memory_space<vmem>>
      %dma_wait3A_71 = tpu.memref_squeeze %dma_wait3A_70 : memref<1x128xi32, #tpu.memory_space<vmem>> -> memref<128xi32, #tpu.memory_space<vmem>>
      %dma_wait3A_72 = tpu.memref_slice %arg2[%add3A_14] : memref<331776xi32, #tpu.memory_space<hbm>> -> memref<128xi32, #tpu.memory_space<hbm>>
      %dma_wait3A_73 = arith.constant 0 : i32
      %dma_wait3A_74 = tpu.memref_slice %arg7[%run_scoped3A, %dma_wait3A_73] : memref<2x128xi32, #tpu.memory_space<vmem>> -> memref<1x128xi32, #tpu.memory_space<vmem>>
      %dma_wait3A_75 = tpu.memref_squeeze %dma_wait3A_74 : memref<1x128xi32, #tpu.memory_space<vmem>> -> memref<128xi32, #tpu.memory_space<vmem>>
      %dma_wait3A_76 = tpu.memref_slice %arg2[%add3A_14] : memref<331776xi32, #tpu.memory_space<hbm>> -> memref<128xi32, #tpu.memory_space<hbm>>
      tpu.wait_dma2 semaphore(%run_scoped3A_61 : memref<!tpu.dma_semaphore, #tpu.memory_space<semaphore_mem>>) src(%dma_wait3A_76 : memref<128xi32, #tpu.memory_space<hbm>>) dst(%dma_wait3A_75 : memref<128xi32, #tpu.memory_space<vmem>>)
      tpu.yield
    }) : () -> ()
    %dma_start3A = arith.constant 0 : i32
    %dma_start3A_15 = arith.constant 0 : i32
    %dma_start3A_16 = arith.constant 0 : i32
    %dma_start3A_17 = arith.constant 0 : i32
    %dma_start3A_18 = tpu.memref_slice %arg9[%dma_start3A_15, %dma_start3A_16, %dma_start3A_17] : memref<2x128x128xf32, #tpu.memory_space<vmem>> -> memref<1x128x128xf32, #tpu.memory_space<vmem>>
    %dma_start3A_19 = tpu.memref_squeeze %dma_start3A_18 : memref<1x128x128xf32, #tpu.memory_space<vmem>> -> memref<128x128xf32, #tpu.memory_space<vmem>>
    %dma_start3A_20 = arith.constant 0 : i32
    %dma_start3A_21 = tpu.memref_slice %arg7[%dma_start3A, %dma_start3A_20] : memref<2x128xi32, #tpu.memory_space<vmem>> -> memref<1x128xi32, #tpu.memory_space<vmem>>
    %dma_start3A_22 = tpu.memref_squeeze %dma_start3A_21 : memref<1x128xi32, #tpu.memory_space<vmem>> -> memref<128xi32, #tpu.memory_space<vmem>>
    %dma_start3A_23 = arith.constant 0 : i32
    %dma_start3A_24 = arith.constant 0 : i32
    %dma_start3A_25 = tpu.memref_slice %arg4[%dma_start3A_23, %dma_start3A_24] : memref<10240x128xf32, #tpu.memory_space<hbm>> -> memref<10240x128xf32, #tpu.memory_space<hbm>>
    tpu.enqueue_indirect_dma source(%dma_start3A_25 : memref<10240x128xf32, #tpu.memory_space<hbm>>) target(%dma_start3A_19 : memref<128x128xf32, #tpu.memory_space<vmem>>) offsets(%dma_start3A_22 : memref<128xi32, #tpu.memory_space<vmem>>) semaphore(%arg10 : memref<!tpu.dma_semaphore, #tpu.memory_space<semaphore_mem>>)
    %jit3A_26 = arith.constant 2 : i32
    %div3A = arith.divsi %select_n3A, %jit3A_26 : i32
    %sign3A = arith.constant 0 : i32
    %sign3A_27 = arith.cmpi sgt, %select_n3A, %sign3A : i32
    %sign3A_28 = arith.extui %sign3A_27 : i1 to i32
    %sign3A_29 = arith.constant 0 : i32
    %sign3A_30 = arith.cmpi slt, %select_n3A, %sign3A_29 : i32
    %sign3A_31 = arith.extui %sign3A_30 : i1 to i32
    %sign3A_32 = arith.subi %sign3A_28, %sign3A_31 : i32
    %sign3A_33 = arith.constant 0 : i32
    %sign3A_34 = arith.cmpi sgt, %jit3A_26, %sign3A_33 : i32
    %sign3A_35 = arith.extui %sign3A_34 : i1 to i32
    %sign3A_36 = arith.constant 0 : i32
    %sign3A_37 = arith.cmpi slt, %jit3A_26, %sign3A_36 : i32
    %sign3A_38 = arith.extui %sign3A_37 : i1 to i32
    %sign3A_39 = arith.subi %sign3A_35, %sign3A_38 : i32
    %ne3A = arith.cmpi ne, %sign3A_32, %sign3A_39 : i32
    %rem3A = arith.remsi %select_n3A, %jit3A_26 : i32
    %ne3A_40 = arith.constant 0 : i32
    %ne3A_41 = arith.cmpi ne, %rem3A, %ne3A_40 : i32
    %and3A = arith.andi %ne3A, %ne3A_41 : i1
    %sub3A = arith.constant 1 : i32
    %sub3A_42 = arith.subi %div3A, %sub3A : i32
    %select_n3A_43 = arith.select %and3A, %sub3A_42, %div3A : i32
    %while3A = arith.constant 0 : i32
    %while3A_44 = arith.constant 0 : i32
    %while3A_45 = arith.subi %select_n3A_43, %while3A_44 : i32
    %while3A_46 = arith.addi %while3A_44, %while3A_45 : i32
    %while3A_47 = arith.constant 1 : i32
    %while3A_48 = arith.divsi %while3A_45, %while3A_47 : i32
    %while3A_49 = arith.muli %while3A_48, %while3A_47 : i32
    %while3A_50 = arith.addi %while3A_44, %while3A_49 : i32
    %while3A_51 = arith.constant 1 : i32
    scf.for %while3A_61 = %while3A_44 to %while3A_50 step %while3A_51  : i32 {
      %mul3A_62 = arith.constant 2 : i32
      %mul3A_63 = arith.muli %while3A_61, %mul3A_62 : i32
      %add3A_64 = arith.constant 0 : i32
      %add3A_65 = arith.addi %mul3A_63, %add3A_64 : i32
      %add3A_66 = arith.constant 2 : i32
      %add3A_67 = arith.addi %add3A_65, %add3A_66 : i32
      %sub3A_68 = arith.constant 1 : i32
      %sub3A_69 = arith.subi %add3A_67, %sub3A_68 : i32
      %lt3A = arith.cmpi slt, %sub3A_69, %select_n3A : i32
      %convert_element_type3A = arith.extui %lt3A : i1 to i32
      %cond3A = arith.constant 0 : i32
      %cond3A_70 = arith.cmpi ne, %convert_element_type3A, %cond3A : i32
      scf.if %cond3A_70 {
        %mul3A_114 = arith.constant 128 : i32
        %mul3A_115 = arith.muli %sub3A_69, %mul3A_114 : i32
        %add3A_116 = arith.addi %select_n3A_8, %mul3A_115 : i32
        %run_scoped3A_117 = arith.constant 1 : i32
        "tpu.region"() ({
          %run_scoped3A_130 = tpu.sem_alloc : memref<!tpu.dma_semaphore, #tpu.memory_space<semaphore_mem>>
          %dma_start3A_131 = arith.constant 0 : i32
          %dma_start3A_132 = tpu.memref_slice %arg7[%run_scoped3A_117, %dma_start3A_131] : memref<2x128xi32, #tpu.memory_space<vmem>> -> memref<1x128xi32, #tpu.memory_space<vmem>>
          %dma_start3A_133 = tpu.memref_squeeze %dma_start3A_132 : memref<1x128xi32, #tpu.memory_space<vmem>> -> memref<128xi32, #tpu.memory_space<vmem>>
          %dma_start3A_134 = tpu.memref_slice %arg2[%add3A_116] : memref<331776xi32, #tpu.memory_space<hbm>> -> memref<128xi32, #tpu.memory_space<hbm>>
          %dma_start3A_135 = arith.constant 0 : i32
          %dma_start3A_136 = tpu.memref_slice %arg7[%run_scoped3A_117, %dma_start3A_135] : memref<2x128xi32, #tpu.memory_space<vmem>> -> memref<1x128xi32, #tpu.memory_space<vmem>>
          %dma_start3A_137 = tpu.memref_squeeze %dma_start3A_136 : memref<1x128xi32, #tpu.memory_space<vmem>> -> memref<128xi32, #tpu.memory_space<vmem>>
          %dma_start3A_138 = tpu.memref_slice %arg2[%add3A_116] : memref<331776xi32, #tpu.memory_space<hbm>> -> memref<128xi32, #tpu.memory_space<hbm>>
          tpu.enqueue_dma source(%dma_start3A_138 : memref<128xi32, #tpu.memory_space<hbm>>) target(%dma_start3A_137 : memref<128xi32, #tpu.memory_space<vmem>>) target_semaphore(%run_scoped3A_130 : memref<!tpu.dma_semaphore, #tpu.memory_space<semaphore_mem>>)
          %dma_wait3A_139 = arith.constant 0 : i32
          %dma_wait3A_140 = tpu.memref_slice %arg7[%run_scoped3A_117, %dma_wait3A_139] : memref<2x128xi32, #tpu.memory_space<vmem>> -> memref<1x128xi32, #tpu.memory_space<vmem>>
          %dma_wait3A_141 = tpu.memref_squeeze %dma_wait3A_140 : memref<1x128xi32, #tpu.memory_space<vmem>> -> memref<128xi32, #tpu.memory_space<vmem>>
          %dma_wait3A_142 = tpu.memref_slice %arg2[%add3A_116] : memref<331776xi32, #tpu.memory_space<hbm>> -> memref<128xi32, #tpu.memory_space<hbm>>
          %dma_wait3A_143 = arith.constant 0 : i32
          %dma_wait3A_144 = tpu.memref_slice %arg7[%run_scoped3A_117, %dma_wait3A_143] : memref<2x128xi32, #tpu.memory_space<vmem>> -> memref<1x128xi32, #tpu.memory_space<vmem>>
          %dma_wait3A_145 = tpu.memref_squeeze %dma_wait3A_144 : memref<1x128xi32, #tpu.memory_space<vmem>> -> memref<128xi32, #tpu.memory_space<vmem>>
          %dma_wait3A_146 = tpu.memref_slice %arg2[%add3A_116] : memref<331776xi32, #tpu.memory_space<hbm>> -> memref<128xi32, #tpu.memory_space<hbm>>
          tpu.wait_dma2 semaphore(%run_scoped3A_130 : memref<!tpu.dma_semaphore, #tpu.memory_space<semaphore_mem>>) src(%dma_wait3A_146 : memref<128xi32, #tpu.memory_space<hbm>>) dst(%dma_wait3A_145 : memref<128xi32, #tpu.memory_space<vmem>>)
          tpu.yield
        }) : () -> ()
        %dma_start3A_118 = arith.constant 1 : i32
        %dma_start3A_119 = arith.constant 1 : i32
        %dma_start3A_120 = arith.constant 0 : i32
        %dma_start3A_121 = arith.constant 0 : i32
        %dma_start3A_122 = tpu.memref_slice %arg9[%dma_start3A_119, %dma_start3A_120, %dma_start3A_121] : memref<2x128x128xf32, #tpu.memory_space<vmem>> -> memref<1x128x128xf32, #tpu.memory_space<vmem>>
        %dma_start3A_123 = tpu.memref_squeeze %dma_start3A_122 : memref<1x128x128xf32, #tpu.memory_space<vmem>> -> memref<128x128xf32, #tpu.memory_space<vmem>>
        %dma_start3A_124 = arith.constant 0 : i32
        %dma_start3A_125 = tpu.memref_slice %arg7[%dma_start3A_118, %dma_start3A_124] : memref<2x128xi32, #tpu.memory_space<vmem>> -> memref<1x128xi32, #tpu.memory_space<vmem>>
        %dma_start3A_126 = tpu.memref_squeeze %dma_start3A_125 : memref<1x128xi32, #tpu.memory_space<vmem>> -> memref<128xi32, #tpu.memory_space<vmem>>
        %dma_start3A_127 = arith.constant 0 : i32
        %dma_start3A_128 = arith.constant 0 : i32
        %dma_start3A_129 = tpu.memref_slice %arg4[%dma_start3A_127, %dma_start3A_128] : memref<10240x128xf32, #tpu.memory_space<hbm>> -> memref<10240x128xf32, #tpu.memory_space<hbm>>
        tpu.enqueue_indirect_dma source(%dma_start3A_129 : memref<10240x128xf32, #tpu.memory_space<hbm>>) target(%dma_start3A_123 : memref<128x128xf32, #tpu.memory_space<vmem>>) offsets(%dma_start3A_126 : memref<128xi32, #tpu.memory_space<vmem>>) semaphore(%arg11 : memref<!tpu.dma_semaphore, #tpu.memory_space<semaphore_mem>>)
      } else {
      }
      %mul3A_71 = arith.constant 128 : i32
      %mul3A_72 = arith.muli %add3A_65, %mul3A_71 : i32
      %add3A_73 = arith.addi %select_n3A_8, %mul3A_72 : i32
      "tpu.region"() ({
        %run_scoped3A_114 = tpu.sem_alloc : memref<!tpu.dma_semaphore, #tpu.memory_space<semaphore_mem>>
        %dma_start3A_115 = tpu.memref_slice %arg3[%add3A_73] : memref<331776xi32, #tpu.memory_space<hbm>> -> memref<128xi32, #tpu.memory_space<hbm>>
        %dma_start3A_116 = tpu.memref_slice %arg3[%add3A_73] : memref<331776xi32, #tpu.memory_space<hbm>> -> memref<128xi32, #tpu.memory_space<hbm>>
        tpu.enqueue_dma source(%dma_start3A_116 : memref<128xi32, #tpu.memory_space<hbm>>) target(%arg8 : memref<128xi32, #tpu.memory_space<vmem>>) target_semaphore(%run_scoped3A_114 : memref<!tpu.dma_semaphore, #tpu.memory_space<semaphore_mem>>)
        %dma_wait3A_117 = tpu.memref_slice %arg3[%add3A_73] : memref<331776xi32, #tpu.memory_space<hbm>> -> memref<128xi32, #tpu.memory_space<hbm>>
        %dma_wait3A_118 = tpu.memref_slice %arg3[%add3A_73] : memref<331776xi32, #tpu.memory_space<hbm>> -> memref<128xi32, #tpu.memory_space<hbm>>
        tpu.wait_dma2 semaphore(%run_scoped3A_114 : memref<!tpu.dma_semaphore, #tpu.memory_space<semaphore_mem>>) src(%dma_wait3A_118 : memref<128xi32, #tpu.memory_space<hbm>>) dst(%arg8 : memref<128xi32, #tpu.memory_space<vmem>>)
        tpu.yield
      }) : () -> ()
      %dma_wait3A = arith.constant 0 : i32
      %dma_wait3A_74 = arith.constant 0 : i32
      %dma_wait3A_75 = arith.constant 0 : i32
      %dma_wait3A_76 = arith.constant 0 : i32
      %dma_wait3A_77 = tpu.memref_slice %arg9[%dma_wait3A_74, %dma_wait3A_75, %dma_wait3A_76] : memref<2x128x128xf32, #tpu.memory_space<vmem>> -> memref<1x128x128xf32, #tpu.memory_space<vmem>>
      %dma_wait3A_78 = tpu.memref_squeeze %dma_wait3A_77 : memref<1x128x128xf32, #tpu.memory_space<vmem>> -> memref<128x128xf32, #tpu.memory_space<vmem>>
      %dma_wait3A_79 = arith.constant 0 : i32
      %dma_wait3A_80 = tpu.memref_slice %arg7[%dma_wait3A, %dma_wait3A_79] : memref<2x128xi32, #tpu.memory_space<vmem>> -> memref<1x128xi32, #tpu.memory_space<vmem>>
      %dma_wait3A_81 = tpu.memref_squeeze %dma_wait3A_80 : memref<1x128xi32, #tpu.memory_space<vmem>> -> memref<128xi32, #tpu.memory_space<vmem>>
      %dma_wait3A_82 = arith.constant 0 : i32
      %dma_wait3A_83 = arith.constant 0 : i32
      %dma_wait3A_84 = tpu.memref_slice %arg4[%dma_wait3A_82, %dma_wait3A_83] : memref<10240x128xf32, #tpu.memory_space<hbm>> -> memref<10240x128xf32, #tpu.memory_space<hbm>>
      tpu.wait_indirect_dma semaphore(%arg10 : memref<!tpu.dma_semaphore, #tpu.memory_space<semaphore_mem>>) src(%dma_wait3A_84 : memref<10240x128xf32, #tpu.memory_space<hbm>>) dst(%dma_wait3A_78 : memref<128x128xf32, #tpu.memory_space<vmem>>)
      %run_scoped3A_85 = arith.constant 0 : i32
      "tpu.region"() ({
        %run_scoped3A_114 = tpu.sem_alloc : memref<!tpu.dma_semaphore, #tpu.memory_space<semaphore_mem>>
        %dma_start3A_115 = arith.constant 0 : i32
        %dma_start3A_116 = arith.constant 0 : i32
        %dma_start3A_117 = tpu.memref_slice %arg9[%run_scoped3A_85, %dma_start3A_115, %dma_start3A_116] : memref<2x128x128xf32, #tpu.memory_space<vmem>> -> memref<1x128x128xf32, #tpu.memory_space<vmem>>
        %dma_start3A_118 = tpu.memref_squeeze %dma_start3A_117 : memref<1x128x128xf32, #tpu.memory_space<vmem>> -> memref<128x128xf32, #tpu.memory_space<vmem>>
        %dma_start3A_119 = arith.constant 0 : i32
        %dma_start3A_120 = arith.constant 0 : i32
        %dma_start3A_121 = tpu.memref_slice %arg12[%dma_start3A_119, %dma_start3A_120] : memref<10240x128xf32, #tpu.memory_space<vmem_shared>> -> memref<10240x128xf32, #tpu.memory_space<vmem_shared>>
        tpu.enqueue_indirect_dma source(%dma_start3A_118 : memref<128x128xf32, #tpu.memory_space<vmem>>) target(%dma_start3A_121 : memref<10240x128xf32, #tpu.memory_space<vmem_shared>>) offsets(%arg8 : memref<128xi32, #tpu.memory_space<vmem>>) semaphore(%run_scoped3A_114 : memref<!tpu.dma_semaphore, #tpu.memory_space<semaphore_mem>>) {add = true}
        %dma_wait3A_122 = arith.constant 0 : i32
        %dma_wait3A_123 = arith.constant 0 : i32
        %dma_wait3A_124 = tpu.memref_slice %arg9[%run_scoped3A_85, %dma_wait3A_122, %dma_wait3A_123] : memref<2x128x128xf32, #tpu.memory_space<vmem>> -> memref<1x128x128xf32, #tpu.memory_space<vmem>>
        %dma_wait3A_125 = tpu.memref_squeeze %dma_wait3A_124 : memref<1x128x128xf32, #tpu.memory_space<vmem>> -> memref<128x128xf32, #tpu.memory_space<vmem>>
        %dma_wait3A_126 = arith.constant 0 : i32
        %dma_wait3A_127 = arith.constant 0 : i32
        %dma_wait3A_128 = tpu.memref_slice %arg12[%dma_wait3A_126, %dma_wait3A_127] : memref<10240x128xf32, #tpu.memory_space<vmem_shared>> -> memref<10240x128xf32, #tpu.memory_space<vmem_shared>>
        tpu.wait_indirect_dma semaphore(%run_scoped3A_114 : memref<!tpu.dma_semaphore, #tpu.memory_space<semaphore_mem>>) src(%dma_wait3A_125 : memref<128x128xf32, #tpu.memory_space<vmem>>) dst(%dma_wait3A_128 : memref<10240x128xf32, #tpu.memory_space<vmem_shared>>)
        tpu.yield
      }) : () -> ()
      %mul3A_86 = arith.constant 2 : i32
      %mul3A_87 = arith.muli %while3A_61, %mul3A_86 : i32
      %add3A_88 = arith.constant 1 : i32
      %add3A_89 = arith.addi %mul3A_87, %add3A_88 : i32
      %add3A_90 = arith.constant 2 : i32
      %add3A_91 = arith.addi %add3A_89, %add3A_90 : i32
      %sub3A_92 = arith.constant 1 : i32
      %sub3A_93 = arith.subi %add3A_91, %sub3A_92 : i32
      %lt3A_94 = arith.cmpi slt, %sub3A_93, %select_n3A : i32
      %convert_element_type3A_95 = arith.extui %lt3A_94 : i1 to i32
      %cond3A_96 = arith.constant 0 : i32
      %cond3A_97 = arith.cmpi ne, %convert_element_type3A_95, %cond3A_96 : i32
      scf.if %cond3A_97 {
        %mul3A_114 = arith.constant 128 : i32
        %mul3A_115 = arith.muli %sub3A_93, %mul3A_114 : i32
        %add3A_116 = arith.addi %select_n3A_8, %mul3A_115 : i32
        %run_scoped3A_117 = arith.constant 0 : i32
        "tpu.region"() ({
          %run_scoped3A_130 = tpu.sem_alloc : memref<!tpu.dma_semaphore, #tpu.memory_space<semaphore_mem>>
          %dma_start3A_131 = arith.constant 0 : i32
          %dma_start3A_132 = tpu.memref_slice %arg7[%run_scoped3A_117, %dma_start3A_131] : memref<2x128xi32, #tpu.memory_space<vmem>> -> memref<1x128xi32, #tpu.memory_space<vmem>>
          %dma_start3A_133 = tpu.memref_squeeze %dma_start3A_132 : memref<1x128xi32, #tpu.memory_space<vmem>> -> memref<128xi32, #tpu.memory_space<vmem>>
          %dma_start3A_134 = tpu.memref_slice %arg2[%add3A_116] : memref<331776xi32, #tpu.memory_space<hbm>> -> memref<128xi32, #tpu.memory_space<hbm>>
          %dma_start3A_135 = arith.constant 0 : i32
          %dma_start3A_136 = tpu.memref_slice %arg7[%run_scoped3A_117, %dma_start3A_135] : memref<2x128xi32, #tpu.memory_space<vmem>> -> memref<1x128xi32, #tpu.memory_space<vmem>>
          %dma_start3A_137 = tpu.memref_squeeze %dma_start3A_136 : memref<1x128xi32, #tpu.memory_space<vmem>> -> memref<128xi32, #tpu.memory_space<vmem>>
          %dma_start3A_138 = tpu.memref_slice %arg2[%add3A_116] : memref<331776xi32, #tpu.memory_space<hbm>> -> memref<128xi32, #tpu.memory_space<hbm>>
          tpu.enqueue_dma source(%dma_start3A_138 : memref<128xi32, #tpu.memory_space<hbm>>) target(%dma_start3A_137 : memref<128xi32, #tpu.memory_space<vmem>>) target_semaphore(%run_scoped3A_130 : memref<!tpu.dma_semaphore, #tpu.memory_space<semaphore_mem>>)
          %dma_wait3A_139 = arith.constant 0 : i32
          %dma_wait3A_140 = tpu.memref_slice %arg7[%run_scoped3A_117, %dma_wait3A_139] : memref<2x128xi32, #tpu.memory_space<vmem>> -> memref<1x128xi32, #tpu.memory_space<vmem>>
          %dma_wait3A_141 = tpu.memref_squeeze %dma_wait3A_140 : memref<1x128xi32, #tpu.memory_space<vmem>> -> memref<128xi32, #tpu.memory_space<vmem>>
          %dma_wait3A_142 = tpu.memref_slice %arg2[%add3A_116] : memref<331776xi32, #tpu.memory_space<hbm>> -> memref<128xi32, #tpu.memory_space<hbm>>
          %dma_wait3A_143 = arith.constant 0 : i32
          %dma_wait3A_144 = tpu.memref_slice %arg7[%run_scoped3A_117, %dma_wait3A_143] : memref<2x128xi32, #tpu.memory_space<vmem>> -> memref<1x128xi32, #tpu.memory_space<vmem>>
          %dma_wait3A_145 = tpu.memref_squeeze %dma_wait3A_144 : memref<1x128xi32, #tpu.memory_space<vmem>> -> memref<128xi32, #tpu.memory_space<vmem>>
          %dma_wait3A_146 = tpu.memref_slice %arg2[%add3A_116] : memref<331776xi32, #tpu.memory_space<hbm>> -> memref<128xi32, #tpu.memory_space<hbm>>
          tpu.wait_dma2 semaphore(%run_scoped3A_130 : memref<!tpu.dma_semaphore, #tpu.memory_space<semaphore_mem>>) src(%dma_wait3A_146 : memref<128xi32, #tpu.memory_space<hbm>>) dst(%dma_wait3A_145 : memref<128xi32, #tpu.memory_space<vmem>>)
          tpu.yield
        }) : () -> ()
        %dma_start3A_118 = arith.constant 0 : i32
        %dma_start3A_119 = arith.constant 0 : i32
        %dma_start3A_120 = arith.constant 0 : i32
        %dma_start3A_121 = arith.constant 0 : i32
        %dma_start3A_122 = tpu.memref_slice %arg9[%dma_start3A_119, %dma_start3A_120, %dma_start3A_121] : memref<2x128x128xf32, #tpu.memory_space<vmem>> -> memref<1x128x128xf32, #tpu.memory_space<vmem>>
        %dma_start3A_123 = tpu.memref_squeeze %dma_start3A_122 : memref<1x128x128xf32, #tpu.memory_space<vmem>> -> memref<128x128xf32, #tpu.memory_space<vmem>>
        %dma_start3A_124 = arith.constant 0 : i32
        %dma_start3A_125 = tpu.memref_slice %arg7[%dma_start3A_118, %dma_start3A_124] : memref<2x128xi32, #tpu.memory_space<vmem>> -> memref<1x128xi32, #tpu.memory_space<vmem>>
        %dma_start3A_126 = tpu.memref_squeeze %dma_start3A_125 : memref<1x128xi32, #tpu.memory_space<vmem>> -> memref<128xi32, #tpu.memory_space<vmem>>
        %dma_start3A_127 = arith.constant 0 : i32
        %dma_start3A_128 = arith.constant 0 : i32
        %dma_start3A_129 = tpu.memref_slice %arg4[%dma_start3A_127, %dma_start3A_128] : memref<10240x128xf32, #tpu.memory_space<hbm>> -> memref<10240x128xf32, #tpu.memory_space<hbm>>
        tpu.enqueue_indirect_dma source(%dma_start3A_129 : memref<10240x128xf32, #tpu.memory_space<hbm>>) target(%dma_start3A_123 : memref<128x128xf32, #tpu.memory_space<vmem>>) offsets(%dma_start3A_126 : memref<128xi32, #tpu.memory_space<vmem>>) semaphore(%arg10 : memref<!tpu.dma_semaphore, #tpu.memory_space<semaphore_mem>>)
      } else {
      }
      %mul3A_98 = arith.constant 128 : i32
      %mul3A_99 = arith.muli %add3A_89, %mul3A_98 : i32
      %add3A_100 = arith.addi %select_n3A_8, %mul3A_99 : i32
      "tpu.region"() ({
        %run_scoped3A_114 = tpu.sem_alloc : memref<!tpu.dma_semaphore, #tpu.memory_space<semaphore_mem>>
        %dma_start3A_115 = tpu.memref_slice %arg3[%add3A_100] : memref<331776xi32, #tpu.memory_space<hbm>> -> memref<128xi32, #tpu.memory_space<hbm>>
        %dma_start3A_116 = tpu.memref_slice %arg3[%add3A_100] : memref<331776xi32, #tpu.memory_space<hbm>> -> memref<128xi32, #tpu.memory_space<hbm>>
        tpu.enqueue_dma source(%dma_start3A_116 : memref<128xi32, #tpu.memory_space<hbm>>) target(%arg8 : memref<128xi32, #tpu.memory_space<vmem>>) target_semaphore(%run_scoped3A_114 : memref<!tpu.dma_semaphore, #tpu.memory_space<semaphore_mem>>)
        %dma_wait3A_117 = tpu.memref_slice %arg3[%add3A_100] : memref<331776xi32, #tpu.memory_space<hbm>> -> memref<128xi32, #tpu.memory_space<hbm>>
        %dma_wait3A_118 = tpu.memref_slice %arg3[%add3A_100] : memref<331776xi32, #tpu.memory_space<hbm>> -> memref<128xi32, #tpu.memory_space<hbm>>
        tpu.wait_dma2 semaphore(%run_scoped3A_114 : memref<!tpu.dma_semaphore, #tpu.memory_space<semaphore_mem>>) src(%dma_wait3A_118 : memref<128xi32, #tpu.memory_space<hbm>>) dst(%arg8 : memref<128xi32, #tpu.memory_space<vmem>>)
        tpu.yield
      }) : () -> ()
      %dma_wait3A_101 = arith.constant 1 : i32
      %dma_wait3A_102 = arith.constant 1 : i32
      %dma_wait3A_103 = arith.constant 0 : i32
      %dma_wait3A_104 = arith.constant 0 : i32
      %dma_wait3A_105 = tpu.memref_slice %arg9[%dma_wait3A_102, %dma_wait3A_103, %dma_wait3A_104] : memref<2x128x128xf32, #tpu.memory_space<vmem>> -> memref<1x128x128xf32, #tpu.memory_space<vmem>>
      %dma_wait3A_106 = tpu.memref_squeeze %dma_wait3A_105 : memref<1x128x128xf32, #tpu.memory_space<vmem>> -> memref<128x128xf32, #tpu.memory_space<vmem>>
      %dma_wait3A_107 = arith.constant 0 : i32
      %dma_wait3A_108 = tpu.memref_slice %arg7[%dma_wait3A_101, %dma_wait3A_107] : memref<2x128xi32, #tpu.memory_space<vmem>> -> memref<1x128xi32, #tpu.memory_space<vmem>>
      %dma_wait3A_109 = tpu.memref_squeeze %dma_wait3A_108 : memref<1x128xi32, #tpu.memory_space<vmem>> -> memref<128xi32, #tpu.memory_space<vmem>>
      %dma_wait3A_110 = arith.constant 0 : i32
      %dma_wait3A_111 = arith.constant 0 : i32
      %dma_wait3A_112 = tpu.memref_slice %arg4[%dma_wait3A_110, %dma_wait3A_111] : memref<10240x128xf32, #tpu.memory_space<hbm>> -> memref<10240x128xf32, #tpu.memory_space<hbm>>
      tpu.wait_indirect_dma semaphore(%arg11 : memref<!tpu.dma_semaphore, #tpu.memory_space<semaphore_mem>>) src(%dma_wait3A_112 : memref<10240x128xf32, #tpu.memory_space<hbm>>) dst(%dma_wait3A_106 : memref<128x128xf32, #tpu.memory_space<vmem>>)
      %run_scoped3A_113 = arith.constant 1 : i32
      "tpu.region"() ({
        %run_scoped3A_114 = tpu.sem_alloc : memref<!tpu.dma_semaphore, #tpu.memory_space<semaphore_mem>>
        %dma_start3A_115 = arith.constant 0 : i32
        %dma_start3A_116 = arith.constant 0 : i32
        %dma_start3A_117 = tpu.memref_slice %arg9[%run_scoped3A_113, %dma_start3A_115, %dma_start3A_116] : memref<2x128x128xf32, #tpu.memory_space<vmem>> -> memref<1x128x128xf32, #tpu.memory_space<vmem>>
        %dma_start3A_118 = tpu.memref_squeeze %dma_start3A_117 : memref<1x128x128xf32, #tpu.memory_space<vmem>> -> memref<128x128xf32, #tpu.memory_space<vmem>>
        %dma_start3A_119 = arith.constant 0 : i32
        %dma_start3A_120 = arith.constant 0 : i32
        %dma_start3A_121 = tpu.memref_slice %arg12[%dma_start3A_119, %dma_start3A_120] : memref<10240x128xf32, #tpu.memory_space<vmem_shared>> -> memref<10240x128xf32, #tpu.memory_space<vmem_shared>>
        tpu.enqueue_indirect_dma source(%dma_start3A_118 : memref<128x128xf32, #tpu.memory_space<vmem>>) target(%dma_start3A_121 : memref<10240x128xf32, #tpu.memory_space<vmem_shared>>) offsets(%arg8 : memref<128xi32, #tpu.memory_space<vmem>>) semaphore(%run_scoped3A_114 : memref<!tpu.dma_semaphore, #tpu.memory_space<semaphore_mem>>) {add = true}
        %dma_wait3A_122 = arith.constant 0 : i32
        %dma_wait3A_123 = arith.constant 0 : i32
        %dma_wait3A_124 = tpu.memref_slice %arg9[%run_scoped3A_113, %dma_wait3A_122, %dma_wait3A_123] : memref<2x128x128xf32, #tpu.memory_space<vmem>> -> memref<1x128x128xf32, #tpu.memory_space<vmem>>
        %dma_wait3A_125 = tpu.memref_squeeze %dma_wait3A_124 : memref<1x128x128xf32, #tpu.memory_space<vmem>> -> memref<128x128xf32, #tpu.memory_space<vmem>>
        %dma_wait3A_126 = arith.constant 0 : i32
        %dma_wait3A_127 = arith.constant 0 : i32
        %dma_wait3A_128 = tpu.memref_slice %arg12[%dma_wait3A_126, %dma_wait3A_127] : memref<10240x128xf32, #tpu.memory_space<vmem_shared>> -> memref<10240x128xf32, #tpu.memory_space<vmem_shared>>
        tpu.wait_indirect_dma semaphore(%run_scoped3A_114 : memref<!tpu.dma_semaphore, #tpu.memory_space<semaphore_mem>>) src(%dma_wait3A_125 : memref<128x128xf32, #tpu.memory_space<vmem>>) dst(%dma_wait3A_128 : memref<10240x128xf32, #tpu.memory_space<vmem_shared>>)
        tpu.yield
      }) : () -> ()
    }
    %while3A_52 = arith.constant 1 : i32
    scf.for %while3A_61 = %while3A_50 to %while3A_46 step %while3A_52  : i32 {
      %mul3A_62 = arith.constant 2 : i32
      %mul3A_63 = arith.muli %while3A_61, %mul3A_62 : i32
      %add3A_64 = arith.constant 0 : i32
      %add3A_65 = arith.addi %mul3A_63, %add3A_64 : i32
      %add3A_66 = arith.constant 2 : i32
      %add3A_67 = arith.addi %add3A_65, %add3A_66 : i32
      %sub3A_68 = arith.constant 1 : i32
      %sub3A_69 = arith.subi %add3A_67, %sub3A_68 : i32
      %lt3A = arith.cmpi slt, %sub3A_69, %select_n3A : i32
      %convert_element_type3A = arith.extui %lt3A : i1 to i32
      %cond3A = arith.constant 0 : i32
      %cond3A_70 = arith.cmpi ne, %convert_element_type3A, %cond3A : i32
      scf.if %cond3A_70 {
        %mul3A_114 = arith.constant 128 : i32
        %mul3A_115 = arith.muli %sub3A_69, %mul3A_114 : i32
        %add3A_116 = arith.addi %select_n3A_8, %mul3A_115 : i32
        %run_scoped3A_117 = arith.constant 1 : i32
        "tpu.region"() ({
          %run_scoped3A_130 = tpu.sem_alloc : memref<!tpu.dma_semaphore, #tpu.memory_space<semaphore_mem>>
          %dma_start3A_131 = arith.constant 0 : i32
          %dma_start3A_132 = tpu.memref_slice %arg7[%run_scoped3A_117, %dma_start3A_131] : memref<2x128xi32, #tpu.memory_space<vmem>> -> memref<1x128xi32, #tpu.memory_space<vmem>>
          %dma_start3A_133 = tpu.memref_squeeze %dma_start3A_132 : memref<1x128xi32, #tpu.memory_space<vmem>> -> memref<128xi32, #tpu.memory_space<vmem>>
          %dma_start3A_134 = tpu.memref_slice %arg2[%add3A_116] : memref<331776xi32, #tpu.memory_space<hbm>> -> memref<128xi32, #tpu.memory_space<hbm>>
          %dma_start3A_135 = arith.constant 0 : i32
          %dma_start3A_136 = tpu.memref_slice %arg7[%run_scoped3A_117, %dma_start3A_135] : memref<2x128xi32, #tpu.memory_space<vmem>> -> memref<1x128xi32, #tpu.memory_space<vmem>>
          %dma_start3A_137 = tpu.memref_squeeze %dma_start3A_136 : memref<1x128xi32, #tpu.memory_space<vmem>> -> memref<128xi32, #tpu.memory_space<vmem>>
          %dma_start3A_138 = tpu.memref_slice %arg2[%add3A_116] : memref<331776xi32, #tpu.memory_space<hbm>> -> memref<128xi32, #tpu.memory_space<hbm>>
          tpu.enqueue_dma source(%dma_start3A_138 : memref<128xi32, #tpu.memory_space<hbm>>) target(%dma_start3A_137 : memref<128xi32, #tpu.memory_space<vmem>>) target_semaphore(%run_scoped3A_130 : memref<!tpu.dma_semaphore, #tpu.memory_space<semaphore_mem>>)
          %dma_wait3A_139 = arith.constant 0 : i32
          %dma_wait3A_140 = tpu.memref_slice %arg7[%run_scoped3A_117, %dma_wait3A_139] : memref<2x128xi32, #tpu.memory_space<vmem>> -> memref<1x128xi32, #tpu.memory_space<vmem>>
          %dma_wait3A_141 = tpu.memref_squeeze %dma_wait3A_140 : memref<1x128xi32, #tpu.memory_space<vmem>> -> memref<128xi32, #tpu.memory_space<vmem>>
          %dma_wait3A_142 = tpu.memref_slice %arg2[%add3A_116] : memref<331776xi32, #tpu.memory_space<hbm>> -> memref<128xi32, #tpu.memory_space<hbm>>
          %dma_wait3A_143 = arith.constant 0 : i32
          %dma_wait3A_144 = tpu.memref_slice %arg7[%run_scoped3A_117, %dma_wait3A_143] : memref<2x128xi32, #tpu.memory_space<vmem>> -> memref<1x128xi32, #tpu.memory_space<vmem>>
          %dma_wait3A_145 = tpu.memref_squeeze %dma_wait3A_144 : memref<1x128xi32, #tpu.memory_space<vmem>> -> memref<128xi32, #tpu.memory_space<vmem>>
          %dma_wait3A_146 = tpu.memref_slice %arg2[%add3A_116] : memref<331776xi32, #tpu.memory_space<hbm>> -> memref<128xi32, #tpu.memory_space<hbm>>
          tpu.wait_dma2 semaphore(%run_scoped3A_130 : memref<!tpu.dma_semaphore, #tpu.memory_space<semaphore_mem>>) src(%dma_wait3A_146 : memref<128xi32, #tpu.memory_space<hbm>>) dst(%dma_wait3A_145 : memref<128xi32, #tpu.memory_space<vmem>>)
          tpu.yield
        }) : () -> ()
        %dma_start3A_118 = arith.constant 1 : i32
        %dma_start3A_119 = arith.constant 1 : i32
        %dma_start3A_120 = arith.constant 0 : i32
        %dma_start3A_121 = arith.constant 0 : i32
        %dma_start3A_122 = tpu.memref_slice %arg9[%dma_start3A_119, %dma_start3A_120, %dma_start3A_121] : memref<2x128x128xf32, #tpu.memory_space<vmem>> -> memref<1x128x128xf32, #tpu.memory_space<vmem>>
        %dma_start3A_123 = tpu.memref_squeeze %dma_start3A_122 : memref<1x128x128xf32, #tpu.memory_space<vmem>> -> memref<128x128xf32, #tpu.memory_space<vmem>>
        %dma_start3A_124 = arith.constant 0 : i32
        %dma_start3A_125 = tpu.memref_slice %arg7[%dma_start3A_118, %dma_start3A_124] : memref<2x128xi32, #tpu.memory_space<vmem>> -> memref<1x128xi32, #tpu.memory_space<vmem>>
        %dma_start3A_126 = tpu.memref_squeeze %dma_start3A_125 : memref<1x128xi32, #tpu.memory_space<vmem>> -> memref<128xi32, #tpu.memory_space<vmem>>
        %dma_start3A_127 = arith.constant 0 : i32
        %dma_start3A_128 = arith.constant 0 : i32
        %dma_start3A_129 = tpu.memref_slice %arg4[%dma_start3A_127, %dma_start3A_128] : memref<10240x128xf32, #tpu.memory_space<hbm>> -> memref<10240x128xf32, #tpu.memory_space<hbm>>
        tpu.enqueue_indirect_dma source(%dma_start3A_129 : memref<10240x128xf32, #tpu.memory_space<hbm>>) target(%dma_start3A_123 : memref<128x128xf32, #tpu.memory_space<vmem>>) offsets(%dma_start3A_126 : memref<128xi32, #tpu.memory_space<vmem>>) semaphore(%arg11 : memref<!tpu.dma_semaphore, #tpu.memory_space<semaphore_mem>>)
      } else {
      }
      %mul3A_71 = arith.constant 128 : i32
      %mul3A_72 = arith.muli %add3A_65, %mul3A_71 : i32
      %add3A_73 = arith.addi %select_n3A_8, %mul3A_72 : i32
      "tpu.region"() ({
        %run_scoped3A_114 = tpu.sem_alloc : memref<!tpu.dma_semaphore, #tpu.memory_space<semaphore_mem>>
        %dma_start3A_115 = tpu.memref_slice %arg3[%add3A_73] : memref<331776xi32, #tpu.memory_space<hbm>> -> memref<128xi32, #tpu.memory_space<hbm>>
        %dma_start3A_116 = tpu.memref_slice %arg3[%add3A_73] : memref<331776xi32, #tpu.memory_space<hbm>> -> memref<128xi32, #tpu.memory_space<hbm>>
        tpu.enqueue_dma source(%dma_start3A_116 : memref<128xi32, #tpu.memory_space<hbm>>) target(%arg8 : memref<128xi32, #tpu.memory_space<vmem>>) target_semaphore(%run_scoped3A_114 : memref<!tpu.dma_semaphore, #tpu.memory_space<semaphore_mem>>)
        %dma_wait3A_117 = tpu.memref_slice %arg3[%add3A_73] : memref<331776xi32, #tpu.memory_space<hbm>> -> memref<128xi32, #tpu.memory_space<hbm>>
        %dma_wait3A_118 = tpu.memref_slice %arg3[%add3A_73] : memref<331776xi32, #tpu.memory_space<hbm>> -> memref<128xi32, #tpu.memory_space<hbm>>
        tpu.wait_dma2 semaphore(%run_scoped3A_114 : memref<!tpu.dma_semaphore, #tpu.memory_space<semaphore_mem>>) src(%dma_wait3A_118 : memref<128xi32, #tpu.memory_space<hbm>>) dst(%arg8 : memref<128xi32, #tpu.memory_space<vmem>>)
        tpu.yield
      }) : () -> ()
      %dma_wait3A = arith.constant 0 : i32
      %dma_wait3A_74 = arith.constant 0 : i32
      %dma_wait3A_75 = arith.constant 0 : i32
      %dma_wait3A_76 = arith.constant 0 : i32
      %dma_wait3A_77 = tpu.memref_slice %arg9[%dma_wait3A_74, %dma_wait3A_75, %dma_wait3A_76] : memref<2x128x128xf32, #tpu.memory_space<vmem>> -> memref<1x128x128xf32, #tpu.memory_space<vmem>>
      %dma_wait3A_78 = tpu.memref_squeeze %dma_wait3A_77 : memref<1x128x128xf32, #tpu.memory_space<vmem>> -> memref<128x128xf32, #tpu.memory_space<vmem>>
      %dma_wait3A_79 = arith.constant 0 : i32
      %dma_wait3A_80 = tpu.memref_slice %arg7[%dma_wait3A, %dma_wait3A_79] : memref<2x128xi32, #tpu.memory_space<vmem>> -> memref<1x128xi32, #tpu.memory_space<vmem>>
      %dma_wait3A_81 = tpu.memref_squeeze %dma_wait3A_80 : memref<1x128xi32, #tpu.memory_space<vmem>> -> memref<128xi32, #tpu.memory_space<vmem>>
      %dma_wait3A_82 = arith.constant 0 : i32
      %dma_wait3A_83 = arith.constant 0 : i32
      %dma_wait3A_84 = tpu.memref_slice %arg4[%dma_wait3A_82, %dma_wait3A_83] : memref<10240x128xf32, #tpu.memory_space<hbm>> -> memref<10240x128xf32, #tpu.memory_space<hbm>>
      tpu.wait_indirect_dma semaphore(%arg10 : memref<!tpu.dma_semaphore, #tpu.memory_space<semaphore_mem>>) src(%dma_wait3A_84 : memref<10240x128xf32, #tpu.memory_space<hbm>>) dst(%dma_wait3A_78 : memref<128x128xf32, #tpu.memory_space<vmem>>)
      %run_scoped3A_85 = arith.constant 0 : i32
      "tpu.region"() ({
        %run_scoped3A_114 = tpu.sem_alloc : memref<!tpu.dma_semaphore, #tpu.memory_space<semaphore_mem>>
        %dma_start3A_115 = arith.constant 0 : i32
        %dma_start3A_116 = arith.constant 0 : i32
        %dma_start3A_117 = tpu.memref_slice %arg9[%run_scoped3A_85, %dma_start3A_115, %dma_start3A_116] : memref<2x128x128xf32, #tpu.memory_space<vmem>> -> memref<1x128x128xf32, #tpu.memory_space<vmem>>
        %dma_start3A_118 = tpu.memref_squeeze %dma_start3A_117 : memref<1x128x128xf32, #tpu.memory_space<vmem>> -> memref<128x128xf32, #tpu.memory_space<vmem>>
        %dma_start3A_119 = arith.constant 0 : i32
        %dma_start3A_120 = arith.constant 0 : i32
        %dma_start3A_121 = tpu.memref_slice %arg12[%dma_start3A_119, %dma_start3A_120] : memref<10240x128xf32, #tpu.memory_space<vmem_shared>> -> memref<10240x128xf32, #tpu.memory_space<vmem_shared>>
        tpu.enqueue_indirect_dma source(%dma_start3A_118 : memref<128x128xf32, #tpu.memory_space<vmem>>) target(%dma_start3A_121 : memref<10240x128xf32, #tpu.memory_space<vmem_shared>>) offsets(%arg8 : memref<128xi32, #tpu.memory_space<vmem>>) semaphore(%run_scoped3A_114 : memref<!tpu.dma_semaphore, #tpu.memory_space<semaphore_mem>>) {add = true}
        %dma_wait3A_122 = arith.constant 0 : i32
        %dma_wait3A_123 = arith.constant 0 : i32
        %dma_wait3A_124 = tpu.memref_slice %arg9[%run_scoped3A_85, %dma_wait3A_122, %dma_wait3A_123] : memref<2x128x128xf32, #tpu.memory_space<vmem>> -> memref<1x128x128xf32, #tpu.memory_space<vmem>>
        %dma_wait3A_125 = tpu.memref_squeeze %dma_wait3A_124 : memref<1x128x128xf32, #tpu.memory_space<vmem>> -> memref<128x128xf32, #tpu.memory_space<vmem>>
        %dma_wait3A_126 = arith.constant 0 : i32
        %dma_wait3A_127 = arith.constant 0 : i32
        %dma_wait3A_128 = tpu.memref_slice %arg12[%dma_wait3A_126, %dma_wait3A_127] : memref<10240x128xf32, #tpu.memory_space<vmem_shared>> -> memref<10240x128xf32, #tpu.memory_space<vmem_shared>>
        tpu.wait_indirect_dma semaphore(%run_scoped3A_114 : memref<!tpu.dma_semaphore, #tpu.memory_space<semaphore_mem>>) src(%dma_wait3A_125 : memref<128x128xf32, #tpu.memory_space<vmem>>) dst(%dma_wait3A_128 : memref<10240x128xf32, #tpu.memory_space<vmem_shared>>)
        tpu.yield
      }) : () -> ()
      %mul3A_86 = arith.constant 2 : i32
      %mul3A_87 = arith.muli %while3A_61, %mul3A_86 : i32
      %add3A_88 = arith.constant 1 : i32
      %add3A_89 = arith.addi %mul3A_87, %add3A_88 : i32
      %add3A_90 = arith.constant 2 : i32
      %add3A_91 = arith.addi %add3A_89, %add3A_90 : i32
      %sub3A_92 = arith.constant 1 : i32
      %sub3A_93 = arith.subi %add3A_91, %sub3A_92 : i32
      %lt3A_94 = arith.cmpi slt, %sub3A_93, %select_n3A : i32
      %convert_element_type3A_95 = arith.extui %lt3A_94 : i1 to i32
      %cond3A_96 = arith.constant 0 : i32
      %cond3A_97 = arith.cmpi ne, %convert_element_type3A_95, %cond3A_96 : i32
      scf.if %cond3A_97 {
        %mul3A_114 = arith.constant 128 : i32
        %mul3A_115 = arith.muli %sub3A_93, %mul3A_114 : i32
        %add3A_116 = arith.addi %select_n3A_8, %mul3A_115 : i32
        %run_scoped3A_117 = arith.constant 0 : i32
        "tpu.region"() ({
          %run_scoped3A_130 = tpu.sem_alloc : memref<!tpu.dma_semaphore, #tpu.memory_space<semaphore_mem>>
          %dma_start3A_131 = arith.constant 0 : i32
          %dma_start3A_132 = tpu.memref_slice %arg7[%run_scoped3A_117, %dma_start3A_131] : memref<2x128xi32, #tpu.memory_space<vmem>> -> memref<1x128xi32, #tpu.memory_space<vmem>>
          %dma_start3A_133 = tpu.memref_squeeze %dma_start3A_132 : memref<1x128xi32, #tpu.memory_space<vmem>> -> memref<128xi32, #tpu.memory_space<vmem>>
          %dma_start3A_134 = tpu.memref_slice %arg2[%add3A_116] : memref<331776xi32, #tpu.memory_space<hbm>> -> memref<128xi32, #tpu.memory_space<hbm>>
          %dma_start3A_135 = arith.constant 0 : i32
          %dma_start3A_136 = tpu.memref_slice %arg7[%run_scoped3A_117, %dma_start3A_135] : memref<2x128xi32, #tpu.memory_space<vmem>> -> memref<1x128xi32, #tpu.memory_space<vmem>>
          %dma_start3A_137 = tpu.memref_squeeze %dma_start3A_136 : memref<1x128xi32, #tpu.memory_space<vmem>> -> memref<128xi32, #tpu.memory_space<vmem>>
          %dma_start3A_138 = tpu.memref_slice %arg2[%add3A_116] : memref<331776xi32, #tpu.memory_space<hbm>> -> memref<128xi32, #tpu.memory_space<hbm>>
          tpu.enqueue_dma source(%dma_start3A_138 : memref<128xi32, #tpu.memory_space<hbm>>) target(%dma_start3A_137 : memref<128xi32, #tpu.memory_space<vmem>>) target_semaphore(%run_scoped3A_130 : memref<!tpu.dma_semaphore, #tpu.memory_space<semaphore_mem>>)
          %dma_wait3A_139 = arith.constant 0 : i32
          %dma_wait3A_140 = tpu.memref_slice %arg7[%run_scoped3A_117, %dma_wait3A_139] : memref<2x128xi32, #tpu.memory_space<vmem>> -> memref<1x128xi32, #tpu.memory_space<vmem>>
          %dma_wait3A_141 = tpu.memref_squeeze %dma_wait3A_140 : memref<1x128xi32, #tpu.memory_space<vmem>> -> memref<128xi32, #tpu.memory_space<vmem>>
          %dma_wait3A_142 = tpu.memref_slice %arg2[%add3A_116] : memref<331776xi32, #tpu.memory_space<hbm>> -> memref<128xi32, #tpu.memory_space<hbm>>
          %dma_wait3A_143 = arith.constant 0 : i32
          %dma_wait3A_144 = tpu.memref_slice %arg7[%run_scoped3A_117, %dma_wait3A_143] : memref<2x128xi32, #tpu.memory_space<vmem>> -> memref<1x128xi32, #tpu.memory_space<vmem>>
          %dma_wait3A_145 = tpu.memref_squeeze %dma_wait3A_144 : memref<1x128xi32, #tpu.memory_space<vmem>> -> memref<128xi32, #tpu.memory_space<vmem>>
          %dma_wait3A_146 = tpu.memref_slice %arg2[%add3A_116] : memref<331776xi32, #tpu.memory_space<hbm>> -> memref<128xi32, #tpu.memory_space<hbm>>
          tpu.wait_dma2 semaphore(%run_scoped3A_130 : memref<!tpu.dma_semaphore, #tpu.memory_space<semaphore_mem>>) src(%dma_wait3A_146 : memref<128xi32, #tpu.memory_space<hbm>>) dst(%dma_wait3A_145 : memref<128xi32, #tpu.memory_space<vmem>>)
          tpu.yield
        }) : () -> ()
        %dma_start3A_118 = arith.constant 0 : i32
        %dma_start3A_119 = arith.constant 0 : i32
        %dma_start3A_120 = arith.constant 0 : i32
        %dma_start3A_121 = arith.constant 0 : i32
        %dma_start3A_122 = tpu.memref_slice %arg9[%dma_start3A_119, %dma_start3A_120, %dma_start3A_121] : memref<2x128x128xf32, #tpu.memory_space<vmem>> -> memref<1x128x128xf32, #tpu.memory_space<vmem>>
        %dma_start3A_123 = tpu.memref_squeeze %dma_start3A_122 : memref<1x128x128xf32, #tpu.memory_space<vmem>> -> memref<128x128xf32, #tpu.memory_space<vmem>>
        %dma_start3A_124 = arith.constant 0 : i32
        %dma_start3A_125 = tpu.memref_slice %arg7[%dma_start3A_118, %dma_start3A_124] : memref<2x128xi32, #tpu.memory_space<vmem>> -> memref<1x128xi32, #tpu.memory_space<vmem>>
        %dma_start3A_126 = tpu.memref_squeeze %dma_start3A_125 : memref<1x128xi32, #tpu.memory_space<vmem>> -> memref<128xi32, #tpu.memory_space<vmem>>
        %dma_start3A_127 = arith.constant 0 : i32
        %dma_start3A_128 = arith.constant 0 : i32
        %dma_start3A_129 = tpu.memref_slice %arg4[%dma_start3A_127, %dma_start3A_128] : memref<10240x128xf32, #tpu.memory_space<hbm>> -> memref<10240x128xf32, #tpu.memory_space<hbm>>
        tpu.enqueue_indirect_dma source(%dma_start3A_129 : memref<10240x128xf32, #tpu.memory_space<hbm>>) target(%dma_start3A_123 : memref<128x128xf32, #tpu.memory_space<vmem>>) offsets(%dma_start3A_126 : memref<128xi32, #tpu.memory_space<vmem>>) semaphore(%arg10 : memref<!tpu.dma_semaphore, #tpu.memory_space<semaphore_mem>>)
      } else {
      }
      %mul3A_98 = arith.constant 128 : i32
      %mul3A_99 = arith.muli %add3A_89, %mul3A_98 : i32
      %add3A_100 = arith.addi %select_n3A_8, %mul3A_99 : i32
      "tpu.region"() ({
        %run_scoped3A_114 = tpu.sem_alloc : memref<!tpu.dma_semaphore, #tpu.memory_space<semaphore_mem>>
        %dma_start3A_115 = tpu.memref_slice %arg3[%add3A_100] : memref<331776xi32, #tpu.memory_space<hbm>> -> memref<128xi32, #tpu.memory_space<hbm>>
        %dma_start3A_116 = tpu.memref_slice %arg3[%add3A_100] : memref<331776xi32, #tpu.memory_space<hbm>> -> memref<128xi32, #tpu.memory_space<hbm>>
        tpu.enqueue_dma source(%dma_start3A_116 : memref<128xi32, #tpu.memory_space<hbm>>) target(%arg8 : memref<128xi32, #tpu.memory_space<vmem>>) target_semaphore(%run_scoped3A_114 : memref<!tpu.dma_semaphore, #tpu.memory_space<semaphore_mem>>)
        %dma_wait3A_117 = tpu.memref_slice %arg3[%add3A_100] : memref<331776xi32, #tpu.memory_space<hbm>> -> memref<128xi32, #tpu.memory_space<hbm>>
        %dma_wait3A_118 = tpu.memref_slice %arg3[%add3A_100] : memref<331776xi32, #tpu.memory_space<hbm>> -> memref<128xi32, #tpu.memory_space<hbm>>
        tpu.wait_dma2 semaphore(%run_scoped3A_114 : memref<!tpu.dma_semaphore, #tpu.memory_space<semaphore_mem>>) src(%dma_wait3A_118 : memref<128xi32, #tpu.memory_space<hbm>>) dst(%arg8 : memref<128xi32, #tpu.memory_space<vmem>>)
        tpu.yield
      }) : () -> ()
      %dma_wait3A_101 = arith.constant 1 : i32
      %dma_wait3A_102 = arith.constant 1 : i32
      %dma_wait3A_103 = arith.constant 0 : i32
      %dma_wait3A_104 = arith.constant 0 : i32
      %dma_wait3A_105 = tpu.memref_slice %arg9[%dma_wait3A_102, %dma_wait3A_103, %dma_wait3A_104] : memref<2x128x128xf32, #tpu.memory_space<vmem>> -> memref<1x128x128xf32, #tpu.memory_space<vmem>>
      %dma_wait3A_106 = tpu.memref_squeeze %dma_wait3A_105 : memref<1x128x128xf32, #tpu.memory_space<vmem>> -> memref<128x128xf32, #tpu.memory_space<vmem>>
      %dma_wait3A_107 = arith.constant 0 : i32
      %dma_wait3A_108 = tpu.memref_slice %arg7[%dma_wait3A_101, %dma_wait3A_107] : memref<2x128xi32, #tpu.memory_space<vmem>> -> memref<1x128xi32, #tpu.memory_space<vmem>>
      %dma_wait3A_109 = tpu.memref_squeeze %dma_wait3A_108 : memref<1x128xi32, #tpu.memory_space<vmem>> -> memref<128xi32, #tpu.memory_space<vmem>>
      %dma_wait3A_110 = arith.constant 0 : i32
      %dma_wait3A_111 = arith.constant 0 : i32
      %dma_wait3A_112 = tpu.memref_slice %arg4[%dma_wait3A_110, %dma_wait3A_111] : memref<10240x128xf32, #tpu.memory_space<hbm>> -> memref<10240x128xf32, #tpu.memory_space<hbm>>
      tpu.wait_indirect_dma semaphore(%arg11 : memref<!tpu.dma_semaphore, #tpu.memory_space<semaphore_mem>>) src(%dma_wait3A_112 : memref<10240x128xf32, #tpu.memory_space<hbm>>) dst(%dma_wait3A_106 : memref<128x128xf32, #tpu.memory_space<vmem>>)
      %run_scoped3A_113 = arith.constant 1 : i32
      "tpu.region"() ({
        %run_scoped3A_114 = tpu.sem_alloc : memref<!tpu.dma_semaphore, #tpu.memory_space<semaphore_mem>>
        %dma_start3A_115 = arith.constant 0 : i32
        %dma_start3A_116 = arith.constant 0 : i32
        %dma_start3A_117 = tpu.memref_slice %arg9[%run_scoped3A_113, %dma_start3A_115, %dma_start3A_116] : memref<2x128x128xf32, #tpu.memory_space<vmem>> -> memref<1x128x128xf32, #tpu.memory_space<vmem>>
        %dma_start3A_118 = tpu.memref_squeeze %dma_start3A_117 : memref<1x128x128xf32, #tpu.memory_space<vmem>> -> memref<128x128xf32, #tpu.memory_space<vmem>>
        %dma_start3A_119 = arith.constant 0 : i32
        %dma_start3A_120 = arith.constant 0 : i32
        %dma_start3A_121 = tpu.memref_slice %arg12[%dma_start3A_119, %dma_start3A_120] : memref<10240x128xf32, #tpu.memory_space<vmem_shared>> -> memref<10240x128xf32, #tpu.memory_space<vmem_shared>>
        tpu.enqueue_indirect_dma source(%dma_start3A_118 : memref<128x128xf32, #tpu.memory_space<vmem>>) target(%dma_start3A_121 : memref<10240x128xf32, #tpu.memory_space<vmem_shared>>) offsets(%arg8 : memref<128xi32, #tpu.memory_space<vmem>>) semaphore(%run_scoped3A_114 : memref<!tpu.dma_semaphore, #tpu.memory_space<semaphore_mem>>) {add = true}
        %dma_wait3A_122 = arith.constant 0 : i32
        %dma_wait3A_123 = arith.constant 0 : i32
        %dma_wait3A_124 = tpu.memref_slice %arg9[%run_scoped3A_113, %dma_wait3A_122, %dma_wait3A_123] : memref<2x128x128xf32, #tpu.memory_space<vmem>> -> memref<1x128x128xf32, #tpu.memory_space<vmem>>
        %dma_wait3A_125 = tpu.memref_squeeze %dma_wait3A_124 : memref<1x128x128xf32, #tpu.memory_space<vmem>> -> memref<128x128xf32, #tpu.memory_space<vmem>>
        %dma_wait3A_126 = arith.constant 0 : i32
        %dma_wait3A_127 = arith.constant 0 : i32
        %dma_wait3A_128 = tpu.memref_slice %arg12[%dma_wait3A_126, %dma_wait3A_127] : memref<10240x128xf32, #tpu.memory_space<vmem_shared>> -> memref<10240x128xf32, #tpu.memory_space<vmem_shared>>
        tpu.wait_indirect_dma semaphore(%run_scoped3A_114 : memref<!tpu.dma_semaphore, #tpu.memory_space<semaphore_mem>>) src(%dma_wait3A_125 : memref<128x128xf32, #tpu.memory_space<vmem>>) dst(%dma_wait3A_128 : memref<10240x128xf32, #tpu.memory_space<vmem_shared>>)
        tpu.yield
      }) : () -> ()
    }
    %barrier3A_53 = arith.constant 0 : index
    tpu.barrier barrier_id(%barrier3A_53)
    %mul3A_54 = arith.constant 640 : i32
    %mul3A_55 = arith.muli %arg1, %mul3A_54 : i32
    %mul3A_56 = arith.constant 10240 : i32
    %mul3A_57 = arith.muli %arg0, %mul3A_56 : i32
    %mul3A_58 = arith.constant 640 : i32
    %mul3A_59 = arith.muli %arg1, %mul3A_58 : i32
    %add3A_60 = arith.addi %mul3A_57, %mul3A_59 : i32
    "tpu.region"() ({
      %run_scoped3A_61 = tpu.sem_alloc : memref<!tpu.dma_semaphore, #tpu.memory_space<semaphore_mem>>
      %dma_start3A_62 = arith.constant 0 : i32
      %dma_start3A_63 = tpu.memref_slice %arg6[%add3A_60, %dma_start3A_62] : memref<20480x128xf32, #tpu.memory_space<hbm>> -> memref<640x128xf32, #tpu.memory_space<hbm>>
      %dma_start3A_64 = arith.constant 0 : i32
      %dma_start3A_65 = tpu.memref_slice %arg12[%mul3A_55, %dma_start3A_64] : memref<10240x128xf32, #tpu.memory_space<vmem_shared>> -> memref<640x128xf32, #tpu.memory_space<vmem_shared>>
      tpu.enqueue_dma source(%dma_start3A_65 : memref<640x128xf32, #tpu.memory_space<vmem_shared>>) target(%dma_start3A_63 : memref<640x128xf32, #tpu.memory_space<hbm>>) target_semaphore(%run_scoped3A_61 : memref<!tpu.dma_semaphore, #tpu.memory_space<semaphore_mem>>)
      %dma_wait3A = arith.constant 0 : i32
      %dma_wait3A_66 = tpu.memref_slice %arg6[%add3A_60, %dma_wait3A] : memref<20480x128xf32, #tpu.memory_space<hbm>> -> memref<640x128xf32, #tpu.memory_space<hbm>>
      %dma_wait3A_67 = arith.constant 0 : i32
      %dma_wait3A_68 = tpu.memref_slice %arg12[%mul3A_55, %dma_wait3A_67] : memref<10240x128xf32, #tpu.memory_space<vmem_shared>> -> memref<640x128xf32, #tpu.memory_space<vmem_shared>>
      tpu.wait_dma2 semaphore(%run_scoped3A_61 : memref<!tpu.dma_semaphore, #tpu.memory_space<semaphore_mem>>) src(%dma_wait3A_68 : memref<640x128xf32, #tpu.memory_space<vmem_shared>>) dst(%dma_wait3A_66 : memref<640x128xf32, #tpu.memory_space<hbm>>)
      tpu.yield
    }) : () -> ()
    return
  }
}

#map = affine_map<(d0, d1) -> (0)>
#map1 = affine_map<(d0, d1) -> (0, 0)>
module attributes {stable_mosaic.version = 14 : i64} {
  func.func @_sc_gs_body(%arg0: i32, %arg1: i32, %arg2: memref<331776xi32, #tpu.memory_space<hbm>>, %arg3: memref<331776xi32, #tpu.memory_space<hbm>>, %arg4: memref<10240x128xf32, #tpu.memory_space<hbm>>, %arg5: memref<10240x128xf32, #tpu.memory_space<hbm>>, %arg6: memref<20480x128xf32, #tpu.memory_space<hbm>>, %arg7: memref<2x128xi32, #tpu.memory_space<vmem>>, %arg8: memref<128xi32, #tpu.memory_space<vmem>>, %arg9: memref<2x128x128xf32, #tpu.memory_space<vmem>>, %arg10: memref<!tpu.dma_semaphore, #tpu.memory_space<semaphore_mem>>, %arg11: memref<!tpu.dma_semaphore, #tpu.memory_space<semaphore_mem>>, %arg12: memref<10240x128xf32, #tpu.memory_space<vmem_shared>>) attributes {dimension_semantics = [#tpu.dimension_semantics<core_parallel>, #tpu.dimension_semantics<subcore_parallel>], iteration_bounds = array<i64: 2, 16>, scalar_prefetch = 0 : i64, scratch_operands = 6 : i64, tpu.core_type = #tpu.core_type<sc_vector_subcore>, window_params = [{transform_indices = #map}, {transform_indices = #map}, {transform_indices = #map1}, {transform_indices = #map1}, {transform_indices = #map1}]} {
    %eq3A = arith.constant 0 : i32
    %eq3A_0 = arith.cmpi eq, %arg0, %eq3A : i32
    %jit3A = arith.constant 112 : i32
    %jit3A_1 = arith.constant 50 : i32
    %select_n3A = arith.select %eq3A_0, %jit3A, %jit3A_1 : i32
    %eq3A_2 = arith.constant 0 : i32
    %eq3A_3 = arith.cmpi eq, %arg0, %eq3A_2 : i32
    %mul3A = arith.constant 14336 : i32
    %mul3A_4 = arith.muli %arg1, %mul3A : i32
    %mul3A_5 = arith.constant 6400 : i32
    %mul3A_6 = arith.muli %arg1, %mul3A_5 : i32
    %add3A = arith.constant 229376 : i32
    %add3A_7 = arith.addi %add3A, %mul3A_6 : i32
    %select_n3A_8 = arith.select %eq3A_3, %mul3A_4, %add3A_7 : i32
    %mul3A_9 = arith.constant 640 : i32
    %mul3A_10 = arith.muli %arg1, %mul3A_9 : i32
    %mul3A_11 = arith.constant 640 : i32
    %mul3A_12 = arith.muli %arg1, %mul3A_11 : i32
    "tpu.region"() ({
      %run_scoped3A_61 = tpu.sem_alloc : memref<!tpu.dma_semaphore, #tpu.memory_space<semaphore_mem>>
      %dma_start3A_62 = arith.constant 0 : i32
      %dma_start3A_63 = tpu.memref_slice %arg12[%mul3A_12, %dma_start3A_62] : memref<10240x128xf32, #tpu.memory_space<vmem_shared>> -> memref<640x128xf32, #tpu.memory_space<vmem_shared>>
      %dma_start3A_64 = arith.constant 0 : i32
      %dma_start3A_65 = tpu.memref_slice %arg5[%mul3A_10, %dma_start3A_64] : memref<10240x128xf32, #tpu.memory_space<hbm>> -> memref<640x128xf32, #tpu.memory_space<hbm>>
      tpu.enqueue_dma source(%dma_start3A_65 : memref<640x128xf32, #tpu.memory_space<hbm>>) target(%dma_start3A_63 : memref<640x128xf32, #tpu.memory_space<vmem_shared>>) target_semaphore(%run_scoped3A_61 : memref<!tpu.dma_semaphore, #tpu.memory_space<semaphore_mem>>)
      %dma_wait3A = arith.constant 0 : i32
      %dma_wait3A_66 = tpu.memref_slice %arg12[%mul3A_12, %dma_wait3A] : memref<10240x128xf32, #tpu.memory_space<vmem_shared>> -> memref<640x128xf32, #tpu.memory_space<vmem_shared>>
      %dma_wait3A_67 = arith.constant 0 : i32
      %dma_wait3A_68 = tpu.memref_slice %arg5[%mul3A_10, %dma_wait3A_67] : memref<10240x128xf32, #tpu.memory_space<hbm>> -> memref<640x128xf32, #tpu.memory_space<hbm>>
      tpu.wait_dma2 semaphore(%run_scoped3A_61 : memref<!tpu.dma_semaphore, #tpu.memory_space<semaphore_mem>>) src(%dma_wait3A_68 : memref<640x128xf32, #tpu.memory_space<hbm>>) dst(%dma_wait3A_66 : memref<640x128xf32, #tpu.memory_space<vmem_shared>>)
      tpu.yield
    }) : () -> ()
    %barrier3A = arith.constant 0 : index
    tpu.barrier barrier_id(%barrier3A)
    %add3A_13 = arith.constant 0 : i32
    %add3A_14 = arith.addi %select_n3A_8, %add3A_13 : i32
    %run_scoped3A = arith.constant 0 : i32
    "tpu.region"() ({
      %run_scoped3A_61 = tpu.sem_alloc : memref<!tpu.dma_semaphore, #tpu.memory_space<semaphore_mem>>
      %dma_start3A_62 = arith.constant 0 : i32
      %dma_start3A_63 = tpu.memref_slice %arg7[%run_scoped3A, %dma_start3A_62] : memref<2x128xi32, #tpu.memory_space<vmem>> -> memref<1x128xi32, #tpu.memory_space<vmem>>
      %dma_start3A_64 = tpu.memref_squeeze %dma_start3A_63 : memref<1x128xi32, #tpu.memory_space<vmem>> -> memref<128xi32, #tpu.memory_space<vmem>>
      %dma_start3A_65 = tpu.memref_slice %arg2[%add3A_14] : memref<331776xi32, #tpu.memory_space<hbm>> -> memref<128xi32, #tpu.memory_space<hbm>>
      %dma_start3A_66 = arith.constant 0 : i32
      %dma_start3A_67 = tpu.memref_slice %arg7[%run_scoped3A, %dma_start3A_66] : memref<2x128xi32, #tpu.memory_space<vmem>> -> memref<1x128xi32, #tpu.memory_space<vmem>>
      %dma_start3A_68 = tpu.memref_squeeze %dma_start3A_67 : memref<1x128xi32, #tpu.memory_space<vmem>> -> memref<128xi32, #tpu.memory_space<vmem>>
      %dma_start3A_69 = tpu.memref_slice %arg2[%add3A_14] : memref<331776xi32, #tpu.memory_space<hbm>> -> memref<128xi32, #tpu.memory_space<hbm>>
      tpu.enqueue_dma source(%dma_start3A_69 : memref<128xi32, #tpu.memory_space<hbm>>) target(%dma_start3A_68 : memref<128xi32, #tpu.memory_space<vmem>>) target_semaphore(%run_scoped3A_61 : memref<!tpu.dma_semaphore, #tpu.memory_space<semaphore_mem>>)
      %dma_wait3A = arith.constant 0 : i32
      %dma_wait3A_70 = tpu.memref_slice %arg7[%run_scoped3A, %dma_wait3A] : memref<2x128xi32, #tpu.memory_space<vmem>> -> memref<1x128xi32, #tpu.memory_space<vmem>>
      %dma_wait3A_71 = tpu.memref_squeeze %dma_wait3A_70 : memref<1x128xi32, #tpu.memory_space<vmem>> -> memref<128xi32, #tpu.memory_space<vmem>>
      %dma_wait3A_72 = tpu.memref_slice %arg2[%add3A_14] : memref<331776xi32, #tpu.memory_space<hbm>> -> memref<128xi32, #tpu.memory_space<hbm>>
      %dma_wait3A_73 = arith.constant 0 : i32
      %dma_wait3A_74 = tpu.memref_slice %arg7[%run_scoped3A, %dma_wait3A_73] : memref<2x128xi32, #tpu.memory_space<vmem>> -> memref<1x128xi32, #tpu.memory_space<vmem>>
      %dma_wait3A_75 = tpu.memref_squeeze %dma_wait3A_74 : memref<1x128xi32, #tpu.memory_space<vmem>> -> memref<128xi32, #tpu.memory_space<vmem>>
      %dma_wait3A_76 = tpu.memref_slice %arg2[%add3A_14] : memref<331776xi32, #tpu.memory_space<hbm>> -> memref<128xi32, #tpu.memory_space<hbm>>
      tpu.wait_dma2 semaphore(%run_scoped3A_61 : memref<!tpu.dma_semaphore, #tpu.memory_space<semaphore_mem>>) src(%dma_wait3A_76 : memref<128xi32, #tpu.memory_space<hbm>>) dst(%dma_wait3A_75 : memref<128xi32, #tpu.memory_space<vmem>>)
      tpu.yield
    }) : () -> ()
    %dma_start3A = arith.constant 0 : i32
    %dma_start3A_15 = arith.constant 0 : i32
    %dma_start3A_16 = arith.constant 0 : i32
    %dma_start3A_17 = arith.constant 0 : i32
    %dma_start3A_18 = tpu.memref_slice %arg9[%dma_start3A_15, %dma_start3A_16, %dma_start3A_17] : memref<2x128x128xf32, #tpu.memory_space<vmem>> -> memref<1x128x128xf32, #tpu.memory_space<vmem>>
    %dma_start3A_19 = tpu.memref_squeeze %dma_start3A_18 : memref<1x128x128xf32, #tpu.memory_space<vmem>> -> memref<128x128xf32, #tpu.memory_space<vmem>>
    %dma_start3A_20 = arith.constant 0 : i32
    %dma_start3A_21 = tpu.memref_slice %arg7[%dma_start3A, %dma_start3A_20] : memref<2x128xi32, #tpu.memory_space<vmem>> -> memref<1x128xi32, #tpu.memory_space<vmem>>
    %dma_start3A_22 = tpu.memref_squeeze %dma_start3A_21 : memref<1x128xi32, #tpu.memory_space<vmem>> -> memref<128xi32, #tpu.memory_space<vmem>>
    %dma_start3A_23 = arith.constant 0 : i32
    %dma_start3A_24 = arith.constant 0 : i32
    %dma_start3A_25 = tpu.memref_slice %arg4[%dma_start3A_23, %dma_start3A_24] : memref<10240x128xf32, #tpu.memory_space<hbm>> -> memref<10240x128xf32, #tpu.memory_space<hbm>>
    tpu.enqueue_indirect_dma source(%dma_start3A_25 : memref<10240x128xf32, #tpu.memory_space<hbm>>) target(%dma_start3A_19 : memref<128x128xf32, #tpu.memory_space<vmem>>) offsets(%dma_start3A_22 : memref<128xi32, #tpu.memory_space<vmem>>) semaphore(%arg10 : memref<!tpu.dma_semaphore, #tpu.memory_space<semaphore_mem>>)
    %jit3A_26 = arith.constant 2 : i32
    %div3A = arith.divsi %select_n3A, %jit3A_26 : i32
    %sign3A = arith.constant 0 : i32
    %sign3A_27 = arith.cmpi sgt, %select_n3A, %sign3A : i32
    %sign3A_28 = arith.extui %sign3A_27 : i1 to i32
    %sign3A_29 = arith.constant 0 : i32
    %sign3A_30 = arith.cmpi slt, %select_n3A, %sign3A_29 : i32
    %sign3A_31 = arith.extui %sign3A_30 : i1 to i32
    %sign3A_32 = arith.subi %sign3A_28, %sign3A_31 : i32
    %sign3A_33 = arith.constant 0 : i32
    %sign3A_34 = arith.cmpi sgt, %jit3A_26, %sign3A_33 : i32
    %sign3A_35 = arith.extui %sign3A_34 : i1 to i32
    %sign3A_36 = arith.constant 0 : i32
    %sign3A_37 = arith.cmpi slt, %jit3A_26, %sign3A_36 : i32
    %sign3A_38 = arith.extui %sign3A_37 : i1 to i32
    %sign3A_39 = arith.subi %sign3A_35, %sign3A_38 : i32
    %ne3A = arith.cmpi ne, %sign3A_32, %sign3A_39 : i32
    %rem3A = arith.remsi %select_n3A, %jit3A_26 : i32
    %ne3A_40 = arith.constant 0 : i32
    %ne3A_41 = arith.cmpi ne, %rem3A, %ne3A_40 : i32
    %and3A = arith.andi %ne3A, %ne3A_41 : i1
    %sub3A = arith.constant 1 : i32
    %sub3A_42 = arith.subi %div3A, %sub3A : i32
    %select_n3A_43 = arith.select %and3A, %sub3A_42, %div3A : i32
    %while3A = arith.constant 0 : i32
    %while3A_44 = arith.constant 0 : i32
    %while3A_45 = arith.subi %select_n3A_43, %while3A_44 : i32
    %while3A_46 = arith.addi %while3A_44, %while3A_45 : i32
    %while3A_47 = arith.constant 1 : i32
    %while3A_48 = arith.divsi %while3A_45, %while3A_47 : i32
    %while3A_49 = arith.muli %while3A_48, %while3A_47 : i32
    %while3A_50 = arith.addi %while3A_44, %while3A_49 : i32
    %while3A_51 = arith.constant 1 : i32
    scf.for %while3A_61 = %while3A_44 to %while3A_50 step %while3A_51  : i32 {
      %mul3A_62 = arith.constant 2 : i32
      %mul3A_63 = arith.muli %while3A_61, %mul3A_62 : i32
      %add3A_64 = arith.constant 0 : i32
      %add3A_65 = arith.addi %mul3A_63, %add3A_64 : i32
      %add3A_66 = arith.constant 2 : i32
      %add3A_67 = arith.addi %add3A_65, %add3A_66 : i32
      %sub3A_68 = arith.constant 1 : i32
      %sub3A_69 = arith.subi %add3A_67, %sub3A_68 : i32
      %lt3A = arith.cmpi slt, %sub3A_69, %select_n3A : i32
      %convert_element_type3A = arith.extui %lt3A : i1 to i32
      %cond3A = arith.constant 0 : i32
      %cond3A_70 = arith.cmpi ne, %convert_element_type3A, %cond3A : i32
      scf.if %cond3A_70 {
        %mul3A_114 = arith.constant 128 : i32
        %mul3A_115 = arith.muli %sub3A_69, %mul3A_114 : i32
        %add3A_116 = arith.addi %select_n3A_8, %mul3A_115 : i32
        %run_scoped3A_117 = arith.constant 1 : i32
        "tpu.region"() ({
          %run_scoped3A_130 = tpu.sem_alloc : memref<!tpu.dma_semaphore, #tpu.memory_space<semaphore_mem>>
          %dma_start3A_131 = arith.constant 0 : i32
          %dma_start3A_132 = tpu.memref_slice %arg7[%run_scoped3A_117, %dma_start3A_131] : memref<2x128xi32, #tpu.memory_space<vmem>> -> memref<1x128xi32, #tpu.memory_space<vmem>>
          %dma_start3A_133 = tpu.memref_squeeze %dma_start3A_132 : memref<1x128xi32, #tpu.memory_space<vmem>> -> memref<128xi32, #tpu.memory_space<vmem>>
          %dma_start3A_134 = tpu.memref_slice %arg2[%add3A_116] : memref<331776xi32, #tpu.memory_space<hbm>> -> memref<128xi32, #tpu.memory_space<hbm>>
          %dma_start3A_135 = arith.constant 0 : i32
          %dma_start3A_136 = tpu.memref_slice %arg7[%run_scoped3A_117, %dma_start3A_135] : memref<2x128xi32, #tpu.memory_space<vmem>> -> memref<1x128xi32, #tpu.memory_space<vmem>>
          %dma_start3A_137 = tpu.memref_squeeze %dma_start3A_136 : memref<1x128xi32, #tpu.memory_space<vmem>> -> memref<128xi32, #tpu.memory_space<vmem>>
          %dma_start3A_138 = tpu.memref_slice %arg2[%add3A_116] : memref<331776xi32, #tpu.memory_space<hbm>> -> memref<128xi32, #tpu.memory_space<hbm>>
          tpu.enqueue_dma source(%dma_start3A_138 : memref<128xi32, #tpu.memory_space<hbm>>) target(%dma_start3A_137 : memref<128xi32, #tpu.memory_space<vmem>>) target_semaphore(%run_scoped3A_130 : memref<!tpu.dma_semaphore, #tpu.memory_space<semaphore_mem>>)
          %dma_wait3A_139 = arith.constant 0 : i32
          %dma_wait3A_140 = tpu.memref_slice %arg7[%run_scoped3A_117, %dma_wait3A_139] : memref<2x128xi32, #tpu.memory_space<vmem>> -> memref<1x128xi32, #tpu.memory_space<vmem>>
          %dma_wait3A_141 = tpu.memref_squeeze %dma_wait3A_140 : memref<1x128xi32, #tpu.memory_space<vmem>> -> memref<128xi32, #tpu.memory_space<vmem>>
          %dma_wait3A_142 = tpu.memref_slice %arg2[%add3A_116] : memref<331776xi32, #tpu.memory_space<hbm>> -> memref<128xi32, #tpu.memory_space<hbm>>
          %dma_wait3A_143 = arith.constant 0 : i32
          %dma_wait3A_144 = tpu.memref_slice %arg7[%run_scoped3A_117, %dma_wait3A_143] : memref<2x128xi32, #tpu.memory_space<vmem>> -> memref<1x128xi32, #tpu.memory_space<vmem>>
          %dma_wait3A_145 = tpu.memref_squeeze %dma_wait3A_144 : memref<1x128xi32, #tpu.memory_space<vmem>> -> memref<128xi32, #tpu.memory_space<vmem>>
          %dma_wait3A_146 = tpu.memref_slice %arg2[%add3A_116] : memref<331776xi32, #tpu.memory_space<hbm>> -> memref<128xi32, #tpu.memory_space<hbm>>
          tpu.wait_dma2 semaphore(%run_scoped3A_130 : memref<!tpu.dma_semaphore, #tpu.memory_space<semaphore_mem>>) src(%dma_wait3A_146 : memref<128xi32, #tpu.memory_space<hbm>>) dst(%dma_wait3A_145 : memref<128xi32, #tpu.memory_space<vmem>>)
          tpu.yield
        }) : () -> ()
        %dma_start3A_118 = arith.constant 1 : i32
        %dma_start3A_119 = arith.constant 1 : i32
        %dma_start3A_120 = arith.constant 0 : i32
        %dma_start3A_121 = arith.constant 0 : i32
        %dma_start3A_122 = tpu.memref_slice %arg9[%dma_start3A_119, %dma_start3A_120, %dma_start3A_121] : memref<2x128x128xf32, #tpu.memory_space<vmem>> -> memref<1x128x128xf32, #tpu.memory_space<vmem>>
        %dma_start3A_123 = tpu.memref_squeeze %dma_start3A_122 : memref<1x128x128xf32, #tpu.memory_space<vmem>> -> memref<128x128xf32, #tpu.memory_space<vmem>>
        %dma_start3A_124 = arith.constant 0 : i32
        %dma_start3A_125 = tpu.memref_slice %arg7[%dma_start3A_118, %dma_start3A_124] : memref<2x128xi32, #tpu.memory_space<vmem>> -> memref<1x128xi32, #tpu.memory_space<vmem>>
        %dma_start3A_126 = tpu.memref_squeeze %dma_start3A_125 : memref<1x128xi32, #tpu.memory_space<vmem>> -> memref<128xi32, #tpu.memory_space<vmem>>
        %dma_start3A_127 = arith.constant 0 : i32
        %dma_start3A_128 = arith.constant 0 : i32
        %dma_start3A_129 = tpu.memref_slice %arg4[%dma_start3A_127, %dma_start3A_128] : memref<10240x128xf32, #tpu.memory_space<hbm>> -> memref<10240x128xf32, #tpu.memory_space<hbm>>
        tpu.enqueue_indirect_dma source(%dma_start3A_129 : memref<10240x128xf32, #tpu.memory_space<hbm>>) target(%dma_start3A_123 : memref<128x128xf32, #tpu.memory_space<vmem>>) offsets(%dma_start3A_126 : memref<128xi32, #tpu.memory_space<vmem>>) semaphore(%arg11 : memref<!tpu.dma_semaphore, #tpu.memory_space<semaphore_mem>>)
      } else {
      }
      %mul3A_71 = arith.constant 128 : i32
      %mul3A_72 = arith.muli %add3A_65, %mul3A_71 : i32
      %add3A_73 = arith.addi %select_n3A_8, %mul3A_72 : i32
      "tpu.region"() ({
        %run_scoped3A_114 = tpu.sem_alloc : memref<!tpu.dma_semaphore, #tpu.memory_space<semaphore_mem>>
        %dma_start3A_115 = tpu.memref_slice %arg3[%add3A_73] : memref<331776xi32, #tpu.memory_space<hbm>> -> memref<128xi32, #tpu.memory_space<hbm>>
        %dma_start3A_116 = tpu.memref_slice %arg3[%add3A_73] : memref<331776xi32, #tpu.memory_space<hbm>> -> memref<128xi32, #tpu.memory_space<hbm>>
        tpu.enqueue_dma source(%dma_start3A_116 : memref<128xi32, #tpu.memory_space<hbm>>) target(%arg8 : memref<128xi32, #tpu.memory_space<vmem>>) target_semaphore(%run_scoped3A_114 : memref<!tpu.dma_semaphore, #tpu.memory_space<semaphore_mem>>)
        %dma_wait3A_117 = tpu.memref_slice %arg3[%add3A_73] : memref<331776xi32, #tpu.memory_space<hbm>> -> memref<128xi32, #tpu.memory_space<hbm>>
        %dma_wait3A_118 = tpu.memref_slice %arg3[%add3A_73] : memref<331776xi32, #tpu.memory_space<hbm>> -> memref<128xi32, #tpu.memory_space<hbm>>
        tpu.wait_dma2 semaphore(%run_scoped3A_114 : memref<!tpu.dma_semaphore, #tpu.memory_space<semaphore_mem>>) src(%dma_wait3A_118 : memref<128xi32, #tpu.memory_space<hbm>>) dst(%arg8 : memref<128xi32, #tpu.memory_space<vmem>>)
        tpu.yield
      }) : () -> ()
      %dma_wait3A = arith.constant 0 : i32
      %dma_wait3A_74 = arith.constant 0 : i32
      %dma_wait3A_75 = arith.constant 0 : i32
      %dma_wait3A_76 = arith.constant 0 : i32
      %dma_wait3A_77 = tpu.memref_slice %arg9[%dma_wait3A_74, %dma_wait3A_75, %dma_wait3A_76] : memref<2x128x128xf32, #tpu.memory_space<vmem>> -> memref<1x128x128xf32, #tpu.memory_space<vmem>>
      %dma_wait3A_78 = tpu.memref_squeeze %dma_wait3A_77 : memref<1x128x128xf32, #tpu.memory_space<vmem>> -> memref<128x128xf32, #tpu.memory_space<vmem>>
      %dma_wait3A_79 = arith.constant 0 : i32
      %dma_wait3A_80 = tpu.memref_slice %arg7[%dma_wait3A, %dma_wait3A_79] : memref<2x128xi32, #tpu.memory_space<vmem>> -> memref<1x128xi32, #tpu.memory_space<vmem>>
      %dma_wait3A_81 = tpu.memref_squeeze %dma_wait3A_80 : memref<1x128xi32, #tpu.memory_space<vmem>> -> memref<128xi32, #tpu.memory_space<vmem>>
      %dma_wait3A_82 = arith.constant 0 : i32
      %dma_wait3A_83 = arith.constant 0 : i32
      %dma_wait3A_84 = tpu.memref_slice %arg4[%dma_wait3A_82, %dma_wait3A_83] : memref<10240x128xf32, #tpu.memory_space<hbm>> -> memref<10240x128xf32, #tpu.memory_space<hbm>>
      tpu.wait_indirect_dma semaphore(%arg10 : memref<!tpu.dma_semaphore, #tpu.memory_space<semaphore_mem>>) src(%dma_wait3A_84 : memref<10240x128xf32, #tpu.memory_space<hbm>>) dst(%dma_wait3A_78 : memref<128x128xf32, #tpu.memory_space<vmem>>)
      %run_scoped3A_85 = arith.constant 0 : i32
      "tpu.region"() ({
        %run_scoped3A_114 = tpu.sem_alloc : memref<!tpu.dma_semaphore, #tpu.memory_space<semaphore_mem>>
        %dma_start3A_115 = arith.constant 0 : i32
        %dma_start3A_116 = arith.constant 0 : i32
        %dma_start3A_117 = tpu.memref_slice %arg9[%run_scoped3A_85, %dma_start3A_115, %dma_start3A_116] : memref<2x128x128xf32, #tpu.memory_space<vmem>> -> memref<1x128x128xf32, #tpu.memory_space<vmem>>
        %dma_start3A_118 = tpu.memref_squeeze %dma_start3A_117 : memref<1x128x128xf32, #tpu.memory_space<vmem>> -> memref<128x128xf32, #tpu.memory_space<vmem>>
        %dma_start3A_119 = arith.constant 0 : i32
        %dma_start3A_120 = arith.constant 0 : i32
        %dma_start3A_121 = tpu.memref_slice %arg12[%dma_start3A_119, %dma_start3A_120] : memref<10240x128xf32, #tpu.memory_space<vmem_shared>> -> memref<10240x128xf32, #tpu.memory_space<vmem_shared>>
        tpu.enqueue_indirect_dma source(%dma_start3A_118 : memref<128x128xf32, #tpu.memory_space<vmem>>) target(%dma_start3A_121 : memref<10240x128xf32, #tpu.memory_space<vmem_shared>>) offsets(%arg8 : memref<128xi32, #tpu.memory_space<vmem>>) semaphore(%run_scoped3A_114 : memref<!tpu.dma_semaphore, #tpu.memory_space<semaphore_mem>>) {add = true}
        %dma_wait3A_122 = arith.constant 0 : i32
        %dma_wait3A_123 = arith.constant 0 : i32
        %dma_wait3A_124 = tpu.memref_slice %arg9[%run_scoped3A_85, %dma_wait3A_122, %dma_wait3A_123] : memref<2x128x128xf32, #tpu.memory_space<vmem>> -> memref<1x128x128xf32, #tpu.memory_space<vmem>>
        %dma_wait3A_125 = tpu.memref_squeeze %dma_wait3A_124 : memref<1x128x128xf32, #tpu.memory_space<vmem>> -> memref<128x128xf32, #tpu.memory_space<vmem>>
        %dma_wait3A_126 = arith.constant 0 : i32
        %dma_wait3A_127 = arith.constant 0 : i32
        %dma_wait3A_128 = tpu.memref_slice %arg12[%dma_wait3A_126, %dma_wait3A_127] : memref<10240x128xf32, #tpu.memory_space<vmem_shared>> -> memref<10240x128xf32, #tpu.memory_space<vmem_shared>>
        tpu.wait_indirect_dma semaphore(%run_scoped3A_114 : memref<!tpu.dma_semaphore, #tpu.memory_space<semaphore_mem>>) src(%dma_wait3A_125 : memref<128x128xf32, #tpu.memory_space<vmem>>) dst(%dma_wait3A_128 : memref<10240x128xf32, #tpu.memory_space<vmem_shared>>)
        tpu.yield
      }) : () -> ()
      %mul3A_86 = arith.constant 2 : i32
      %mul3A_87 = arith.muli %while3A_61, %mul3A_86 : i32
      %add3A_88 = arith.constant 1 : i32
      %add3A_89 = arith.addi %mul3A_87, %add3A_88 : i32
      %add3A_90 = arith.constant 2 : i32
      %add3A_91 = arith.addi %add3A_89, %add3A_90 : i32
      %sub3A_92 = arith.constant 1 : i32
      %sub3A_93 = arith.subi %add3A_91, %sub3A_92 : i32
      %lt3A_94 = arith.cmpi slt, %sub3A_93, %select_n3A : i32
      %convert_element_type3A_95 = arith.extui %lt3A_94 : i1 to i32
      %cond3A_96 = arith.constant 0 : i32
      %cond3A_97 = arith.cmpi ne, %convert_element_type3A_95, %cond3A_96 : i32
      scf.if %cond3A_97 {
        %mul3A_114 = arith.constant 128 : i32
        %mul3A_115 = arith.muli %sub3A_93, %mul3A_114 : i32
        %add3A_116 = arith.addi %select_n3A_8, %mul3A_115 : i32
        %run_scoped3A_117 = arith.constant 0 : i32
        "tpu.region"() ({
          %run_scoped3A_130 = tpu.sem_alloc : memref<!tpu.dma_semaphore, #tpu.memory_space<semaphore_mem>>
          %dma_start3A_131 = arith.constant 0 : i32
          %dma_start3A_132 = tpu.memref_slice %arg7[%run_scoped3A_117, %dma_start3A_131] : memref<2x128xi32, #tpu.memory_space<vmem>> -> memref<1x128xi32, #tpu.memory_space<vmem>>
          %dma_start3A_133 = tpu.memref_squeeze %dma_start3A_132 : memref<1x128xi32, #tpu.memory_space<vmem>> -> memref<128xi32, #tpu.memory_space<vmem>>
          %dma_start3A_134 = tpu.memref_slice %arg2[%add3A_116] : memref<331776xi32, #tpu.memory_space<hbm>> -> memref<128xi32, #tpu.memory_space<hbm>>
          %dma_start3A_135 = arith.constant 0 : i32
          %dma_start3A_136 = tpu.memref_slice %arg7[%run_scoped3A_117, %dma_start3A_135] : memref<2x128xi32, #tpu.memory_space<vmem>> -> memref<1x128xi32, #tpu.memory_space<vmem>>
          %dma_start3A_137 = tpu.memref_squeeze %dma_start3A_136 : memref<1x128xi32, #tpu.memory_space<vmem>> -> memref<128xi32, #tpu.memory_space<vmem>>
          %dma_start3A_138 = tpu.memref_slice %arg2[%add3A_116] : memref<331776xi32, #tpu.memory_space<hbm>> -> memref<128xi32, #tpu.memory_space<hbm>>
          tpu.enqueue_dma source(%dma_start3A_138 : memref<128xi32, #tpu.memory_space<hbm>>) target(%dma_start3A_137 : memref<128xi32, #tpu.memory_space<vmem>>) target_semaphore(%run_scoped3A_130 : memref<!tpu.dma_semaphore, #tpu.memory_space<semaphore_mem>>)
          %dma_wait3A_139 = arith.constant 0 : i32
          %dma_wait3A_140 = tpu.memref_slice %arg7[%run_scoped3A_117, %dma_wait3A_139] : memref<2x128xi32, #tpu.memory_space<vmem>> -> memref<1x128xi32, #tpu.memory_space<vmem>>
          %dma_wait3A_141 = tpu.memref_squeeze %dma_wait3A_140 : memref<1x128xi32, #tpu.memory_space<vmem>> -> memref<128xi32, #tpu.memory_space<vmem>>
          %dma_wait3A_142 = tpu.memref_slice %arg2[%add3A_116] : memref<331776xi32, #tpu.memory_space<hbm>> -> memref<128xi32, #tpu.memory_space<hbm>>
          %dma_wait3A_143 = arith.constant 0 : i32
          %dma_wait3A_144 = tpu.memref_slice %arg7[%run_scoped3A_117, %dma_wait3A_143] : memref<2x128xi32, #tpu.memory_space<vmem>> -> memref<1x128xi32, #tpu.memory_space<vmem>>
          %dma_wait3A_145 = tpu.memref_squeeze %dma_wait3A_144 : memref<1x128xi32, #tpu.memory_space<vmem>> -> memref<128xi32, #tpu.memory_space<vmem>>
          %dma_wait3A_146 = tpu.memref_slice %arg2[%add3A_116] : memref<331776xi32, #tpu.memory_space<hbm>> -> memref<128xi32, #tpu.memory_space<hbm>>
          tpu.wait_dma2 semaphore(%run_scoped3A_130 : memref<!tpu.dma_semaphore, #tpu.memory_space<semaphore_mem>>) src(%dma_wait3A_146 : memref<128xi32, #tpu.memory_space<hbm>>) dst(%dma_wait3A_145 : memref<128xi32, #tpu.memory_space<vmem>>)
          tpu.yield
        }) : () -> ()
        %dma_start3A_118 = arith.constant 0 : i32
        %dma_start3A_119 = arith.constant 0 : i32
        %dma_start3A_120 = arith.constant 0 : i32
        %dma_start3A_121 = arith.constant 0 : i32
        %dma_start3A_122 = tpu.memref_slice %arg9[%dma_start3A_119, %dma_start3A_120, %dma_start3A_121] : memref<2x128x128xf32, #tpu.memory_space<vmem>> -> memref<1x128x128xf32, #tpu.memory_space<vmem>>
        %dma_start3A_123 = tpu.memref_squeeze %dma_start3A_122 : memref<1x128x128xf32, #tpu.memory_space<vmem>> -> memref<128x128xf32, #tpu.memory_space<vmem>>
        %dma_start3A_124 = arith.constant 0 : i32
        %dma_start3A_125 = tpu.memref_slice %arg7[%dma_start3A_118, %dma_start3A_124] : memref<2x128xi32, #tpu.memory_space<vmem>> -> memref<1x128xi32, #tpu.memory_space<vmem>>
        %dma_start3A_126 = tpu.memref_squeeze %dma_start3A_125 : memref<1x128xi32, #tpu.memory_space<vmem>> -> memref<128xi32, #tpu.memory_space<vmem>>
        %dma_start3A_127 = arith.constant 0 : i32
        %dma_start3A_128 = arith.constant 0 : i32
        %dma_start3A_129 = tpu.memref_slice %arg4[%dma_start3A_127, %dma_start3A_128] : memref<10240x128xf32, #tpu.memory_space<hbm>> -> memref<10240x128xf32, #tpu.memory_space<hbm>>
        tpu.enqueue_indirect_dma source(%dma_start3A_129 : memref<10240x128xf32, #tpu.memory_space<hbm>>) target(%dma_start3A_123 : memref<128x128xf32, #tpu.memory_space<vmem>>) offsets(%dma_start3A_126 : memref<128xi32, #tpu.memory_space<vmem>>) semaphore(%arg10 : memref<!tpu.dma_semaphore, #tpu.memory_space<semaphore_mem>>)
      } else {
      }
      %mul3A_98 = arith.constant 128 : i32
      %mul3A_99 = arith.muli %add3A_89, %mul3A_98 : i32
      %add3A_100 = arith.addi %select_n3A_8, %mul3A_99 : i32
      "tpu.region"() ({
        %run_scoped3A_114 = tpu.sem_alloc : memref<!tpu.dma_semaphore, #tpu.memory_space<semaphore_mem>>
        %dma_start3A_115 = tpu.memref_slice %arg3[%add3A_100] : memref<331776xi32, #tpu.memory_space<hbm>> -> memref<128xi32, #tpu.memory_space<hbm>>
        %dma_start3A_116 = tpu.memref_slice %arg3[%add3A_100] : memref<331776xi32, #tpu.memory_space<hbm>> -> memref<128xi32, #tpu.memory_space<hbm>>
        tpu.enqueue_dma source(%dma_start3A_116 : memref<128xi32, #tpu.memory_space<hbm>>) target(%arg8 : memref<128xi32, #tpu.memory_space<vmem>>) target_semaphore(%run_scoped3A_114 : memref<!tpu.dma_semaphore, #tpu.memory_space<semaphore_mem>>)
        %dma_wait3A_117 = tpu.memref_slice %arg3[%add3A_100] : memref<331776xi32, #tpu.memory_space<hbm>> -> memref<128xi32, #tpu.memory_space<hbm>>
        %dma_wait3A_118 = tpu.memref_slice %arg3[%add3A_100] : memref<331776xi32, #tpu.memory_space<hbm>> -> memref<128xi32, #tpu.memory_space<hbm>>
        tpu.wait_dma2 semaphore(%run_scoped3A_114 : memref<!tpu.dma_semaphore, #tpu.memory_space<semaphore_mem>>) src(%dma_wait3A_118 : memref<128xi32, #tpu.memory_space<hbm>>) dst(%arg8 : memref<128xi32, #tpu.memory_space<vmem>>)
        tpu.yield
      }) : () -> ()
      %dma_wait3A_101 = arith.constant 1 : i32
      %dma_wait3A_102 = arith.constant 1 : i32
      %dma_wait3A_103 = arith.constant 0 : i32
      %dma_wait3A_104 = arith.constant 0 : i32
      %dma_wait3A_105 = tpu.memref_slice %arg9[%dma_wait3A_102, %dma_wait3A_103, %dma_wait3A_104] : memref<2x128x128xf32, #tpu.memory_space<vmem>> -> memref<1x128x128xf32, #tpu.memory_space<vmem>>
      %dma_wait3A_106 = tpu.memref_squeeze %dma_wait3A_105 : memref<1x128x128xf32, #tpu.memory_space<vmem>> -> memref<128x128xf32, #tpu.memory_space<vmem>>
      %dma_wait3A_107 = arith.constant 0 : i32
      %dma_wait3A_108 = tpu.memref_slice %arg7[%dma_wait3A_101, %dma_wait3A_107] : memref<2x128xi32, #tpu.memory_space<vmem>> -> memref<1x128xi32, #tpu.memory_space<vmem>>
      %dma_wait3A_109 = tpu.memref_squeeze %dma_wait3A_108 : memref<1x128xi32, #tpu.memory_space<vmem>> -> memref<128xi32, #tpu.memory_space<vmem>>
      %dma_wait3A_110 = arith.constant 0 : i32
      %dma_wait3A_111 = arith.constant 0 : i32
      %dma_wait3A_112 = tpu.memref_slice %arg4[%dma_wait3A_110, %dma_wait3A_111] : memref<10240x128xf32, #tpu.memory_space<hbm>> -> memref<10240x128xf32, #tpu.memory_space<hbm>>
      tpu.wait_indirect_dma semaphore(%arg11 : memref<!tpu.dma_semaphore, #tpu.memory_space<semaphore_mem>>) src(%dma_wait3A_112 : memref<10240x128xf32, #tpu.memory_space<hbm>>) dst(%dma_wait3A_106 : memref<128x128xf32, #tpu.memory_space<vmem>>)
      %run_scoped3A_113 = arith.constant 1 : i32
      "tpu.region"() ({
        %run_scoped3A_114 = tpu.sem_alloc : memref<!tpu.dma_semaphore, #tpu.memory_space<semaphore_mem>>
        %dma_start3A_115 = arith.constant 0 : i32
        %dma_start3A_116 = arith.constant 0 : i32
        %dma_start3A_117 = tpu.memref_slice %arg9[%run_scoped3A_113, %dma_start3A_115, %dma_start3A_116] : memref<2x128x128xf32, #tpu.memory_space<vmem>> -> memref<1x128x128xf32, #tpu.memory_space<vmem>>
        %dma_start3A_118 = tpu.memref_squeeze %dma_start3A_117 : memref<1x128x128xf32, #tpu.memory_space<vmem>> -> memref<128x128xf32, #tpu.memory_space<vmem>>
        %dma_start3A_119 = arith.constant 0 : i32
        %dma_start3A_120 = arith.constant 0 : i32
        %dma_start3A_121 = tpu.memref_slice %arg12[%dma_start3A_119, %dma_start3A_120] : memref<10240x128xf32, #tpu.memory_space<vmem_shared>> -> memref<10240x128xf32, #tpu.memory_space<vmem_shared>>
        tpu.enqueue_indirect_dma source(%dma_start3A_118 : memref<128x128xf32, #tpu.memory_space<vmem>>) target(%dma_start3A_121 : memref<10240x128xf32, #tpu.memory_space<vmem_shared>>) offsets(%arg8 : memref<128xi32, #tpu.memory_space<vmem>>) semaphore(%run_scoped3A_114 : memref<!tpu.dma_semaphore, #tpu.memory_space<semaphore_mem>>) {add = true}
        %dma_wait3A_122 = arith.constant 0 : i32
        %dma_wait3A_123 = arith.constant 0 : i32
        %dma_wait3A_124 = tpu.memref_slice %arg9[%run_scoped3A_113, %dma_wait3A_122, %dma_wait3A_123] : memref<2x128x128xf32, #tpu.memory_space<vmem>> -> memref<1x128x128xf32, #tpu.memory_space<vmem>>
        %dma_wait3A_125 = tpu.memref_squeeze %dma_wait3A_124 : memref<1x128x128xf32, #tpu.memory_space<vmem>> -> memref<128x128xf32, #tpu.memory_space<vmem>>
        %dma_wait3A_126 = arith.constant 0 : i32
        %dma_wait3A_127 = arith.constant 0 : i32
        %dma_wait3A_128 = tpu.memref_slice %arg12[%dma_wait3A_126, %dma_wait3A_127] : memref<10240x128xf32, #tpu.memory_space<vmem_shared>> -> memref<10240x128xf32, #tpu.memory_space<vmem_shared>>
        tpu.wait_indirect_dma semaphore(%run_scoped3A_114 : memref<!tpu.dma_semaphore, #tpu.memory_space<semaphore_mem>>) src(%dma_wait3A_125 : memref<128x128xf32, #tpu.memory_space<vmem>>) dst(%dma_wait3A_128 : memref<10240x128xf32, #tpu.memory_space<vmem_shared>>)
        tpu.yield
      }) : () -> ()
    }
    %while3A_52 = arith.constant 1 : i32
    scf.for %while3A_61 = %while3A_50 to %while3A_46 step %while3A_52  : i32 {
      %mul3A_62 = arith.constant 2 : i32
      %mul3A_63 = arith.muli %while3A_61, %mul3A_62 : i32
      %add3A_64 = arith.constant 0 : i32
      %add3A_65 = arith.addi %mul3A_63, %add3A_64 : i32
      %add3A_66 = arith.constant 2 : i32
      %add3A_67 = arith.addi %add3A_65, %add3A_66 : i32
      %sub3A_68 = arith.constant 1 : i32
      %sub3A_69 = arith.subi %add3A_67, %sub3A_68 : i32
      %lt3A = arith.cmpi slt, %sub3A_69, %select_n3A : i32
      %convert_element_type3A = arith.extui %lt3A : i1 to i32
      %cond3A = arith.constant 0 : i32
      %cond3A_70 = arith.cmpi ne, %convert_element_type3A, %cond3A : i32
      scf.if %cond3A_70 {
        %mul3A_114 = arith.constant 128 : i32
        %mul3A_115 = arith.muli %sub3A_69, %mul3A_114 : i32
        %add3A_116 = arith.addi %select_n3A_8, %mul3A_115 : i32
        %run_scoped3A_117 = arith.constant 1 : i32
        "tpu.region"() ({
          %run_scoped3A_130 = tpu.sem_alloc : memref<!tpu.dma_semaphore, #tpu.memory_space<semaphore_mem>>
          %dma_start3A_131 = arith.constant 0 : i32
          %dma_start3A_132 = tpu.memref_slice %arg7[%run_scoped3A_117, %dma_start3A_131] : memref<2x128xi32, #tpu.memory_space<vmem>> -> memref<1x128xi32, #tpu.memory_space<vmem>>
          %dma_start3A_133 = tpu.memref_squeeze %dma_start3A_132 : memref<1x128xi32, #tpu.memory_space<vmem>> -> memref<128xi32, #tpu.memory_space<vmem>>
          %dma_start3A_134 = tpu.memref_slice %arg2[%add3A_116] : memref<331776xi32, #tpu.memory_space<hbm>> -> memref<128xi32, #tpu.memory_space<hbm>>
          %dma_start3A_135 = arith.constant 0 : i32
          %dma_start3A_136 = tpu.memref_slice %arg7[%run_scoped3A_117, %dma_start3A_135] : memref<2x128xi32, #tpu.memory_space<vmem>> -> memref<1x128xi32, #tpu.memory_space<vmem>>
          %dma_start3A_137 = tpu.memref_squeeze %dma_start3A_136 : memref<1x128xi32, #tpu.memory_space<vmem>> -> memref<128xi32, #tpu.memory_space<vmem>>
          %dma_start3A_138 = tpu.memref_slice %arg2[%add3A_116] : memref<331776xi32, #tpu.memory_space<hbm>> -> memref<128xi32, #tpu.memory_space<hbm>>
          tpu.enqueue_dma source(%dma_start3A_138 : memref<128xi32, #tpu.memory_space<hbm>>) target(%dma_start3A_137 : memref<128xi32, #tpu.memory_space<vmem>>) target_semaphore(%run_scoped3A_130 : memref<!tpu.dma_semaphore, #tpu.memory_space<semaphore_mem>>)
          %dma_wait3A_139 = arith.constant 0 : i32
          %dma_wait3A_140 = tpu.memref_slice %arg7[%run_scoped3A_117, %dma_wait3A_139] : memref<2x128xi32, #tpu.memory_space<vmem>> -> memref<1x128xi32, #tpu.memory_space<vmem>>
          %dma_wait3A_141 = tpu.memref_squeeze %dma_wait3A_140 : memref<1x128xi32, #tpu.memory_space<vmem>> -> memref<128xi32, #tpu.memory_space<vmem>>
          %dma_wait3A_142 = tpu.memref_slice %arg2[%add3A_116] : memref<331776xi32, #tpu.memory_space<hbm>> -> memref<128xi32, #tpu.memory_space<hbm>>
          %dma_wait3A_143 = arith.constant 0 : i32
          %dma_wait3A_144 = tpu.memref_slice %arg7[%run_scoped3A_117, %dma_wait3A_143] : memref<2x128xi32, #tpu.memory_space<vmem>> -> memref<1x128xi32, #tpu.memory_space<vmem>>
          %dma_wait3A_145 = tpu.memref_squeeze %dma_wait3A_144 : memref<1x128xi32, #tpu.memory_space<vmem>> -> memref<128xi32, #tpu.memory_space<vmem>>
          %dma_wait3A_146 = tpu.memref_slice %arg2[%add3A_116] : memref<331776xi32, #tpu.memory_space<hbm>> -> memref<128xi32, #tpu.memory_space<hbm>>
          tpu.wait_dma2 semaphore(%run_scoped3A_130 : memref<!tpu.dma_semaphore, #tpu.memory_space<semaphore_mem>>) src(%dma_wait3A_146 : memref<128xi32, #tpu.memory_space<hbm>>) dst(%dma_wait3A_145 : memref<128xi32, #tpu.memory_space<vmem>>)
          tpu.yield
        }) : () -> ()
        %dma_start3A_118 = arith.constant 1 : i32
        %dma_start3A_119 = arith.constant 1 : i32
        %dma_start3A_120 = arith.constant 0 : i32
        %dma_start3A_121 = arith.constant 0 : i32
        %dma_start3A_122 = tpu.memref_slice %arg9[%dma_start3A_119, %dma_start3A_120, %dma_start3A_121] : memref<2x128x128xf32, #tpu.memory_space<vmem>> -> memref<1x128x128xf32, #tpu.memory_space<vmem>>
        %dma_start3A_123 = tpu.memref_squeeze %dma_start3A_122 : memref<1x128x128xf32, #tpu.memory_space<vmem>> -> memref<128x128xf32, #tpu.memory_space<vmem>>
        %dma_start3A_124 = arith.constant 0 : i32
        %dma_start3A_125 = tpu.memref_slice %arg7[%dma_start3A_118, %dma_start3A_124] : memref<2x128xi32, #tpu.memory_space<vmem>> -> memref<1x128xi32, #tpu.memory_space<vmem>>
        %dma_start3A_126 = tpu.memref_squeeze %dma_start3A_125 : memref<1x128xi32, #tpu.memory_space<vmem>> -> memref<128xi32, #tpu.memory_space<vmem>>
        %dma_start3A_127 = arith.constant 0 : i32
        %dma_start3A_128 = arith.constant 0 : i32
        %dma_start3A_129 = tpu.memref_slice %arg4[%dma_start3A_127, %dma_start3A_128] : memref<10240x128xf32, #tpu.memory_space<hbm>> -> memref<10240x128xf32, #tpu.memory_space<hbm>>
        tpu.enqueue_indirect_dma source(%dma_start3A_129 : memref<10240x128xf32, #tpu.memory_space<hbm>>) target(%dma_start3A_123 : memref<128x128xf32, #tpu.memory_space<vmem>>) offsets(%dma_start3A_126 : memref<128xi32, #tpu.memory_space<vmem>>) semaphore(%arg11 : memref<!tpu.dma_semaphore, #tpu.memory_space<semaphore_mem>>)
      } else {
      }
      %mul3A_71 = arith.constant 128 : i32
      %mul3A_72 = arith.muli %add3A_65, %mul3A_71 : i32
      %add3A_73 = arith.addi %select_n3A_8, %mul3A_72 : i32
      "tpu.region"() ({
        %run_scoped3A_114 = tpu.sem_alloc : memref<!tpu.dma_semaphore, #tpu.memory_space<semaphore_mem>>
        %dma_start3A_115 = tpu.memref_slice %arg3[%add3A_73] : memref<331776xi32, #tpu.memory_space<hbm>> -> memref<128xi32, #tpu.memory_space<hbm>>
        %dma_start3A_116 = tpu.memref_slice %arg3[%add3A_73] : memref<331776xi32, #tpu.memory_space<hbm>> -> memref<128xi32, #tpu.memory_space<hbm>>
        tpu.enqueue_dma source(%dma_start3A_116 : memref<128xi32, #tpu.memory_space<hbm>>) target(%arg8 : memref<128xi32, #tpu.memory_space<vmem>>) target_semaphore(%run_scoped3A_114 : memref<!tpu.dma_semaphore, #tpu.memory_space<semaphore_mem>>)
        %dma_wait3A_117 = tpu.memref_slice %arg3[%add3A_73] : memref<331776xi32, #tpu.memory_space<hbm>> -> memref<128xi32, #tpu.memory_space<hbm>>
        %dma_wait3A_118 = tpu.memref_slice %arg3[%add3A_73] : memref<331776xi32, #tpu.memory_space<hbm>> -> memref<128xi32, #tpu.memory_space<hbm>>
        tpu.wait_dma2 semaphore(%run_scoped3A_114 : memref<!tpu.dma_semaphore, #tpu.memory_space<semaphore_mem>>) src(%dma_wait3A_118 : memref<128xi32, #tpu.memory_space<hbm>>) dst(%arg8 : memref<128xi32, #tpu.memory_space<vmem>>)
        tpu.yield
      }) : () -> ()
      %dma_wait3A = arith.constant 0 : i32
      %dma_wait3A_74 = arith.constant 0 : i32
      %dma_wait3A_75 = arith.constant 0 : i32
      %dma_wait3A_76 = arith.constant 0 : i32
      %dma_wait3A_77 = tpu.memref_slice %arg9[%dma_wait3A_74, %dma_wait3A_75, %dma_wait3A_76] : memref<2x128x128xf32, #tpu.memory_space<vmem>> -> memref<1x128x128xf32, #tpu.memory_space<vmem>>
      %dma_wait3A_78 = tpu.memref_squeeze %dma_wait3A_77 : memref<1x128x128xf32, #tpu.memory_space<vmem>> -> memref<128x128xf32, #tpu.memory_space<vmem>>
      %dma_wait3A_79 = arith.constant 0 : i32
      %dma_wait3A_80 = tpu.memref_slice %arg7[%dma_wait3A, %dma_wait3A_79] : memref<2x128xi32, #tpu.memory_space<vmem>> -> memref<1x128xi32, #tpu.memory_space<vmem>>
      %dma_wait3A_81 = tpu.memref_squeeze %dma_wait3A_80 : memref<1x128xi32, #tpu.memory_space<vmem>> -> memref<128xi32, #tpu.memory_space<vmem>>
      %dma_wait3A_82 = arith.constant 0 : i32
      %dma_wait3A_83 = arith.constant 0 : i32
      %dma_wait3A_84 = tpu.memref_slice %arg4[%dma_wait3A_82, %dma_wait3A_83] : memref<10240x128xf32, #tpu.memory_space<hbm>> -> memref<10240x128xf32, #tpu.memory_space<hbm>>
      tpu.wait_indirect_dma semaphore(%arg10 : memref<!tpu.dma_semaphore, #tpu.memory_space<semaphore_mem>>) src(%dma_wait3A_84 : memref<10240x128xf32, #tpu.memory_space<hbm>>) dst(%dma_wait3A_78 : memref<128x128xf32, #tpu.memory_space<vmem>>)
      %run_scoped3A_85 = arith.constant 0 : i32
      "tpu.region"() ({
        %run_scoped3A_114 = tpu.sem_alloc : memref<!tpu.dma_semaphore, #tpu.memory_space<semaphore_mem>>
        %dma_start3A_115 = arith.constant 0 : i32
        %dma_start3A_116 = arith.constant 0 : i32
        %dma_start3A_117 = tpu.memref_slice %arg9[%run_scoped3A_85, %dma_start3A_115, %dma_start3A_116] : memref<2x128x128xf32, #tpu.memory_space<vmem>> -> memref<1x128x128xf32, #tpu.memory_space<vmem>>
        %dma_start3A_118 = tpu.memref_squeeze %dma_start3A_117 : memref<1x128x128xf32, #tpu.memory_space<vmem>> -> memref<128x128xf32, #tpu.memory_space<vmem>>
        %dma_start3A_119 = arith.constant 0 : i32
        %dma_start3A_120 = arith.constant 0 : i32
        %dma_start3A_121 = tpu.memref_slice %arg12[%dma_start3A_119, %dma_start3A_120] : memref<10240x128xf32, #tpu.memory_space<vmem_shared>> -> memref<10240x128xf32, #tpu.memory_space<vmem_shared>>
        tpu.enqueue_indirect_dma source(%dma_start3A_118 : memref<128x128xf32, #tpu.memory_space<vmem>>) target(%dma_start3A_121 : memref<10240x128xf32, #tpu.memory_space<vmem_shared>>) offsets(%arg8 : memref<128xi32, #tpu.memory_space<vmem>>) semaphore(%run_scoped3A_114 : memref<!tpu.dma_semaphore, #tpu.memory_space<semaphore_mem>>) {add = true}
        %dma_wait3A_122 = arith.constant 0 : i32
        %dma_wait3A_123 = arith.constant 0 : i32
        %dma_wait3A_124 = tpu.memref_slice %arg9[%run_scoped3A_85, %dma_wait3A_122, %dma_wait3A_123] : memref<2x128x128xf32, #tpu.memory_space<vmem>> -> memref<1x128x128xf32, #tpu.memory_space<vmem>>
        %dma_wait3A_125 = tpu.memref_squeeze %dma_wait3A_124 : memref<1x128x128xf32, #tpu.memory_space<vmem>> -> memref<128x128xf32, #tpu.memory_space<vmem>>
        %dma_wait3A_126 = arith.constant 0 : i32
        %dma_wait3A_127 = arith.constant 0 : i32
        %dma_wait3A_128 = tpu.memref_slice %arg12[%dma_wait3A_126, %dma_wait3A_127] : memref<10240x128xf32, #tpu.memory_space<vmem_shared>> -> memref<10240x128xf32, #tpu.memory_space<vmem_shared>>
        tpu.wait_indirect_dma semaphore(%run_scoped3A_114 : memref<!tpu.dma_semaphore, #tpu.memory_space<semaphore_mem>>) src(%dma_wait3A_125 : memref<128x128xf32, #tpu.memory_space<vmem>>) dst(%dma_wait3A_128 : memref<10240x128xf32, #tpu.memory_space<vmem_shared>>)
        tpu.yield
      }) : () -> ()
      %mul3A_86 = arith.constant 2 : i32
      %mul3A_87 = arith.muli %while3A_61, %mul3A_86 : i32
      %add3A_88 = arith.constant 1 : i32
      %add3A_89 = arith.addi %mul3A_87, %add3A_88 : i32
      %add3A_90 = arith.constant 2 : i32
      %add3A_91 = arith.addi %add3A_89, %add3A_90 : i32
      %sub3A_92 = arith.constant 1 : i32
      %sub3A_93 = arith.subi %add3A_91, %sub3A_92 : i32
      %lt3A_94 = arith.cmpi slt, %sub3A_93, %select_n3A : i32
      %convert_element_type3A_95 = arith.extui %lt3A_94 : i1 to i32
      %cond3A_96 = arith.constant 0 : i32
      %cond3A_97 = arith.cmpi ne, %convert_element_type3A_95, %cond3A_96 : i32
      scf.if %cond3A_97 {
        %mul3A_114 = arith.constant 128 : i32
        %mul3A_115 = arith.muli %sub3A_93, %mul3A_114 : i32
        %add3A_116 = arith.addi %select_n3A_8, %mul3A_115 : i32
        %run_scoped3A_117 = arith.constant 0 : i32
        "tpu.region"() ({
          %run_scoped3A_130 = tpu.sem_alloc : memref<!tpu.dma_semaphore, #tpu.memory_space<semaphore_mem>>
          %dma_start3A_131 = arith.constant 0 : i32
          %dma_start3A_132 = tpu.memref_slice %arg7[%run_scoped3A_117, %dma_start3A_131] : memref<2x128xi32, #tpu.memory_space<vmem>> -> memref<1x128xi32, #tpu.memory_space<vmem>>
          %dma_start3A_133 = tpu.memref_squeeze %dma_start3A_132 : memref<1x128xi32, #tpu.memory_space<vmem>> -> memref<128xi32, #tpu.memory_space<vmem>>
          %dma_start3A_134 = tpu.memref_slice %arg2[%add3A_116] : memref<331776xi32, #tpu.memory_space<hbm>> -> memref<128xi32, #tpu.memory_space<hbm>>
          %dma_start3A_135 = arith.constant 0 : i32
          %dma_start3A_136 = tpu.memref_slice %arg7[%run_scoped3A_117, %dma_start3A_135] : memref<2x128xi32, #tpu.memory_space<vmem>> -> memref<1x128xi32, #tpu.memory_space<vmem>>
          %dma_start3A_137 = tpu.memref_squeeze %dma_start3A_136 : memref<1x128xi32, #tpu.memory_space<vmem>> -> memref<128xi32, #tpu.memory_space<vmem>>
          %dma_start3A_138 = tpu.memref_slice %arg2[%add3A_116] : memref<331776xi32, #tpu.memory_space<hbm>> -> memref<128xi32, #tpu.memory_space<hbm>>
          tpu.enqueue_dma source(%dma_start3A_138 : memref<128xi32, #tpu.memory_space<hbm>>) target(%dma_start3A_137 : memref<128xi32, #tpu.memory_space<vmem>>) target_semaphore(%run_scoped3A_130 : memref<!tpu.dma_semaphore, #tpu.memory_space<semaphore_mem>>)
          %dma_wait3A_139 = arith.constant 0 : i32
          %dma_wait3A_140 = tpu.memref_slice %arg7[%run_scoped3A_117, %dma_wait3A_139] : memref<2x128xi32, #tpu.memory_space<vmem>> -> memref<1x128xi32, #tpu.memory_space<vmem>>
          %dma_wait3A_141 = tpu.memref_squeeze %dma_wait3A_140 : memref<1x128xi32, #tpu.memory_space<vmem>> -> memref<128xi32, #tpu.memory_space<vmem>>
          %dma_wait3A_142 = tpu.memref_slice %arg2[%add3A_116] : memref<331776xi32, #tpu.memory_space<hbm>> -> memref<128xi32, #tpu.memory_space<hbm>>
          %dma_wait3A_143 = arith.constant 0 : i32
          %dma_wait3A_144 = tpu.memref_slice %arg7[%run_scoped3A_117, %dma_wait3A_143] : memref<2x128xi32, #tpu.memory_space<vmem>> -> memref<1x128xi32, #tpu.memory_space<vmem>>
          %dma_wait3A_145 = tpu.memref_squeeze %dma_wait3A_144 : memref<1x128xi32, #tpu.memory_space<vmem>> -> memref<128xi32, #tpu.memory_space<vmem>>
          %dma_wait3A_146 = tpu.memref_slice %arg2[%add3A_116] : memref<331776xi32, #tpu.memory_space<hbm>> -> memref<128xi32, #tpu.memory_space<hbm>>
          tpu.wait_dma2 semaphore(%run_scoped3A_130 : memref<!tpu.dma_semaphore, #tpu.memory_space<semaphore_mem>>) src(%dma_wait3A_146 : memref<128xi32, #tpu.memory_space<hbm>>) dst(%dma_wait3A_145 : memref<128xi32, #tpu.memory_space<vmem>>)
          tpu.yield
        }) : () -> ()
        %dma_start3A_118 = arith.constant 0 : i32
        %dma_start3A_119 = arith.constant 0 : i32
        %dma_start3A_120 = arith.constant 0 : i32
        %dma_start3A_121 = arith.constant 0 : i32
        %dma_start3A_122 = tpu.memref_slice %arg9[%dma_start3A_119, %dma_start3A_120, %dma_start3A_121] : memref<2x128x128xf32, #tpu.memory_space<vmem>> -> memref<1x128x128xf32, #tpu.memory_space<vmem>>
        %dma_start3A_123 = tpu.memref_squeeze %dma_start3A_122 : memref<1x128x128xf32, #tpu.memory_space<vmem>> -> memref<128x128xf32, #tpu.memory_space<vmem>>
        %dma_start3A_124 = arith.constant 0 : i32
        %dma_start3A_125 = tpu.memref_slice %arg7[%dma_start3A_118, %dma_start3A_124] : memref<2x128xi32, #tpu.memory_space<vmem>> -> memref<1x128xi32, #tpu.memory_space<vmem>>
        %dma_start3A_126 = tpu.memref_squeeze %dma_start3A_125 : memref<1x128xi32, #tpu.memory_space<vmem>> -> memref<128xi32, #tpu.memory_space<vmem>>
        %dma_start3A_127 = arith.constant 0 : i32
        %dma_start3A_128 = arith.constant 0 : i32
        %dma_start3A_129 = tpu.memref_slice %arg4[%dma_start3A_127, %dma_start3A_128] : memref<10240x128xf32, #tpu.memory_space<hbm>> -> memref<10240x128xf32, #tpu.memory_space<hbm>>
        tpu.enqueue_indirect_dma source(%dma_start3A_129 : memref<10240x128xf32, #tpu.memory_space<hbm>>) target(%dma_start3A_123 : memref<128x128xf32, #tpu.memory_space<vmem>>) offsets(%dma_start3A_126 : memref<128xi32, #tpu.memory_space<vmem>>) semaphore(%arg10 : memref<!tpu.dma_semaphore, #tpu.memory_space<semaphore_mem>>)
      } else {
      }
      %mul3A_98 = arith.constant 128 : i32
      %mul3A_99 = arith.muli %add3A_89, %mul3A_98 : i32
      %add3A_100 = arith.addi %select_n3A_8, %mul3A_99 : i32
      "tpu.region"() ({
        %run_scoped3A_114 = tpu.sem_alloc : memref<!tpu.dma_semaphore, #tpu.memory_space<semaphore_mem>>
        %dma_start3A_115 = tpu.memref_slice %arg3[%add3A_100] : memref<331776xi32, #tpu.memory_space<hbm>> -> memref<128xi32, #tpu.memory_space<hbm>>
        %dma_start3A_116 = tpu.memref_slice %arg3[%add3A_100] : memref<331776xi32, #tpu.memory_space<hbm>> -> memref<128xi32, #tpu.memory_space<hbm>>
        tpu.enqueue_dma source(%dma_start3A_116 : memref<128xi32, #tpu.memory_space<hbm>>) target(%arg8 : memref<128xi32, #tpu.memory_space<vmem>>) target_semaphore(%run_scoped3A_114 : memref<!tpu.dma_semaphore, #tpu.memory_space<semaphore_mem>>)
        %dma_wait3A_117 = tpu.memref_slice %arg3[%add3A_100] : memref<331776xi32, #tpu.memory_space<hbm>> -> memref<128xi32, #tpu.memory_space<hbm>>
        %dma_wait3A_118 = tpu.memref_slice %arg3[%add3A_100] : memref<331776xi32, #tpu.memory_space<hbm>> -> memref<128xi32, #tpu.memory_space<hbm>>
        tpu.wait_dma2 semaphore(%run_scoped3A_114 : memref<!tpu.dma_semaphore, #tpu.memory_space<semaphore_mem>>) src(%dma_wait3A_118 : memref<128xi32, #tpu.memory_space<hbm>>) dst(%arg8 : memref<128xi32, #tpu.memory_space<vmem>>)
        tpu.yield
      }) : () -> ()
      %dma_wait3A_101 = arith.constant 1 : i32
      %dma_wait3A_102 = arith.constant 1 : i32
      %dma_wait3A_103 = arith.constant 0 : i32
      %dma_wait3A_104 = arith.constant 0 : i32
      %dma_wait3A_105 = tpu.memref_slice %arg9[%dma_wait3A_102, %dma_wait3A_103, %dma_wait3A_104] : memref<2x128x128xf32, #tpu.memory_space<vmem>> -> memref<1x128x128xf32, #tpu.memory_space<vmem>>
      %dma_wait3A_106 = tpu.memref_squeeze %dma_wait3A_105 : memref<1x128x128xf32, #tpu.memory_space<vmem>> -> memref<128x128xf32, #tpu.memory_space<vmem>>
      %dma_wait3A_107 = arith.constant 0 : i32
      %dma_wait3A_108 = tpu.memref_slice %arg7[%dma_wait3A_101, %dma_wait3A_107] : memref<2x128xi32, #tpu.memory_space<vmem>> -> memref<1x128xi32, #tpu.memory_space<vmem>>
      %dma_wait3A_109 = tpu.memref_squeeze %dma_wait3A_108 : memref<1x128xi32, #tpu.memory_space<vmem>> -> memref<128xi32, #tpu.memory_space<vmem>>
      %dma_wait3A_110 = arith.constant 0 : i32
      %dma_wait3A_111 = arith.constant 0 : i32
      %dma_wait3A_112 = tpu.memref_slice %arg4[%dma_wait3A_110, %dma_wait3A_111] : memref<10240x128xf32, #tpu.memory_space<hbm>> -> memref<10240x128xf32, #tpu.memory_space<hbm>>
      tpu.wait_indirect_dma semaphore(%arg11 : memref<!tpu.dma_semaphore, #tpu.memory_space<semaphore_mem>>) src(%dma_wait3A_112 : memref<10240x128xf32, #tpu.memory_space<hbm>>) dst(%dma_wait3A_106 : memref<128x128xf32, #tpu.memory_space<vmem>>)
      %run_scoped3A_113 = arith.constant 1 : i32
      "tpu.region"() ({
        %run_scoped3A_114 = tpu.sem_alloc : memref<!tpu.dma_semaphore, #tpu.memory_space<semaphore_mem>>
        %dma_start3A_115 = arith.constant 0 : i32
        %dma_start3A_116 = arith.constant 0 : i32
        %dma_start3A_117 = tpu.memref_slice %arg9[%run_scoped3A_113, %dma_start3A_115, %dma_start3A_116] : memref<2x128x128xf32, #tpu.memory_space<vmem>> -> memref<1x128x128xf32, #tpu.memory_space<vmem>>
        %dma_start3A_118 = tpu.memref_squeeze %dma_start3A_117 : memref<1x128x128xf32, #tpu.memory_space<vmem>> -> memref<128x128xf32, #tpu.memory_space<vmem>>
        %dma_start3A_119 = arith.constant 0 : i32
        %dma_start3A_120 = arith.constant 0 : i32
        %dma_start3A_121 = tpu.memref_slice %arg12[%dma_start3A_119, %dma_start3A_120] : memref<10240x128xf32, #tpu.memory_space<vmem_shared>> -> memref<10240x128xf32, #tpu.memory_space<vmem_shared>>
        tpu.enqueue_indirect_dma source(%dma_start3A_118 : memref<128x128xf32, #tpu.memory_space<vmem>>) target(%dma_start3A_121 : memref<10240x128xf32, #tpu.memory_space<vmem_shared>>) offsets(%arg8 : memref<128xi32, #tpu.memory_space<vmem>>) semaphore(%run_scoped3A_114 : memref<!tpu.dma_semaphore, #tpu.memory_space<semaphore_mem>>) {add = true}
        %dma_wait3A_122 = arith.constant 0 : i32
        %dma_wait3A_123 = arith.constant 0 : i32
        %dma_wait3A_124 = tpu.memref_slice %arg9[%run_scoped3A_113, %dma_wait3A_122, %dma_wait3A_123] : memref<2x128x128xf32, #tpu.memory_space<vmem>> -> memref<1x128x128xf32, #tpu.memory_space<vmem>>
        %dma_wait3A_125 = tpu.memref_squeeze %dma_wait3A_124 : memref<1x128x128xf32, #tpu.memory_space<vmem>> -> memref<128x128xf32, #tpu.memory_space<vmem>>
        %dma_wait3A_126 = arith.constant 0 : i32
        %dma_wait3A_127 = arith.constant 0 : i32
        %dma_wait3A_128 = tpu.memref_slice %arg12[%dma_wait3A_126, %dma_wait3A_127] : memref<10240x128xf32, #tpu.memory_space<vmem_shared>> -> memref<10240x128xf32, #tpu.memory_space<vmem_shared>>
        tpu.wait_indirect_dma semaphore(%run_scoped3A_114 : memref<!tpu.dma_semaphore, #tpu.memory_space<semaphore_mem>>) src(%dma_wait3A_125 : memref<128x128xf32, #tpu.memory_space<vmem>>) dst(%dma_wait3A_128 : memref<10240x128xf32, #tpu.memory_space<vmem_shared>>)
        tpu.yield
      }) : () -> ()
    }
    %barrier3A_53 = arith.constant 0 : index
    tpu.barrier barrier_id(%barrier3A_53)
    %mul3A_54 = arith.constant 640 : i32
    %mul3A_55 = arith.muli %arg1, %mul3A_54 : i32
    %mul3A_56 = arith.constant 10240 : i32
    %mul3A_57 = arith.muli %arg0, %mul3A_56 : i32
    %mul3A_58 = arith.constant 640 : i32
    %mul3A_59 = arith.muli %arg1, %mul3A_58 : i32
    %add3A_60 = arith.addi %mul3A_57, %mul3A_59 : i32
    "tpu.region"() ({
      %run_scoped3A_61 = tpu.sem_alloc : memref<!tpu.dma_semaphore, #tpu.memory_space<semaphore_mem>>
      %dma_start3A_62 = arith.constant 0 : i32
      %dma_start3A_63 = tpu.memref_slice %arg6[%add3A_60, %dma_start3A_62] : memref<20480x128xf32, #tpu.memory_space<hbm>> -> memref<640x128xf32, #tpu.memory_space<hbm>>
      %dma_start3A_64 = arith.constant 0 : i32
      %dma_start3A_65 = tpu.memref_slice %arg12[%mul3A_55, %dma_start3A_64] : memref<10240x128xf32, #tpu.memory_space<vmem_shared>> -> memref<640x128xf32, #tpu.memory_space<vmem_shared>>
      tpu.enqueue_dma source(%dma_start3A_65 : memref<640x128xf32, #tpu.memory_space<vmem_shared>>) target(%dma_start3A_63 : memref<640x128xf32, #tpu.memory_space<hbm>>) target_semaphore(%run_scoped3A_61 : memref<!tpu.dma_semaphore, #tpu.memory_space<semaphore_mem>>)
      %dma_wait3A = arith.constant 0 : i32
      %dma_wait3A_66 = tpu.memref_slice %arg6[%add3A_60, %dma_wait3A] : memref<20480x128xf32, #tpu.memory_space<hbm>> -> memref<640x128xf32, #tpu.memory_space<hbm>>
      %dma_wait3A_67 = arith.constant 0 : i32
      %dma_wait3A_68 = tpu.memref_slice %arg12[%mul3A_55, %dma_wait3A_67] : memref<10240x128xf32, #tpu.memory_space<vmem_shared>> -> memref<640x128xf32, #tpu.memory_space<vmem_shared>>
      tpu.wait_dma2 semaphore(%run_scoped3A_61 : memref<!tpu.dma_semaphore, #tpu.memory_space<semaphore_mem>>) src(%dma_wait3A_68 : memref<640x128xf32, #tpu.memory_space<vmem_shared>>) dst(%dma_wait3A_66 : memref<640x128xf32, #tpu.memory_space<hbm>>)
      tpu.yield
    }) : () -> ()
    return
  }
}

module attributes {stable_mosaic.version = 14 : i64} {
  func.func @_dinv_body(%arg0: i32, %arg1: memref<1024x16xf32, #tpu.memory_space<vmem>>, %arg2: memref<1024x16xf32, #tpu.memory_space<vmem>>, %arg3: memref<1024x128xf32, #tpu.memory_space<vmem>>) attributes {dimension_semantics = [#tpu.dimension_semantics<arbitrary>], iteration_bounds = array<i64: 10>, scalar_prefetch = 0 : i64, scratch_operands = 0 : i64, tpu.core_type = #tpu.core_type<tc>, window_params = [{transform_indices = @transform_0, window_bounds = array<i64: 1024, 16>}, {transform_indices = @transform_1, window_bounds = array<i64: 1024, 16>}, {transform_indices = @transform_2, window_bounds = array<i64: 1024, 128>}]} {
    %get3A = arith.constant 0 : index
    %get3A_0 = arith.constant 0 : index
    %get3A_1 = vector.load %arg1[%get3A, %get3A_0] : memref<1024x16xf32, #tpu.memory_space<vmem>>, vector<1024x16xf32>
    %get3A_2 = arith.constant 0 : index
    %get3A_3 = arith.constant 0 : index
    %get3A_4 = vector.load %arg2[%get3A_2, %get3A_3] : memref<1024x16xf32, #tpu.memory_space<vmem>>, vector<1024x16xf32>
    %add3A = arith.addf %get3A_1, %get3A_4 : vector<1024x16xf32>
    %max3A = arith.constant 1.000000e+00 : f32
    %max3A_5 = vector.broadcast %max3A : f32 to vector<1024x16xf32>
    %max3A_6 = arith.maximumf %add3A, %max3A_5 : vector<1024x16xf32>
    %rsqrt3A = math.rsqrt %max3A_6 : vector<1024x16xf32>
    %slice3A = vector.extract_strided_slice %rsqrt3A {offsets = [0, 0], sizes = [1024, 1], strides = [1, 1]} : vector<1024x16xf32> to vector<1024x1xf32>
    %broadcast_in_dim3A = vector.shape_cast %slice3A : vector<1024x1xf32> to vector<1024x1xf32>
    %broadcast_in_dim3A_7 = vector.broadcast %broadcast_in_dim3A : vector<1024x1xf32> to vector<1024x128xf32>
    %swap3A = arith.constant 0 : index
    %swap3A_8 = arith.constant 0 : index
    %swap3A_9 = vector.load %arg3[%swap3A, %swap3A_8] : memref<1024x128xf32, #tpu.memory_space<vmem>>, vector<1024x128xf32>
    tpu.vector_store %arg3[%swap3A, %swap3A_8], %broadcast_in_dim3A_7 {strides = array<i32>} : memref<1024x128xf32, #tpu.memory_space<vmem>>, vector<1024x128xf32>,
    return
  }
  func.func @transform_0(%arg0: i32) -> (i32, i32) {
    %c0_i32 = arith.constant 0 : i32
    %c0_i32_0 = arith.constant 0 : i32
    return %arg0, %c0_i32 : i32, i32
  }
  func.func @transform_1(%arg0: i32) -> (i32, i32) {
    %c0_i32 = arith.constant 0 : i32
    %c0_i32_0 = arith.constant 0 : i32
    return %arg0, %c0_i32 : i32, i32
  }
  func.func @transform_2(%arg0: i32) -> (i32, i32) {
    %c0_i32 = arith.constant 0 : i32
    %c0_i32_0 = arith.constant 0 : i32
    return %arg0, %c0_i32 : i32, i32
  }
}

module attributes {stable_mosaic.version = 14 : i64} {
  func.func @_mm_scale_body(%arg0: i32, %arg1: memref<1024x128xf32, #tpu.memory_space<vmem>>, %arg2: memref<128x128xf32, #tpu.memory_space<vmem>>, %arg3: memref<1024x128xf32, #tpu.memory_space<vmem>>, %arg4: memref<1024x128xf32, #tpu.memory_space<vmem>>) attributes {dimension_semantics = [#tpu.dimension_semantics<arbitrary>], iteration_bounds = array<i64: 10>, scalar_prefetch = 0 : i64, scratch_operands = 0 : i64, tpu.core_type = #tpu.core_type<tc>, window_params = [{transform_indices = @transform_0, window_bounds = array<i64: 1024, 128>}, {pipeline_mode = #tpu.pipeline_mode<synchronous>, transform_indices = @transform_1, window_bounds = array<i64: 128, 128>}, {transform_indices = @transform_2, window_bounds = array<i64: 1024, 128>}, {transform_indices = @transform_3, window_bounds = array<i64: 1024, 128>}]} {
    %get3A = arith.constant 0 : index
    %get3A_0 = arith.constant 0 : index
    %get3A_1 = vector.load %arg1[%get3A, %get3A_0] : memref<1024x128xf32, #tpu.memory_space<vmem>>, vector<1024x128xf32>
    %get3A_2 = arith.constant 0 : index
    %get3A_3 = arith.constant 0 : index
    %get3A_4 = vector.load %arg2[%get3A_2, %get3A_3] : memref<128x128xf32, #tpu.memory_space<vmem>>, vector<128x128xf32>
    %dot_general3A = arith.constant dense<0.000000e+00> : vector<1024x128xf32>
    %dot_general3A_5 = tpu.matmul %get3A_1, %get3A_4, %dot_general3A {dimension_numbers = #tpu.dot_dimension_numbers<[1], [0], [0], [1], [0, 0, 1, 1], [], []>, transpose_lhs_hint = false} : vector<1024x128xf32>, vector<128x128xf32>, vector<1024x128xf32> -> vector<1024x128xf32>
    %get3A_6 = arith.constant 0 : index
    %get3A_7 = arith.constant 0 : index
    %get3A_8 = vector.load %arg3[%get3A_6, %get3A_7] : memref<1024x128xf32, #tpu.memory_space<vmem>>, vector<1024x128xf32>
    %mul3A = arith.mulf %dot_general3A_5, %get3A_8 : vector<1024x128xf32>
    %swap3A = arith.constant 0 : index
    %swap3A_9 = arith.constant 0 : index
    %swap3A_10 = vector.load %arg4[%swap3A, %swap3A_9] : memref<1024x128xf32, #tpu.memory_space<vmem>>, vector<1024x128xf32>
    tpu.vector_store %arg4[%swap3A, %swap3A_9], %mul3A {strides = array<i32>} : memref<1024x128xf32, #tpu.memory_space<vmem>>, vector<1024x128xf32>,
    return
  }
  func.func @transform_0(%arg0: i32) -> (i32, i32) {
    %c0_i32 = arith.constant 0 : i32
    %c0_i32_0 = arith.constant 0 : i32
    return %arg0, %c0_i32 : i32, i32
  }
  func.func @transform_1(%arg0: i32) -> (i32, i32) {
    %c0_i32 = arith.constant 0 : i32
    %c0_i32_0 = arith.constant 0 : i32
    %c0_i32_1 = arith.constant 0 : i32
    return %c0_i32, %c0_i32_0 : i32, i32
  }
  func.func @transform_2(%arg0: i32) -> (i32, i32) {
    %c0_i32 = arith.constant 0 : i32
    %c0_i32_0 = arith.constant 0 : i32
    return %arg0, %c0_i32 : i32, i32
  }
  func.func @transform_3(%arg0: i32) -> (i32, i32) {
    %c0_i32 = arith.constant 0 : i32
    %c0_i32_0 = arith.constant 0 : i32
    return %arg0, %c0_i32 : i32, i32
  }
}

module attributes {stable_mosaic.version = 14 : i64} {
  func.func @_bn_mm_body(%arg0: i32, %arg1: i32, %arg2: memref<1024x128xf32, #tpu.memory_space<vmem>>, %arg3: memref<1024x128xf32, #tpu.memory_space<vmem>>, %arg4: memref<1024x128xf32, #tpu.memory_space<vmem>>, %arg5: memref<1x128xf32, #tpu.memory_space<vmem>>, %arg6: memref<1x128xf32, #tpu.memory_space<vmem>>, %arg7: memref<1x128xf32, #tpu.memory_space<vmem>>, %arg8: memref<128x128xf32, #tpu.memory_space<vmem>>, %arg9: memref<1024x128xf32, #tpu.memory_space<vmem>>, %arg10: memref<1x128xf32, #tpu.memory_space<vmem>>, %arg11: memref<1x128xf32, #tpu.memory_space<vmem>>) attributes {dimension_semantics = [#tpu.dimension_semantics<arbitrary>, #tpu.dimension_semantics<arbitrary>], iteration_bounds = array<i64: 2, 10>, scalar_prefetch = 0 : i64, scratch_operands = 2 : i64, tpu.core_type = #tpu.core_type<tc>, window_params = [{transform_indices = @transform_0, window_bounds = array<i64: 1024, 128>}, {transform_indices = @transform_1, window_bounds = array<i64: 1024, 128>}, {transform_indices = @transform_2, window_bounds = array<i64: 1024, 128>}, {pipeline_mode = #tpu.pipeline_mode<synchronous>, transform_indices = @transform_3, window_bounds = array<i64: 1, 128>}, {pipeline_mode = #tpu.pipeline_mode<synchronous>, transform_indices = @transform_4, window_bounds = array<i64: 1, 128>}, {pipeline_mode = #tpu.pipeline_mode<synchronous>, transform_indices = @transform_5, window_bounds = array<i64: 1, 128>}, {pipeline_mode = #tpu.pipeline_mode<synchronous>, transform_indices = @transform_6, window_bounds = array<i64: 128, 128>}, {transform_indices = @transform_7, window_bounds = array<i64: 1024, 128>}]} {
    %get3A = arith.constant 0 : index
    %get3A_0 = arith.constant 0 : index
    %get3A_1 = vector.load %arg4[%get3A, %get3A_0] : memref<1024x128xf32, #tpu.memory_space<vmem>>, vector<1024x128xf32>
    %get3A_2 = arith.constant 0 : index
    %get3A_3 = arith.constant 0 : index
    %get3A_4 = vector.load %arg2[%get3A_2, %get3A_3] : memref<1024x128xf32, #tpu.memory_space<vmem>>, vector<1024x128xf32>
    %get3A_5 = arith.constant 0 : index
    %get3A_6 = arith.constant 0 : index
    %get3A_7 = vector.load %arg3[%get3A_5, %get3A_6] : memref<1024x128xf32, #tpu.memory_space<vmem>>, vector<1024x128xf32>
    %add3A = arith.addf %get3A_4, %get3A_7 : vector<1024x128xf32>
    %mul3A = arith.mulf %get3A_1, %add3A : vector<1024x128xf32>
    %get3A_8 = arith.constant 0 : index
    %get3A_9 = arith.constant 0 : index
    %get3A_10 = vector.load %arg5[%get3A_8, %get3A_9] : memref<1x128xf32, #tpu.memory_space<vmem>>, vector<1x128xf32>
    %add3A_11 = vector.broadcast %get3A_10 : vector<1x128xf32> to vector<1024x128xf32>
    %add3A_12 = arith.addf %mul3A, %add3A_11 : vector<1024x128xf32>
    %eq3A = arith.constant 0 : i32
    %eq3A_13 = arith.cmpi eq, %arg0, %eq3A : i32
    %eq3A_14 = arith.constant 0 : i32
    %eq3A_15 = arith.cmpi eq, %arg1, %eq3A_14 : i32
    %and3A = arith.andi %eq3A_13, %eq3A_15 : i1
    %convert_element_type3A = arith.extui %and3A : i1 to i32
    %cond3A = arith.constant 0 : i32
    %cond3A_16 = arith.cmpi ne, %convert_element_type3A, %cond3A : i32
    scf.if %cond3A_16 {
      %broadcast_in_dim3A = arith.constant 0.000000e+00 : f32
      %broadcast_in_dim3A_27 = vector.broadcast %broadcast_in_dim3A : f32 to vector<1x128xf32>
      %swap3A = arith.constant 0 : index
      %swap3A_28 = arith.constant 0 : index
      %swap3A_29 = vector.load %arg10[%swap3A, %swap3A_28] : memref<1x128xf32, #tpu.memory_space<vmem>>, vector<1x128xf32>
      tpu.vector_store %arg10[%swap3A, %swap3A_28], %broadcast_in_dim3A_27 {strides = array<i32>} : memref<1x128xf32, #tpu.memory_space<vmem>>, vector<1x128xf32>,
      %broadcast_in_dim3A_30 = arith.constant 0.000000e+00 : f32
      %broadcast_in_dim3A_31 = vector.broadcast %broadcast_in_dim3A_30 : f32 to vector<1x128xf32>
      %swap3A_32 = arith.constant 0 : index
      %swap3A_33 = arith.constant 0 : index
      %swap3A_34 = vector.load %arg11[%swap3A_32, %swap3A_33] : memref<1x128xf32, #tpu.memory_space<vmem>>, vector<1x128xf32>
      tpu.vector_store %arg11[%swap3A_32, %swap3A_33], %broadcast_in_dim3A_31 {strides = array<i32>} : memref<1x128xf32, #tpu.memory_space<vmem>>, vector<1x128xf32>,
    } else {
    }
    %eq3A_17 = arith.constant 0 : i32
    %eq3A_18 = arith.cmpi eq, %arg0, %eq3A_17 : i32
    %convert_element_type3A_19 = arith.extui %eq3A_18 : i1 to i32
    %cond3A_20 = arith.constant 0 : i32
    %cond3A_21 = arith.cmpi ne, %convert_element_type3A_19, %cond3A_20 : i32
    scf.if %cond3A_21 {
      %iota3A = tpu.iota {dimensions = array<i32: 0>} : vector<1024x128xi32>
      %mul3A_27 = arith.constant 1024 : i32
      %mul3A_28 = arith.muli %arg1, %mul3A_27 : i32
      %add3A_29 = vector.broadcast %mul3A_28 : i32 to vector<1024x128xi32>
      %add3A_30 = arith.addi %iota3A, %add3A_29 : vector<1024x128xi32>
      %lt3A = arith.constant 10000 : i32
      %lt3A_31 = vector.broadcast %lt3A : i32 to vector<1024x128xi32>
      %lt3A_32 = arith.cmpi slt, %add3A_30, %lt3A_31 : vector<1024x128xi32>
      %jit3A = arith.constant 0.000000e+00 : f32
      %broadcast_in_dim3A = vector.broadcast %jit3A : f32 to vector<1024x128xf32>
      %select_n3A = arith.select %lt3A_32, %add3A_12, %broadcast_in_dim3A : vector<1024x128xi1>, vector<1024x128xf32>
      %get3A_33 = arith.constant 0 : index
      %get3A_34 = arith.constant 0 : index
      %get3A_35 = vector.load %arg10[%get3A_33, %get3A_34] : memref<1x128xf32, #tpu.memory_space<vmem>>, vector<1x128xf32>
      %reduce_sum3A = arith.constant dense<0.000000e+00> : vector<128xf32>
      %reduce_sum3A_36 = vector.multi_reduction <add>, %select_n3A, %reduce_sum3A [0] : vector<1024x128xf32> to vector<128xf32>
      %broadcast_in_dim3A_37 = vector.shape_cast %reduce_sum3A_36 : vector<128xf32> to vector<1x128xf32>
      %add3A_38 = arith.addf %get3A_35, %broadcast_in_dim3A_37 : vector<1x128xf32>
      %swap3A = arith.constant 0 : index
      %swap3A_39 = arith.constant 0 : index
      %swap3A_40 = vector.load %arg10[%swap3A, %swap3A_39] : memref<1x128xf32, #tpu.memory_space<vmem>>, vector<1x128xf32>
      tpu.vector_store %arg10[%swap3A, %swap3A_39], %add3A_38 {strides = array<i32>} : memref<1x128xf32, #tpu.memory_space<vmem>>, vector<1x128xf32>,
      %get3A_41 = arith.constant 0 : index
      %get3A_42 = arith.constant 0 : index
      %get3A_43 = vector.load %arg11[%get3A_41, %get3A_42] : memref<1x128xf32, #tpu.memory_space<vmem>>, vector<1x128xf32>
      %mul3A_44 = arith.mulf %select_n3A, %select_n3A : vector<1024x128xf32>
      %reduce_sum3A_45 = arith.constant dense<0.000000e+00> : vector<128xf32>
      %reduce_sum3A_46 = vector.multi_reduction <add>, %mul3A_44, %reduce_sum3A_45 [0] : vector<1024x128xf32> to vector<128xf32>
      %broadcast_in_dim3A_47 = vector.shape_cast %reduce_sum3A_46 : vector<128xf32> to vector<1x128xf32>
      %add3A_48 = arith.addf %get3A_43, %broadcast_in_dim3A_47 : vector<1x128xf32>
      %swap3A_49 = arith.constant 0 : index
      %swap3A_50 = arith.constant 0 : index
      %swap3A_51 = vector.load %arg11[%swap3A_49, %swap3A_50] : memref<1x128xf32, #tpu.memory_space<vmem>>, vector<1x128xf32>
      tpu.vector_store %arg11[%swap3A_49, %swap3A_50], %add3A_48 {strides = array<i32>} : memref<1x128xf32, #tpu.memory_space<vmem>>, vector<1x128xf32>,
    } else {
    }
    %eq3A_22 = arith.constant 1 : i32
    %eq3A_23 = arith.cmpi eq, %arg0, %eq3A_22 : i32
    %convert_element_type3A_24 = arith.extui %eq3A_23 : i1 to i32
    %cond3A_25 = arith.constant 0 : i32
    %cond3A_26 = arith.cmpi ne, %convert_element_type3A_24, %cond3A_25 : i32
    scf.if %cond3A_26 {
      %get3A_27 = arith.constant 0 : index
      %get3A_28 = arith.constant 0 : index
      %get3A_29 = vector.load %arg10[%get3A_27, %get3A_28] : memref<1x128xf32, #tpu.memory_space<vmem>>, vector<1x128xf32>
      %mul3A_30 = arith.constant 9.99999974E-5 : f32
      %mul3A_31 = vector.broadcast %mul3A_30 : f32 to vector<1x128xf32>
      %mul3A_32 = arith.mulf %get3A_29, %mul3A_31 : vector<1x128xf32>
      %get3A_33 = arith.constant 0 : index
      %get3A_34 = arith.constant 0 : index
      %get3A_35 = vector.load %arg11[%get3A_33, %get3A_34] : memref<1x128xf32, #tpu.memory_space<vmem>>, vector<1x128xf32>
      %mul3A_36 = arith.constant 9.99999974E-5 : f32
      %mul3A_37 = vector.broadcast %mul3A_36 : f32 to vector<1x128xf32>
      %mul3A_38 = arith.mulf %get3A_35, %mul3A_37 : vector<1x128xf32>
      %mul3A_39 = arith.mulf %mul3A_32, %mul3A_32 : vector<1x128xf32>
      %sub3A = arith.subf %mul3A_38, %mul3A_39 : vector<1x128xf32>
      %sub3A_40 = vector.broadcast %mul3A_32 : vector<1x128xf32> to vector<1024x128xf32>
      %sub3A_41 = arith.subf %add3A_12, %sub3A_40 : vector<1024x128xf32>
      %add3A_42 = arith.constant 9.99999974E-6 : f32
      %add3A_43 = vector.broadcast %add3A_42 : f32 to vector<1x128xf32>
      %add3A_44 = arith.addf %sub3A, %add3A_43 : vector<1x128xf32>
      %rsqrt3A = math.rsqrt %add3A_44 : vector<1x128xf32>
      %mul3A_45 = vector.broadcast %rsqrt3A : vector<1x128xf32> to vector<1024x128xf32>
      %mul3A_46 = arith.mulf %sub3A_41, %mul3A_45 : vector<1024x128xf32>
      %get3A_47 = arith.constant 0 : index
      %get3A_48 = arith.constant 0 : index
      %get3A_49 = vector.load %arg6[%get3A_47, %get3A_48] : memref<1x128xf32, #tpu.memory_space<vmem>>, vector<1x128xf32>
      %mul3A_50 = vector.broadcast %get3A_49 : vector<1x128xf32> to vector<1024x128xf32>
      %mul3A_51 = arith.mulf %mul3A_46, %mul3A_50 : vector<1024x128xf32>
      %get3A_52 = arith.constant 0 : index
      %get3A_53 = arith.constant 0 : index
      %get3A_54 = vector.load %arg7[%get3A_52, %get3A_53] : memref<1x128xf32, #tpu.memory_space<vmem>>, vector<1x128xf32>
      %add3A_55 = vector.broadcast %get3A_54 : vector<1x128xf32> to vector<1024x128xf32>
      %add3A_56 = arith.addf %mul3A_51, %add3A_55 : vector<1024x128xf32>
      %max3A = arith.constant 0.000000e+00 : f32
      %max3A_57 = vector.broadcast %max3A : f32 to vector<1024x128xf32>
      %max3A_58 = arith.maximumf %add3A_56, %max3A_57 : vector<1024x128xf32>
      %get3A_59 = arith.constant 0 : index
      %get3A_60 = arith.constant 0 : index
      %get3A_61 = vector.load %arg8[%get3A_59, %get3A_60] : memref<128x128xf32, #tpu.memory_space<vmem>>, vector<128x128xf32>
      %dot_general3A = arith.constant dense<0.000000e+00> : vector<1024x128xf32>
      %dot_general3A_62 = tpu.matmul %max3A_58, %get3A_61, %dot_general3A {dimension_numbers = #tpu.dot_dimension_numbers<[1], [0], [0], [1], [0, 0, 1, 1], [], []>, transpose_lhs_hint = false} : vector<1024x128xf32>, vector<128x128xf32>, vector<1024x128xf32> -> vector<1024x128xf32>
      %get3A_63 = arith.constant 0 : index
      %get3A_64 = arith.constant 0 : index
      %get3A_65 = vector.load %arg4[%get3A_63, %get3A_64] : memref<1024x128xf32, #tpu.memory_space<vmem>>, vector<1024x128xf32>
      %mul3A_66 = arith.mulf %dot_general3A_62, %get3A_65 : vector<1024x128xf32>
      %swap3A = arith.constant 0 : index
      %swap3A_67 = arith.constant 0 : index
      %swap3A_68 = vector.load %arg9[%swap3A, %swap3A_67] : memref<1024x128xf32, #tpu.memory_space<vmem>>, vector<1024x128xf32>
      tpu.vector_store %arg9[%swap3A, %swap3A_67], %mul3A_66 {strides = array<i32>} : memref<1024x128xf32, #tpu.memory_space<vmem>>, vector<1024x128xf32>,
    } else {
    }
    return
  }
  func.func @transform_0(%arg0: i32, %arg1: i32) -> (i32, i32) {
    %c0_i32 = arith.constant 0 : i32
    %c0_i32_0 = arith.constant 0 : i32
    return %arg1, %c0_i32 : i32, i32
  }
  func.func @transform_1(%arg0: i32, %arg1: i32) -> (i32, i32) {
    %c0_i32 = arith.constant 0 : i32
    %c0_i32_0 = arith.constant 0 : i32
    return %arg1, %c0_i32 : i32, i32
  }
  func.func @transform_2(%arg0: i32, %arg1: i32) -> (i32, i32) {
    %c0_i32 = arith.constant 0 : i32
    %c0_i32_0 = arith.constant 0 : i32
    return %arg1, %c0_i32 : i32, i32
  }
  func.func @transform_3(%arg0: i32, %arg1: i32) -> (i32, i32) {
    %c0_i32 = arith.constant 0 : i32
    %c0_i32_0 = arith.constant 0 : i32
    %c0_i32_1 = arith.constant 0 : i32
    return %c0_i32, %c0_i32_0 : i32, i32
  }
  func.func @transform_4(%arg0: i32, %arg1: i32) -> (i32, i32) {
    %c0_i32 = arith.constant 0 : i32
    %c0_i32_0 = arith.constant 0 : i32
    %c0_i32_1 = arith.constant 0 : i32
    return %c0_i32, %c0_i32_0 : i32, i32
  }
  func.func @transform_5(%arg0: i32, %arg1: i32) -> (i32, i32) {
    %c0_i32 = arith.constant 0 : i32
    %c0_i32_0 = arith.constant 0 : i32
    %c0_i32_1 = arith.constant 0 : i32
    return %c0_i32, %c0_i32_0 : i32, i32
  }
  func.func @transform_6(%arg0: i32, %arg1: i32) -> (i32, i32) {
    %c0_i32 = arith.constant 0 : i32
    %c0_i32_0 = arith.constant 0 : i32
    %c0_i32_1 = arith.constant 0 : i32
    return %c0_i32, %c0_i32_0 : i32, i32
  }
  func.func @transform_7(%arg0: i32, %arg1: i32) -> (i32, i32) {
    %eq3A = arith.constant 1 : i32
    %eq3A_0 = arith.cmpi eq, %arg0, %eq3A : i32
    %jit3A = arith.constant 0 : i32
    %select_n3A = arith.select %eq3A_0, %arg1, %jit3A : i32
    %c0_i32 = arith.constant 0 : i32
    %c0_i32_1 = arith.constant 0 : i32
    return %select_n3A, %c0_i32 : i32, i32
  }
}

module attributes {stable_mosaic.version = 14 : i64} {
  func.func @_mm_bias_body(%arg0: i32, %arg1: memref<1024x128xf32, #tpu.memory_space<vmem>>, %arg2: memref<128x128xf32, #tpu.memory_space<vmem>>, %arg3: memref<1x128xf32, #tpu.memory_space<vmem>>, %arg4: memref<1024x128xf32, #tpu.memory_space<vmem>>) attributes {dimension_semantics = [#tpu.dimension_semantics<arbitrary>], iteration_bounds = array<i64: 10>, scalar_prefetch = 0 : i64, scratch_operands = 0 : i64, tpu.core_type = #tpu.core_type<tc>, window_params = [{transform_indices = @transform_0, window_bounds = array<i64: 1024, 128>}, {pipeline_mode = #tpu.pipeline_mode<synchronous>, transform_indices = @transform_1, window_bounds = array<i64: 128, 128>}, {pipeline_mode = #tpu.pipeline_mode<synchronous>, transform_indices = @transform_2, window_bounds = array<i64: 1, 128>}, {transform_indices = @transform_3, window_bounds = array<i64: 1024, 128>}]} {
    %get3A = arith.constant 0 : index
    %get3A_0 = arith.constant 0 : index
    %get3A_1 = vector.load %arg1[%get3A, %get3A_0] : memref<1024x128xf32, #tpu.memory_space<vmem>>, vector<1024x128xf32>
    %get3A_2 = arith.constant 0 : index
    %get3A_3 = arith.constant 0 : index
    %get3A_4 = vector.load %arg2[%get3A_2, %get3A_3] : memref<128x128xf32, #tpu.memory_space<vmem>>, vector<128x128xf32>
    %dot_general3A = arith.constant dense<0.000000e+00> : vector<1024x128xf32>
    %dot_general3A_5 = tpu.matmul %get3A_1, %get3A_4, %dot_general3A {dimension_numbers = #tpu.dot_dimension_numbers<[1], [0], [0], [1], [0, 0, 1, 1], [], []>, transpose_lhs_hint = false} : vector<1024x128xf32>, vector<128x128xf32>, vector<1024x128xf32> -> vector<1024x128xf32>
    %get3A_6 = arith.constant 0 : index
    %get3A_7 = arith.constant 0 : index
    %get3A_8 = vector.load %arg3[%get3A_6, %get3A_7] : memref<1x128xf32, #tpu.memory_space<vmem>>, vector<1x128xf32>
    %add3A = vector.broadcast %get3A_8 : vector<1x128xf32> to vector<1024x128xf32>
    %add3A_9 = arith.addf %dot_general3A_5, %add3A : vector<1024x128xf32>
    %swap3A = arith.constant 0 : index
    %swap3A_10 = arith.constant 0 : index
    %swap3A_11 = vector.load %arg4[%swap3A, %swap3A_10] : memref<1024x128xf32, #tpu.memory_space<vmem>>, vector<1024x128xf32>
    tpu.vector_store %arg4[%swap3A, %swap3A_10], %add3A_9 {strides = array<i32>} : memref<1024x128xf32, #tpu.memory_space<vmem>>, vector<1024x128xf32>,
    return
  }
  func.func @transform_0(%arg0: i32) -> (i32, i32) {
    %c0_i32 = arith.constant 0 : i32
    %c0_i32_0 = arith.constant 0 : i32
    return %arg0, %c0_i32 : i32, i32
  }
  func.func @transform_1(%arg0: i32) -> (i32, i32) {
    %c0_i32 = arith.constant 0 : i32
    %c0_i32_0 = arith.constant 0 : i32
    %c0_i32_1 = arith.constant 0 : i32
    return %c0_i32, %c0_i32_0 : i32, i32
  }
  func.func @transform_2(%arg0: i32) -> (i32, i32) {
    %c0_i32 = arith.constant 0 : i32
    %c0_i32_0 = arith.constant 0 : i32
    %c0_i32_1 = arith.constant 0 : i32
    return %c0_i32, %c0_i32_0 : i32, i32
  }
  func.func @transform_3(%arg0: i32) -> (i32, i32) {
    %c0_i32 = arith.constant 0 : i32
    %c0_i32_0 = arith.constant 0 : i32
    return %arg0, %c0_i32 : i32, i32
  }
}

module attributes {stable_mosaic.version = 14 : i64} {
  func.func @_bn_heads_body(%arg0: i32, %arg1: i32, %arg2: memref<1024x128xf32, #tpu.memory_space<vmem>>, %arg3: memref<1024x128xf32, #tpu.memory_space<vmem>>, %arg4: memref<1024x128xf32, #tpu.memory_space<vmem>>, %arg5: memref<1x128xf32, #tpu.memory_space<vmem>>, %arg6: memref<1x128xf32, #tpu.memory_space<vmem>>, %arg7: memref<1x128xf32, #tpu.memory_space<vmem>>, %arg8: memref<1024x128xf32, #tpu.memory_space<vmem>>, %arg9: memref<128x128xf32, #tpu.memory_space<vmem>>, %arg10: memref<1x128xf32, #tpu.memory_space<vmem>>, %arg11: memref<128x128xf32, #tpu.memory_space<vmem>>, %arg12: memref<1x128xf32, #tpu.memory_space<vmem>>, %arg13: memref<1024x128xf32, #tpu.memory_space<vmem>>, %arg14: memref<1024x128xf32, #tpu.memory_space<vmem>>, %arg15: memref<1x128xf32, #tpu.memory_space<vmem>>, %arg16: memref<1x128xf32, #tpu.memory_space<vmem>>) attributes {dimension_semantics = [#tpu.dimension_semantics<arbitrary>, #tpu.dimension_semantics<arbitrary>], iteration_bounds = array<i64: 2, 10>, scalar_prefetch = 0 : i64, scratch_operands = 2 : i64, tpu.core_type = #tpu.core_type<tc>, window_params = [{transform_indices = @transform_0, window_bounds = array<i64: 1024, 128>}, {transform_indices = @transform_1, window_bounds = array<i64: 1024, 128>}, {transform_indices = @transform_2, window_bounds = array<i64: 1024, 128>}, {pipeline_mode = #tpu.pipeline_mode<synchronous>, transform_indices = @transform_3, window_bounds = array<i64: 1, 128>}, {pipeline_mode = #tpu.pipeline_mode<synchronous>, transform_indices = @transform_4, window_bounds = array<i64: 1, 128>}, {pipeline_mode = #tpu.pipeline_mode<synchronous>, transform_indices = @transform_5, window_bounds = array<i64: 1, 128>}, {transform_indices = @transform_6, window_bounds = array<i64: 1024, 128>}, {pipeline_mode = #tpu.pipeline_mode<synchronous>, transform_indices = @transform_7, window_bounds = array<i64: 128, 128>}, {pipeline_mode = #tpu.pipeline_mode<synchronous>, transform_indices = @transform_8, window_bounds = array<i64: 1, 128>}, {pipeline_mode = #tpu.pipeline_mode<synchronous>, transform_indices = @transform_9, window_bounds = array<i64: 128, 128>}, {pipeline_mode = #tpu.pipeline_mode<synchronous>, transform_indices = @transform_10, window_bounds = array<i64: 1, 128>}, {transform_indices = @transform_11, window_bounds = array<i64: 1024, 128>}, {transform_indices = @transform_12, window_bounds = array<i64: 1024, 128>}]} {
    %get3A = arith.constant 0 : index
    %get3A_0 = arith.constant 0 : index
    %get3A_1 = vector.load %arg4[%get3A, %get3A_0] : memref<1024x128xf32, #tpu.memory_space<vmem>>, vector<1024x128xf32>
    %get3A_2 = arith.constant 0 : index
    %get3A_3 = arith.constant 0 : index
    %get3A_4 = vector.load %arg2[%get3A_2, %get3A_3] : memref<1024x128xf32, #tpu.memory_space<vmem>>, vector<1024x128xf32>
    %get3A_5 = arith.constant 0 : index
    %get3A_6 = arith.constant 0 : index
    %get3A_7 = vector.load %arg3[%get3A_5, %get3A_6] : memref<1024x128xf32, #tpu.memory_space<vmem>>, vector<1024x128xf32>
    %add3A = arith.addf %get3A_4, %get3A_7 : vector<1024x128xf32>
    %mul3A = arith.mulf %get3A_1, %add3A : vector<1024x128xf32>
    %get3A_8 = arith.constant 0 : index
    %get3A_9 = arith.constant 0 : index
    %get3A_10 = vector.load %arg5[%get3A_8, %get3A_9] : memref<1x128xf32, #tpu.memory_space<vmem>>, vector<1x128xf32>
    %add3A_11 = vector.broadcast %get3A_10 : vector<1x128xf32> to vector<1024x128xf32>
    %add3A_12 = arith.addf %mul3A, %add3A_11 : vector<1024x128xf32>
    %eq3A = arith.constant 0 : i32
    %eq3A_13 = arith.cmpi eq, %arg0, %eq3A : i32
    %eq3A_14 = arith.constant 0 : i32
    %eq3A_15 = arith.cmpi eq, %arg1, %eq3A_14 : i32
    %and3A = arith.andi %eq3A_13, %eq3A_15 : i1
    %convert_element_type3A = arith.extui %and3A : i1 to i32
    %cond3A = arith.constant 0 : i32
    %cond3A_16 = arith.cmpi ne, %convert_element_type3A, %cond3A : i32
    scf.if %cond3A_16 {
      %broadcast_in_dim3A = arith.constant 0.000000e+00 : f32
      %broadcast_in_dim3A_27 = vector.broadcast %broadcast_in_dim3A : f32 to vector<1x128xf32>
      %swap3A = arith.constant 0 : index
      %swap3A_28 = arith.constant 0 : index
      %swap3A_29 = vector.load %arg15[%swap3A, %swap3A_28] : memref<1x128xf32, #tpu.memory_space<vmem>>, vector<1x128xf32>
      tpu.vector_store %arg15[%swap3A, %swap3A_28], %broadcast_in_dim3A_27 {strides = array<i32>} : memref<1x128xf32, #tpu.memory_space<vmem>>, vector<1x128xf32>,
      %broadcast_in_dim3A_30 = arith.constant 0.000000e+00 : f32
      %broadcast_in_dim3A_31 = vector.broadcast %broadcast_in_dim3A_30 : f32 to vector<1x128xf32>
      %swap3A_32 = arith.constant 0 : index
      %swap3A_33 = arith.constant 0 : index
      %swap3A_34 = vector.load %arg16[%swap3A_32, %swap3A_33] : memref<1x128xf32, #tpu.memory_space<vmem>>, vector<1x128xf32>
      tpu.vector_store %arg16[%swap3A_32, %swap3A_33], %broadcast_in_dim3A_31 {strides = array<i32>} : memref<1x128xf32, #tpu.memory_space<vmem>>, vector<1x128xf32>,
    } else {
    }
    %eq3A_17 = arith.constant 0 : i32
    %eq3A_18 = arith.cmpi eq, %arg0, %eq3A_17 : i32
    %convert_element_type3A_19 = arith.extui %eq3A_18 : i1 to i32
    %cond3A_20 = arith.constant 0 : i32
    %cond3A_21 = arith.cmpi ne, %convert_element_type3A_19, %cond3A_20 : i32
    scf.if %cond3A_21 {
      %iota3A = tpu.iota {dimensions = array<i32: 0>} : vector<1024x128xi32>
      %mul3A_27 = arith.constant 1024 : i32
      %mul3A_28 = arith.muli %arg1, %mul3A_27 : i32
      %add3A_29 = vector.broadcast %mul3A_28 : i32 to vector<1024x128xi32>
      %add3A_30 = arith.addi %iota3A, %add3A_29 : vector<1024x128xi32>
      %lt3A = arith.constant 10000 : i32
      %lt3A_31 = vector.broadcast %lt3A : i32 to vector<1024x128xi32>
      %lt3A_32 = arith.cmpi slt, %add3A_30, %lt3A_31 : vector<1024x128xi32>
      %jit3A = arith.constant 0.000000e+00 : f32
      %broadcast_in_dim3A = vector.broadcast %jit3A : f32 to vector<1024x128xf32>
      %select_n3A = arith.select %lt3A_32, %add3A_12, %broadcast_in_dim3A : vector<1024x128xi1>, vector<1024x128xf32>
      %get3A_33 = arith.constant 0 : index
      %get3A_34 = arith.constant 0 : index
      %get3A_35 = vector.load %arg15[%get3A_33, %get3A_34] : memref<1x128xf32, #tpu.memory_space<vmem>>, vector<1x128xf32>
      %reduce_sum3A = arith.constant dense<0.000000e+00> : vector<128xf32>
      %reduce_sum3A_36 = vector.multi_reduction <add>, %select_n3A, %reduce_sum3A [0] : vector<1024x128xf32> to vector<128xf32>
      %broadcast_in_dim3A_37 = vector.shape_cast %reduce_sum3A_36 : vector<128xf32> to vector<1x128xf32>
      %add3A_38 = arith.addf %get3A_35, %broadcast_in_dim3A_37 : vector<1x128xf32>
      %swap3A = arith.constant 0 : index
      %swap3A_39 = arith.constant 0 : index
      %swap3A_40 = vector.load %arg15[%swap3A, %swap3A_39] : memref<1x128xf32, #tpu.memory_space<vmem>>, vector<1x128xf32>
      tpu.vector_store %arg15[%swap3A, %swap3A_39], %add3A_38 {strides = array<i32>} : memref<1x128xf32, #tpu.memory_space<vmem>>, vector<1x128xf32>,
      %get3A_41 = arith.constant 0 : index
      %get3A_42 = arith.constant 0 : index
      %get3A_43 = vector.load %arg16[%get3A_41, %get3A_42] : memref<1x128xf32, #tpu.memory_space<vmem>>, vector<1x128xf32>
      %mul3A_44 = arith.mulf %select_n3A, %select_n3A : vector<1024x128xf32>
      %reduce_sum3A_45 = arith.constant dense<0.000000e+00> : vector<128xf32>
      %reduce_sum3A_46 = vector.multi_reduction <add>, %mul3A_44, %reduce_sum3A_45 [0] : vector<1024x128xf32> to vector<128xf32>
      %broadcast_in_dim3A_47 = vector.shape_cast %reduce_sum3A_46 : vector<128xf32> to vector<1x128xf32>
      %add3A_48 = arith.addf %get3A_43, %broadcast_in_dim3A_47 : vector<1x128xf32>
      %swap3A_49 = arith.constant 0 : index
      %swap3A_50 = arith.constant 0 : index
      %swap3A_51 = vector.load %arg16[%swap3A_49, %swap3A_50] : memref<1x128xf32, #tpu.memory_space<vmem>>, vector<1x128xf32>
      tpu.vector_store %arg16[%swap3A_49, %swap3A_50], %add3A_48 {strides = array<i32>} : memref<1x128xf32, #tpu.memory_space<vmem>>, vector<1x128xf32>,
    } else {
    }
    %eq3A_22 = arith.constant 1 : i32
    %eq3A_23 = arith.cmpi eq, %arg0, %eq3A_22 : i32
    %convert_element_type3A_24 = arith.extui %eq3A_23 : i1 to i32
    %cond3A_25 = arith.constant 0 : i32
    %cond3A_26 = arith.cmpi ne, %convert_element_type3A_24, %cond3A_25 : i32
    scf.if %cond3A_26 {
      %get3A_27 = arith.constant 0 : index
      %get3A_28 = arith.constant 0 : index
      %get3A_29 = vector.load %arg15[%get3A_27, %get3A_28] : memref<1x128xf32, #tpu.memory_space<vmem>>, vector<1x128xf32>
      %mul3A_30 = arith.constant 9.99999974E-5 : f32
      %mul3A_31 = vector.broadcast %mul3A_30 : f32 to vector<1x128xf32>
      %mul3A_32 = arith.mulf %get3A_29, %mul3A_31 : vector<1x128xf32>
      %get3A_33 = arith.constant 0 : index
      %get3A_34 = arith.constant 0 : index
      %get3A_35 = vector.load %arg16[%get3A_33, %get3A_34] : memref<1x128xf32, #tpu.memory_space<vmem>>, vector<1x128xf32>
      %mul3A_36 = arith.constant 9.99999974E-5 : f32
      %mul3A_37 = vector.broadcast %mul3A_36 : f32 to vector<1x128xf32>
      %mul3A_38 = arith.mulf %get3A_35, %mul3A_37 : vector<1x128xf32>
      %mul3A_39 = arith.mulf %mul3A_32, %mul3A_32 : vector<1x128xf32>
      %sub3A = arith.subf %mul3A_38, %mul3A_39 : vector<1x128xf32>
      %sub3A_40 = vector.broadcast %mul3A_32 : vector<1x128xf32> to vector<1024x128xf32>
      %sub3A_41 = arith.subf %add3A_12, %sub3A_40 : vector<1024x128xf32>
      %add3A_42 = arith.constant 9.99999974E-6 : f32
      %add3A_43 = vector.broadcast %add3A_42 : f32 to vector<1x128xf32>
      %add3A_44 = arith.addf %sub3A, %add3A_43 : vector<1x128xf32>
      %rsqrt3A = math.rsqrt %add3A_44 : vector<1x128xf32>
      %mul3A_45 = vector.broadcast %rsqrt3A : vector<1x128xf32> to vector<1024x128xf32>
      %mul3A_46 = arith.mulf %sub3A_41, %mul3A_45 : vector<1024x128xf32>
      %get3A_47 = arith.constant 0 : index
      %get3A_48 = arith.constant 0 : index
      %get3A_49 = vector.load %arg6[%get3A_47, %get3A_48] : memref<1x128xf32, #tpu.memory_space<vmem>>, vector<1x128xf32>
      %mul3A_50 = vector.broadcast %get3A_49 : vector<1x128xf32> to vector<1024x128xf32>
      %mul3A_51 = arith.mulf %mul3A_46, %mul3A_50 : vector<1024x128xf32>
      %get3A_52 = arith.constant 0 : index
      %get3A_53 = arith.constant 0 : index
      %get3A_54 = vector.load %arg7[%get3A_52, %get3A_53] : memref<1x128xf32, #tpu.memory_space<vmem>>, vector<1x128xf32>
      %add3A_55 = vector.broadcast %get3A_54 : vector<1x128xf32> to vector<1024x128xf32>
      %add3A_56 = arith.addf %mul3A_51, %add3A_55 : vector<1024x128xf32>
      %get3A_57 = arith.constant 0 : index
      %get3A_58 = arith.constant 0 : index
      %get3A_59 = vector.load %arg8[%get3A_57, %get3A_58] : memref<1024x128xf32, #tpu.memory_space<vmem>>, vector<1024x128xf32>
      %add3A_60 = arith.addf %add3A_56, %get3A_59 : vector<1024x128xf32>
      %max3A = arith.constant 0.000000e+00 : f32
      %max3A_61 = vector.broadcast %max3A : f32 to vector<1024x128xf32>
      %max3A_62 = arith.maximumf %add3A_60, %max3A_61 : vector<1024x128xf32>
      %get3A_63 = arith.constant 0 : index
      %get3A_64 = arith.constant 0 : index
      %get3A_65 = vector.load %arg9[%get3A_63, %get3A_64] : memref<128x128xf32, #tpu.memory_space<vmem>>, vector<128x128xf32>
      %dot_general3A = arith.constant dense<0.000000e+00> : vector<1024x128xf32>
      %dot_general3A_66 = tpu.matmul %max3A_62, %get3A_65, %dot_general3A {dimension_numbers = #tpu.dot_dimension_numbers<[1], [0], [0], [1], [0, 0, 1, 1], [], []>, transpose_lhs_hint = false} : vector<1024x128xf32>, vector<128x128xf32>, vector<1024x128xf32> -> vector<1024x128xf32>
      %get3A_67 = arith.constant 0 : index
      %get3A_68 = arith.constant 0 : index
      %get3A_69 = vector.load %arg10[%get3A_67, %get3A_68] : memref<1x128xf32, #tpu.memory_space<vmem>>, vector<1x128xf32>
      %add3A_70 = vector.broadcast %get3A_69 : vector<1x128xf32> to vector<1024x128xf32>
      %add3A_71 = arith.addf %dot_general3A_66, %add3A_70 : vector<1024x128xf32>
      %swap3A = arith.constant 0 : index
      %swap3A_72 = arith.constant 0 : index
      %swap3A_73 = vector.load %arg13[%swap3A, %swap3A_72] : memref<1024x128xf32, #tpu.memory_space<vmem>>, vector<1024x128xf32>
      tpu.vector_store %arg13[%swap3A, %swap3A_72], %add3A_71 {strides = array<i32>} : memref<1024x128xf32, #tpu.memory_space<vmem>>, vector<1024x128xf32>,
      %get3A_74 = arith.constant 0 : index
      %get3A_75 = arith.constant 0 : index
      %get3A_76 = vector.load %arg11[%get3A_74, %get3A_75] : memref<128x128xf32, #tpu.memory_space<vmem>>, vector<128x128xf32>
      %dot_general3A_77 = arith.constant dense<0.000000e+00> : vector<1024x128xf32>
      %dot_general3A_78 = tpu.matmul %max3A_62, %get3A_76, %dot_general3A_77 {dimension_numbers = #tpu.dot_dimension_numbers<[1], [0], [0], [1], [0, 0, 1, 1], [], []>, transpose_lhs_hint = false} : vector<1024x128xf32>, vector<128x128xf32>, vector<1024x128xf32> -> vector<1024x128xf32>
      %get3A_79 = arith.constant 0 : index
      %get3A_80 = arith.constant 0 : index
      %get3A_81 = vector.load %arg12[%get3A_79, %get3A_80] : memref<1x128xf32, #tpu.memory_space<vmem>>, vector<1x128xf32>
      %add3A_82 = vector.broadcast %get3A_81 : vector<1x128xf32> to vector<1024x128xf32>
      %add3A_83 = arith.addf %dot_general3A_78, %add3A_82 : vector<1024x128xf32>
      %swap3A_84 = arith.constant 0 : index
      %swap3A_85 = arith.constant 0 : index
      %swap3A_86 = vector.load %arg14[%swap3A_84, %swap3A_85] : memref<1024x128xf32, #tpu.memory_space<vmem>>, vector<1024x128xf32>
      tpu.vector_store %arg14[%swap3A_84, %swap3A_85], %add3A_83 {strides = array<i32>} : memref<1024x128xf32, #tpu.memory_space<vmem>>, vector<1024x128xf32>,
    } else {
    }
    return
  }
  func.func @transform_0(%arg0: i32, %arg1: i32) -> (i32, i32) {
    %c0_i32 = arith.constant 0 : i32
    %c0_i32_0 = arith.constant 0 : i32
    return %arg1, %c0_i32 : i32, i32
  }
  func.func @transform_1(%arg0: i32, %arg1: i32) -> (i32, i32) {
    %c0_i32 = arith.constant 0 : i32
    %c0_i32_0 = arith.constant 0 : i32
    return %arg1, %c0_i32 : i32, i32
  }
  func.func @transform_2(%arg0: i32, %arg1: i32) -> (i32, i32) {
    %c0_i32 = arith.constant 0 : i32
    %c0_i32_0 = arith.constant 0 : i32
    return %arg1, %c0_i32 : i32, i32
  }
  func.func @transform_3(%arg0: i32, %arg1: i32) -> (i32, i32) {
    %c0_i32 = arith.constant 0 : i32
    %c0_i32_0 = arith.constant 0 : i32
    %c0_i32_1 = arith.constant 0 : i32
    return %c0_i32, %c0_i32_0 : i32, i32
  }
  func.func @transform_4(%arg0: i32, %arg1: i32) -> (i32, i32) {
    %c0_i32 = arith.constant 0 : i32
    %c0_i32_0 = arith.constant 0 : i32
    %c0_i32_1 = arith.constant 0 : i32
    return %c0_i32, %c0_i32_0 : i32, i32
  }
  func.func @transform_5(%arg0: i32, %arg1: i32) -> (i32, i32) {
    %c0_i32 = arith.constant 0 : i32
    %c0_i32_0 = arith.constant 0 : i32
    %c0_i32_1 = arith.constant 0 : i32
    return %c0_i32, %c0_i32_0 : i32, i32
  }
  func.func @transform_6(%arg0: i32, %arg1: i32) -> (i32, i32) {
    %c0_i32 = arith.constant 0 : i32
    %c0_i32_0 = arith.constant 0 : i32
    return %arg1, %c0_i32 : i32, i32
  }
  func.func @transform_7(%arg0: i32, %arg1: i32) -> (i32, i32) {
    %c0_i32 = arith.constant 0 : i32
    %c0_i32_0 = arith.constant 0 : i32
    %c0_i32_1 = arith.constant 0 : i32
    return %c0_i32, %c0_i32_0 : i32, i32
  }
  func.func @transform_8(%arg0: i32, %arg1: i32) -> (i32, i32) {
    %c0_i32 = arith.constant 0 : i32
    %c0_i32_0 = arith.constant 0 : i32
    %c0_i32_1 = arith.constant 0 : i32
    return %c0_i32, %c0_i32_0 : i32, i32
  }
  func.func @transform_9(%arg0: i32, %arg1: i32) -> (i32, i32) {
    %c0_i32 = arith.constant 0 : i32
    %c0_i32_0 = arith.constant 0 : i32
    %c0_i32_1 = arith.constant 0 : i32
    return %c0_i32, %c0_i32_0 : i32, i32
  }
  func.func @transform_10(%arg0: i32, %arg1: i32) -> (i32, i32) {
    %c0_i32 = arith.constant 0 : i32
    %c0_i32_0 = arith.constant 0 : i32
    %c0_i32_1 = arith.constant 0 : i32
    return %c0_i32, %c0_i32_0 : i32, i32
  }
  func.func @transform_11(%arg0: i32, %arg1: i32) -> (i32, i32) {
    %eq3A = arith.constant 1 : i32
    %eq3A_0 = arith.cmpi eq, %arg0, %eq3A : i32
    %jit3A = arith.constant 0 : i32
    %select_n3A = arith.select %eq3A_0, %arg1, %jit3A : i32
    %c0_i32 = arith.constant 0 : i32
    %c0_i32_1 = arith.constant 0 : i32
    return %select_n3A, %c0_i32 : i32, i32
  }
  func.func @transform_12(%arg0: i32, %arg1: i32) -> (i32, i32) {
    %eq3A = arith.constant 1 : i32
    %eq3A_0 = arith.cmpi eq, %arg0, %eq3A : i32
    %jit3A = arith.constant 0 : i32
    %select_n3A = arith.select %eq3A_0, %arg1, %jit3A : i32
    %c0_i32 = arith.constant 0 : i32
    %c0_i32_1 = arith.constant 0 : i32
    return %select_n3A, %c0_i32 : i32, i32
  }
}

</mosaic_0001>

<sc_bundles>
// kernel: kernel.14.cloned.1.call-start
scs
__scs_entry_jumppad:
0x0: {  	(pc) =	sbr.rel $0x88, $3  }
0x1: {  	(tag) =	ssettag $0x0;
	lr =	simm.s32 $0x1  }
0x2: {  	[smem:$0x3F89] =	sst lr;
	_ =	strace $0xD0000000  }
0x3: {  	_ = 	snop  }
0x4: {  	_ = 	snop  }
0x5: {  	_ = 	snop  }
0x6: {  	_ = 	snop  }
0x7: {  	_ = 	snop  }
__scs_overlays_trampoline_lowered:
0x8: {  	[smem:$0x3F98] =	sst s0  }
0x9: {  	[smem:$0x3F99] =	sst s1  }
0xa: {  	[smem:$0x3F9A] =	sst s2  }
0xb: {  	[smem:$0x3F9B] =	sst s3  }
0xc: {  	[smem:$0x3F9C] =	sst s4  }
0xd: {  	[smem:$0x3F9D] =	sst s5  }
0xe: {  	[smem:$0x3F9E] =	sst s6  }
0xf: {  	[smem:$0x3F9F] =	sst s7  }
0x10: {  	[smem:$0x3FA0] =	sst s8  }
0x11: {  	[smem:$0x3FA1] =	sst s9;
	s0 =	simm.s32 @!p0 $0x0  }
0x12: {  	s1 =	sld [smem:$0x3F87];
	s0 =	simm.s32 @p0 $0x1  }
0x13: {  	[smem:$0x3FA2] =	sst s0;
	s0 =	simm.s32 @!p1 $0x0  }
0x14: {  	s2 =	sld [smem:$0x3F86];
	s0 =	simm.s32 @p1 $0x1  }
0x15: {  	[smem:$0x3FA3] =	sst s0;
	s0 =	simm.s32 @!p2 $0x0  }
0x16: {  	s3 =	sld [smem:$0x3FDB];
	s0 =	simm.s32 @p2 $0x1  }
0x17: {  	s4 =	simm.s32 $0x1BF5;
	[smem:$0x3FA5] =	sst s0  }
0x18: {  	s0 =	sld [smem:$0x3F88];
	_ =	swait.ge [sflag:s4], $0x0  }
0x19: {  	s7 =	sld [smem:$0x3F89]  }
0x1a: {  	s8 =	sadd.s32 $0xFFFFE003, lr  }
0x1b: {  	s9 =	sadd.s32 $0xFFFFFEF7, lr;
	s5 =	simm.s32 $0xFFFFFFFF;
	p2 =	slt.u32 s8, $0xFFFFF086  }
0x1c: {  	p1 =	slt.u32 s9, $0xF7A;
	s5 =	simm.s32 @!p2 $0x0  }
0x1d: {  	s5 =	simm.s32 @p1 $0x1;
	p0 =	seq.s32 s7, s2  }
0x1e: {  	s7 =	smul.u32 @!p0 $0xF7A, s2;
	p2 =	seq.s32 @!p0 s5, $0x0  }
0x1f: {  	s9 =	smul.u32 $0xF7A, s1;
	s8 =	simm.s32 @!p0 $0x1BF5;
	p2 =	por !p2, p0  }
0x20: {  	[sflag:s8] =	ssyncset.s32 @!p0 $0xFFFFF086;
	s6 =	sadd.s32 @!p0 s3, s7;
	s7 =	simm.s32 @!p0 $0x108  }
0x21: {  	s3 =	sadd.s32 s3, s9;
	s6 =	sadd.s32 @!p0 $0x88, s6;
	s7 =	simm.s32 @p2 $0x1082  }
0x22: {  	[simem:s7], [sflag:s8] =	dma.local @!p0 [hbm:s6], $0xF7A  }
0x23: {  	s9 =	sor.u32 $0xD0000000, s2;
	s6 =	simm.s32 $0x108;
	_ =	swait.ge @!p0 [sflag:s8], $0x0  }
0x24: {  	s3 =	sadd.s32 $0x88, s3;
	s6 =	simm.s32 @!p1 $0x1082;
	[sflag:s4] =	ssyncset.s32 $0xFFFFF086  }
0x25: {  	[simem:s6], [sflag:s4] =	dma.local [hbm:s3], $0xF7A  }
0x26: {  	[smem:$0x3F89] =	sst s1;
	(tag) =	ssettag s2;
	_ =	strace s9  }
0x27: {  	s1 =	sld [smem:$0x3F99]  }
0x28: {  	s2 =	sld [smem:$0x3F9A]  }
0x29: {  	s4 =	sld [smem:$0x3F9C]  }
0x2a: {  	p0 =	seq.s32 s5, $0x0;
	s5 =	sld [smem:$0x3F9D]  }
0x2b: {  	s6 =	sld [smem:$0x3F9E]  }
0x2c: {  	s7 =	sld [smem:$0x3F9F]  }
0x2d: {  	s3 =	simm.s32 $0x108;
	s8 =	sld [smem:$0x3FA0]  }
0x2e: {  	s3 =	simm.s32 @!p0 $0x1082;
	s9 =	sld [smem:$0x3FA1]  }
0x2f: {  	lr =	sadd.s32 s0, s3;
	s0 =	sld [smem:$0x3F98]  }
0x30: {  	s3 =	sld [smem:$0x3F9B]  }
0x31: {  	[smem:$0x3FA4] =	sst s10  }
0x32: {  	s10 =	sld [smem:$0x3FA2];
	_ =	sdelay $0x3  }
0x33: {  	p0 =	seq.s32 s10, $0x1;
	s10 =	sld [smem:$0x3FA4];
	_ =	sdelay $0x3  }
0x34: {  	[smem:$0x3FA4] =	sst s10  }
0x35: {  	s10 =	sld [smem:$0x3FA3];
	_ =	sdelay $0x3  }
0x36: {  	p1 =	seq.s32 s10, $0x1;
	s10 =	sld [smem:$0x3FA4];
	_ =	sdelay $0x3  }
0x37: {  	[smem:$0x3FA4] =	sst s10  }
0x38: {  	s10 =	sld [smem:$0x3FA5]  }
0x39: {  	_ = 	snop;
	(pc) =	sbr.ind lr, $3  }
0x3a: {  	_ = 	snop  }
0x3b: {  	_ = 	snop  }
0x3c: {  	p2 =	seq.s32 s10, $0x1;
	s10 =	sld [smem:$0x3FA4]  }
0x3d: {  	_ =	shalt  }
0x3e: {  	_ =	shalt  }
0x3f: {  	_ =	shalt  }
0x40: {  	_ =	shalt  }
0x41: {  	_ =	shalt  }
0x42: {  	_ =	shalt  }
0x43: {  	_ =	shalt  }
0x44: {  	_ =	shalt  }
0x45: {  	_ =	shalt  }
0x46: {  	_ =	shalt  }
0x47: {  	_ =	shalt  }
0x48: {  	_ =	shalt  }
0x49: {  	_ =	shalt  }
0x4a: {  	_ =	shalt  }
0x4b: {  	_ =	shalt  }
0x4c: {  	_ =	shalt  }
0x4d: {  	_ =	shalt  }
0x4e: {  	_ =	shalt  }
0x4f: {  	_ =	shalt  }
0x50: {  	_ =	shalt  }
0x51: {  	_ =	shalt  }
0x52: {  	_ =	shalt  }
0x53: {  	_ =	shalt  }
0x54: {  	_ =	shalt  }
0x55: {  	_ =	shalt  }
0x56: {  	_ =	shalt  }
0x57: {  	_ =	shalt  }
0x58: {  	_ =	shalt  }
0x59: {  	_ =	shalt  }
0x5a: {  	_ =	shalt  }
0x5b: {  	_ =	shalt  }
0x5c: {  	_ =	shalt  }
0x5d: {  	_ =	shalt  }
0x5e: {  	_ =	shalt  }
0x5f: {  	_ =	shalt  }
0x60: {  	_ =	shalt  }
0x61: {  	_ =	shalt  }
0x62: {  	_ =	shalt  }
0x63: {  	_ =	shalt  }
0x64: {  	_ =	shalt  }
0x65: {  	_ =	shalt  }
0x66: {  	_ =	shalt  }
0x67: {  	_ =	shalt  }
0x68: {  	_ =	shalt  }
0x69: {  	_ =	shalt  }
0x6a: {  	_ =	shalt  }
0x6b: {  	_ =	shalt  }
0x6c: {  	_ =	shalt  }
0x6d: {  	_ =	shalt  }
0x6e: {  	_ =	shalt  }
0x6f: {  	_ =	shalt  }
0x70: {  	_ =	shalt  }
0x71: {  	_ =	shalt  }
0x72: {  	_ =	shalt  }
0x73: {  	_ =	shalt  }
0x74: {  	_ =	shalt  }
0x75: {  	_ =	shalt  }
0x76: {  	_ =	shalt  }
0x77: {  	_ =	shalt  }
0x78: {  	_ =	shalt  }
0x79: {  	_ =	shalt  }
0x7a: {  	_ =	shalt  }
0x7b: {  	_ =	shalt  }
0x7c: {  	_ =	shalt  }
0x7d: {  	_ =	shalt  }
0x7e: {  	_ =	shalt  }
0x7f: {  	_ =	shalt  }
0x80: {  	_ =	shalt  }
0x81: {  	_ =	shalt  }
0x82: {  	_ =	shalt  }
0x83: {  	_ =	shalt  }
0x84: {  	_ =	shalt  }
0x85: {  	_ =	shalt  }
0x86: {  	_ =	shalt  }
0x87: {  	_ =	shalt  }
.Lfunc_end0:
.L_simem_size_0:
called_computation_lowered:
.L_overlay_start_0:
0x88: {  	s2 =	sld [smem:$0x3FD9]  }
0x89: {  	s3 =	sld [smem:$0x3FFE];
	_ =	sdelay $0x1  }
0x8a: {  	s1 =	srdreg.scid  }
0x8b: {  	s0 =	sand.u32 $0x1, s1  }
0x8c: {  	s14 =	sshll.u32 s0, $0xA;
	s2 =	sadd.s32 s3, s2  }
0x8d: {  	s2 =	sadd.s32 s2, s14  }
0x8e: {  	[smem:$0x3FB0] =	sst s2  }
0x8f: {  	_ = 	snop  }
0x90: {  	s2 =	sld [smem:$0x3FD0];
	_ =	sdelay $0x2  }
0x91: {  	s15 =	simm.s32 $0xA;
	s4 =	simm.s32 $0x10  }
0x92: {  	[smem:s4], [sflag:s15] =	dma.local [hbm:s2], $0x1  }
0x93: {  	_ =	swait.eq [sflag:s15], $0x1  }
0x94: {  	[sflag:s15] =	ssyncset.done $0x0  }
0x95: {  	[sflag:s15] =	ssyncadd.s32 $0xFFFFFFFF  }
0x96: {  	s16 =	sld [smem:$0x10];
	(tm) =	ssettm $0x1  }
0x97: {  	s17 =	sld [smem:$0x3FFB];
	_ =	sdelay $0x3  }
0x98: {  	_ =	strace s17  }
0x99: {  	s3 =	sld [smem:$0x3FFC];
	_ =	sdelay $0x3  }
0x9a: {  	_ =	strace s3  }
0x9b: {  	s3 =	sld [smem:$0x3FFD];
	_ =	sdelay $0x3  }
0x9c: {  	_ =	strace s3  }
0x9d: {  	_ =	strace $0x8FFFFFFF  }
0x9e: {  	s18 =	sld [smem:$0x3FDB];
	_ =	sdelay $0x1  }
0x9f: {  	s19 =	simm.s32 $_scs_section_size  }
0xa0: {  	s5 =	simm.s32 $_size__tile_overlayer_lowered;
	s6 =	simm.s32 $_tile_overlayer_lowered  }
0xa1: {  	s22 =	simm.s32 $0x1BFF;
	s21 =	sshll.u32 s6, $0x1;
	s3 =	sadd.s32 s19, s18  }
0xa2: {  	s7 =	simm.s32 $0x0;
	s20 =	sshll.u32 s5, $0x1;
	s5 =	sadd.s32 s21, s3  }
0xa3: {  	[timem:s7], [sflag:s22] =	dma.local [hbm:s5], s20  }
0xa4: {  	_ =	swait.ge [sflag:s22], s20  }
0xa5: {  	s4 =	ssub.s32 $0x0, s20;
	[sflag:s22] =	ssyncset.done $0x0  }
0xa6: {  	[sflag:s22] =	ssyncadd.s32 s4;
	_ =	sdelay $0x1  }
0xa7: {  	s23 =	simm.s32 $0x1B8B  }
0xa8: {  	_ =	swait.ge [sflag:s23], $0x1  }
0xa9: {  	[sflag:s23] =	ssyncset.done $0x0  }
0xaa: {  	s25 =	simm.s32 $0x1B8E;
	s24 =	sld [smem:$0x3FFE];
	[sflag:s23] =	ssyncadd.s32 $0xFFFFFFFF  }
0xab: {  	s26 =	simm.s32 $execute0_lowered;
	[smem:$0x3FD2] =	sst s25  }
0xac: {  	s5 =	sshll.u32 s26, $0x1;
	_ =	strace $0x80000046;
	[dreg:$0x1] =	wrdreg $0xFFFFFFFF  }
0xad: {  	s28 =	simm.s32 $_size_execute0_lowered;
	s3 =	sadd.s32 s3, s5;
	[dreg:$0x0] =	wrdreg $0x0  }
0xae: {  	s5 =	sshll.u32 s28, $0x1;
	[dreg:$0x2] =	wrdreg s3  }
0xaf: {  	[dreg:$0x3] =	wrdreg s5  }
0xb0: {  	[dreg:$0x4] =	wrdreg $0xC0  }
0xb1: {  	_ =	task [dreg:s7], $0x5FFFF  }
0xb2: {  	[dreg:$0x1] =	wrdreg $0xFFFFFFFF  }
0xb3: {  	[dreg:$0x0] =	wrdreg $0x60  }
0xb4: {  	[dreg:$0x2] =	wrdreg s16  }
0xb5: {  	[dreg:$0x3] =	wrdreg s24  }
0xb6: {  	[dreg:$0x4] =	wrdreg $0x9000  }
0xb7: {  	[dreg:$0x5] =	wrdreg $0x9  }
0xb8: {  	_ =	task.clear_ibuf [dreg:s7], $0x6FFFF;
	_ =	strace $0x90000046  }
0xb9: {  	s29 =	simm.s32 $0x9;
	_ =	strace $0x80000048  }
0xba: {  	_ =	swait.ge [sflag:s29], $0x1  }
0xbb: {  	[sflag:s29] =	ssyncadd.s32 $0xFFFFFFFF  }
0xbc: {  	_ =	strace $0x90000048  }
0xbd: {  	_ =	sfence  }
0xbe: {  	s30 =	sld [smem:$0x0];
	_ =	sdelay $0x2  }
0xbf: {  	s31 =	sshll.u32 s1, $0xD;
	s1 =	sshrl.u32 s1, $0x2  }
0xc0: {  	s3 =	sand.u32 $0x4000, s31;
	s1 =	sadd.s32 s1, s30  }
0xc1: {  	s0 =	sor.u32 s3, s0;
	s1 =	sshll.u32 s1, $0x11  }
0xc2: {  	s0 =	sor.u32 s1, s0  }
0xc3: {  	s0 =	sadd.s32 $0x8F2B, s0  }
0xc4: {  	[sflag:s0] =	ssyncadd.remote.s32 $0x1  }
0xc5: {  	_ =	sfence.sel $0xFFFF  }
0xc6: {  	[dreg:$0x0] =	wrdreg $0xFFFFFFFF;
	(pc) =	sbr.abs _section_cstart, $3  }
0xc7: {  	[dreg:$0x1] =	wrdreg $0xFFFFFFFF  }
0xc8: {  	_ =	task.clear_ibuf [dreg:s7], $0x2FFFF;
	_ =	strace $0x9FFFFFFF  }
0xc9: {  	(tm) =	ssettm $0x7FFFFFFF  }
tec
execute0_lowered:
.L_overlay_start_1:
0x0: {  	(tag) =	ssettag $0x1  }
0x1: {  	s1 =	rddreg [dreg:$0x0]  }
0x2: {  	s6 =	rddreg [dreg:$0x1]  }
0x3: {  	s3 =	rddreg [dreg:$0x2]  }
0x4: {  	s0 =	rddreg [dreg:$0x3]  }
0x5: {  	s4 =	simm.s32 $0x0;
	s2 =	stileid.u32;
	s5 =	srdreg.scid  }
0x6: {  	s15 =	simm.s32 $0x100;
	s16 =	simm.s32 $0x80;
	s17 =	simm.s32 $0x1  }
0x7: {  	s18 =	simm.s32 $0x2;
	s19 =	simm.s32 $0x0;
	s7 =	smul.u32 $0x2800, s2  }
0x8: {  	[smem:$0x7FF] =	sst s4;
	s8 =	sand.u32 $0x1, s5;
	s9 =	smul.u32 $0x500, s2  }
0x9: {  	s25 =	sshll.u32 s2, $0x1;
	s5 =	sadd.s32 $0x5800, s6;
	s13 =	smul.u32 $0x5100, s2  }
0xa: {  	s29 =	sshll.u32 s2, $0x6;
	_ =	strace $0x80000047;
	s11 =	smul.u32 $0x5000, s8  }
0xb: {  	s12 =	sor.u32 s8, s25;
	s26 =	ssub.s32 $0x2, s8;
	s8 =	smul.u32 $0x2880, s8  }
0xc: {  	s10 =	sshrl.u32 s7, $0x3;
	s12 =	smul.u32 $0x2880, s12;
	s28 =	sshrl.u32 s26, $0x1  }
0xd: {  	s14 =	sadd.s32 s7, s3;
	s7 =	sor.u32 $0x1C03, s29;
	s10 =	sadd.s32 s10, s6  }
0xe: {  	s9 =	sadd.s32 s9, s11;
	s11 =	ssub.s32 s26, s28;
	s31 =	sadd.s32 s8, s13  }
0xf: {  	s9 =	sadd.s32 s9, s6;
	s6 =	sadd.s32 $0x5A00, s10;
	s30 =	sshrl.u32 s12, $0x3  }
0x10: {  	s13 =	sadd.s32 $0x80, s31;
	s10 =	smax.u32 s11, $0x1;
	s11 =	sadd.s32 $0x100, s31  }
0x11: {  	s8 =	sadd.s32 s1, s30;
	s9 =	sadd.s32 $0xAA00, s9;
	s13 =	sshrl.u32 s13, $0x3  }
0x12: {  	s12 =	sadd.s32 s13, s1;
	s13 =	sshrl.u32 s14, $0x3;
	s14 =	simm.s32 $0x3  }
.LBB2_1:
0x13: {  	[spmem:s13], [sflag:s7] =	dma.local [hbm:s6], $0x500  }
0x14: {  	_ =	swait.ge [sflag:s14], $0x500  }
0x15: {  	[sflag:s14] =	ssyncset.done $0x0  }
0x16: {  	[sflag:s14] =	ssyncadd.s32 $0xFFFFFB00  }
0x17: {  	[tilespmem:s15], [sflag:$0x3] =	stream.linear.gather [hbm4b:s5+s4], $0x800, $0x38;
	[tilespmem:$0x3100] =	vst v63  }
0x18: {  	_ =	swait.ge [sflag:s14], $0x800  }
0x19: {  	[sflag:s14] =	ssyncset.done $0x0  }
0x1a: {  	[sflag:s14] =	ssyncadd.s32 $0xFFFFF800  }
0x1b: {  	[bflag:$0x0] =	sbarrier.arrive $0xFFFF  }
0x1c: {  	[tilespmem:s4], [sflag:$0x1] =	stream.linear.gather [hbm4b:s8+s4], $0x80, $0x38;
	[tilespmem:$0x3100] =	vst v63  }
0x1d: {  	s20 =	sadd.s32 $0x0, s12  }
0x1e: {  	[tilespmem:s16], [sflag:$0x2] =	stream.linear.gather [hbm4b:s20+s4], $0x80, $0x38;
	[tilespmem:$0x3100] =	vst v63  }
0x1f: {  	_ =	swait.ge [sflag:s17], $0x80  }
0x20: {  	[sflag:s17] =	ssyncset.done $0x0  }
0x21: {  	[sflag:s17] =	ssyncadd.s32 $0xFFFFFF80  }
0x22: {  	[spmem:s3] =	stream.indirect.scatter.add.f32 [tilespmem:s15], [sflag:$0x3], $0x10, s4, s16, $0xb8;
	[tilespmem:$0x3100] =	vst v63  }
0x23: {  	_ =	swait.ge [sflag:s14], $0x800  }
0x24: {  	s31 =	sshrl.u32 s11, $0x3;
	[sflag:s14] =	ssyncset.done $0x0  }
0x25: {  	s20 =	sadd.s32 s1, s31;
	[sflag:s14] =	ssyncadd.s32 $0xFFFFF800  }
0x26: {  	[tilespmem:s4], [sflag:$0x1] =	stream.linear.gather [hbm4b:s20+s4], $0x80, $0x38;
	[tilespmem:$0x3100] =	vst v63  }
0x27: {  	_ =	swait.ge [sflag:s18], $0x80  }
0x28: {  	[sflag:s18] =	ssyncset.done $0x0  }
0x29: {  	[sflag:s18] =	ssyncadd.s32 $0xFFFFFF80  }
0x2a: {  	[spmem:s3] =	stream.indirect.scatter.add.f32 [tilespmem:s15], [sflag:$0x3], $0x10, s16, s16, $0xb8;
	[tilespmem:$0x3100] =	vst v63  }
0x2b: {  	s21 =	simm.s32 $0x20;
	_ =	swait.ge [sflag:s14], $0x800  }
0x2c: {  	s22 =	simm.s32 $0x40;
	s20 =	sadd.s32 $0x100, s11;
	[sflag:s14] =	ssyncset.done $0x0  }
.LBB2_2:
0x2d: {  	s23 =	sadd.s32 s21, s12  }
0x2e: {  	[sflag:s14] =	ssyncadd.s32 $0xFFFFF800;
	s21 =	smov.u32 s22;
	s24 =	sadd.s32 $0x20, s22  }
0x2f: {  	[tilespmem:s16], [sflag:$0x2] =	stream.linear.gather [hbm4b:s23+s4], $0x80, $0x38;
	[tilespmem:$0x3100] =	vst v63  }
0x30: {  	p0 =	sne.s32 s22, $0x4E0;
	_ =	swait.ge [sflag:s17], $0x80  }
0x31: {  	[sflag:s17] =	ssyncset.done $0x0  }
0x32: {  	[sflag:s17] =	ssyncadd.s32 $0xFFFFFF80  }
0x33: {  	[spmem:s3] =	stream.indirect.scatter.add.f32 [tilespmem:s15], [sflag:$0x3], $0x10, s4, s16, $0xb8;
	[tilespmem:$0x3100] =	vst v63  }
0x34: {  	_ =	swait.ge [sflag:s14], $0x800  }
0x35: {  	s22 =	sshrl.u32 s20, $0x3;
	[sflag:s14] =	ssyncset.done $0x0  }
0x36: {  	s22 =	sadd.s32 s1, s22;
	[sflag:s14] =	ssyncadd.s32 $0xFFFFF800  }
0x37: {  	[tilespmem:s4], [sflag:$0x1] =	stream.linear.gather [hbm4b:s22+s4], $0x80, $0x38;
	[tilespmem:$0x3100] =	vst v63  }
0x38: {  	_ =	swait.ge [sflag:s18], $0x80  }
.Ltmp0:
0x39: {  	[sflag:s18] =	ssyncset.done $0x0;
	(pc) =	sbr.rel @p0 .LBB2_2-.Ltmp0, $4  }
0x3a: {  	[sflag:s18] =	ssyncadd.s32 $0xFFFFFF80  }
0x3b: {  	[spmem:s3] =	stream.indirect.scatter.add.f32 [tilespmem:s15], [sflag:$0x3], $0x10, s16, s16, $0xb8;
	[tilespmem:$0x3100] =	vst v63  }
0x3c: {  	_ =	swait.ge [sflag:s14], $0x800  }
0x3d: {  	s20 =	sadd.s32 $0x100, s20;
	s22 =	smov.u32 s24;
	[sflag:s14] =	ssyncset.done $0x0  }
0x3e: {  	s21 =	sadd.s32 s21, s12;
	[sflag:s14] =	ssyncadd.s32 $0xFFFFF800  }
0x3f: {  	[tilespmem:s16], [sflag:$0x2] =	stream.linear.gather [hbm4b:s21+s4], $0x80, $0x38;
	[tilespmem:$0x3100] =	vst v63  }
0x40: {  	_ =	swait.ge [sflag:s17], $0x80  }
0x41: {  	[sflag:s17] =	ssyncset.done $0x0  }
0x42: {  	[sflag:s17] =	ssyncadd.s32 $0xFFFFFF80  }
0x43: {  	[spmem:s3] =	stream.indirect.scatter.add.f32 [tilespmem:s15], [sflag:$0x3], $0x10, s4, s16, $0xb8;
	[tilespmem:$0x3100] =	vst v63  }
0x44: {  	_ =	swait.ge [sflag:s14], $0x800  }
0x45: {  	s20 =	sshrl.u32 s20, $0x3;
	[sflag:s14] =	ssyncset.done $0x0  }
0x46: {  	s20 =	sadd.s32 s1, s20;
	[sflag:s14] =	ssyncadd.s32 $0xFFFFF800  }
0x47: {  	[tilespmem:s4], [sflag:$0x1] =	stream.linear.gather [hbm4b:s20+s4], $0x80, $0x38;
	[tilespmem:$0x3100] =	vst v63  }
0x48: {  	_ =	swait.ge [sflag:s18], $0x80  }
0x49: {  	[sflag:s18] =	ssyncset.done $0x0  }
0x4a: {  	[sflag:s18] =	ssyncadd.s32 $0xFFFFFF80  }
0x4b: {  	[spmem:s3] =	stream.indirect.scatter.add.f32 [tilespmem:s15], [sflag:$0x3], $0x10, s16, s16, $0xb8;
	[tilespmem:$0x3100] =	vst v63  }
0x4c: {  	_ =	swait.ge [sflag:s14], $0x800  }
0x4d: {  	[sflag:s14] =	ssyncset.done $0x0  }
0x4e: {  	[sflag:s14] =	ssyncadd.s32 $0xFFFFF800  }
0x4f: {  	_ =	swait.ge [sflag:s17], $0x80  }
0x50: {  	[sflag:s17] =	ssyncset.done $0x0  }
0x51: {  	[sflag:s17] =	ssyncadd.s32 $0xFFFFFF80  }
0x52: {  	[spmem:s3] =	stream.indirect.scatter.add.f32 [tilespmem:s15], [sflag:$0x3], $0x10, s4, s16, $0xb8;
	[tilespmem:$0x3100] =	vst v63  }
0x53: {  	_ =	swait.ge [sflag:s14], $0x800  }
0x54: {  	s19 =	sadd.s32 $0x1, s19;
	[sflag:s14] =	ssyncset.done $0x0  }
0x55: {  	p0 =	sne.s32 s19, s10;
	[sflag:s14] =	ssyncadd.s32 $0xFFFFF800  }
.Ltmp1:
0x56: {  	[bflag:$0x0] =	sbarrier.arrive $0xFFFF;
	(pc) =	sbr.rel @p0 .LBB2_1-.Ltmp1, $4  }
0x57: {  	[hbm:s9], [sflag:s7] =	dma.local [spmem:s13], $0x500  }
0x58: {  	_ =	swait.ge [sflag:s14], $0x500  }
0x59: {  	[sflag:s14] =	ssyncset.done $0x0  }
0x5a: {  	[sflag:s14] =	ssyncadd.s32 $0xFFFFFB00  }
0x5b: {  	_ =	sfence.sel $0x180000  }
0x5c: {  	[bflag:$0x0] =	sbarrier.arrive $0xFFFF  }
0x5d: {  	p0 =	sne.s32 s2, $0x0;
	_ =	strace $0x90000047  }
0x5e: {  	s0 =	sadd.s32 @!p0 $0x100000, s0;
	[bflag:$0x2] =	sbarrier.arrive $0xFFFF  }
0x5f: {  	[sflag:s0] =	ssyncadd.tile.s32 @!p0 $0x1;
	_ =	shalt  }
.Lfunc_end2:
_tile_overlayer_lowered:
.L_overlay_start_2:
0x60: {  	(tag) =	ssettag $0x2  }
0x61: {  	s0 =	rddreg [dreg:$0x0];
	s2 =	stileid.u32  }
0x62: {  	s1 =	rddreg [dreg:$0x1];
	p0 =	sne.s32 s2, $0x0  }
0x63: {  	s3 =	rddreg [dreg:$0x2];
	[bflag:$0x3] =	sbarrier.arrive $0xFFFF;
	s2 =	simm.s32 @!p0 $0x1C03  }
0x64: {  	[timem:s3], [sflag:s2] =	dma.local @!p0 [hbm:s0], s1  }
0x65: {  	s0 =	simm.s32 @!p0 $0x3  }
0x66: {  	_ =	swait.ge @!p0 [sflag:s0], s1  }
0x67: {  	s1 =	ssub.s32 @!p0 $0x0, s1;
	[sflag:s0] =	ssyncset.done @!p0 $0x0  }
0x68: {  	[sflag:s0] =	ssyncadd.s32 @!p0 s1  }
0x69: {  	[bflag:$0x3] =	sbarrier.arrive $0xFFFF  }
0x6a: {  	_ =	shalt  }

// kernel: kernel.17.cloned.1.call-start
scs
__scs_entry_jumppad:
0x0: {  	(pc) =	sbr.rel $0x88, $3  }
0x1: {  	(tag) =	ssettag $0x0;
	lr =	simm.s32 $0x1  }
0x2: {  	[smem:$0x3F89] =	sst lr;
	_ =	strace $0xD0000000  }
0x3: {  	_ = 	snop  }
0x4: {  	_ = 	snop  }
0x5: {  	_ = 	snop  }
0x6: {  	_ = 	snop  }
0x7: {  	_ = 	snop  }
__scs_overlays_trampoline_lowered:
0x8: {  	[smem:$0x3F98] =	sst s0  }
0x9: {  	[smem:$0x3F99] =	sst s1  }
0xa: {  	[smem:$0x3F9A] =	sst s2  }
0xb: {  	[smem:$0x3F9B] =	sst s3  }
0xc: {  	[smem:$0x3F9C] =	sst s4  }
0xd: {  	[smem:$0x3F9D] =	sst s5  }
0xe: {  	[smem:$0x3F9E] =	sst s6  }
0xf: {  	[smem:$0x3F9F] =	sst s7  }
0x10: {  	[smem:$0x3FA0] =	sst s8  }
0x11: {  	[smem:$0x3FA1] =	sst s9;
	s0 =	simm.s32 @!p0 $0x0  }
0x12: {  	s1 =	sld [smem:$0x3F87];
	s0 =	simm.s32 @p0 $0x1  }
0x13: {  	[smem:$0x3FA2] =	sst s0;
	s0 =	simm.s32 @!p1 $0x0  }
0x14: {  	s2 =	sld [smem:$0x3F86];
	s0 =	simm.s32 @p1 $0x1  }
0x15: {  	[smem:$0x3FA3] =	sst s0;
	s0 =	simm.s32 @!p2 $0x0  }
0x16: {  	s3 =	sld [smem:$0x3FDB];
	s0 =	simm.s32 @p2 $0x1  }
0x17: {  	s4 =	simm.s32 $0x1BF5;
	[smem:$0x3FA5] =	sst s0  }
0x18: {  	s0 =	sld [smem:$0x3F88];
	_ =	swait.ge [sflag:s4], $0x0  }
0x19: {  	s7 =	sld [smem:$0x3F89]  }
0x1a: {  	s8 =	sadd.s32 $0xFFFFE003, lr  }
0x1b: {  	s9 =	sadd.s32 $0xFFFFFEF7, lr;
	s5 =	simm.s32 $0xFFFFFFFF;
	p2 =	slt.u32 s8, $0xFFFFF086  }
0x1c: {  	p1 =	slt.u32 s9, $0xF7A;
	s5 =	simm.s32 @!p2 $0x0  }
0x1d: {  	s5 =	simm.s32 @p1 $0x1;
	p0 =	seq.s32 s7, s2  }
0x1e: {  	s7 =	smul.u32 @!p0 $0xF7A, s2;
	p2 =	seq.s32 @!p0 s5, $0x0  }
0x1f: {  	s9 =	smul.u32 $0xF7A, s1;
	s8 =	simm.s32 @!p0 $0x1BF5;
	p2 =	por !p2, p0  }
0x20: {  	[sflag:s8] =	ssyncset.s32 @!p0 $0xFFFFF086;
	s6 =	sadd.s32 @!p0 s3, s7;
	s7 =	simm.s32 @!p0 $0x108  }
0x21: {  	s3 =	sadd.s32 s3, s9;
	s6 =	sadd.s32 @!p0 $0x88, s6;
	s7 =	simm.s32 @p2 $0x1082  }
0x22: {  	[simem:s7], [sflag:s8] =	dma.local @!p0 [hbm:s6], $0xF7A  }
0x23: {  	s9 =	sor.u32 $0xD0000000, s2;
	s6 =	simm.s32 $0x108;
	_ =	swait.ge @!p0 [sflag:s8], $0x0  }
0x24: {  	s3 =	sadd.s32 $0x88, s3;
	s6 =	simm.s32 @!p1 $0x1082;
	[sflag:s4] =	ssyncset.s32 $0xFFFFF086  }
0x25: {  	[simem:s6], [sflag:s4] =	dma.local [hbm:s3], $0xF7A  }
0x26: {  	[smem:$0x3F89] =	sst s1;
	(tag) =	ssettag s2;
	_ =	strace s9  }
0x27: {  	s1 =	sld [smem:$0x3F99]  }
0x28: {  	s2 =	sld [smem:$0x3F9A]  }
0x29: {  	s4 =	sld [smem:$0x3F9C]  }
0x2a: {  	p0 =	seq.s32 s5, $0x0;
	s5 =	sld [smem:$0x3F9D]  }
0x2b: {  	s6 =	sld [smem:$0x3F9E]  }
0x2c: {  	s7 =	sld [smem:$0x3F9F]  }
0x2d: {  	s3 =	simm.s32 $0x108;
	s8 =	sld [smem:$0x3FA0]  }
0x2e: {  	s3 =	simm.s32 @!p0 $0x1082;
	s9 =	sld [smem:$0x3FA1]  }
0x2f: {  	lr =	sadd.s32 s0, s3;
	s0 =	sld [smem:$0x3F98]  }
0x30: {  	s3 =	sld [smem:$0x3F9B]  }
0x31: {  	[smem:$0x3FA4] =	sst s10  }
0x32: {  	s10 =	sld [smem:$0x3FA2];
	_ =	sdelay $0x3  }
0x33: {  	p0 =	seq.s32 s10, $0x1;
	s10 =	sld [smem:$0x3FA4];
	_ =	sdelay $0x3  }
0x34: {  	[smem:$0x3FA4] =	sst s10  }
0x35: {  	s10 =	sld [smem:$0x3FA3];
	_ =	sdelay $0x3  }
0x36: {  	p1 =	seq.s32 s10, $0x1;
	s10 =	sld [smem:$0x3FA4];
	_ =	sdelay $0x3  }
0x37: {  	[smem:$0x3FA4] =	sst s10  }
0x38: {  	s10 =	sld [smem:$0x3FA5]  }
0x39: {  	_ = 	snop;
	(pc) =	sbr.ind lr, $3  }
0x3a: {  	_ = 	snop  }
0x3b: {  	_ = 	snop  }
0x3c: {  	p2 =	seq.s32 s10, $0x1;
	s10 =	sld [smem:$0x3FA4]  }
0x3d: {  	_ =	shalt  }
0x3e: {  	_ =	shalt  }
0x3f: {  	_ =	shalt  }
0x40: {  	_ =	shalt  }
0x41: {  	_ =	shalt  }
0x42: {  	_ =	shalt  }
0x43: {  	_ =	shalt  }
0x44: {  	_ =	shalt  }
0x45: {  	_ =	shalt  }
0x46: {  	_ =	shalt  }
0x47: {  	_ =	shalt  }
0x48: {  	_ =	shalt  }
0x49: {  	_ =	shalt  }
0x4a: {  	_ =	shalt  }
0x4b: {  	_ =	shalt  }
0x4c: {  	_ =	shalt  }
0x4d: {  	_ =	shalt  }
0x4e: {  	_ =	shalt  }
0x4f: {  	_ =	shalt  }
0x50: {  	_ =	shalt  }
0x51: {  	_ =	shalt  }
0x52: {  	_ =	shalt  }
0x53: {  	_ =	shalt  }
0x54: {  	_ =	shalt  }
0x55: {  	_ =	shalt  }
0x56: {  	_ =	shalt  }
0x57: {  	_ =	shalt  }
0x58: {  	_ =	shalt  }
0x59: {  	_ =	shalt  }
0x5a: {  	_ =	shalt  }
0x5b: {  	_ =	shalt  }
0x5c: {  	_ =	shalt  }
0x5d: {  	_ =	shalt  }
0x5e: {  	_ =	shalt  }
0x5f: {  	_ =	shalt  }
0x60: {  	_ =	shalt  }
0x61: {  	_ =	shalt  }
0x62: {  	_ =	shalt  }
0x63: {  	_ =	shalt  }
0x64: {  	_ =	shalt  }
0x65: {  	_ =	shalt  }
0x66: {  	_ =	shalt  }
0x67: {  	_ =	shalt  }
0x68: {  	_ =	shalt  }
0x69: {  	_ =	shalt  }
0x6a: {  	_ =	shalt  }
0x6b: {  	_ =	shalt  }
0x6c: {  	_ =	shalt  }
0x6d: {  	_ =	shalt  }
0x6e: {  	_ =	shalt  }
0x6f: {  	_ =	shalt  }
0x70: {  	_ =	shalt  }
0x71: {  	_ =	shalt  }
0x72: {  	_ =	shalt  }
0x73: {  	_ =	shalt  }
0x74: {  	_ =	shalt  }
0x75: {  	_ =	shalt  }
0x76: {  	_ =	shalt  }
0x77: {  	_ =	shalt  }
0x78: {  	_ =	shalt  }
0x79: {  	_ =	shalt  }
0x7a: {  	_ =	shalt  }
0x7b: {  	_ =	shalt  }
0x7c: {  	_ =	shalt  }
0x7d: {  	_ =	shalt  }
0x7e: {  	_ =	shalt  }
0x7f: {  	_ =	shalt  }
0x80: {  	_ =	shalt  }
0x81: {  	_ =	shalt  }
0x82: {  	_ =	shalt  }
0x83: {  	_ =	shalt  }
0x84: {  	_ =	shalt  }
0x85: {  	_ =	shalt  }
0x86: {  	_ =	shalt  }
0x87: {  	_ =	shalt  }
.Lfunc_end0:
.L_simem_size_0:
called_computation.1_lowered:
.L_overlay_start_0:
0x88: {  	s2 =	sld [smem:$0x3FD9]  }
0x89: {  	s3 =	sld [smem:$0x3FFE];
	_ =	sdelay $0x1  }
0x8a: {  	s1 =	srdreg.scid  }
0x8b: {  	s0 =	sand.u32 $0x1, s1  }
0x8c: {  	s14 =	sshll.u32 s0, $0xA;
	s2 =	sadd.s32 s3, s2  }
0x8d: {  	s2 =	sadd.s32 s2, s14  }
0x8e: {  	[smem:$0x3FB0] =	sst s2  }
0x8f: {  	_ = 	snop  }
0x90: {  	s2 =	sld [smem:$0x3FD0];
	_ =	sdelay $0x2  }
0x91: {  	s15 =	simm.s32 $0xA;
	s4 =	simm.s32 $0x10  }
0x92: {  	[smem:s4], [sflag:s15] =	dma.local [hbm:s2], $0x1  }
0x93: {  	_ =	swait.eq [sflag:s15], $0x1  }
0x94: {  	[sflag:s15] =	ssyncset.done $0x0  }
0x95: {  	s16 =	sld [smem:$0x10];
	[sflag:s15] =	ssyncadd.s32 $0xFFFFFFFF  }
0x96: {  	s17 =	sld [smem:$0x11];
	(tm) =	ssettm $0x1  }
0x97: {  	s18 =	sld [smem:$0x3FFB];
	_ =	sdelay $0x3  }
0x98: {  	_ =	strace s18  }
0x99: {  	s4 =	sld [smem:$0x3FFC];
	_ =	sdelay $0x3  }
0x9a: {  	_ =	strace s4  }
0x9b: {  	s4 =	sld [smem:$0x3FFD];
	_ =	sdelay $0x3  }
0x9c: {  	_ =	strace s4  }
0x9d: {  	_ =	strace $0x8FFFFFFF  }
0x9e: {  	s19 =	sld [smem:$0x3FDB];
	_ =	sdelay $0x1  }
0x9f: {  	s5 =	simm.s32 $_scs_section_size  }
0xa0: {  	s6 =	simm.s32 $_size__tile_overlayer_lowered;
	s7 =	simm.s32 $_tile_overlayer_lowered  }
0xa1: {  	s22 =	simm.s32 $0x1BFF;
	s21 =	sshll.u32 s7, $0x1;
	s4 =	sadd.s32 s5, s19  }
0xa2: {  	s8 =	simm.s32 $0x0;
	s20 =	sshll.u32 s6, $0x1;
	s6 =	sadd.s32 s21, s4  }
0xa3: {  	[timem:s8], [sflag:s22] =	dma.local [hbm:s6], s20  }
0xa4: {  	_ =	swait.ge [sflag:s22], s20  }
0xa5: {  	s5 =	ssub.s32 $0x0, s20;
	[sflag:s22] =	ssyncset.done $0x0  }
0xa6: {  	[sflag:s22] =	ssyncadd.s32 s5;
	_ =	sdelay $0x1  }
0xa7: {  	s23 =	simm.s32 $0x1B8B  }
0xa8: {  	_ =	swait.ge [sflag:s23], $0x1  }
0xa9: {  	[sflag:s23] =	ssyncset.done $0x0  }
0xaa: {  	s25 =	simm.s32 $0x1B8E;
	s24 =	sld [smem:$0x3FFE];
	[sflag:s23] =	ssyncadd.s32 $0xFFFFFFFF  }
0xab: {  	s26 =	simm.s32 $execute0_lowered;
	[smem:$0x3FD2] =	sst s25  }
0xac: {  	s6 =	sshll.u32 s26, $0x1;
	_ =	strace $0x80000049;
	[dreg:$0x1] =	wrdreg $0xFFFFFFFF  }
0xad: {  	s28 =	simm.s32 $_size_execute0_lowered;
	s4 =	sadd.s32 s4, s6;
	[dreg:$0x0] =	wrdreg $0x0  }
0xae: {  	s6 =	sshll.u32 s28, $0x1;
	[dreg:$0x2] =	wrdreg s4  }
0xaf: {  	[dreg:$0x3] =	wrdreg s6  }
0xb0: {  	[dreg:$0x4] =	wrdreg $0xC0  }
0xb1: {  	_ =	task [dreg:s8], $0x5FFFF  }
0xb2: {  	[dreg:$0x1] =	wrdreg $0xFFFFFFFF  }
0xb3: {  	[dreg:$0x0] =	wrdreg $0x60  }
0xb4: {  	[dreg:$0x2] =	wrdreg s17  }
0xb5: {  	[dreg:$0x3] =	wrdreg s16  }
0xb6: {  	[dreg:$0x4] =	wrdreg s24  }
0xb7: {  	[dreg:$0x5] =	wrdreg $0x81800  }
0xb8: {  	[dreg:$0x6] =	wrdreg $0x9  }
0xb9: {  	_ =	task.clear_ibuf [dreg:s8], $0x7FFFF;
	_ =	strace $0x90000049  }
0xba: {  	s29 =	simm.s32 $0x9;
	_ =	strace $0x8000004B  }
0xbb: {  	_ =	swait.ge [sflag:s29], $0x1  }
0xbc: {  	[sflag:s29] =	ssyncadd.s32 $0xFFFFFFFF  }
0xbd: {  	_ =	strace $0x9000004B  }
0xbe: {  	_ =	sfence  }
0xbf: {  	s30 =	sld [smem:$0x0];
	_ =	sdelay $0x2  }
0xc0: {  	s31 =	sshll.u32 s1, $0xD;
	s1 =	sshrl.u32 s1, $0x2  }
0xc1: {  	s3 =	sand.u32 $0x4000, s31;
	s1 =	sadd.s32 s1, s30  }
0xc2: {  	s0 =	sor.u32 s3, s0;
	s1 =	sshll.u32 s1, $0x11  }
0xc3: {  	s0 =	sor.u32 s1, s0  }
0xc4: {  	s0 =	sadd.s32 $0x8F2B, s0  }
0xc5: {  	[sflag:s0] =	ssyncadd.remote.s32 $0x1  }
0xc6: {  	_ =	sfence.sel $0xFFFF  }
0xc7: {  	[dreg:$0x0] =	wrdreg $0xFFFFFFFF;
	(pc) =	sbr.abs _section_cstart, $3  }
0xc8: {  	[dreg:$0x1] =	wrdreg $0xFFFFFFFF  }
0xc9: {  	_ =	task.clear_ibuf [dreg:s8], $0x2FFFF;
	_ =	strace $0x9FFFFFFF  }
0xca: {  	(tm) =	ssettm $0x7FFFFFFF  }
0xcb: {  	_ =	shalt  }
tec
execute0_lowered:
.L_overlay_start_1:
0x0: {  	(tag) =	ssettag $0x1  }
0x1: {  	s0 =	rddreg [dreg:$0x0]  }
0x2: {  	s1 =	rddreg [dreg:$0x1]  }
0x3: {  	s5 =	rddreg [dreg:$0x2]  }
0x4: {  	s2 =	rddreg [dreg:$0x3];
	s3 =	simm.s32 $0x0  }
0x5: {  	s13 =	stileid.u32;
	s4 =	srdreg.scid;
	s28 =	simm.s32 $0x4180  }
0x6: {  	s29 =	simm.s32 $0x0;
	[smem:$0x7FF] =	sst s3;
	s6 =	smul.u32 $0x2800, s13  }
0x7: {  	s7 =	sand.u32 $0x1, s4;
	s4 =	sadd.s32 $0x2D800, s5;
	s11 =	smul.u32 $0x1900, s13  }
0x8: {  	s20 =	smul.u32 $0x50000, s13;
	s22 =	sshll.u32 s13, $0x6;
	_ =	strace $0x8000004A  }
0x9: {  	s8 =	smul.u32 $0x28000, s7;
	s10 =	ssub.s32 $0x2, s7;
	p0 =	seq.s32 s7, $0x0  }
0xa: {  	s7 =	smul.u32 $0x3800, s13;
	s9 =	sadd.s32 s6, s5;
	s19 =	sshrl.u32 s10, $0x1  }
0xb: {  	s6 =	sadd.s32 s6, s8;
	s12 =	ssub.s32 s10, s19;
	s10 =	sadd.s32 $0x38000, s11  }
0xc: {  	s8 =	sshrl.u32 s20, $0x2;
	s23 =	sadd.s32 $0x55800, s9;
	s6 =	sadd.s32 s6, s5  }
0xd: {  	s5 =	simm.s32 $0x70;
	s10 =	smov.u32 @p0 s7;
	s21 =	sadd.s32 s8, s2  }
0xe: {  	[dreg:$0x6] =	wrdreg s23;
	s8 =	sor.u32 $0x1C03, s22;
	s25 =	smax.u32 s12, $0x1  }
0xf: {  	s22 =	simm.s32 $0x80;
	s23 =	simm.s32 $0x180;
	s5 =	simm.s32 @!p0 $0x32  }
0x10: {  	[dreg:$0x5] =	wrdreg s21;
	s17 =	sshrl.u32 s10, $0x3;
	s6 =	sadd.s32 $0x7D800, s6  }
0x11: {  	[dreg:$0x8] =	wrdreg s25;
	s21 =	simm.s32 $0x3;
	s25 =	simm.s32 $0x1  }
0x12: {  	s9 =	sadd.s32 s0, s17;
	[dreg:$0x7] =	wrdreg s6;
	s24 =	sshll.u32 s5, $0x4  }
0x13: {  	s26 =	sadd.s32 $0x30, s17;
	s13 =	sadd.s32 s17, s1;
	s20 =	sadd.s32 $0x20, s17  }
0x14: {  	s19 =	sor.u32 $0x10, s17;
	s12 =	sadd.s32 $0xFFFFFFE0, s24;
	s30 =	sadd.s32 $0x20, s9  }
0x15: {  	s15 =	sadd.s32 s26, s0;
	s6 =	sadd.s32 s26, s1;
	s31 =	sadd.s32 s20, s1  }
0x16: {  	s18 =	sadd.s32 s19, s0;
	s19 =	sadd.s32 s19, s1;
	s20 =	sadd.s32 s20, s0  }
0x17: {  	s24 =	simm.s32 $0x100;
	s26 =	simm.s32 $0x2;
	[dreg:$0x9] =	wrdreg s30  }
0x18: {  	s15 =	sadd.s32 $0xFFFFFFE0, s15;
	s16 =	sadd.s32 $0xFFFFFFE0, s6;
	s17 =	sadd.s32 $0xFFFFFFE0, s31  }
.LBB2_1:
0x19: {  	s0 =	rddreg [dreg:$0x5]  }
0x1a: {  	s31 =	rddreg [dreg:$0x6];
	s30 =	sshrl.u32 s0, $0x3  }
0x1b: {  	[spmem:s30], [sflag:s8] =	dma.local [hbm:s31], $0x2800  }
0x1c: {  	_ =	swait.ge [sflag:s21], $0x2800  }
0x1d: {  	[sflag:s21] =	ssyncset.done $0x0  }
0x1e: {  	[sflag:s21] =	ssyncadd.s32 $0xFFFFD800  }
0x1f: {  	p1 =	sne.s32 s12, $0x20;
	[bflag:$0x0] =	sbarrier.arrive $0xFFFF  }
0x20: {  	[tilespmem:s3], [sflag:$0x3] =	stream.linear.gather [hbm4b:s9+s3], $0x80, $0x38;
	[tilespmem:$0x1C180] =	vst v63  }
.Ltmp0:
0x21: {  	_ = 	snop;
	(pc) =	sbr.rel @!p1 .LBB2_2-.Ltmp0, $4  }
0x22: {  	_ =	swait.ge [sflag:s21], $0x80  }
0x23: {  	s1 =	simm.s32 $0x20;
	[sflag:s21] =	ssyncset.done $0x0  }
0x24: {  	p2 =	sle.u32 s5, $0x1;
	p0 =	por $0x0, $0x0;
	[sflag:s21] =	ssyncadd.s32 $0xFFFFFF80  }
0x25: {  	[tilespmem:s23], [sflag:$0x1] =	stream.indirect.gather [hbm4b:s4+s22], $0x80, s3, s22, $0xb8;
	[tilespmem:$0x1C180] =	vst v63  }
0x26: {  	s0 =	sadd.s32 @!p2 $0x0, s18  }
0x27: {  	s6 =	simm.s32 @!p2 $0x0;
	s31 =	simm.s32 @!p2 $0x80;
	s7 =	simm.s32 @!p2 $0x3  }
0x28: {  	[tilespmem:s31], [sflag:$0x3] =	stream.linear.gather @!p2 [hbm4b:s0+s6], $0x80, $0x38;
	[tilespmem:$0x1C180] =	vst v63  }
0x29: {  	_ =	swait.ge @!p2 [sflag:s7], $0x80  }
0x2a: {  	[sflag:s7] =	ssyncset.done @!p2 $0x0  }
0x2b: {  	s0 =	simm.s32 @!p2 $0x4180;
	[sflag:s7] =	ssyncadd.s32 @!p2 $0xFFFFFF80  }
0x2c: {  	[tilespmem:s0], [sflag:$0x2] =	stream.indirect.gather @!p2 [hbm4b:s4+s31], $0x80, s31, s31, $0xb8;
	[tilespmem:$0x1C180] =	vst v63  }
0x2d: {  	s11 =	sadd.s32 $0x0, s13  }
0x2e: {  	[tilespmem:s24], [sflag:$0x3] =	stream.linear.gather [hbm4b:s11+s3], $0x80, $0x38;
	[tilespmem:$0x1C180] =	vst v63  }
0x2f: {  	_ =	swait.ge [sflag:s21], $0x80  }
0x30: {  	[sflag:s21] =	ssyncset.done $0x0  }
0x31: {  	[sflag:s21] =	ssyncadd.s32 $0xFFFFFF80  }
0x32: {  	_ =	swait.ge [sflag:s25], $0x4000  }
0x33: {  	[sflag:s25] =	ssyncset.done $0x0  }
0x34: {  	[sflag:s25] =	ssyncadd.s32 $0xFFFFC000  }
0x35: {  	[spmem:s2] =	stream.indirect.scatter.add.f32 [tilespmem:s23], [sflag:$0x3], $0x80, s24, s22, $0xb8;
	[tilespmem:$0x1C180] =	vst v63  }
0x36: {  	p0 =	sle.u32 s5, $0x2;
	_ =	swait.ge [sflag:s21], $0x4000  }
0x37: {  	s6 =	simm.s32 @!p0 $0x0;
	[sflag:s21] =	ssyncset.done $0x0  }
0x38: {  	s7 =	simm.s32 @!p0 $0x3;
	s0 =	sadd.s32 @!p0 $0x0, s20;
	[sflag:s21] =	ssyncadd.s32 $0xFFFFC000  }
0x39: {  	[tilespmem:s6], [sflag:$0x3] =	stream.linear.gather @!p0 [hbm4b:s0+s6], $0x80, $0x38;
	[tilespmem:$0x1C180] =	vst v63  }
0x3a: {  	_ =	swait.ge @!p0 [sflag:s7], $0x80  }
0x3b: {  	[sflag:s7] =	ssyncset.done @!p0 $0x0  }
0x3c: {  	s31 =	simm.s32 @!p0 $0x180;
	s0 =	simm.s32 @!p0 $0x80;
	[sflag:s7] =	ssyncadd.s32 @!p0 $0xFFFFFF80  }
0x3d: {  	[tilespmem:s31], [sflag:$0x1] =	stream.indirect.gather @!p0 [hbm4b:s4+s0], $0x80, s6, s0, $0xb8;
	[tilespmem:$0x1C180] =	vst v63  }
0x3e: {  	s14 =	sadd.s32 $0x0, s19  }
0x3f: {  	[tilespmem:s24], [sflag:$0x3] =	stream.linear.gather [hbm4b:s14+s3], $0x80, $0x38;
	[tilespmem:$0x1C180] =	vst v63  }
0x40: {  	_ =	swait.ge [sflag:s21], $0x80  }
0x41: {  	[sflag:s21] =	ssyncset.done $0x0  }
0x42: {  	p1 =	sne.s32 s12, $0x40;
	[sflag:s21] =	ssyncadd.s32 $0xFFFFFF80  }
.Ltmp1:
0x43: {  	_ =	swait.ge [sflag:s26], $0x4000;
	(pc) =	sbr.rel @!p1 .LBB2_4-.Ltmp1, $4  }
0x44: {  	[sflag:s26] =	ssyncset.done $0x0  }
0x45: {  	p2 =	sle.u32 s5, $0x3;
	s31 =	simm.s32 $0x40;
	[sflag:s26] =	ssyncadd.s32 $0xFFFFC000  }
0x46: {  	[spmem:s2] =	stream.indirect.scatter.add.f32 [tilespmem:s28], [sflag:$0x3], $0x80, s24, s22, $0xb8;
	[tilespmem:$0x1C180] =	vst v63  }
0x47: {  	s0 =	simm.s32 $0x4;
	p0 =	por $0x1, $0x1;
	_ =	swait.ge [sflag:s21], $0x4000  }
.LBB2_5:
0x48: {  	s6 =	sadd.s32 @!p2 s1, s18;
	s7 =	simm.s32 @!p2 $0x0;
	[sflag:s21] =	ssyncset.done $0x0  }
0x49: {  	s10 =	simm.s32 @!p2 $0x80;
	s11 =	simm.s32 @!p2 $0x3;
	[sflag:s21] =	ssyncadd.s32 $0xFFFFC000  }
0x4a: {  	[tilespmem:s10], [sflag:$0x3] =	stream.linear.gather @!p2 [hbm4b:s6+s7], $0x80, $0x38;
	[tilespmem:$0x1C180] =	vst v63  }
0x4b: {  	s6 =	smov.u32 s31;
	s31 =	sadd.s32 $0x20, s31;
	_ =	swait.ge @!p2 [sflag:s11], $0x80  }
0x4c: {  	s7 =	simm.s32 @!p2 $0x4180;
	p1 =	sne.s32 s12, s31;
	[sflag:s11] =	ssyncset.done @!p2 $0x0  }
0x4d: {  	[sflag:s11] =	ssyncadd.s32 @!p2 $0xFFFFFF80;
	s11 =	sadd.s32 s1, s13  }
0x4e: {  	[tilespmem:s7], [sflag:$0x2] =	stream.indirect.gather @!p2 [hbm4b:s4+s10], $0x80, s10, s10, $0xb8;
	[tilespmem:$0x1C180] =	vst v63  }
0x4f: {  	_ = 	snop  }
0x50: {  	[tilespmem:s24], [sflag:$0x3] =	stream.linear.gather [hbm4b:s11+s3], $0x80, $0x38;
	[tilespmem:$0x1C180] =	vst v63  }
0x51: {  	_ =	swait.ge [sflag:s21], $0x80  }
0x52: {  	[sflag:s21] =	ssyncset.done $0x0  }
0x53: {  	[sflag:s21] =	ssyncadd.s32 $0xFFFFFF80  }
0x54: {  	_ =	swait.ge [sflag:s25], $0x4000  }
0x55: {  	[sflag:s25] =	ssyncset.done $0x0  }
0x56: {  	[sflag:s25] =	ssyncadd.s32 $0xFFFFC000  }
0x57: {  	[spmem:s2] =	stream.indirect.scatter.add.f32 [tilespmem:s23], [sflag:$0x3], $0x80, s24, s22, $0xb8;
	[tilespmem:$0x1C180] =	vst v63  }
0x58: {  	p2 =	sge.u32 s0, s5;
	_ =	swait.ge [sflag:s21], $0x4000  }
0x59: {  	s7 =	sadd.s32 @!p2 s1, s20;
	s10 =	simm.s32 @!p2 $0x0;
	[sflag:s21] =	ssyncset.done $0x0  }
0x5a: {  	s11 =	simm.s32 @!p2 $0x3;
	[sflag:s21] =	ssyncadd.s32 $0xFFFFC000  }
0x5b: {  	[tilespmem:s10], [sflag:$0x3] =	stream.linear.gather @!p2 [hbm4b:s7+s10], $0x80, $0x38;
	[tilespmem:$0x1C180] =	vst v63  }
0x5c: {  	_ =	swait.ge @!p2 [sflag:s11], $0x80  }
0x5d: {  	s14 =	simm.s32 @!p2 $0x180;
	s7 =	simm.s32 @!p2 $0x80;
	[sflag:s11] =	ssyncset.done @!p2 $0x0  }
0x5e: {  	[sflag:s11] =	ssyncadd.s32 @!p2 $0xFFFFFF80;
	s11 =	sadd.s32 s1, s19;
	s1 =	smov.u32 s6  }
0x5f: {  	[tilespmem:s14], [sflag:$0x1] =	stream.indirect.gather @!p2 [hbm4b:s4+s7], $0x80, s10, s7, $0xb8;
	[tilespmem:$0x1C180] =	vst v63  }
0x60: {  	_ = 	snop  }
0x61: {  	[tilespmem:s24], [sflag:$0x3] =	stream.linear.gather [hbm4b:s11+s3], $0x80, $0x38;
	[tilespmem:$0x1C180] =	vst v63  }
0x62: {  	_ =	swait.ge [sflag:s21], $0x80  }
0x63: {  	[sflag:s21] =	ssyncset.done $0x0  }
0x64: {  	[sflag:s21] =	ssyncadd.s32 $0xFFFFFF80  }
.Ltmp2:
0x65: {  	_ =	swait.ge [sflag:s26], $0x4000;
	(pc) =	sbr.rel @p1 .LBB2_5-.Ltmp2, $4  }
0x66: {  	s0 =	sadd.s32 $0x2, s0;
	[sflag:s26] =	ssyncset.done $0x0  }
0x67: {  	s6 =	sadd.s32 $0xFFFFFFFF, s0;
	[sflag:s26] =	ssyncadd.s32 $0xFFFFC000  }
0x68: {  	[spmem:s2] =	stream.indirect.scatter.add.f32 [tilespmem:s28], [sflag:$0x3], $0x80, s24, s22, $0xb8;
	[tilespmem:$0x1C180] =	vst v63  }
0x69: {  	p2 =	sge.u32 s6, s5;
	_ =	swait.ge [sflag:s21], $0x4000  }
0x6a: {  	s6 =	smov.u32 s1;
	s1 =	smov.u32 s31  }
.LBB2_7:
0x6b: {  	s7 =	sadd.s32 @!p2 s6, s18;
	[sflag:s21] =	ssyncset.done @p0 $0x0  }
0x6c: {  	s10 =	simm.s32 @!p2 $0x0;
	s11 =	simm.s32 @!p2 $0x80;
	[sflag:s21] =	ssyncadd.s32 @p0 $0xFFFFC000  }
0x6d: {  	[tilespmem:s11], [sflag:$0x3] =	stream.linear.gather @!p2 [hbm4b:s7+s10], $0x80, $0x38;
	[tilespmem:$0x1C180] =	vst v63  }
0x6e: {  	s7 =	simm.s32 @!p2 $0x3  }
0x6f: {  	_ =	swait.ge @!p2 [sflag:s7], $0x80  }
0x70: {  	[sflag:s7] =	ssyncset.done @!p2 $0x0  }
0x71: {  	s10 =	simm.s32 @!p2 $0x4180;
	[sflag:s7] =	ssyncadd.s32 @!p2 $0xFFFFFF80  }
0x72: {  	[tilespmem:s10], [sflag:$0x2] =	stream.indirect.gather @!p2 [hbm4b:s4+s11], $0x80, s11, s11, $0xb8;
	[tilespmem:$0x1C180] =	vst v63  }
0x73: {  	s11 =	sadd.s32 s6, s13  }
0x74: {  	[tilespmem:s24], [sflag:$0x3] =	stream.linear.gather [hbm4b:s11+s3], $0x80, $0x38;
	[tilespmem:$0x1C180] =	vst v63  }
0x75: {  	_ =	swait.ge [sflag:s21], $0x80  }
0x76: {  	[sflag:s21] =	ssyncset.done $0x0  }
0x77: {  	[sflag:s21] =	ssyncadd.s32 $0xFFFFFF80  }
0x78: {  	_ =	swait.ge [sflag:s25], $0x4000  }
0x79: {  	[sflag:s25] =	ssyncset.done $0x0  }
0x7a: {  	[sflag:s25] =	ssyncadd.s32 $0xFFFFC000  }
0x7b: {  	[spmem:s2] =	stream.indirect.scatter.add.f32 [tilespmem:s23], [sflag:$0x3], $0x80, s24, s22, $0xb8;
	[tilespmem:$0x1C180] =	vst v63  }
0x7c: {  	p0 =	sge.u32 s0, s5;
	_ =	swait.ge [sflag:s21], $0x4000  }
0x7d: {  	s7 =	sadd.s32 @!p0 s6, s20;
	[sflag:s21] =	ssyncset.done $0x0  }
0x7e: {  	s10 =	simm.s32 @!p0 $0x0;
	s11 =	simm.s32 @!p0 $0x3;
	[sflag:s21] =	ssyncadd.s32 $0xFFFFC000  }
0x7f: {  	[tilespmem:s10], [sflag:$0x3] =	stream.linear.gather @!p0 [hbm4b:s7+s10], $0x80, $0x38;
	[tilespmem:$0x1C180] =	vst v63  }
0x80: {  	_ =	swait.ge @!p0 [sflag:s11], $0x80  }
0x81: {  	[sflag:s11] =	ssyncset.done @!p0 $0x0  }
0x82: {  	s7 =	simm.s32 @!p0 $0x80;
	[sflag:s11] =	ssyncadd.s32 @!p0 $0xFFFFFF80;
	s11 =	simm.s32 @!p0 $0x180  }
0x83: {  	[tilespmem:s11], [sflag:$0x1] =	stream.indirect.gather @!p0 [hbm4b:s4+s7], $0x80, s10, s7, $0xb8;
	[tilespmem:$0x1C180] =	vst v63  }
0x84: {  	s14 =	sadd.s32 s6, s19  }
0x85: {  	[tilespmem:s24], [sflag:$0x3] =	stream.linear.gather [hbm4b:s14+s3], $0x80, $0x38;
	[tilespmem:$0x1C180] =	vst v63  }
0x86: {  	_ =	swait.ge [sflag:s21], $0x80  }
0x87: {  	[sflag:s21] =	ssyncset.done $0x0  }
0x88: {  	[sflag:s21] =	ssyncadd.s32 $0xFFFFFF80  }
0x89: {  	_ =	swait.ge [sflag:s26], $0x4000  }
0x8a: {  	s31 =	sadd.s32 $0x2, s0;
	[sflag:s26] =	ssyncset.done $0x0  }
0x8b: {  	s7 =	sadd.s32 $0xFFFFFFFF, s31;
	[sflag:s26] =	ssyncadd.s32 $0xFFFFC000  }
0x8c: {  	[spmem:s2] =	stream.indirect.scatter.add.f32 [tilespmem:s28], [sflag:$0x3], $0x80, s24, s22, $0xb8;
	[tilespmem:$0x1C180] =	vst v63  }
0x8d: {  	p0 =	sge.u32 s7, s5;
	_ =	swait.ge [sflag:s21], $0x4000  }
0x8e: {  	s6 =	sadd.s32 @!p0 s1, s15;
	[sflag:s21] =	ssyncset.done $0x0  }
0x8f: {  	s7 =	simm.s32 @!p0 $0x0;
	s10 =	simm.s32 @!p0 $0x80;
	[sflag:s21] =	ssyncadd.s32 $0xFFFFC000  }
0x90: {  	[tilespmem:s10], [sflag:$0x3] =	stream.linear.gather @!p0 [hbm4b:s6+s7], $0x80, $0x38;
	[tilespmem:$0x1C180] =	vst v63  }
0x91: {  	s6 =	simm.s32 @!p0 $0x3  }
0x92: {  	_ =	swait.ge @!p0 [sflag:s6], $0x80  }
0x93: {  	[sflag:s6] =	ssyncset.done @!p0 $0x0  }
0x94: {  	[sflag:s6] =	ssyncadd.s32 @!p0 $0xFFFFFF80;
	s6 =	simm.s32 @!p0 $0x4180  }
0x95: {  	[tilespmem:s6], [sflag:$0x2] =	stream.indirect.gather @!p0 [hbm4b:s4+s10], $0x80, s10, s10, $0xb8;
	[tilespmem:$0x1C180] =	vst v63  }
0x96: {  	s10 =	sadd.s32 s1, s17  }
0x97: {  	[tilespmem:s24], [sflag:$0x3] =	stream.linear.gather [hbm4b:s10+s3], $0x80, $0x38;
	[tilespmem:$0x1C180] =	vst v63  }
0x98: {  	_ =	swait.ge [sflag:s21], $0x80  }
0x99: {  	[sflag:s21] =	ssyncset.done $0x0  }
0x9a: {  	[sflag:s21] =	ssyncadd.s32 $0xFFFFFF80  }
0x9b: {  	_ =	swait.ge [sflag:s25], $0x4000  }
0x9c: {  	[sflag:s25] =	ssyncset.done $0x0  }
0x9d: {  	[sflag:s25] =	ssyncadd.s32 $0xFFFFC000  }
0x9e: {  	[spmem:s2] =	stream.indirect.scatter.add.f32 [tilespmem:s23], [sflag:$0x3], $0x80, s24, s22, $0xb8;
	[tilespmem:$0x1C180] =	vst v63  }
0x9f: {  	_ =	swait.ge [sflag:s21], $0x4000  }
0xa0: {  	p0 =	sge.u32 s31, s5;
	[sflag:s21] =	ssyncset.done $0x0;
	s0 =	rddreg [dreg:$0x9]  }
0xa1: {  	s6 =	simm.s32 @!p0 $0x0;
	[sflag:s21] =	ssyncadd.s32 $0xFFFFC000;
	s0 =	sadd.s32 @!p0 s1, s0  }
0xa2: {  	[tilespmem:s6], [sflag:$0x3] =	stream.linear.gather @!p0 [hbm4b:s0+s6], $0x80, $0x38;
	[tilespmem:$0x1C180] =	vst v63  }
0xa3: {  	s0 =	simm.s32 @!p0 $0x3  }
0xa4: {  	_ =	swait.ge @!p0 [sflag:s0], $0x80  }
0xa5: {  	[sflag:s0] =	ssyncset.done @!p0 $0x0  }
0xa6: {  	s7 =	simm.s32 @!p0 $0x180;
	[sflag:s0] =	ssyncadd.s32 @!p0 $0xFFFFFF80;
	s0 =	simm.s32 @!p0 $0x80  }
0xa7: {  	[tilespmem:s7], [sflag:$0x1] =	stream.indirect.gather @!p0 [hbm4b:s4+s0], $0x80, s6, s0, $0xb8;
	[tilespmem:$0x1C180] =	vst v63  }
0xa8: {  	s11 =	sadd.s32 s1, s16  }
0xa9: {  	[tilespmem:s24], [sflag:$0x3] =	stream.linear.gather [hbm4b:s11+s3], $0x80, $0x38;
	[tilespmem:$0x1C180] =	vst v63  }
0xaa: {  	_ =	swait.ge [sflag:s21], $0x80  }
0xab: {  	[sflag:s21] =	ssyncset.done $0x0  }
0xac: {  	[sflag:s21] =	ssyncadd.s32 $0xFFFFFF80  }
0xad: {  	_ =	swait.ge [sflag:s26], $0x4000  }
0xae: {  	[sflag:s26] =	ssyncset.done $0x0  }
0xaf: {  	[sflag:s26] =	ssyncadd.s32 $0xFFFFC000  }
0xb0: {  	[spmem:s2] =	stream.indirect.scatter.add.f32 [tilespmem:s28], [sflag:$0x3], $0x80, s24, s22, $0xb8;
	[tilespmem:$0x1C180] =	vst v63  }
0xb1: {  	_ =	swait.ge [sflag:s21], $0x4000  }
0xb2: {  	[sflag:s21] =	ssyncset.done $0x0  }
0xb3: {  	[sflag:s21] =	ssyncadd.s32 $0xFFFFC000  }
0xb4: {  	[bflag:$0x0] =	sbarrier.arrive $0xFFFF  }
0xb5: {  	s14 =	rddreg [dreg:$0x7]  }
0xb6: {  	[hbm:s14], [sflag:s8] =	dma.local [spmem:s30], $0x2800  }
0xb7: {  	_ =	swait.ge [sflag:s21], $0x2800  }
0xb8: {  	s29 =	sadd.s32 $0x1, s29;
	s31 =	rddreg [dreg:$0x8]  }
0xb9: {  	p0 =	sne.s32 s29, s31  }
.Ltmp3:
0xba: {  	_ = 	snop;
	(pc) =	sbr.rel @p0 .LBB2_1-.Ltmp3, $4  }
.Ltmp4:
0xbb: {  	_ = 	snop;
	(pc) =	sbr.rel @!p0 .LBB2_8-.Ltmp4, $4  }
0xbc: {  	_ = 	snop  }
0xbd: {  	[sflag:s21] =	ssyncset.done $0x0  }
0xbe: {  	[sflag:s21] =	ssyncadd.s32 $0xFFFFD800  }
0xbf: {  	_ = 	snop  }
.LBB2_2:
.Ltmp5:
0xc0: {  	(pc) =	sbr.rel .LBB2_7-.Ltmp5, $2  }
0xc1: {  	_ =	sdelay $0x2  }
0xc2: {  	s6 =	simm.s32 $0x0;
	s0 =	simm.s32 $0x2  }
.LBB2_4:
.Ltmp6:
0xc3: {  	(pc) =	sbr.rel .LBB2_7-.Ltmp6, $2  }
0xc4: {  	_ =	sdelay $0x2  }
0xc5: {  	s6 =	simm.s32 $0x20;
	s1 =	simm.s32 $0x40  }
.LBB2_8:
0xc6: {  	_ =	sfence.sel $0x180000  }
0xc7: {  	[bflag:$0x0] =	sbarrier.arrive $0xFFFF  }
0xc8: {  	_ =	strace $0x9000004A  }
0xc9: {  	s0 =	stileid.u32;
	[bflag:$0x2] =	sbarrier.arrive $0xFFFF  }
0xca: {  	p0 =	sne.s32 s0, $0x0;
	s0 =	rddreg [dreg:$0x4]  }
0xcb: {  	s0 =	sadd.s32 @!p0 $0x100000, s0  }
0xcc: {  	[sflag:s0] =	ssyncadd.tile.s32 @!p0 $0x1;
	_ =	shalt  }
.Lfunc_end2:
_tile_overlayer_lowered:
.L_overlay_start_2:
0xcd: {  	(tag) =	ssettag $0x2  }
0xce: {  	s0 =	rddreg [dreg:$0x0];
	s2 =	stileid.u32  }
0xcf: {  	s1 =	rddreg [dreg:$0x1];
	p0 =	sne.s32 s2, $0x0  }
0xd0: {  	s3 =	rddreg [dreg:$0x2];
	[bflag:$0x3] =	sbarrier.arrive $0xFFFF;
	s2 =	simm.s32 @!p0 $0x1C03  }
0xd1: {  	[timem:s3], [sflag:s2] =	dma.local @!p0 [hbm:s0], s1  }
0xd2: {  	s0 =	simm.s32 @!p0 $0x3  }
0xd3: {  	_ =	swait.ge @!p0 [sflag:s0], s1  }
0xd4: {  	s1 =	ssub.s32 @!p0 $0x0, s1;
	[sflag:s0] =	ssyncset.done @!p0 $0x0  }
0xd5: {  	[sflag:s0] =	ssyncadd.s32 @!p0 s1  }
0xd6: {  	[bflag:$0x3] =	sbarrier.arrive $0xFFFF  }
0xd7: {  	_ =	shalt  }

// kernel: kernel.20.cloned.1.call-start
scs
__scs_entry_jumppad:
0x0: {  	(pc) =	sbr.rel $0x88, $3  }
0x1: {  	(tag) =	ssettag $0x0;
	lr =	simm.s32 $0x1  }
0x2: {  	[smem:$0x3F89] =	sst lr;
	_ =	strace $0xD0000000  }
0x3: {  	_ = 	snop  }
0x4: {  	_ = 	snop  }
0x5: {  	_ = 	snop  }
0x6: {  	_ = 	snop  }
0x7: {  	_ = 	snop  }
__scs_overlays_trampoline_lowered:
0x8: {  	[smem:$0x3F98] =	sst s0  }
0x9: {  	[smem:$0x3F99] =	sst s1  }
0xa: {  	[smem:$0x3F9A] =	sst s2  }
0xb: {  	[smem:$0x3F9B] =	sst s3  }
0xc: {  	[smem:$0x3F9C] =	sst s4  }
0xd: {  	[smem:$0x3F9D] =	sst s5  }
0xe: {  	[smem:$0x3F9E] =	sst s6  }
0xf: {  	[smem:$0x3F9F] =	sst s7  }
0x10: {  	[smem:$0x3FA0] =	sst s8  }
0x11: {  	[smem:$0x3FA1] =	sst s9;
	s0 =	simm.s32 @!p0 $0x0  }
0x12: {  	s1 =	sld [smem:$0x3F87];
	s0 =	simm.s32 @p0 $0x1  }
0x13: {  	[smem:$0x3FA2] =	sst s0;
	s0 =	simm.s32 @!p1 $0x0  }
0x14: {  	s2 =	sld [smem:$0x3F86];
	s0 =	simm.s32 @p1 $0x1  }
0x15: {  	[smem:$0x3FA3] =	sst s0;
	s0 =	simm.s32 @!p2 $0x0  }
0x16: {  	s3 =	sld [smem:$0x3FDB];
	s0 =	simm.s32 @p2 $0x1  }
0x17: {  	s4 =	simm.s32 $0x1BF5;
	[smem:$0x3FA5] =	sst s0  }
0x18: {  	s0 =	sld [smem:$0x3F88];
	_ =	swait.ge [sflag:s4], $0x0  }
0x19: {  	s7 =	sld [smem:$0x3F89]  }
0x1a: {  	s8 =	sadd.s32 $0xFFFFE003, lr  }
0x1b: {  	s9 =	sadd.s32 $0xFFFFFEF7, lr;
	s5 =	simm.s32 $0xFFFFFFFF;
	p2 =	slt.u32 s8, $0xFFFFF086  }
0x1c: {  	p1 =	slt.u32 s9, $0xF7A;
	s5 =	simm.s32 @!p2 $0x0  }
0x1d: {  	s5 =	simm.s32 @p1 $0x1;
	p0 =	seq.s32 s7, s2  }
0x1e: {  	s7 =	smul.u32 @!p0 $0xF7A, s2;
	p2 =	seq.s32 @!p0 s5, $0x0  }
0x1f: {  	s9 =	smul.u32 $0xF7A, s1;
	s8 =	simm.s32 @!p0 $0x1BF5;
	p2 =	por !p2, p0  }
0x20: {  	[sflag:s8] =	ssyncset.s32 @!p0 $0xFFFFF086;
	s6 =	sadd.s32 @!p0 s3, s7;
	s7 =	simm.s32 @!p0 $0x108  }
0x21: {  	s3 =	sadd.s32 s3, s9;
	s6 =	sadd.s32 @!p0 $0x88, s6;
	s7 =	simm.s32 @p2 $0x1082  }
0x22: {  	[simem:s7], [sflag:s8] =	dma.local @!p0 [hbm:s6], $0xF7A  }
0x23: {  	s9 =	sor.u32 $0xD0000000, s2;
	s6 =	simm.s32 $0x108;
	_ =	swait.ge @!p0 [sflag:s8], $0x0  }
0x24: {  	s3 =	sadd.s32 $0x88, s3;
	s6 =	simm.s32 @!p1 $0x1082;
	[sflag:s4] =	ssyncset.s32 $0xFFFFF086  }
0x25: {  	[simem:s6], [sflag:s4] =	dma.local [hbm:s3], $0xF7A  }
0x26: {  	[smem:$0x3F89] =	sst s1;
	(tag) =	ssettag s2;
	_ =	strace s9  }
0x27: {  	s1 =	sld [smem:$0x3F99]  }
0x28: {  	s2 =	sld [smem:$0x3F9A]  }
0x29: {  	s4 =	sld [smem:$0x3F9C]  }
0x2a: {  	p0 =	seq.s32 s5, $0x0;
	s5 =	sld [smem:$0x3F9D]  }
0x2b: {  	s6 =	sld [smem:$0x3F9E]  }
0x2c: {  	s7 =	sld [smem:$0x3F9F]  }
0x2d: {  	s3 =	simm.s32 $0x108;
	s8 =	sld [smem:$0x3FA0]  }
0x2e: {  	s3 =	simm.s32 @!p0 $0x1082;
	s9 =	sld [smem:$0x3FA1]  }
0x2f: {  	lr =	sadd.s32 s0, s3;
	s0 =	sld [smem:$0x3F98]  }
0x30: {  	s3 =	sld [smem:$0x3F9B]  }
0x31: {  	[smem:$0x3FA4] =	sst s10  }
0x32: {  	s10 =	sld [smem:$0x3FA2];
	_ =	sdelay $0x3  }
0x33: {  	p0 =	seq.s32 s10, $0x1;
	s10 =	sld [smem:$0x3FA4];
	_ =	sdelay $0x3  }
0x34: {  	[smem:$0x3FA4] =	sst s10  }
0x35: {  	s10 =	sld [smem:$0x3FA3];
	_ =	sdelay $0x3  }
0x36: {  	p1 =	seq.s32 s10, $0x1;
	s10 =	sld [smem:$0x3FA4];
	_ =	sdelay $0x3  }
0x37: {  	[smem:$0x3FA4] =	sst s10  }
0x38: {  	s10 =	sld [smem:$0x3FA5]  }
0x39: {  	_ = 	snop;
	(pc) =	sbr.ind lr, $3  }
0x3a: {  	_ = 	snop  }
0x3b: {  	_ = 	snop  }
0x3c: {  	p2 =	seq.s32 s10, $0x1;
	s10 =	sld [smem:$0x3FA4]  }
0x3d: {  	_ =	shalt  }
0x3e: {  	_ =	shalt  }
0x3f: {  	_ =	shalt  }
0x40: {  	_ =	shalt  }
0x41: {  	_ =	shalt  }
0x42: {  	_ =	shalt  }
0x43: {  	_ =	shalt  }
0x44: {  	_ =	shalt  }
0x45: {  	_ =	shalt  }
0x46: {  	_ =	shalt  }
0x47: {  	_ =	shalt  }
0x48: {  	_ =	shalt  }
0x49: {  	_ =	shalt  }
0x4a: {  	_ =	shalt  }
0x4b: {  	_ =	shalt  }
0x4c: {  	_ =	shalt  }
0x4d: {  	_ =	shalt  }
0x4e: {  	_ =	shalt  }
0x4f: {  	_ =	shalt  }
0x50: {  	_ =	shalt  }
0x51: {  	_ =	shalt  }
0x52: {  	_ =	shalt  }
0x53: {  	_ =	shalt  }
0x54: {  	_ =	shalt  }
0x55: {  	_ =	shalt  }
0x56: {  	_ =	shalt  }
0x57: {  	_ =	shalt  }
0x58: {  	_ =	shalt  }
0x59: {  	_ =	shalt  }
0x5a: {  	_ =	shalt  }
0x5b: {  	_ =	shalt  }
0x5c: {  	_ =	shalt  }
0x5d: {  	_ =	shalt  }
0x5e: {  	_ =	shalt  }
0x5f: {  	_ =	shalt  }
0x60: {  	_ =	shalt  }
0x61: {  	_ =	shalt  }
0x62: {  	_ =	shalt  }
0x63: {  	_ =	shalt  }
0x64: {  	_ =	shalt  }
0x65: {  	_ =	shalt  }
0x66: {  	_ =	shalt  }
0x67: {  	_ =	shalt  }
0x68: {  	_ =	shalt  }
0x69: {  	_ =	shalt  }
0x6a: {  	_ =	shalt  }
0x6b: {  	_ =	shalt  }
0x6c: {  	_ =	shalt  }
0x6d: {  	_ =	shalt  }
0x6e: {  	_ =	shalt  }
0x6f: {  	_ =	shalt  }
0x70: {  	_ =	shalt  }
0x71: {  	_ =	shalt  }
0x72: {  	_ =	shalt  }
0x73: {  	_ =	shalt  }
0x74: {  	_ =	shalt  }
0x75: {  	_ =	shalt  }
0x76: {  	_ =	shalt  }
0x77: {  	_ =	shalt  }
0x78: {  	_ =	shalt  }
0x79: {  	_ =	shalt  }
0x7a: {  	_ =	shalt  }
0x7b: {  	_ =	shalt  }
0x7c: {  	_ =	shalt  }
0x7d: {  	_ =	shalt  }
0x7e: {  	_ =	shalt  }
0x7f: {  	_ =	shalt  }
0x80: {  	_ =	shalt  }
0x81: {  	_ =	shalt  }
0x82: {  	_ =	shalt  }
0x83: {  	_ =	shalt  }
0x84: {  	_ =	shalt  }
0x85: {  	_ =	shalt  }
0x86: {  	_ =	shalt  }
0x87: {  	_ =	shalt  }
.Lfunc_end0:
.L_simem_size_0:
called_computation.2_lowered:
.L_overlay_start_0:
0x88: {  	s2 =	sld [smem:$0x3FD9]  }
0x89: {  	s3 =	sld [smem:$0x3FFE];
	_ =	sdelay $0x1  }
0x8a: {  	s1 =	srdreg.scid  }
0x8b: {  	s0 =	sand.u32 $0x1, s1  }
0x8c: {  	s14 =	sshll.u32 s0, $0xA;
	s2 =	sadd.s32 s3, s2  }
0x8d: {  	s2 =	sadd.s32 s2, s14  }
0x8e: {  	[smem:$0x3FB0] =	sst s2  }
0x8f: {  	_ = 	snop  }
0x90: {  	s2 =	sld [smem:$0x3FD0];
	_ =	sdelay $0x2  }
0x91: {  	s15 =	simm.s32 $0xA;
	s4 =	simm.s32 $0x10  }
0x92: {  	[smem:s4], [sflag:s15] =	dma.local [hbm:s2], $0x1  }
0x93: {  	_ =	swait.eq [sflag:s15], $0x1  }
0x94: {  	[sflag:s15] =	ssyncset.done $0x0  }
0x95: {  	s16 =	sld [smem:$0x10];
	[sflag:s15] =	ssyncadd.s32 $0xFFFFFFFF  }
0x96: {  	s17 =	sld [smem:$0x11];
	(tm) =	ssettm $0x1  }
0x97: {  	s18 =	sld [smem:$0x3FFB];
	_ =	sdelay $0x3  }
0x98: {  	_ =	strace s18  }
0x99: {  	s4 =	sld [smem:$0x3FFC];
	_ =	sdelay $0x3  }
0x9a: {  	_ =	strace s4  }
0x9b: {  	s4 =	sld [smem:$0x3FFD];
	_ =	sdelay $0x3  }
0x9c: {  	_ =	strace s4  }
0x9d: {  	_ =	strace $0x8FFFFFFF  }
0x9e: {  	s19 =	sld [smem:$0x3FDB];
	_ =	sdelay $0x1  }
0x9f: {  	s5 =	simm.s32 $_scs_section_size  }
0xa0: {  	s6 =	simm.s32 $_size__tile_overlayer_lowered;
	s7 =	simm.s32 $_tile_overlayer_lowered  }
0xa1: {  	s22 =	simm.s32 $0x1BFF;
	s21 =	sshll.u32 s7, $0x1;
	s4 =	sadd.s32 s5, s19  }
0xa2: {  	s8 =	simm.s32 $0x0;
	s20 =	sshll.u32 s6, $0x1;
	s6 =	sadd.s32 s21, s4  }
0xa3: {  	[timem:s8], [sflag:s22] =	dma.local [hbm:s6], s20  }
0xa4: {  	_ =	swait.ge [sflag:s22], s20  }
0xa5: {  	s5 =	ssub.s32 $0x0, s20;
	[sflag:s22] =	ssyncset.done $0x0  }
0xa6: {  	[sflag:s22] =	ssyncadd.s32 s5;
	_ =	sdelay $0x1  }
0xa7: {  	s23 =	simm.s32 $0x1B8B  }
0xa8: {  	_ =	swait.ge [sflag:s23], $0x1  }
0xa9: {  	[sflag:s23] =	ssyncset.done $0x0  }
0xaa: {  	s25 =	simm.s32 $0x1B8E;
	s24 =	sld [smem:$0x3FFE];
	[sflag:s23] =	ssyncadd.s32 $0xFFFFFFFF  }
0xab: {  	s26 =	simm.s32 $execute0_lowered;
	[smem:$0x3FD2] =	sst s25  }
0xac: {  	s6 =	sshll.u32 s26, $0x1;
	_ =	strace $0x8000004C;
	[dreg:$0x1] =	wrdreg $0xFFFFFFFF  }
0xad: {  	s28 =	simm.s32 $_size_execute0_lowered;
	s4 =	sadd.s32 s4, s6;
	[dreg:$0x0] =	wrdreg $0x0  }
0xae: {  	s6 =	sshll.u32 s28, $0x1;
	[dreg:$0x2] =	wrdreg s4  }
0xaf: {  	[dreg:$0x3] =	wrdreg s6  }
0xb0: {  	[dreg:$0x4] =	wrdreg $0xC0  }
0xb1: {  	_ =	task [dreg:s8], $0x5FFFF  }
0xb2: {  	[dreg:$0x1] =	wrdreg $0xFFFFFFFF  }
0xb3: {  	[dreg:$0x0] =	wrdreg $0x60  }
0xb4: {  	[dreg:$0x2] =	wrdreg s17  }
0xb5: {  	[dreg:$0x3] =	wrdreg s16  }
0xb6: {  	[dreg:$0x4] =	wrdreg s24  }
0xb7: {  	[dreg:$0x5] =	wrdreg $0x81800  }
0xb8: {  	[dreg:$0x6] =	wrdreg $0x9  }
0xb9: {  	_ =	task.clear_ibuf [dreg:s8], $0x7FFFF;
	_ =	strace $0x9000004C  }
0xba: {  	s29 =	simm.s32 $0x9;
	_ =	strace $0x8000004E  }
0xbb: {  	_ =	swait.ge [sflag:s29], $0x1  }
0xbc: {  	[sflag:s29] =	ssyncadd.s32 $0xFFFFFFFF  }
0xbd: {  	_ =	strace $0x9000004E  }
0xbe: {  	_ =	sfence  }
0xbf: {  	s30 =	sld [smem:$0x0];
	_ =	sdelay $0x2  }
0xc0: {  	s31 =	sshll.u32 s1, $0xD;
	s1 =	sshrl.u32 s1, $0x2  }
0xc1: {  	s3 =	sand.u32 $0x4000, s31;
	s1 =	sadd.s32 s1, s30  }
0xc2: {  	s0 =	sor.u32 s3, s0;
	s1 =	sshll.u32 s1, $0x11  }
0xc3: {  	s0 =	sor.u32 s1, s0  }
0xc4: {  	s0 =	sadd.s32 $0x8F2B, s0  }
0xc5: {  	[sflag:s0] =	ssyncadd.remote.s32 $0x1  }
0xc6: {  	_ =	sfence.sel $0xFFFF  }
0xc7: {  	[dreg:$0x0] =	wrdreg $0xFFFFFFFF;
	(pc) =	sbr.abs _section_cstart, $3  }
0xc8: {  	[dreg:$0x1] =	wrdreg $0xFFFFFFFF  }
0xc9: {  	_ =	task.clear_ibuf [dreg:s8], $0x2FFFF;
	_ =	strace $0x9FFFFFFF  }
0xca: {  	(tm) =	ssettm $0x7FFFFFFF  }
0xcb: {  	_ =	shalt  }
tec
execute0_lowered:
.L_overlay_start_1:
0x0: {  	(tag) =	ssettag $0x1  }
0x1: {  	s0 =	rddreg [dreg:$0x0]  }
0x2: {  	s1 =	rddreg [dreg:$0x1]  }
0x3: {  	s5 =	rddreg [dreg:$0x2]  }
0x4: {  	s2 =	rddreg [dreg:$0x3];
	s3 =	simm.s32 $0x0  }
0x5: {  	s13 =	stileid.u32;
	s4 =	srdreg.scid;
	s28 =	simm.s32 $0x4180  }
0x6: {  	s29 =	simm.s32 $0x0;
	[smem:$0x7FF] =	sst s3;
	s6 =	smul.u32 $0x2800, s13  }
0x7: {  	s7 =	sand.u32 $0x1, s4;
	s4 =	sadd.s32 $0x2D800, s5;
	s11 =	smul.u32 $0x1900, s13  }
0x8: {  	s20 =	smul.u32 $0x50000, s13;
	s22 =	sshll.u32 s13, $0x6;
	_ =	strace $0x8000004D  }
0x9: {  	s8 =	smul.u32 $0x28000, s7;
	s10 =	ssub.s32 $0x2, s7;
	p0 =	seq.s32 s7, $0x0  }
0xa: {  	s7 =	smul.u32 $0x3800, s13;
	s9 =	sadd.s32 s6, s5;
	s19 =	sshrl.u32 s10, $0x1  }
0xb: {  	s6 =	sadd.s32 s6, s8;
	s12 =	ssub.s32 s10, s19;
	s10 =	sadd.s32 $0x38000, s11  }
0xc: {  	s8 =	sshrl.u32 s20, $0x2;
	s23 =	sadd.s32 $0x55800, s9;
	s6 =	sadd.s32 s6, s5  }
0xd: {  	s5 =	simm.s32 $0x70;
	s10 =	smov.u32 @p0 s7;
	s21 =	sadd.s32 s8, s2  }
0xe: {  	[dreg:$0x6] =	wrdreg s23;
	s8 =	sor.u32 $0x1C03, s22;
	s25 =	smax.u32 s12, $0x1  }
0xf: {  	s22 =	simm.s32 $0x80;
	s23 =	simm.s32 $0x180;
	s5 =	simm.s32 @!p0 $0x32  }
0x10: {  	[dreg:$0x5] =	wrdreg s21;
	s17 =	sshrl.u32 s10, $0x3;
	s6 =	sadd.s32 $0x7D800, s6  }
0x11: {  	[dreg:$0x8] =	wrdreg s25;
	s21 =	simm.s32 $0x3;
	s25 =	simm.s32 $0x1  }
0x12: {  	s9 =	sadd.s32 s0, s17;
	[dreg:$0x7] =	wrdreg s6;
	s24 =	sshll.u32 s5, $0x4  }
0x13: {  	s26 =	sadd.s32 $0x30, s17;
	s13 =	sadd.s32 s17, s1;
	s20 =	sadd.s32 $0x20, s17  }
0x14: {  	s19 =	sor.u32 $0x10, s17;
	s12 =	sadd.s32 $0xFFFFFFE0, s24;
	s30 =	sadd.s32 $0x20, s9  }
0x15: {  	s15 =	sadd.s32 s26, s0;
	s6 =	sadd.s32 s26, s1;
	s31 =	sadd.s32 s20, s1  }
0x16: {  	s18 =	sadd.s32 s19, s0;
	s19 =	sadd.s32 s19, s1;
	s20 =	sadd.s32 s20, s0  }
0x17: {  	s24 =	simm.s32 $0x100;
	s26 =	simm.s32 $0x2;
	[dreg:$0x9] =	wrdreg s30  }
0x18: {  	s15 =	sadd.s32 $0xFFFFFFE0, s15;
	s16 =	sadd.s32 $0xFFFFFFE0, s6;
	s17 =	sadd.s32 $0xFFFFFFE0, s31  }
.LBB2_1:
0x19: {  	s0 =	rddreg [dreg:$0x5]  }
0x1a: {  	s31 =	rddreg [dreg:$0x6];
	s30 =	sshrl.u32 s0, $0x3  }
0x1b: {  	[spmem:s30], [sflag:s8] =	dma.local [hbm:s31], $0x2800  }
0x1c: {  	_ =	swait.ge [sflag:s21], $0x2800  }
0x1d: {  	[sflag:s21] =	ssyncset.done $0x0  }
0x1e: {  	[sflag:s21] =	ssyncadd.s32 $0xFFFFD800  }
0x1f: {  	p1 =	sne.s32 s12, $0x20;
	[bflag:$0x0] =	sbarrier.arrive $0xFFFF  }
0x20: {  	[tilespmem:s3], [sflag:$0x3] =	stream.linear.gather [hbm4b:s9+s3], $0x80, $0x38;
	[tilespmem:$0x1C180] =	vst v63  }
.Ltmp0:
0x21: {  	_ = 	snop;
	(pc) =	sbr.rel @!p1 .LBB2_2-.Ltmp0, $4  }
0x22: {  	_ =	swait.ge [sflag:s21], $0x80  }
0x23: {  	s1 =	simm.s32 $0x20;
	[sflag:s21] =	ssyncset.done $0x0  }
0x24: {  	p2 =	sle.u32 s5, $0x1;
	p0 =	por $0x0, $0x0;
	[sflag:s21] =	ssyncadd.s32 $0xFFFFFF80  }
0x25: {  	[tilespmem:s23], [sflag:$0x1] =	stream.indirect.gather [hbm4b:s4+s22], $0x80, s3, s22, $0xb8;
	[tilespmem:$0x1C180] =	vst v63  }
0x26: {  	s0 =	sadd.s32 @!p2 $0x0, s18  }
0x27: {  	s6 =	simm.s32 @!p2 $0x0;
	s31 =	simm.s32 @!p2 $0x80;
	s7 =	simm.s32 @!p2 $0x3  }
0x28: {  	[tilespmem:s31], [sflag:$0x3] =	stream.linear.gather @!p2 [hbm4b:s0+s6], $0x80, $0x38;
	[tilespmem:$0x1C180] =	vst v63  }
0x29: {  	_ =	swait.ge @!p2 [sflag:s7], $0x80  }
0x2a: {  	[sflag:s7] =	ssyncset.done @!p2 $0x0  }
0x2b: {  	s0 =	simm.s32 @!p2 $0x4180;
	[sflag:s7] =	ssyncadd.s32 @!p2 $0xFFFFFF80  }
0x2c: {  	[tilespmem:s0], [sflag:$0x2] =	stream.indirect.gather @!p2 [hbm4b:s4+s31], $0x80, s31, s31, $0xb8;
	[tilespmem:$0x1C180] =	vst v63  }
0x2d: {  	s11 =	sadd.s32 $0x0, s13  }
0x2e: {  	[tilespmem:s24], [sflag:$0x3] =	stream.linear.gather [hbm4b:s11+s3], $0x80, $0x38;
	[tilespmem:$0x1C180] =	vst v63  }
0x2f: {  	_ =	swait.ge [sflag:s21], $0x80  }
0x30: {  	[sflag:s21] =	ssyncset.done $0x0  }
0x31: {  	[sflag:s21] =	ssyncadd.s32 $0xFFFFFF80  }
0x32: {  	_ =	swait.ge [sflag:s25], $0x4000  }
0x33: {  	[sflag:s25] =	ssyncset.done $0x0  }
0x34: {  	[sflag:s25] =	ssyncadd.s32 $0xFFFFC000  }
0x35: {  	[spmem:s2] =	stream.indirect.scatter.add.f32 [tilespmem:s23], [sflag:$0x3], $0x80, s24, s22, $0xb8;
	[tilespmem:$0x1C180] =	vst v63  }
0x36: {  	p0 =	sle.u32 s5, $0x2;
	_ =	swait.ge [sflag:s21], $0x4000  }
0x37: {  	s6 =	simm.s32 @!p0 $0x0;
	[sflag:s21] =	ssyncset.done $0x0  }
0x38: {  	s7 =	simm.s32 @!p0 $0x3;
	s0 =	sadd.s32 @!p0 $0x0, s20;
	[sflag:s21] =	ssyncadd.s32 $0xFFFFC000  }
0x39: {  	[tilespmem:s6], [sflag:$0x3] =	stream.linear.gather @!p0 [hbm4b:s0+s6], $0x80, $0x38;
	[tilespmem:$0x1C180] =	vst v63  }
0x3a: {  	_ =	swait.ge @!p0 [sflag:s7], $0x80  }
0x3b: {  	[sflag:s7] =	ssyncset.done @!p0 $0x0  }
0x3c: {  	s31 =	simm.s32 @!p0 $0x180;
	s0 =	simm.s32 @!p0 $0x80;
	[sflag:s7] =	ssyncadd.s32 @!p0 $0xFFFFFF80  }
0x3d: {  	[tilespmem:s31], [sflag:$0x1] =	stream.indirect.gather @!p0 [hbm4b:s4+s0], $0x80, s6, s0, $0xb8;
	[tilespmem:$0x1C180] =	vst v63  }
0x3e: {  	s14 =	sadd.s32 $0x0, s19  }
0x3f: {  	[tilespmem:s24], [sflag:$0x3] =	stream.linear.gather [hbm4b:s14+s3], $0x80, $0x38;
	[tilespmem:$0x1C180] =	vst v63  }
0x40: {  	_ =	swait.ge [sflag:s21], $0x80  }
0x41: {  	[sflag:s21] =	ssyncset.done $0x0  }
0x42: {  	p1 =	sne.s32 s12, $0x40;
	[sflag:s21] =	ssyncadd.s32 $0xFFFFFF80  }
.Ltmp1:
0x43: {  	_ =	swait.ge [sflag:s26], $0x4000;
	(pc) =	sbr.rel @!p1 .LBB2_4-.Ltmp1, $4  }
0x44: {  	[sflag:s26] =	ssyncset.done $0x0  }
0x45: {  	p2 =	sle.u32 s5, $0x3;
	s31 =	simm.s32 $0x40;
	[sflag:s26] =	ssyncadd.s32 $0xFFFFC000  }
0x46: {  	[spmem:s2] =	stream.indirect.scatter.add.f32 [tilespmem:s28], [sflag:$0x3], $0x80, s24, s22, $0xb8;
	[tilespmem:$0x1C180] =	vst v63  }
0x47: {  	s0 =	simm.s32 $0x4;
	p0 =	por $0x1, $0x1;
	_ =	swait.ge [sflag:s21], $0x4000  }
.LBB2_5:
0x48: {  	s6 =	sadd.s32 @!p2 s1, s18;
	s7 =	simm.s32 @!p2 $0x0;
	[sflag:s21] =	ssyncset.done $0x0  }
0x49: {  	s10 =	simm.s32 @!p2 $0x80;
	s11 =	simm.s32 @!p2 $0x3;
	[sflag:s21] =	ssyncadd.s32 $0xFFFFC000  }
0x4a: {  	[tilespmem:s10], [sflag:$0x3] =	stream.linear.gather @!p2 [hbm4b:s6+s7], $0x80, $0x38;
	[tilespmem:$0x1C180] =	vst v63  }
0x4b: {  	s6 =	smov.u32 s31;
	s31 =	sadd.s32 $0x20, s31;
	_ =	swait.ge @!p2 [sflag:s11], $0x80  }
0x4c: {  	s7 =	simm.s32 @!p2 $0x4180;
	p1 =	sne.s32 s12, s31;
	[sflag:s11] =	ssyncset.done @!p2 $0x0  }
0x4d: {  	[sflag:s11] =	ssyncadd.s32 @!p2 $0xFFFFFF80;
	s11 =	sadd.s32 s1, s13  }
0x4e: {  	[tilespmem:s7], [sflag:$0x2] =	stream.indirect.gather @!p2 [hbm4b:s4+s10], $0x80, s10, s10, $0xb8;
	[tilespmem:$0x1C180] =	vst v63  }
0x4f: {  	_ = 	snop  }
0x50: {  	[tilespmem:s24], [sflag:$0x3] =	stream.linear.gather [hbm4b:s11+s3], $0x80, $0x38;
	[tilespmem:$0x1C180] =	vst v63  }
0x51: {  	_ =	swait.ge [sflag:s21], $0x80  }
0x52: {  	[sflag:s21] =	ssyncset.done $0x0  }
0x53: {  	[sflag:s21] =	ssyncadd.s32 $0xFFFFFF80  }
0x54: {  	_ =	swait.ge [sflag:s25], $0x4000  }
0x55: {  	[sflag:s25] =	ssyncset.done $0x0  }
0x56: {  	[sflag:s25] =	ssyncadd.s32 $0xFFFFC000  }
0x57: {  	[spmem:s2] =	stream.indirect.scatter.add.f32 [tilespmem:s23], [sflag:$0x3], $0x80, s24, s22, $0xb8;
	[tilespmem:$0x1C180] =	vst v63  }
0x58: {  	p2 =	sge.u32 s0, s5;
	_ =	swait.ge [sflag:s21], $0x4000  }
0x59: {  	s7 =	sadd.s32 @!p2 s1, s20;
	s10 =	simm.s32 @!p2 $0x0;
	[sflag:s21] =	ssyncset.done $0x0  }
0x5a: {  	s11 =	simm.s32 @!p2 $0x3;
	[sflag:s21] =	ssyncadd.s32 $0xFFFFC000  }
0x5b: {  	[tilespmem:s10], [sflag:$0x3] =	stream.linear.gather @!p2 [hbm4b:s7+s10], $0x80, $0x38;
	[tilespmem:$0x1C180] =	vst v63  }
0x5c: {  	_ =	swait.ge @!p2 [sflag:s11], $0x80  }
0x5d: {  	s14 =	simm.s32 @!p2 $0x180;
	s7 =	simm.s32 @!p2 $0x80;
	[sflag:s11] =	ssyncset.done @!p2 $0x0  }
0x5e: {  	[sflag:s11] =	ssyncadd.s32 @!p2 $0xFFFFFF80;
	s11 =	sadd.s32 s1, s19;
	s1 =	smov.u32 s6  }
0x5f: {  	[tilespmem:s14], [sflag:$0x1] =	stream.indirect.gather @!p2 [hbm4b:s4+s7], $0x80, s10, s7, $0xb8;
	[tilespmem:$0x1C180] =	vst v63  }
0x60: {  	_ = 	snop  }
0x61: {  	[tilespmem:s24], [sflag:$0x3] =	stream.linear.gather [hbm4b:s11+s3], $0x80, $0x38;
	[tilespmem:$0x1C180] =	vst v63  }
0x62: {  	_ =	swait.ge [sflag:s21], $0x80  }
0x63: {  	[sflag:s21] =	ssyncset.done $0x0  }
0x64: {  	[sflag:s21] =	ssyncadd.s32 $0xFFFFFF80  }
.Ltmp2:
0x65: {  	_ =	swait.ge [sflag:s26], $0x4000;
	(pc) =	sbr.rel @p1 .LBB2_5-.Ltmp2, $4  }
0x66: {  	s0 =	sadd.s32 $0x2, s0;
	[sflag:s26] =	ssyncset.done $0x0  }
0x67: {  	s6 =	sadd.s32 $0xFFFFFFFF, s0;
	[sflag:s26] =	ssyncadd.s32 $0xFFFFC000  }
0x68: {  	[spmem:s2] =	stream.indirect.scatter.add.f32 [tilespmem:s28], [sflag:$0x3], $0x80, s24, s22, $0xb8;
	[tilespmem:$0x1C180] =	vst v63  }
0x69: {  	p2 =	sge.u32 s6, s5;
	_ =	swait.ge [sflag:s21], $0x4000  }
0x6a: {  	s6 =	smov.u32 s1;
	s1 =	smov.u32 s31  }
.LBB2_7:
0x6b: {  	s7 =	sadd.s32 @!p2 s6, s18;
	[sflag:s21] =	ssyncset.done @p0 $0x0  }
0x6c: {  	s10 =	simm.s32 @!p2 $0x0;
	s11 =	simm.s32 @!p2 $0x80;
	[sflag:s21] =	ssyncadd.s32 @p0 $0xFFFFC000  }
0x6d: {  	[tilespmem:s11], [sflag:$0x3] =	stream.linear.gather @!p2 [hbm4b:s7+s10], $0x80, $0x38;
	[tilespmem:$0x1C180] =	vst v63  }
0x6e: {  	s7 =	simm.s32 @!p2 $0x3  }
0x6f: {  	_ =	swait.ge @!p2 [sflag:s7], $0x80  }
0x70: {  	[sflag:s7] =	ssyncset.done @!p2 $0x0  }
0x71: {  	s10 =	simm.s32 @!p2 $0x4180;
	[sflag:s7] =	ssyncadd.s32 @!p2 $0xFFFFFF80  }
0x72: {  	[tilespmem:s10], [sflag:$0x2] =	stream.indirect.gather @!p2 [hbm4b:s4+s11], $0x80, s11, s11, $0xb8;
	[tilespmem:$0x1C180] =	vst v63  }
0x73: {  	s11 =	sadd.s32 s6, s13  }
0x74: {  	[tilespmem:s24], [sflag:$0x3] =	stream.linear.gather [hbm4b:s11+s3], $0x80, $0x38;
	[tilespmem:$0x1C180] =	vst v63  }
0x75: {  	_ =	swait.ge [sflag:s21], $0x80  }
0x76: {  	[sflag:s21] =	ssyncset.done $0x0  }
0x77: {  	[sflag:s21] =	ssyncadd.s32 $0xFFFFFF80  }
0x78: {  	_ =	swait.ge [sflag:s25], $0x4000  }
0x79: {  	[sflag:s25] =	ssyncset.done $0x0  }
0x7a: {  	[sflag:s25] =	ssyncadd.s32 $0xFFFFC000  }
0x7b: {  	[spmem:s2] =	stream.indirect.scatter.add.f32 [tilespmem:s23], [sflag:$0x3], $0x80, s24, s22, $0xb8;
	[tilespmem:$0x1C180] =	vst v63  }
0x7c: {  	p0 =	sge.u32 s0, s5;
	_ =	swait.ge [sflag:s21], $0x4000  }
0x7d: {  	s7 =	sadd.s32 @!p0 s6, s20;
	[sflag:s21] =	ssyncset.done $0x0  }
0x7e: {  	s10 =	simm.s32 @!p0 $0x0;
	s11 =	simm.s32 @!p0 $0x3;
	[sflag:s21] =	ssyncadd.s32 $0xFFFFC000  }
0x7f: {  	[tilespmem:s10], [sflag:$0x3] =	stream.linear.gather @!p0 [hbm4b:s7+s10], $0x80, $0x38;
	[tilespmem:$0x1C180] =	vst v63  }
0x80: {  	_ =	swait.ge @!p0 [sflag:s11], $0x80  }
0x81: {  	[sflag:s11] =	ssyncset.done @!p0 $0x0  }
0x82: {  	s7 =	simm.s32 @!p0 $0x80;
	[sflag:s11] =	ssyncadd.s32 @!p0 $0xFFFFFF80;
	s11 =	simm.s32 @!p0 $0x180  }
0x83: {  	[tilespmem:s11], [sflag:$0x1] =	stream.indirect.gather @!p0 [hbm4b:s4+s7], $0x80, s10, s7, $0xb8;
	[tilespmem:$0x1C180] =	vst v63  }
0x84: {  	s14 =	sadd.s32 s6, s19  }
0x85: {  	[tilespmem:s24], [sflag:$0x3] =	stream.linear.gather [hbm4b:s14+s3], $0x80, $0x38;
	[tilespmem:$0x1C180] =	vst v63  }
0x86: {  	_ =	swait.ge [sflag:s21], $0x80  }
0x87: {  	[sflag:s21] =	ssyncset.done $0x0  }
0x88: {  	[sflag:s21] =	ssyncadd.s32 $0xFFFFFF80  }
0x89: {  	_ =	swait.ge [sflag:s26], $0x4000  }
0x8a: {  	s31 =	sadd.s32 $0x2, s0;
	[sflag:s26] =	ssyncset.done $0x0  }
0x8b: {  	s7 =	sadd.s32 $0xFFFFFFFF, s31;
	[sflag:s26] =	ssyncadd.s32 $0xFFFFC000  }
0x8c: {  	[spmem:s2] =	stream.indirect.scatter.add.f32 [tilespmem:s28], [sflag:$0x3], $0x80, s24, s22, $0xb8;
	[tilespmem:$0x1C180] =	vst v63  }
0x8d: {  	p0 =	sge.u32 s7, s5;
	_ =	swait.ge [sflag:s21], $0x4000  }
0x8e: {  	s6 =	sadd.s32 @!p0 s1, s15;
	[sflag:s21] =	ssyncset.done $0x0  }
0x8f: {  	s7 =	simm.s32 @!p0 $0x0;
	s10 =	simm.s32 @!p0 $0x80;
	[sflag:s21] =	ssyncadd.s32 $0xFFFFC000  }
0x90: {  	[tilespmem:s10], [sflag:$0x3] =	stream.linear.gather @!p0 [hbm4b:s6+s7], $0x80, $0x38;
	[tilespmem:$0x1C180] =	vst v63  }
0x91: {  	s6 =	simm.s32 @!p0 $0x3  }
0x92: {  	_ =	swait.ge @!p0 [sflag:s6], $0x80  }
0x93: {  	[sflag:s6] =	ssyncset.done @!p0 $0x0  }
0x94: {  	[sflag:s6] =	ssyncadd.s32 @!p0 $0xFFFFFF80;
	s6 =	simm.s32 @!p0 $0x4180  }
0x95: {  	[tilespmem:s6], [sflag:$0x2] =	stream.indirect.gather @!p0 [hbm4b:s4+s10], $0x80, s10, s10, $0xb8;
	[tilespmem:$0x1C180] =	vst v63  }
0x96: {  	s10 =	sadd.s32 s1, s17  }
0x97: {  	[tilespmem:s24], [sflag:$0x3] =	stream.linear.gather [hbm4b:s10+s3], $0x80, $0x38;
	[tilespmem:$0x1C180] =	vst v63  }
0x98: {  	_ =	swait.ge [sflag:s21], $0x80  }
0x99: {  	[sflag:s21] =	ssyncset.done $0x0  }
0x9a: {  	[sflag:s21] =	ssyncadd.s32 $0xFFFFFF80  }
0x9b: {  	_ =	swait.ge [sflag:s25], $0x4000  }
0x9c: {  	[sflag:s25] =	ssyncset.done $0x0  }
0x9d: {  	[sflag:s25] =	ssyncadd.s32 $0xFFFFC000  }
0x9e: {  	[spmem:s2] =	stream.indirect.scatter.add.f32 [tilespmem:s23], [sflag:$0x3], $0x80, s24, s22, $0xb8;
	[tilespmem:$0x1C180] =	vst v63  }
0x9f: {  	_ =	swait.ge [sflag:s21], $0x4000  }
0xa0: {  	p0 =	sge.u32 s31, s5;
	[sflag:s21] =	ssyncset.done $0x0;
	s0 =	rddreg [dreg:$0x9]  }
0xa1: {  	s6 =	simm.s32 @!p0 $0x0;
	[sflag:s21] =	ssyncadd.s32 $0xFFFFC000;
	s0 =	sadd.s32 @!p0 s1, s0  }
0xa2: {  	[tilespmem:s6], [sflag:$0x3] =	stream.linear.gather @!p0 [hbm4b:s0+s6], $0x80, $0x38;
	[tilespmem:$0x1C180] =	vst v63  }
0xa3: {  	s0 =	simm.s32 @!p0 $0x3  }
0xa4: {  	_ =	swait.ge @!p0 [sflag:s0], $0x80  }
0xa5: {  	[sflag:s0] =	ssyncset.done @!p0 $0x0  }
0xa6: {  	s7 =	simm.s32 @!p0 $0x180;
	[sflag:s0] =	ssyncadd.s32 @!p0 $0xFFFFFF80;
	s0 =	simm.s32 @!p0 $0x80  }
0xa7: {  	[tilespmem:s7], [sflag:$0x1] =	stream.indirect.gather @!p0 [hbm4b:s4+s0], $0x80, s6, s0, $0xb8;
	[tilespmem:$0x1C180] =	vst v63  }
0xa8: {  	s11 =	sadd.s32 s1, s16  }
0xa9: {  	[tilespmem:s24], [sflag:$0x3] =	stream.linear.gather [hbm4b:s11+s3], $0x80, $0x38;
	[tilespmem:$0x1C180] =	vst v63  }
0xaa: {  	_ =	swait.ge [sflag:s21], $0x80  }
0xab: {  	[sflag:s21] =	ssyncset.done $0x0  }
0xac: {  	[sflag:s21] =	ssyncadd.s32 $0xFFFFFF80  }
0xad: {  	_ =	swait.ge [sflag:s26], $0x4000  }
0xae: {  	[sflag:s26] =	ssyncset.done $0x0  }
0xaf: {  	[sflag:s26] =	ssyncadd.s32 $0xFFFFC000  }
0xb0: {  	[spmem:s2] =	stream.indirect.scatter.add.f32 [tilespmem:s28], [sflag:$0x3], $0x80, s24, s22, $0xb8;
	[tilespmem:$0x1C180] =	vst v63  }
0xb1: {  	_ =	swait.ge [sflag:s21], $0x4000  }
0xb2: {  	[sflag:s21] =	ssyncset.done $0x0  }
0xb3: {  	[sflag:s21] =	ssyncadd.s32 $0xFFFFC000  }
0xb4: {  	[bflag:$0x0] =	sbarrier.arrive $0xFFFF  }
0xb5: {  	s14 =	rddreg [dreg:$0x7]  }
0xb6: {  	[hbm:s14], [sflag:s8] =	dma.local [spmem:s30], $0x2800  }
0xb7: {  	_ =	swait.ge [sflag:s21], $0x2800  }
0xb8: {  	s29 =	sadd.s32 $0x1, s29;
	s31 =	rddreg [dreg:$0x8]  }
0xb9: {  	p0 =	sne.s32 s29, s31  }
.Ltmp3:
0xba: {  	_ = 	snop;
	(pc) =	sbr.rel @p0 .LBB2_1-.Ltmp3, $4  }
.Ltmp4:
0xbb: {  	_ = 	snop;
	(pc) =	sbr.rel @!p0 .LBB2_8-.Ltmp4, $4  }
0xbc: {  	_ = 	snop  }
0xbd: {  	[sflag:s21] =	ssyncset.done $0x0  }
0xbe: {  	[sflag:s21] =	ssyncadd.s32 $0xFFFFD800  }
0xbf: {  	_ = 	snop  }
.LBB2_2:
.Ltmp5:
0xc0: {  	(pc) =	sbr.rel .LBB2_7-.Ltmp5, $2  }
0xc1: {  	_ =	sdelay $0x2  }
0xc2: {  	s6 =	simm.s32 $0x0;
	s0 =	simm.s32 $0x2  }
.LBB2_4:
.Ltmp6:
0xc3: {  	(pc) =	sbr.rel .LBB2_7-.Ltmp6, $2  }
0xc4: {  	_ =	sdelay $0x2  }
0xc5: {  	s6 =	simm.s32 $0x20;
	s1 =	simm.s32 $0x40  }
.LBB2_8:
0xc6: {  	_ =	sfence.sel $0x180000  }
0xc7: {  	[bflag:$0x0] =	sbarrier.arrive $0xFFFF  }
0xc8: {  	_ =	strace $0x9000004D  }
0xc9: {  	s0 =	stileid.u32;
	[bflag:$0x2] =	sbarrier.arrive $0xFFFF  }
0xca: {  	p0 =	sne.s32 s0, $0x0;
	s0 =	rddreg [dreg:$0x4]  }
0xcb: {  	s0 =	sadd.s32 @!p0 $0x100000, s0  }
0xcc: {  	[sflag:s0] =	ssyncadd.tile.s32 @!p0 $0x1;
	_ =	shalt  }
.Lfunc_end2:
_tile_overlayer_lowered:
.L_overlay_start_2:
0xcd: {  	(tag) =	ssettag $0x2  }
0xce: {  	s0 =	rddreg [dreg:$0x0];
	s2 =	stileid.u32  }
0xcf: {  	s1 =	rddreg [dreg:$0x1];
	p0 =	sne.s32 s2, $0x0  }
0xd0: {  	s3 =	rddreg [dreg:$0x2];
	[bflag:$0x3] =	sbarrier.arrive $0xFFFF;
	s2 =	simm.s32 @!p0 $0x1C03  }
0xd1: {  	[timem:s3], [sflag:s2] =	dma.local @!p0 [hbm:s0], s1  }
0xd2: {  	s0 =	simm.s32 @!p0 $0x3  }
0xd3: {  	_ =	swait.ge @!p0 [sflag:s0], s1  }
0xd4: {  	s1 =	ssub.s32 @!p0 $0x0, s1;
	[sflag:s0] =	ssyncset.done @!p0 $0x0  }
0xd5: {  	[sflag:s0] =	ssyncadd.s32 @!p0 s1  }
0xd6: {  	[bflag:$0x3] =	sbarrier.arrive $0xFFFF  }
0xd7: {  	_ =	shalt  }

// kernel: kernel.23.cloned.1.call-start
scs
__scs_entry_jumppad:
0x0: {  	(pc) =	sbr.rel $0x88, $3  }
0x1: {  	(tag) =	ssettag $0x0;
	lr =	simm.s32 $0x1  }
0x2: {  	[smem:$0x3F89] =	sst lr;
	_ =	strace $0xD0000000  }
0x3: {  	_ = 	snop  }
0x4: {  	_ = 	snop  }
0x5: {  	_ = 	snop  }
0x6: {  	_ = 	snop  }
0x7: {  	_ = 	snop  }
__scs_overlays_trampoline_lowered:
0x8: {  	[smem:$0x3F98] =	sst s0  }
0x9: {  	[smem:$0x3F99] =	sst s1  }
0xa: {  	[smem:$0x3F9A] =	sst s2  }
0xb: {  	[smem:$0x3F9B] =	sst s3  }
0xc: {  	[smem:$0x3F9C] =	sst s4  }
0xd: {  	[smem:$0x3F9D] =	sst s5  }
0xe: {  	[smem:$0x3F9E] =	sst s6  }
0xf: {  	[smem:$0x3F9F] =	sst s7  }
0x10: {  	[smem:$0x3FA0] =	sst s8  }
0x11: {  	[smem:$0x3FA1] =	sst s9;
	s0 =	simm.s32 @!p0 $0x0  }
0x12: {  	s1 =	sld [smem:$0x3F87];
	s0 =	simm.s32 @p0 $0x1  }
0x13: {  	[smem:$0x3FA2] =	sst s0;
	s0 =	simm.s32 @!p1 $0x0  }
0x14: {  	s2 =	sld [smem:$0x3F86];
	s0 =	simm.s32 @p1 $0x1  }
0x15: {  	[smem:$0x3FA3] =	sst s0;
	s0 =	simm.s32 @!p2 $0x0  }
0x16: {  	s3 =	sld [smem:$0x3FDB];
	s0 =	simm.s32 @p2 $0x1  }
0x17: {  	s4 =	simm.s32 $0x1BF5;
	[smem:$0x3FA5] =	sst s0  }
0x18: {  	s0 =	sld [smem:$0x3F88];
	_ =	swait.ge [sflag:s4], $0x0  }
0x19: {  	s7 =	sld [smem:$0x3F89]  }
0x1a: {  	s8 =	sadd.s32 $0xFFFFE003, lr  }
0x1b: {  	s9 =	sadd.s32 $0xFFFFFEF7, lr;
	s5 =	simm.s32 $0xFFFFFFFF;
	p2 =	slt.u32 s8, $0xFFFFF086  }
0x1c: {  	p1 =	slt.u32 s9, $0xF7A;
	s5 =	simm.s32 @!p2 $0x0  }
0x1d: {  	s5 =	simm.s32 @p1 $0x1;
	p0 =	seq.s32 s7, s2  }
0x1e: {  	s7 =	smul.u32 @!p0 $0xF7A, s2;
	p2 =	seq.s32 @!p0 s5, $0x0  }
0x1f: {  	s9 =	smul.u32 $0xF7A, s1;
	s8 =	simm.s32 @!p0 $0x1BF5;
	p2 =	por !p2, p0  }
0x20: {  	[sflag:s8] =	ssyncset.s32 @!p0 $0xFFFFF086;
	s6 =	sadd.s32 @!p0 s3, s7;
	s7 =	simm.s32 @!p0 $0x108  }
0x21: {  	s3 =	sadd.s32 s3, s9;
	s6 =	sadd.s32 @!p0 $0x88, s6;
	s7 =	simm.s32 @p2 $0x1082  }
0x22: {  	[simem:s7], [sflag:s8] =	dma.local @!p0 [hbm:s6], $0xF7A  }
0x23: {  	s9 =	sor.u32 $0xD0000000, s2;
	s6 =	simm.s32 $0x108;
	_ =	swait.ge @!p0 [sflag:s8], $0x0  }
0x24: {  	s3 =	sadd.s32 $0x88, s3;
	s6 =	simm.s32 @!p1 $0x1082;
	[sflag:s4] =	ssyncset.s32 $0xFFFFF086  }
0x25: {  	[simem:s6], [sflag:s4] =	dma.local [hbm:s3], $0xF7A  }
0x26: {  	[smem:$0x3F89] =	sst s1;
	(tag) =	ssettag s2;
	_ =	strace s9  }
0x27: {  	s1 =	sld [smem:$0x3F99]  }
0x28: {  	s2 =	sld [smem:$0x3F9A]  }
0x29: {  	s4 =	sld [smem:$0x3F9C]  }
0x2a: {  	p0 =	seq.s32 s5, $0x0;
	s5 =	sld [smem:$0x3F9D]  }
0x2b: {  	s6 =	sld [smem:$0x3F9E]  }
0x2c: {  	s7 =	sld [smem:$0x3F9F]  }
0x2d: {  	s3 =	simm.s32 $0x108;
	s8 =	sld [smem:$0x3FA0]  }
0x2e: {  	s3 =	simm.s32 @!p0 $0x1082;
	s9 =	sld [smem:$0x3FA1]  }
0x2f: {  	lr =	sadd.s32 s0, s3;
	s0 =	sld [smem:$0x3F98]  }
0x30: {  	s3 =	sld [smem:$0x3F9B]  }
0x31: {  	[smem:$0x3FA4] =	sst s10  }
0x32: {  	s10 =	sld [smem:$0x3FA2];
	_ =	sdelay $0x3  }
0x33: {  	p0 =	seq.s32 s10, $0x1;
	s10 =	sld [smem:$0x3FA4];
	_ =	sdelay $0x3  }
0x34: {  	[smem:$0x3FA4] =	sst s10  }
0x35: {  	s10 =	sld [smem:$0x3FA3];
	_ =	sdelay $0x3  }
0x36: {  	p1 =	seq.s32 s10, $0x1;
	s10 =	sld [smem:$0x3FA4];
	_ =	sdelay $0x3  }
0x37: {  	[smem:$0x3FA4] =	sst s10  }
0x38: {  	s10 =	sld [smem:$0x3FA5]  }
0x39: {  	_ = 	snop;
	(pc) =	sbr.ind lr, $3  }
0x3a: {  	_ = 	snop  }
0x3b: {  	_ = 	snop  }
0x3c: {  	p2 =	seq.s32 s10, $0x1;
	s10 =	sld [smem:$0x3FA4]  }
0x3d: {  	_ =	shalt  }
0x3e: {  	_ =	shalt  }
0x3f: {  	_ =	shalt  }
0x40: {  	_ =	shalt  }
0x41: {  	_ =	shalt  }
0x42: {  	_ =	shalt  }
0x43: {  	_ =	shalt  }
0x44: {  	_ =	shalt  }
0x45: {  	_ =	shalt  }
0x46: {  	_ =	shalt  }
0x47: {  	_ =	shalt  }
0x48: {  	_ =	shalt  }
0x49: {  	_ =	shalt  }
0x4a: {  	_ =	shalt  }
0x4b: {  	_ =	shalt  }
0x4c: {  	_ =	shalt  }
0x4d: {  	_ =	shalt  }
0x4e: {  	_ =	shalt  }
0x4f: {  	_ =	shalt  }
0x50: {  	_ =	shalt  }
0x51: {  	_ =	shalt  }
0x52: {  	_ =	shalt  }
0x53: {  	_ =	shalt  }
0x54: {  	_ =	shalt  }
0x55: {  	_ =	shalt  }
0x56: {  	_ =	shalt  }
0x57: {  	_ =	shalt  }
0x58: {  	_ =	shalt  }
0x59: {  	_ =	shalt  }
0x5a: {  	_ =	shalt  }
0x5b: {  	_ =	shalt  }
0x5c: {  	_ =	shalt  }
0x5d: {  	_ =	shalt  }
0x5e: {  	_ =	shalt  }
0x5f: {  	_ =	shalt  }
0x60: {  	_ =	shalt  }
0x61: {  	_ =	shalt  }
0x62: {  	_ =	shalt  }
0x63: {  	_ =	shalt  }
0x64: {  	_ =	shalt  }
0x65: {  	_ =	shalt  }
0x66: {  	_ =	shalt  }
0x67: {  	_ =	shalt  }
0x68: {  	_ =	shalt  }
0x69: {  	_ =	shalt  }
0x6a: {  	_ =	shalt  }
0x6b: {  	_ =	shalt  }
0x6c: {  	_ =	shalt  }
0x6d: {  	_ =	shalt  }
0x6e: {  	_ =	shalt  }
0x6f: {  	_ =	shalt  }
0x70: {  	_ =	shalt  }
0x71: {  	_ =	shalt  }
0x72: {  	_ =	shalt  }
0x73: {  	_ =	shalt  }
0x74: {  	_ =	shalt  }
0x75: {  	_ =	shalt  }
0x76: {  	_ =	shalt  }
0x77: {  	_ =	shalt  }
0x78: {  	_ =	shalt  }
0x79: {  	_ =	shalt  }
0x7a: {  	_ =	shalt  }
0x7b: {  	_ =	shalt  }
0x7c: {  	_ =	shalt  }
0x7d: {  	_ =	shalt  }
0x7e: {  	_ =	shalt  }
0x7f: {  	_ =	shalt  }
0x80: {  	_ =	shalt  }
0x81: {  	_ =	shalt  }
0x82: {  	_ =	shalt  }
0x83: {  	_ =	shalt  }
0x84: {  	_ =	shalt  }
0x85: {  	_ =	shalt  }
0x86: {  	_ =	shalt  }
0x87: {  	_ =	shalt  }
.Lfunc_end0:
.L_simem_size_0:
called_computation.3_lowered:
.L_overlay_start_0:
0x88: {  	s2 =	sld [smem:$0x3FD9]  }
0x89: {  	s3 =	sld [smem:$0x3FFE];
	_ =	sdelay $0x1  }
0x8a: {  	s1 =	srdreg.scid  }
0x8b: {  	s0 =	sand.u32 $0x1, s1  }
0x8c: {  	s14 =	sshll.u32 s0, $0xA;
	s2 =	sadd.s32 s3, s2  }
0x8d: {  	s2 =	sadd.s32 s2, s14  }
0x8e: {  	[smem:$0x3FB0] =	sst s2  }
0x8f: {  	_ = 	snop  }
0x90: {  	s2 =	sld [smem:$0x3FD0];
	_ =	sdelay $0x2  }
0x91: {  	s15 =	simm.s32 $0xA;
	s4 =	simm.s32 $0x10  }
0x92: {  	[smem:s4], [sflag:s15] =	dma.local [hbm:s2], $0x1  }
0x93: {  	_ =	swait.eq [sflag:s15], $0x1  }
0x94: {  	[sflag:s15] =	ssyncset.done $0x0  }
0x95: {  	s16 =	sld [smem:$0x10];
	[sflag:s15] =	ssyncadd.s32 $0xFFFFFFFF  }
0x96: {  	s17 =	sld [smem:$0x11];
	(tm) =	ssettm $0x1  }
0x97: {  	s18 =	sld [smem:$0x3FFB];
	_ =	sdelay $0x3  }
0x98: {  	_ =	strace s18  }
0x99: {  	s4 =	sld [smem:$0x3FFC];
	_ =	sdelay $0x3  }
0x9a: {  	_ =	strace s4  }
0x9b: {  	s4 =	sld [smem:$0x3FFD];
	_ =	sdelay $0x3  }
0x9c: {  	_ =	strace s4  }
0x9d: {  	_ =	strace $0x8FFFFFFF  }
0x9e: {  	s19 =	sld [smem:$0x3FDB];
	_ =	sdelay $0x1  }
0x9f: {  	s5 =	simm.s32 $_scs_section_size  }
0xa0: {  	s6 =	simm.s32 $_size__tile_overlayer_lowered;
	s7 =	simm.s32 $_tile_overlayer_lowered  }
0xa1: {  	s22 =	simm.s32 $0x1BFF;
	s21 =	sshll.u32 s7, $0x1;
	s4 =	sadd.s32 s5, s19  }
0xa2: {  	s8 =	simm.s32 $0x0;
	s20 =	sshll.u32 s6, $0x1;
	s6 =	sadd.s32 s21, s4  }
0xa3: {  	[timem:s8], [sflag:s22] =	dma.local [hbm:s6], s20  }
0xa4: {  	_ =	swait.ge [sflag:s22], s20  }
0xa5: {  	s5 =	ssub.s32 $0x0, s20;
	[sflag:s22] =	ssyncset.done $0x0  }
0xa6: {  	[sflag:s22] =	ssyncadd.s32 s5;
	_ =	sdelay $0x1  }
0xa7: {  	s23 =	simm.s32 $0x1B8B  }
0xa8: {  	_ =	swait.ge [sflag:s23], $0x1  }
0xa9: {  	[sflag:s23] =	ssyncset.done $0x0  }
0xaa: {  	s25 =	simm.s32 $0x1B8E;
	s24 =	sld [smem:$0x3FFE];
	[sflag:s23] =	ssyncadd.s32 $0xFFFFFFFF  }
0xab: {  	s26 =	simm.s32 $execute0_lowered;
	[smem:$0x3FD2] =	sst s25  }
0xac: {  	s6 =	sshll.u32 s26, $0x1;
	_ =	strace $0x8000004F;
	[dreg:$0x1] =	wrdreg $0xFFFFFFFF  }
0xad: {  	s28 =	simm.s32 $_size_execute0_lowered;
	s4 =	sadd.s32 s4, s6;
	[dreg:$0x0] =	wrdreg $0x0  }
0xae: {  	s6 =	sshll.u32 s28, $0x1;
	[dreg:$0x2] =	wrdreg s4  }
0xaf: {  	[dreg:$0x3] =	wrdreg s6  }
0xb0: {  	[dreg:$0x4] =	wrdreg $0xC0  }
0xb1: {  	_ =	task [dreg:s8], $0x5FFFF  }
0xb2: {  	[dreg:$0x1] =	wrdreg $0xFFFFFFFF  }
0xb3: {  	[dreg:$0x0] =	wrdreg $0x60  }
0xb4: {  	[dreg:$0x2] =	wrdreg s17  }
0xb5: {  	[dreg:$0x3] =	wrdreg s16  }
0xb6: {  	[dreg:$0x4] =	wrdreg s24  }
0xb7: {  	[dreg:$0x5] =	wrdreg $0x81800  }
0xb8: {  	[dreg:$0x6] =	wrdreg $0x9  }
0xb9: {  	_ =	task.clear_ibuf [dreg:s8], $0x7FFFF;
	_ =	strace $0x9000004F  }
0xba: {  	s29 =	simm.s32 $0x9;
	_ =	strace $0x80000051  }
0xbb: {  	_ =	swait.ge [sflag:s29], $0x1  }
0xbc: {  	[sflag:s29] =	ssyncadd.s32 $0xFFFFFFFF  }
0xbd: {  	_ =	strace $0x90000051  }
0xbe: {  	_ =	sfence  }
0xbf: {  	s30 =	sld [smem:$0x0];
	_ =	sdelay $0x2  }
0xc0: {  	s31 =	sshll.u32 s1, $0xD;
	s1 =	sshrl.u32 s1, $0x2  }
0xc1: {  	s3 =	sand.u32 $0x4000, s31;
	s1 =	sadd.s32 s1, s30  }
0xc2: {  	s0 =	sor.u32 s3, s0;
	s1 =	sshll.u32 s1, $0x11  }
0xc3: {  	s0 =	sor.u32 s1, s0  }
0xc4: {  	s0 =	sadd.s32 $0x8F2B, s0  }
0xc5: {  	[sflag:s0] =	ssyncadd.remote.s32 $0x1  }
0xc6: {  	_ =	sfence.sel $0xFFFF  }
0xc7: {  	[dreg:$0x0] =	wrdreg $0xFFFFFFFF;
	(pc) =	sbr.abs _section_cstart, $3  }
0xc8: {  	[dreg:$0x1] =	wrdreg $0xFFFFFFFF  }
0xc9: {  	_ =	task.clear_ibuf [dreg:s8], $0x2FFFF;
	_ =	strace $0x9FFFFFFF  }
0xca: {  	(tm) =	ssettm $0x7FFFFFFF  }
0xcb: {  	_ =	shalt  }
tec
execute0_lowered:
.L_overlay_start_1:
0x0: {  	(tag) =	ssettag $0x1  }
0x1: {  	s0 =	rddreg [dreg:$0x0]  }
0x2: {  	s1 =	rddreg [dreg:$0x1]  }
0x3: {  	s5 =	rddreg [dreg:$0x2]  }
0x4: {  	s2 =	rddreg [dreg:$0x3];
	s3 =	simm.s32 $0x0  }
0x5: {  	s13 =	stileid.u32;
	s4 =	srdreg.scid;
	s28 =	simm.s32 $0x4180  }
0x6: {  	s29 =	simm.s32 $0x0;
	[smem:$0x7FF] =	sst s3;
	s6 =	smul.u32 $0x2800, s13  }
0x7: {  	s7 =	sand.u32 $0x1, s4;
	s4 =	sadd.s32 $0x2D800, s5;
	s11 =	smul.u32 $0x1900, s13  }
0x8: {  	s20 =	smul.u32 $0x50000, s13;
	s22 =	sshll.u32 s13, $0x6;
	_ =	strace $0x80000050  }
0x9: {  	s8 =	smul.u32 $0x28000, s7;
	s10 =	ssub.s32 $0x2, s7;
	p0 =	seq.s32 s7, $0x0  }
0xa: {  	s7 =	smul.u32 $0x3800, s13;
	s9 =	sadd.s32 s6, s5;
	s19 =	sshrl.u32 s10, $0x1  }
0xb: {  	s6 =	sadd.s32 s6, s8;
	s12 =	ssub.s32 s10, s19;
	s10 =	sadd.s32 $0x38000, s11  }
0xc: {  	s8 =	sshrl.u32 s20, $0x2;
	s23 =	sadd.s32 $0x55800, s9;
	s6 =	sadd.s32 s6, s5  }
0xd: {  	s5 =	simm.s32 $0x70;
	s10 =	smov.u32 @p0 s7;
	s21 =	sadd.s32 s8, s2  }
0xe: {  	[dreg:$0x6] =	wrdreg s23;
	s8 =	sor.u32 $0x1C03, s22;
	s25 =	smax.u32 s12, $0x1  }
0xf: {  	s22 =	simm.s32 $0x80;
	s23 =	simm.s32 $0x180;
	s5 =	simm.s32 @!p0 $0x32  }
0x10: {  	[dreg:$0x5] =	wrdreg s21;
	s17 =	sshrl.u32 s10, $0x3;
	s6 =	sadd.s32 $0x7D800, s6  }
0x11: {  	[dreg:$0x8] =	wrdreg s25;
	s21 =	simm.s32 $0x3;
	s25 =	simm.s32 $0x1  }
0x12: {  	s9 =	sadd.s32 s0, s17;
	[dreg:$0x7] =	wrdreg s6;
	s24 =	sshll.u32 s5, $0x4  }
0x13: {  	s26 =	sadd.s32 $0x30, s17;
	s13 =	sadd.s32 s17, s1;
	s20 =	sadd.s32 $0x20, s17  }
0x14: {  	s19 =	sor.u32 $0x10, s17;
	s12 =	sadd.s32 $0xFFFFFFE0, s24;
	s30 =	sadd.s32 $0x20, s9  }
0x15: {  	s15 =	sadd.s32 s26, s0;
	s6 =	sadd.s32 s26, s1;
	s31 =	sadd.s32 s20, s1  }
0x16: {  	s18 =	sadd.s32 s19, s0;
	s19 =	sadd.s32 s19, s1;
	s20 =	sadd.s32 s20, s0  }
0x17: {  	s24 =	simm.s32 $0x100;
	s26 =	simm.s32 $0x2;
	[dreg:$0x9] =	wrdreg s30  }
0x18: {  	s15 =	sadd.s32 $0xFFFFFFE0, s15;
	s16 =	sadd.s32 $0xFFFFFFE0, s6;
	s17 =	sadd.s32 $0xFFFFFFE0, s31  }
.LBB2_1:
0x19: {  	s0 =	rddreg [dreg:$0x5]  }
0x1a: {  	s31 =	rddreg [dreg:$0x6];
	s30 =	sshrl.u32 s0, $0x3  }
0x1b: {  	[spmem:s30], [sflag:s8] =	dma.local [hbm:s31], $0x2800  }
0x1c: {  	_ =	swait.ge [sflag:s21], $0x2800  }
0x1d: {  	[sflag:s21] =	ssyncset.done $0x0  }
0x1e: {  	[sflag:s21] =	ssyncadd.s32 $0xFFFFD800  }
0x1f: {  	p1 =	sne.s32 s12, $0x20;
	[bflag:$0x0] =	sbarrier.arrive $0xFFFF  }
0x20: {  	[tilespmem:s3], [sflag:$0x3] =	stream.linear.gather [hbm4b:s9+s3], $0x80, $0x38;
	[tilespmem:$0x1C180] =	vst v63  }
.Ltmp0:
0x21: {  	_ = 	snop;
	(pc) =	sbr.rel @!p1 .LBB2_2-.Ltmp0, $4  }
0x22: {  	_ =	swait.ge [sflag:s21], $0x80  }
0x23: {  	s1 =	simm.s32 $0x20;
	[sflag:s21] =	ssyncset.done $0x0  }
0x24: {  	p2 =	sle.u32 s5, $0x1;
	p0 =	por $0x0, $0x0;
	[sflag:s21] =	ssyncadd.s32 $0xFFFFFF80  }
0x25: {  	[tilespmem:s23], [sflag:$0x1] =	stream.indirect.gather [hbm4b:s4+s22], $0x80, s3, s22, $0xb8;
	[tilespmem:$0x1C180] =	vst v63  }
0x26: {  	s0 =	sadd.s32 @!p2 $0x0, s18  }
0x27: {  	s6 =	simm.s32 @!p2 $0x0;
	s31 =	simm.s32 @!p2 $0x80;
	s7 =	simm.s32 @!p2 $0x3  }
0x28: {  	[tilespmem:s31], [sflag:$0x3] =	stream.linear.gather @!p2 [hbm4b:s0+s6], $0x80, $0x38;
	[tilespmem:$0x1C180] =	vst v63  }
0x29: {  	_ =	swait.ge @!p2 [sflag:s7], $0x80  }
0x2a: {  	[sflag:s7] =	ssyncset.done @!p2 $0x0  }
0x2b: {  	s0 =	simm.s32 @!p2 $0x4180;
	[sflag:s7] =	ssyncadd.s32 @!p2 $0xFFFFFF80  }
0x2c: {  	[tilespmem:s0], [sflag:$0x2] =	stream.indirect.gather @!p2 [hbm4b:s4+s31], $0x80, s31, s31, $0xb8;
	[tilespmem:$0x1C180] =	vst v63  }
0x2d: {  	s11 =	sadd.s32 $0x0, s13  }
0x2e: {  	[tilespmem:s24], [sflag:$0x3] =	stream.linear.gather [hbm4b:s11+s3], $0x80, $0x38;
	[tilespmem:$0x1C180] =	vst v63  }
0x2f: {  	_ =	swait.ge [sflag:s21], $0x80  }
0x30: {  	[sflag:s21] =	ssyncset.done $0x0  }
0x31: {  	[sflag:s21] =	ssyncadd.s32 $0xFFFFFF80  }
0x32: {  	_ =	swait.ge [sflag:s25], $0x4000  }
0x33: {  	[sflag:s25] =	ssyncset.done $0x0  }
0x34: {  	[sflag:s25] =	ssyncadd.s32 $0xFFFFC000  }
0x35: {  	[spmem:s2] =	stream.indirect.scatter.add.f32 [tilespmem:s23], [sflag:$0x3], $0x80, s24, s22, $0xb8;
	[tilespmem:$0x1C180] =	vst v63  }
0x36: {  	p0 =	sle.u32 s5, $0x2;
	_ =	swait.ge [sflag:s21], $0x4000  }
0x37: {  	s6 =	simm.s32 @!p0 $0x0;
	[sflag:s21] =	ssyncset.done $0x0  }
0x38: {  	s7 =	simm.s32 @!p0 $0x3;
	s0 =	sadd.s32 @!p0 $0x0, s20;
	[sflag:s21] =	ssyncadd.s32 $0xFFFFC000  }
0x39: {  	[tilespmem:s6], [sflag:$0x3] =	stream.linear.gather @!p0 [hbm4b:s0+s6], $0x80, $0x38;
	[tilespmem:$0x1C180] =	vst v63  }
0x3a: {  	_ =	swait.ge @!p0 [sflag:s7], $0x80  }
0x3b: {  	[sflag:s7] =	ssyncset.done @!p0 $0x0  }
0x3c: {  	s31 =	simm.s32 @!p0 $0x180;
	s0 =	simm.s32 @!p0 $0x80;
	[sflag:s7] =	ssyncadd.s32 @!p0 $0xFFFFFF80  }
0x3d: {  	[tilespmem:s31], [sflag:$0x1] =	stream.indirect.gather @!p0 [hbm4b:s4+s0], $0x80, s6, s0, $0xb8;
	[tilespmem:$0x1C180] =	vst v63  }
0x3e: {  	s14 =	sadd.s32 $0x0, s19  }
0x3f: {  	[tilespmem:s24], [sflag:$0x3] =	stream.linear.gather [hbm4b:s14+s3], $0x80, $0x38;
	[tilespmem:$0x1C180] =	vst v63  }
0x40: {  	_ =	swait.ge [sflag:s21], $0x80  }
0x41: {  	[sflag:s21] =	ssyncset.done $0x0  }
0x42: {  	p1 =	sne.s32 s12, $0x40;
	[sflag:s21] =	ssyncadd.s32 $0xFFFFFF80  }
.Ltmp1:
0x43: {  	_ =	swait.ge [sflag:s26], $0x4000;
	(pc) =	sbr.rel @!p1 .LBB2_4-.Ltmp1, $4  }
0x44: {  	[sflag:s26] =	ssyncset.done $0x0  }
0x45: {  	p2 =	sle.u32 s5, $0x3;
	s31 =	simm.s32 $0x40;
	[sflag:s26] =	ssyncadd.s32 $0xFFFFC000  }
0x46: {  	[spmem:s2] =	stream.indirect.scatter.add.f32 [tilespmem:s28], [sflag:$0x3], $0x80, s24, s22, $0xb8;
	[tilespmem:$0x1C180] =	vst v63  }
0x47: {  	s0 =	simm.s32 $0x4;
	p0 =	por $0x1, $0x1;
	_ =	swait.ge [sflag:s21], $0x4000  }
.LBB2_5:
0x48: {  	s6 =	sadd.s32 @!p2 s1, s18;
	s7 =	simm.s32 @!p2 $0x0;
	[sflag:s21] =	ssyncset.done $0x0  }
0x49: {  	s10 =	simm.s32 @!p2 $0x80;
	s11 =	simm.s32 @!p2 $0x3;
	[sflag:s21] =	ssyncadd.s32 $0xFFFFC000  }
0x4a: {  	[tilespmem:s10], [sflag:$0x3] =	stream.linear.gather @!p2 [hbm4b:s6+s7], $0x80, $0x38;
	[tilespmem:$0x1C180] =	vst v63  }
0x4b: {  	s6 =	smov.u32 s31;
	s31 =	sadd.s32 $0x20, s31;
	_ =	swait.ge @!p2 [sflag:s11], $0x80  }
0x4c: {  	s7 =	simm.s32 @!p2 $0x4180;
	p1 =	sne.s32 s12, s31;
	[sflag:s11] =	ssyncset.done @!p2 $0x0  }
0x4d: {  	[sflag:s11] =	ssyncadd.s32 @!p2 $0xFFFFFF80;
	s11 =	sadd.s32 s1, s13  }
0x4e: {  	[tilespmem:s7], [sflag:$0x2] =	stream.indirect.gather @!p2 [hbm4b:s4+s10], $0x80, s10, s10, $0xb8;
	[tilespmem:$0x1C180] =	vst v63  }
0x4f: {  	_ = 	snop  }
0x50: {  	[tilespmem:s24], [sflag:$0x3] =	stream.linear.gather [hbm4b:s11+s3], $0x80, $0x38;
	[tilespmem:$0x1C180] =	vst v63  }
0x51: {  	_ =	swait.ge [sflag:s21], $0x80  }
0x52: {  	[sflag:s21] =	ssyncset.done $0x0  }
0x53: {  	[sflag:s21] =	ssyncadd.s32 $0xFFFFFF80  }
0x54: {  	_ =	swait.ge [sflag:s25], $0x4000  }
0x55: {  	[sflag:s25] =	ssyncset.done $0x0  }
0x56: {  	[sflag:s25] =	ssyncadd.s32 $0xFFFFC000  }
0x57: {  	[spmem:s2] =	stream.indirect.scatter.add.f32 [tilespmem:s23], [sflag:$0x3], $0x80, s24, s22, $0xb8;
	[tilespmem:$0x1C180] =	vst v63  }
0x58: {  	p2 =	sge.u32 s0, s5;
	_ =	swait.ge [sflag:s21], $0x4000  }
0x59: {  	s7 =	sadd.s32 @!p2 s1, s20;
	s10 =	simm.s32 @!p2 $0x0;
	[sflag:s21] =	ssyncset.done $0x0  }
0x5a: {  	s11 =	simm.s32 @!p2 $0x3;
	[sflag:s21] =	ssyncadd.s32 $0xFFFFC000  }
0x5b: {  	[tilespmem:s10], [sflag:$0x3] =	stream.linear.gather @!p2 [hbm4b:s7+s10], $0x80, $0x38;
	[tilespmem:$0x1C180] =	vst v63  }
0x5c: {  	_ =	swait.ge @!p2 [sflag:s11], $0x80  }
0x5d: {  	s14 =	simm.s32 @!p2 $0x180;
	s7 =	simm.s32 @!p2 $0x80;
	[sflag:s11] =	ssyncset.done @!p2 $0x0  }
0x5e: {  	[sflag:s11] =	ssyncadd.s32 @!p2 $0xFFFFFF80;
	s11 =	sadd.s32 s1, s19;
	s1 =	smov.u32 s6  }
0x5f: {  	[tilespmem:s14], [sflag:$0x1] =	stream.indirect.gather @!p2 [hbm4b:s4+s7], $0x80, s10, s7, $0xb8;
	[tilespmem:$0x1C180] =	vst v63  }
0x60: {  	_ = 	snop  }
0x61: {  	[tilespmem:s24], [sflag:$0x3] =	stream.linear.gather [hbm4b:s11+s3], $0x80, $0x38;
	[tilespmem:$0x1C180] =	vst v63  }
0x62: {  	_ =	swait.ge [sflag:s21], $0x80  }
0x63: {  	[sflag:s21] =	ssyncset.done $0x0  }
0x64: {  	[sflag:s21] =	ssyncadd.s32 $0xFFFFFF80  }
.Ltmp2:
0x65: {  	_ =	swait.ge [sflag:s26], $0x4000;
	(pc) =	sbr.rel @p1 .LBB2_5-.Ltmp2, $4  }
0x66: {  	s0 =	sadd.s32 $0x2, s0;
	[sflag:s26] =	ssyncset.done $0x0  }
0x67: {  	s6 =	sadd.s32 $0xFFFFFFFF, s0;
	[sflag:s26] =	ssyncadd.s32 $0xFFFFC000  }
0x68: {  	[spmem:s2] =	stream.indirect.scatter.add.f32 [tilespmem:s28], [sflag:$0x3], $0x80, s24, s22, $0xb8;
	[tilespmem:$0x1C180] =	vst v63  }
0x69: {  	p2 =	sge.u32 s6, s5;
	_ =	swait.ge [sflag:s21], $0x4000  }
0x6a: {  	s6 =	smov.u32 s1;
	s1 =	smov.u32 s31  }
.LBB2_7:
0x6b: {  	s7 =	sadd.s32 @!p2 s6, s18;
	[sflag:s21] =	ssyncset.done @p0 $0x0  }
0x6c: {  	s10 =	simm.s32 @!p2 $0x0;
	s11 =	simm.s32 @!p2 $0x80;
	[sflag:s21] =	ssyncadd.s32 @p0 $0xFFFFC000  }
0x6d: {  	[tilespmem:s11], [sflag:$0x3] =	stream.linear.gather @!p2 [hbm4b:s7+s10], $0x80, $0x38;
	[tilespmem:$0x1C180] =	vst v63  }
0x6e: {  	s7 =	simm.s32 @!p2 $0x3  }
0x6f: {  	_ =	swait.ge @!p2 [sflag:s7], $0x80  }
0x70: {  	[sflag:s7] =	ssyncset.done @!p2 $0x0  }
0x71: {  	s10 =	simm.s32 @!p2 $0x4180;
	[sflag:s7] =	ssyncadd.s32 @!p2 $0xFFFFFF80  }
0x72: {  	[tilespmem:s10], [sflag:$0x2] =	stream.indirect.gather @!p2 [hbm4b:s4+s11], $0x80, s11, s11, $0xb8;
	[tilespmem:$0x1C180] =	vst v63  }
0x73: {  	s11 =	sadd.s32 s6, s13  }
0x74: {  	[tilespmem:s24], [sflag:$0x3] =	stream.linear.gather [hbm4b:s11+s3], $0x80, $0x38;
	[tilespmem:$0x1C180] =	vst v63  }
0x75: {  	_ =	swait.ge [sflag:s21], $0x80  }
0x76: {  	[sflag:s21] =	ssyncset.done $0x0  }
0x77: {  	[sflag:s21] =	ssyncadd.s32 $0xFFFFFF80  }
0x78: {  	_ =	swait.ge [sflag:s25], $0x4000  }
0x79: {  	[sflag:s25] =	ssyncset.done $0x0  }
0x7a: {  	[sflag:s25] =	ssyncadd.s32 $0xFFFFC000  }
0x7b: {  	[spmem:s2] =	stream.indirect.scatter.add.f32 [tilespmem:s23], [sflag:$0x3], $0x80, s24, s22, $0xb8;
	[tilespmem:$0x1C180] =	vst v63  }
0x7c: {  	p0 =	sge.u32 s0, s5;
	_ =	swait.ge [sflag:s21], $0x4000  }
0x7d: {  	s7 =	sadd.s32 @!p0 s6, s20;
	[sflag:s21] =	ssyncset.done $0x0  }
0x7e: {  	s10 =	simm.s32 @!p0 $0x0;
	s11 =	simm.s32 @!p0 $0x3;
	[sflag:s21] =	ssyncadd.s32 $0xFFFFC000  }
0x7f: {  	[tilespmem:s10], [sflag:$0x3] =	stream.linear.gather @!p0 [hbm4b:s7+s10], $0x80, $0x38;
	[tilespmem:$0x1C180] =	vst v63  }
0x80: {  	_ =	swait.ge @!p0 [sflag:s11], $0x80  }
0x81: {  	[sflag:s11] =	ssyncset.done @!p0 $0x0  }
0x82: {  	s7 =	simm.s32 @!p0 $0x80;
	[sflag:s11] =	ssyncadd.s32 @!p0 $0xFFFFFF80;
	s11 =	simm.s32 @!p0 $0x180  }
0x83: {  	[tilespmem:s11], [sflag:$0x1] =	stream.indirect.gather @!p0 [hbm4b:s4+s7], $0x80, s10, s7, $0xb8;
	[tilespmem:$0x1C180] =	vst v63  }
0x84: {  	s14 =	sadd.s32 s6, s19  }
0x85: {  	[tilespmem:s24], [sflag:$0x3] =	stream.linear.gather [hbm4b:s14+s3], $0x80, $0x38;
	[tilespmem:$0x1C180] =	vst v63  }
0x86: {  	_ =	swait.ge [sflag:s21], $0x80  }
0x87: {  	[sflag:s21] =	ssyncset.done $0x0  }
0x88: {  	[sflag:s21] =	ssyncadd.s32 $0xFFFFFF80  }
0x89: {  	_ =	swait.ge [sflag:s26], $0x4000  }
0x8a: {  	s31 =	sadd.s32 $0x2, s0;
	[sflag:s26] =	ssyncset.done $0x0  }
0x8b: {  	s7 =	sadd.s32 $0xFFFFFFFF, s31;
	[sflag:s26] =	ssyncadd.s32 $0xFFFFC000  }
0x8c: {  	[spmem:s2] =	stream.indirect.scatter.add.f32 [tilespmem:s28], [sflag:$0x3], $0x80, s24, s22, $0xb8;
	[tilespmem:$0x1C180] =	vst v63  }
0x8d: {  	p0 =	sge.u32 s7, s5;
	_ =	swait.ge [sflag:s21], $0x4000  }
0x8e: {  	s6 =	sadd.s32 @!p0 s1, s15;
	[sflag:s21] =	ssyncset.done $0x0  }
0x8f: {  	s7 =	simm.s32 @!p0 $0x0;
	s10 =	simm.s32 @!p0 $0x80;
	[sflag:s21] =	ssyncadd.s32 $0xFFFFC000  }
0x90: {  	[tilespmem:s10], [sflag:$0x3] =	stream.linear.gather @!p0 [hbm4b:s6+s7], $0x80, $0x38;
	[tilespmem:$0x1C180] =	vst v63  }
0x91: {  	s6 =	simm.s32 @!p0 $0x3  }
0x92: {  	_ =	swait.ge @!p0 [sflag:s6], $0x80  }
0x93: {  	[sflag:s6] =	ssyncset.done @!p0 $0x0  }
0x94: {  	[sflag:s6] =	ssyncadd.s32 @!p0 $0xFFFFFF80;
	s6 =	simm.s32 @!p0 $0x4180  }
0x95: {  	[tilespmem:s6], [sflag:$0x2] =	stream.indirect.gather @!p0 [hbm4b:s4+s10], $0x80, s10, s10, $0xb8;
	[tilespmem:$0x1C180] =	vst v63  }
0x96: {  	s10 =	sadd.s32 s1, s17  }
0x97: {  	[tilespmem:s24], [sflag:$0x3] =	stream.linear.gather [hbm4b:s10+s3], $0x80, $0x38;
	[tilespmem:$0x1C180] =	vst v63  }
0x98: {  	_ =	swait.ge [sflag:s21], $0x80  }
0x99: {  	[sflag:s21] =	ssyncset.done $0x0  }
0x9a: {  	[sflag:s21] =	ssyncadd.s32 $0xFFFFFF80  }
0x9b: {  	_ =	swait.ge [sflag:s25], $0x4000  }
0x9c: {  	[sflag:s25] =	ssyncset.done $0x0  }
0x9d: {  	[sflag:s25] =	ssyncadd.s32 $0xFFFFC000  }
0x9e: {  	[spmem:s2] =	stream.indirect.scatter.add.f32 [tilespmem:s23], [sflag:$0x3], $0x80, s24, s22, $0xb8;
	[tilespmem:$0x1C180] =	vst v63  }
0x9f: {  	_ =	swait.ge [sflag:s21], $0x4000  }
0xa0: {  	p0 =	sge.u32 s31, s5;
	[sflag:s21] =	ssyncset.done $0x0;
	s0 =	rddreg [dreg:$0x9]  }
0xa1: {  	s6 =	simm.s32 @!p0 $0x0;
	[sflag:s21] =	ssyncadd.s32 $0xFFFFC000;
	s0 =	sadd.s32 @!p0 s1, s0  }
0xa2: {  	[tilespmem:s6], [sflag:$0x3] =	stream.linear.gather @!p0 [hbm4b:s0+s6], $0x80, $0x38;
	[tilespmem:$0x1C180] =	vst v63  }
0xa3: {  	s0 =	simm.s32 @!p0 $0x3  }
0xa4: {  	_ =	swait.ge @!p0 [sflag:s0], $0x80  }
0xa5: {  	[sflag:s0] =	ssyncset.done @!p0 $0x0  }
0xa6: {  	s7 =	simm.s32 @!p0 $0x180;
	[sflag:s0] =	ssyncadd.s32 @!p0 $0xFFFFFF80;
	s0 =	simm.s32 @!p0 $0x80  }
0xa7: {  	[tilespmem:s7], [sflag:$0x1] =	stream.indirect.gather @!p0 [hbm4b:s4+s0], $0x80, s6, s0, $0xb8;
	[tilespmem:$0x1C180] =	vst v63  }
0xa8: {  	s11 =	sadd.s32 s1, s16  }
0xa9: {  	[tilespmem:s24], [sflag:$0x3] =	stream.linear.gather [hbm4b:s11+s3], $0x80, $0x38;
	[tilespmem:$0x1C180] =	vst v63  }
0xaa: {  	_ =	swait.ge [sflag:s21], $0x80  }
0xab: {  	[sflag:s21] =	ssyncset.done $0x0  }
0xac: {  	[sflag:s21] =	ssyncadd.s32 $0xFFFFFF80  }
0xad: {  	_ =	swait.ge [sflag:s26], $0x4000  }
0xae: {  	[sflag:s26] =	ssyncset.done $0x0  }
0xaf: {  	[sflag:s26] =	ssyncadd.s32 $0xFFFFC000  }
0xb0: {  	[spmem:s2] =	stream.indirect.scatter.add.f32 [tilespmem:s28], [sflag:$0x3], $0x80, s24, s22, $0xb8;
	[tilespmem:$0x1C180] =	vst v63  }
0xb1: {  	_ =	swait.ge [sflag:s21], $0x4000  }
0xb2: {  	[sflag:s21] =	ssyncset.done $0x0  }
0xb3: {  	[sflag:s21] =	ssyncadd.s32 $0xFFFFC000  }
0xb4: {  	[bflag:$0x0] =	sbarrier.arrive $0xFFFF  }
0xb5: {  	s14 =	rddreg [dreg:$0x7]  }
0xb6: {  	[hbm:s14], [sflag:s8] =	dma.local [spmem:s30], $0x2800  }
0xb7: {  	_ =	swait.ge [sflag:s21], $0x2800  }
0xb8: {  	s29 =	sadd.s32 $0x1, s29;
	s31 =	rddreg [dreg:$0x8]  }
0xb9: {  	p0 =	sne.s32 s29, s31  }
.Ltmp3:
0xba: {  	_ = 	snop;
	(pc) =	sbr.rel @p0 .LBB2_1-.Ltmp3, $4  }
.Ltmp4:
0xbb: {  	_ = 	snop;
	(pc) =	sbr.rel @!p0 .LBB2_8-.Ltmp4, $4  }
0xbc: {  	_ = 	snop  }
0xbd: {  	[sflag:s21] =	ssyncset.done $0x0  }
0xbe: {  	[sflag:s21] =	ssyncadd.s32 $0xFFFFD800  }
0xbf: {  	_ = 	snop  }
.LBB2_2:
.Ltmp5:
0xc0: {  	(pc) =	sbr.rel .LBB2_7-.Ltmp5, $2  }
0xc1: {  	_ =	sdelay $0x2  }
0xc2: {  	s6 =	simm.s32 $0x0;
	s0 =	simm.s32 $0x2  }
.LBB2_4:
.Ltmp6:
0xc3: {  	(pc) =	sbr.rel .LBB2_7-.Ltmp6, $2  }
0xc4: {  	_ =	sdelay $0x2  }
0xc5: {  	s6 =	simm.s32 $0x20;
	s1 =	simm.s32 $0x40  }
.LBB2_8:
0xc6: {  	_ =	sfence.sel $0x180000  }
0xc7: {  	[bflag:$0x0] =	sbarrier.arrive $0xFFFF  }
0xc8: {  	_ =	strace $0x90000050  }
0xc9: {  	s0 =	stileid.u32;
	[bflag:$0x2] =	sbarrier.arrive $0xFFFF  }
0xca: {  	p0 =	sne.s32 s0, $0x0;
	s0 =	rddreg [dreg:$0x4]  }
0xcb: {  	s0 =	sadd.s32 @!p0 $0x100000, s0  }
0xcc: {  	[sflag:s0] =	ssyncadd.tile.s32 @!p0 $0x1;
	_ =	shalt  }
.Lfunc_end2:
_tile_overlayer_lowered:
.L_overlay_start_2:
0xcd: {  	(tag) =	ssettag $0x2  }
0xce: {  	s0 =	rddreg [dreg:$0x0];
	s2 =	stileid.u32  }
0xcf: {  	s1 =	rddreg [dreg:$0x1];
	p0 =	sne.s32 s2, $0x0  }
0xd0: {  	s3 =	rddreg [dreg:$0x2];
	[bflag:$0x3] =	sbarrier.arrive $0xFFFF;
	s2 =	simm.s32 @!p0 $0x1C03  }
0xd1: {  	[timem:s3], [sflag:s2] =	dma.local @!p0 [hbm:s0], s1  }
0xd2: {  	s0 =	simm.s32 @!p0 $0x3  }
0xd3: {  	_ =	swait.ge @!p0 [sflag:s0], s1  }
0xd4: {  	s1 =	ssub.s32 @!p0 $0x0, s1;
	[sflag:s0] =	ssyncset.done @!p0 $0x0  }
0xd5: {  	[sflag:s0] =	ssyncadd.s32 @!p0 s1  }
0xd6: {  	[bflag:$0x3] =	sbarrier.arrive $0xFFFF  }
0xd7: {  	_ =	shalt  }

// kernel: kernel.26.cloned.1.call-start
scs
__scs_entry_jumppad:
0x0: {  	(pc) =	sbr.rel $0x88, $3  }
0x1: {  	(tag) =	ssettag $0x0;
	lr =	simm.s32 $0x1  }
0x2: {  	[smem:$0x3F89] =	sst lr;
	_ =	strace $0xD0000000  }
0x3: {  	_ = 	snop  }
0x4: {  	_ = 	snop  }
0x5: {  	_ = 	snop  }
0x6: {  	_ = 	snop  }
0x7: {  	_ = 	snop  }
__scs_overlays_trampoline_lowered:
0x8: {  	[smem:$0x3F98] =	sst s0  }
0x9: {  	[smem:$0x3F99] =	sst s1  }
0xa: {  	[smem:$0x3F9A] =	sst s2  }
0xb: {  	[smem:$0x3F9B] =	sst s3  }
0xc: {  	[smem:$0x3F9C] =	sst s4  }
0xd: {  	[smem:$0x3F9D] =	sst s5  }
0xe: {  	[smem:$0x3F9E] =	sst s6  }
0xf: {  	[smem:$0x3F9F] =	sst s7  }
0x10: {  	[smem:$0x3FA0] =	sst s8  }
0x11: {  	[smem:$0x3FA1] =	sst s9;
	s0 =	simm.s32 @!p0 $0x0  }
0x12: {  	s1 =	sld [smem:$0x3F87];
	s0 =	simm.s32 @p0 $0x1  }
0x13: {  	[smem:$0x3FA2] =	sst s0;
	s0 =	simm.s32 @!p1 $0x0  }
0x14: {  	s2 =	sld [smem:$0x3F86];
	s0 =	simm.s32 @p1 $0x1  }
0x15: {  	[smem:$0x3FA3] =	sst s0;
	s0 =	simm.s32 @!p2 $0x0  }
0x16: {  	s3 =	sld [smem:$0x3FDB];
	s0 =	simm.s32 @p2 $0x1  }
0x17: {  	s4 =	simm.s32 $0x1BF5;
	[smem:$0x3FA5] =	sst s0  }
0x18: {  	s0 =	sld [smem:$0x3F88];
	_ =	swait.ge [sflag:s4], $0x0  }
0x19: {  	s7 =	sld [smem:$0x3F89]  }
0x1a: {  	s8 =	sadd.s32 $0xFFFFE003, lr  }
0x1b: {  	s9 =	sadd.s32 $0xFFFFFEF7, lr;
	s5 =	simm.s32 $0xFFFFFFFF;
	p2 =	slt.u32 s8, $0xFFFFF086  }
0x1c: {  	p1 =	slt.u32 s9, $0xF7A;
	s5 =	simm.s32 @!p2 $0x0  }
0x1d: {  	s5 =	simm.s32 @p1 $0x1;
	p0 =	seq.s32 s7, s2  }
0x1e: {  	s7 =	smul.u32 @!p0 $0xF7A, s2;
	p2 =	seq.s32 @!p0 s5, $0x0  }
0x1f: {  	s9 =	smul.u32 $0xF7A, s1;
	s8 =	simm.s32 @!p0 $0x1BF5;
	p2 =	por !p2, p0  }
0x20: {  	[sflag:s8] =	ssyncset.s32 @!p0 $0xFFFFF086;
	s6 =	sadd.s32 @!p0 s3, s7;
	s7 =	simm.s32 @!p0 $0x108  }
0x21: {  	s3 =	sadd.s32 s3, s9;
	s6 =	sadd.s32 @!p0 $0x88, s6;
	s7 =	simm.s32 @p2 $0x1082  }
0x22: {  	[simem:s7], [sflag:s8] =	dma.local @!p0 [hbm:s6], $0xF7A  }
0x23: {  	s9 =	sor.u32 $0xD0000000, s2;
	s6 =	simm.s32 $0x108;
	_ =	swait.ge @!p0 [sflag:s8], $0x0  }
0x24: {  	s3 =	sadd.s32 $0x88, s3;
	s6 =	simm.s32 @!p1 $0x1082;
	[sflag:s4] =	ssyncset.s32 $0xFFFFF086  }
0x25: {  	[simem:s6], [sflag:s4] =	dma.local [hbm:s3], $0xF7A  }
0x26: {  	[smem:$0x3F89] =	sst s1;
	(tag) =	ssettag s2;
	_ =	strace s9  }
0x27: {  	s1 =	sld [smem:$0x3F99]  }
0x28: {  	s2 =	sld [smem:$0x3F9A]  }
0x29: {  	s4 =	sld [smem:$0x3F9C]  }
0x2a: {  	p0 =	seq.s32 s5, $0x0;
	s5 =	sld [smem:$0x3F9D]  }
0x2b: {  	s6 =	sld [smem:$0x3F9E]  }
0x2c: {  	s7 =	sld [smem:$0x3F9F]  }
0x2d: {  	s3 =	simm.s32 $0x108;
	s8 =	sld [smem:$0x3FA0]  }
0x2e: {  	s3 =	simm.s32 @!p0 $0x1082;
	s9 =	sld [smem:$0x3FA1]  }
0x2f: {  	lr =	sadd.s32 s0, s3;
	s0 =	sld [smem:$0x3F98]  }
0x30: {  	s3 =	sld [smem:$0x3F9B]  }
0x31: {  	[smem:$0x3FA4] =	sst s10  }
0x32: {  	s10 =	sld [smem:$0x3FA2];
	_ =	sdelay $0x3  }
0x33: {  	p0 =	seq.s32 s10, $0x1;
	s10 =	sld [smem:$0x3FA4];
	_ =	sdelay $0x3  }
0x34: {  	[smem:$0x3FA4] =	sst s10  }
0x35: {  	s10 =	sld [smem:$0x3FA3];
	_ =	sdelay $0x3  }
0x36: {  	p1 =	seq.s32 s10, $0x1;
	s10 =	sld [smem:$0x3FA4];
	_ =	sdelay $0x3  }
0x37: {  	[smem:$0x3FA4] =	sst s10  }
0x38: {  	s10 =	sld [smem:$0x3FA5]  }
0x39: {  	_ = 	snop;
	(pc) =	sbr.ind lr, $3  }
0x3a: {  	_ = 	snop  }
0x3b: {  	_ = 	snop  }
0x3c: {  	p2 =	seq.s32 s10, $0x1;
	s10 =	sld [smem:$0x3FA4]  }
0x3d: {  	_ =	shalt  }
0x3e: {  	_ =	shalt  }
0x3f: {  	_ =	shalt  }
0x40: {  	_ =	shalt  }
0x41: {  	_ =	shalt  }
0x42: {  	_ =	shalt  }
0x43: {  	_ =	shalt  }
0x44: {  	_ =	shalt  }
0x45: {  	_ =	shalt  }
0x46: {  	_ =	shalt  }
0x47: {  	_ =	shalt  }
0x48: {  	_ =	shalt  }
0x49: {  	_ =	shalt  }
0x4a: {  	_ =	shalt  }
0x4b: {  	_ =	shalt  }
0x4c: {  	_ =	shalt  }
0x4d: {  	_ =	shalt  }
0x4e: {  	_ =	shalt  }
0x4f: {  	_ =	shalt  }
0x50: {  	_ =	shalt  }
0x51: {  	_ =	shalt  }
0x52: {  	_ =	shalt  }
0x53: {  	_ =	shalt  }
0x54: {  	_ =	shalt  }
0x55: {  	_ =	shalt  }
0x56: {  	_ =	shalt  }
0x57: {  	_ =	shalt  }
0x58: {  	_ =	shalt  }
0x59: {  	_ =	shalt  }
0x5a: {  	_ =	shalt  }
0x5b: {  	_ =	shalt  }
0x5c: {  	_ =	shalt  }
0x5d: {  	_ =	shalt  }
0x5e: {  	_ =	shalt  }
0x5f: {  	_ =	shalt  }
0x60: {  	_ =	shalt  }
0x61: {  	_ =	shalt  }
0x62: {  	_ =	shalt  }
0x63: {  	_ =	shalt  }
0x64: {  	_ =	shalt  }
0x65: {  	_ =	shalt  }
0x66: {  	_ =	shalt  }
0x67: {  	_ =	shalt  }
0x68: {  	_ =	shalt  }
0x69: {  	_ =	shalt  }
0x6a: {  	_ =	shalt  }
0x6b: {  	_ =	shalt  }
0x6c: {  	_ =	shalt  }
0x6d: {  	_ =	shalt  }
0x6e: {  	_ =	shalt  }
0x6f: {  	_ =	shalt  }
0x70: {  	_ =	shalt  }
0x71: {  	_ =	shalt  }
0x72: {  	_ =	shalt  }
0x73: {  	_ =	shalt  }
0x74: {  	_ =	shalt  }
0x75: {  	_ =	shalt  }
0x76: {  	_ =	shalt  }
0x77: {  	_ =	shalt  }
0x78: {  	_ =	shalt  }
0x79: {  	_ =	shalt  }
0x7a: {  	_ =	shalt  }
0x7b: {  	_ =	shalt  }
0x7c: {  	_ =	shalt  }
0x7d: {  	_ =	shalt  }
0x7e: {  	_ =	shalt  }
0x7f: {  	_ =	shalt  }
0x80: {  	_ =	shalt  }
0x81: {  	_ =	shalt  }
0x82: {  	_ =	shalt  }
0x83: {  	_ =	shalt  }
0x84: {  	_ =	shalt  }
0x85: {  	_ =	shalt  }
0x86: {  	_ =	shalt  }
0x87: {  	_ =	shalt  }
.Lfunc_end0:
.L_simem_size_0:
called_computation.4_lowered:
.L_overlay_start_0:
0x88: {  	s2 =	sld [smem:$0x3FD9]  }
0x89: {  	s3 =	sld [smem:$0x3FFE];
	_ =	sdelay $0x1  }
0x8a: {  	s1 =	srdreg.scid  }
0x8b: {  	s0 =	sand.u32 $0x1, s1  }
0x8c: {  	s14 =	sshll.u32 s0, $0xA;
	s2 =	sadd.s32 s3, s2  }
0x8d: {  	s2 =	sadd.s32 s2, s14  }
0x8e: {  	[smem:$0x3FB0] =	sst s2  }
0x8f: {  	_ = 	snop  }
0x90: {  	s2 =	sld [smem:$0x3FD0];
	_ =	sdelay $0x2  }
0x91: {  	s15 =	simm.s32 $0xA;
	s4 =	simm.s32 $0x10  }
0x92: {  	[smem:s4], [sflag:s15] =	dma.local [hbm:s2], $0x1  }
0x93: {  	_ =	swait.eq [sflag:s15], $0x1  }
0x94: {  	[sflag:s15] =	ssyncset.done $0x0  }
0x95: {  	s16 =	sld [smem:$0x10];
	[sflag:s15] =	ssyncadd.s32 $0xFFFFFFFF  }
0x96: {  	s17 =	sld [smem:$0x11];
	(tm) =	ssettm $0x1  }
0x97: {  	s18 =	sld [smem:$0x3FFB];
	_ =	sdelay $0x3  }
0x98: {  	_ =	strace s18  }
0x99: {  	s4 =	sld [smem:$0x3FFC];
	_ =	sdelay $0x3  }
0x9a: {  	_ =	strace s4  }
0x9b: {  	s4 =	sld [smem:$0x3FFD];
	_ =	sdelay $0x3  }
0x9c: {  	_ =	strace s4  }
0x9d: {  	_ =	strace $0x8FFFFFFF  }
0x9e: {  	s19 =	sld [smem:$0x3FDB];
	_ =	sdelay $0x1  }
0x9f: {  	s5 =	simm.s32 $_scs_section_size  }
0xa0: {  	s6 =	simm.s32 $_size__tile_overlayer_lowered;
	s7 =	simm.s32 $_tile_overlayer_lowered  }
0xa1: {  	s22 =	simm.s32 $0x1BFF;
	s21 =	sshll.u32 s7, $0x1;
	s4 =	sadd.s32 s5, s19  }
0xa2: {  	s8 =	simm.s32 $0x0;
	s20 =	sshll.u32 s6, $0x1;
	s6 =	sadd.s32 s21, s4  }
0xa3: {  	[timem:s8], [sflag:s22] =	dma.local [hbm:s6], s20  }
0xa4: {  	_ =	swait.ge [sflag:s22], s20  }
0xa5: {  	s5 =	ssub.s32 $0x0, s20;
	[sflag:s22] =	ssyncset.done $0x0  }
0xa6: {  	[sflag:s22] =	ssyncadd.s32 s5;
	_ =	sdelay $0x1  }
0xa7: {  	s23 =	simm.s32 $0x1B8B  }
0xa8: {  	_ =	swait.ge [sflag:s23], $0x1  }
0xa9: {  	[sflag:s23] =	ssyncset.done $0x0  }
0xaa: {  	s25 =	simm.s32 $0x1B8E;
	s24 =	sld [smem:$0x3FFE];
	[sflag:s23] =	ssyncadd.s32 $0xFFFFFFFF  }
0xab: {  	s26 =	simm.s32 $execute0_lowered;
	[smem:$0x3FD2] =	sst s25  }
0xac: {  	s6 =	sshll.u32 s26, $0x1;
	_ =	strace $0x80000052;
	[dreg:$0x1] =	wrdreg $0xFFFFFFFF  }
0xad: {  	s28 =	simm.s32 $_size_execute0_lowered;
	s4 =	sadd.s32 s4, s6;
	[dreg:$0x0] =	wrdreg $0x0  }
0xae: {  	s6 =	sshll.u32 s28, $0x1;
	[dreg:$0x2] =	wrdreg s4  }
0xaf: {  	[dreg:$0x3] =	wrdreg s6  }
0xb0: {  	[dreg:$0x4] =	wrdreg $0xC0  }
0xb1: {  	_ =	task [dreg:s8], $0x5FFFF  }
0xb2: {  	[dreg:$0x1] =	wrdreg $0xFFFFFFFF  }
0xb3: {  	[dreg:$0x0] =	wrdreg $0x60  }
0xb4: {  	[dreg:$0x2] =	wrdreg s17  }
0xb5: {  	[dreg:$0x3] =	wrdreg s16  }
0xb6: {  	[dreg:$0x4] =	wrdreg s24  }
0xb7: {  	[dreg:$0x5] =	wrdreg $0x81800  }
0xb8: {  	[dreg:$0x6] =	wrdreg $0x9  }
0xb9: {  	_ =	task.clear_ibuf [dreg:s8], $0x7FFFF;
	_ =	strace $0x90000052  }
0xba: {  	s29 =	simm.s32 $0x9;
	_ =	strace $0x80000054  }
0xbb: {  	_ =	swait.ge [sflag:s29], $0x1  }
0xbc: {  	[sflag:s29] =	ssyncadd.s32 $0xFFFFFFFF  }
0xbd: {  	_ =	strace $0x90000054  }
0xbe: {  	_ =	sfence  }
0xbf: {  	s30 =	sld [smem:$0x0];
	_ =	sdelay $0x2  }
0xc0: {  	s31 =	sshll.u32 s1, $0xD;
	s1 =	sshrl.u32 s1, $0x2  }
0xc1: {  	s3 =	sand.u32 $0x4000, s31;
	s1 =	sadd.s32 s1, s30  }
0xc2: {  	s0 =	sor.u32 s3, s0;
	s1 =	sshll.u32 s1, $0x11  }
0xc3: {  	s0 =	sor.u32 s1, s0  }
0xc4: {  	s0 =	sadd.s32 $0x8F2B, s0  }
0xc5: {  	[sflag:s0] =	ssyncadd.remote.s32 $0x1  }
0xc6: {  	_ =	sfence.sel $0xFFFF  }
0xc7: {  	[dreg:$0x0] =	wrdreg $0xFFFFFFFF;
	(pc) =	sbr.abs _section_cstart, $3  }
0xc8: {  	[dreg:$0x1] =	wrdreg $0xFFFFFFFF  }
0xc9: {  	_ =	task.clear_ibuf [dreg:s8], $0x2FFFF;
	_ =	strace $0x9FFFFFFF  }
0xca: {  	(tm) =	ssettm $0x7FFFFFFF  }
0xcb: {  	_ =	shalt  }
tec
execute0_lowered:
.L_overlay_start_1:
0x0: {  	(tag) =	ssettag $0x1  }
0x1: {  	s0 =	rddreg [dreg:$0x0]  }
0x2: {  	s1 =	rddreg [dreg:$0x1]  }
0x3: {  	s5 =	rddreg [dreg:$0x2]  }
0x4: {  	s2 =	rddreg [dreg:$0x3];
	s3 =	simm.s32 $0x0  }
0x5: {  	s13 =	stileid.u32;
	s4 =	srdreg.scid;
	s28 =	simm.s32 $0x4180  }
0x6: {  	s29 =	simm.s32 $0x0;
	[smem:$0x7FF] =	sst s3;
	s6 =	smul.u32 $0x2800, s13  }
0x7: {  	s7 =	sand.u32 $0x1, s4;
	s4 =	sadd.s32 $0x2D800, s5;
	s11 =	smul.u32 $0x1900, s13  }
0x8: {  	s20 =	smul.u32 $0x50000, s13;
	s22 =	sshll.u32 s13, $0x6;
	_ =	strace $0x80000053  }
0x9: {  	s8 =	smul.u32 $0x28000, s7;
	s10 =	ssub.s32 $0x2, s7;
	p0 =	seq.s32 s7, $0x0  }
0xa: {  	s7 =	smul.u32 $0x3800, s13;
	s9 =	sadd.s32 s6, s5;
	s19 =	sshrl.u32 s10, $0x1  }
0xb: {  	s6 =	sadd.s32 s6, s8;
	s12 =	ssub.s32 s10, s19;
	s10 =	sadd.s32 $0x38000, s11  }
0xc: {  	s8 =	sshrl.u32 s20, $0x2;
	s23 =	sadd.s32 $0x55800, s9;
	s6 =	sadd.s32 s6, s5  }
0xd: {  	s5 =	simm.s32 $0x70;
	s10 =	smov.u32 @p0 s7;
	s21 =	sadd.s32 s8, s2  }
0xe: {  	[dreg:$0x6] =	wrdreg s23;
	s8 =	sor.u32 $0x1C03, s22;
	s25 =	smax.u32 s12, $0x1  }
0xf: {  	s22 =	simm.s32 $0x80;
	s23 =	simm.s32 $0x180;
	s5 =	simm.s32 @!p0 $0x32  }
0x10: {  	[dreg:$0x5] =	wrdreg s21;
	s17 =	sshrl.u32 s10, $0x3;
	s6 =	sadd.s32 $0x7D800, s6  }
0x11: {  	[dreg:$0x8] =	wrdreg s25;
	s21 =	simm.s32 $0x3;
	s25 =	simm.s32 $0x1  }
0x12: {  	s9 =	sadd.s32 s0, s17;
	[dreg:$0x7] =	wrdreg s6;
	s24 =	sshll.u32 s5, $0x4  }
0x13: {  	s26 =	sadd.s32 $0x30, s17;
	s13 =	sadd.s32 s17, s1;
	s20 =	sadd.s32 $0x20, s17  }
0x14: {  	s19 =	sor.u32 $0x10, s17;
	s12 =	sadd.s32 $0xFFFFFFE0, s24;
	s30 =	sadd.s32 $0x20, s9  }
0x15: {  	s15 =	sadd.s32 s26, s0;
	s6 =	sadd.s32 s26, s1;
	s31 =	sadd.s32 s20, s1  }
0x16: {  	s18 =	sadd.s32 s19, s0;
	s19 =	sadd.s32 s19, s1;
	s20 =	sadd.s32 s20, s0  }
0x17: {  	s24 =	simm.s32 $0x100;
	s26 =	simm.s32 $0x2;
	[dreg:$0x9] =	wrdreg s30  }
0x18: {  	s15 =	sadd.s32 $0xFFFFFFE0, s15;
	s16 =	sadd.s32 $0xFFFFFFE0, s6;
	s17 =	sadd.s32 $0xFFFFFFE0, s31  }
.LBB2_1:
0x19: {  	s0 =	rddreg [dreg:$0x5]  }
0x1a: {  	s31 =	rddreg [dreg:$0x6];
	s30 =	sshrl.u32 s0, $0x3  }
0x1b: {  	[spmem:s30], [sflag:s8] =	dma.local [hbm:s31], $0x2800  }
0x1c: {  	_ =	swait.ge [sflag:s21], $0x2800  }
0x1d: {  	[sflag:s21] =	ssyncset.done $0x0  }
0x1e: {  	[sflag:s21] =	ssyncadd.s32 $0xFFFFD800  }
0x1f: {  	p1 =	sne.s32 s12, $0x20;
	[bflag:$0x0] =	sbarrier.arrive $0xFFFF  }
0x20: {  	[tilespmem:s3], [sflag:$0x3] =	stream.linear.gather [hbm4b:s9+s3], $0x80, $0x38;
	[tilespmem:$0x1C180] =	vst v63  }
.Ltmp0:
0x21: {  	_ = 	snop;
	(pc) =	sbr.rel @!p1 .LBB2_2-.Ltmp0, $4  }
0x22: {  	_ =	swait.ge [sflag:s21], $0x80  }
0x23: {  	s1 =	simm.s32 $0x20;
	[sflag:s21] =	ssyncset.done $0x0  }
0x24: {  	p2 =	sle.u32 s5, $0x1;
	p0 =	por $0x0, $0x0;
	[sflag:s21] =	ssyncadd.s32 $0xFFFFFF80  }
0x25: {  	[tilespmem:s23], [sflag:$0x1] =	stream.indirect.gather [hbm4b:s4+s22], $0x80, s3, s22, $0xb8;
	[tilespmem:$0x1C180] =	vst v63  }
0x26: {  	s0 =	sadd.s32 @!p2 $0x0, s18  }
0x27: {  	s6 =	simm.s32 @!p2 $0x0;
	s31 =	simm.s32 @!p2 $0x80;
	s7 =	simm.s32 @!p2 $0x3  }
0x28: {  	[tilespmem:s31], [sflag:$0x3] =	stream.linear.gather @!p2 [hbm4b:s0+s6], $0x80, $0x38;
	[tilespmem:$0x1C180] =	vst v63  }
0x29: {  	_ =	swait.ge @!p2 [sflag:s7], $0x80  }
0x2a: {  	[sflag:s7] =	ssyncset.done @!p2 $0x0  }
0x2b: {  	s0 =	simm.s32 @!p2 $0x4180;
	[sflag:s7] =	ssyncadd.s32 @!p2 $0xFFFFFF80  }
0x2c: {  	[tilespmem:s0], [sflag:$0x2] =	stream.indirect.gather @!p2 [hbm4b:s4+s31], $0x80, s31, s31, $0xb8;
	[tilespmem:$0x1C180] =	vst v63  }
0x2d: {  	s11 =	sadd.s32 $0x0, s13  }
0x2e: {  	[tilespmem:s24], [sflag:$0x3] =	stream.linear.gather [hbm4b:s11+s3], $0x80, $0x38;
	[tilespmem:$0x1C180] =	vst v63  }
0x2f: {  	_ =	swait.ge [sflag:s21], $0x80  }
0x30: {  	[sflag:s21] =	ssyncset.done $0x0  }
0x31: {  	[sflag:s21] =	ssyncadd.s32 $0xFFFFFF80  }
0x32: {  	_ =	swait.ge [sflag:s25], $0x4000  }
0x33: {  	[sflag:s25] =	ssyncset.done $0x0  }
0x34: {  	[sflag:s25] =	ssyncadd.s32 $0xFFFFC000  }
0x35: {  	[spmem:s2] =	stream.indirect.scatter.add.f32 [tilespmem:s23], [sflag:$0x3], $0x80, s24, s22, $0xb8;
	[tilespmem:$0x1C180] =	vst v63  }
0x36: {  	p0 =	sle.u32 s5, $0x2;
	_ =	swait.ge [sflag:s21], $0x4000  }
0x37: {  	s6 =	simm.s32 @!p0 $0x0;
	[sflag:s21] =	ssyncset.done $0x0  }
0x38: {  	s7 =	simm.s32 @!p0 $0x3;
	s0 =	sadd.s32 @!p0 $0x0, s20;
	[sflag:s21] =	ssyncadd.s32 $0xFFFFC000  }
0x39: {  	[tilespmem:s6], [sflag:$0x3] =	stream.linear.gather @!p0 [hbm4b:s0+s6], $0x80, $0x38;
	[tilespmem:$0x1C180] =	vst v63  }
0x3a: {  	_ =	swait.ge @!p0 [sflag:s7], $0x80  }
0x3b: {  	[sflag:s7] =	ssyncset.done @!p0 $0x0  }
0x3c: {  	s31 =	simm.s32 @!p0 $0x180;
	s0 =	simm.s32 @!p0 $0x80;
	[sflag:s7] =	ssyncadd.s32 @!p0 $0xFFFFFF80  }
0x3d: {  	[tilespmem:s31], [sflag:$0x1] =	stream.indirect.gather @!p0 [hbm4b:s4+s0], $0x80, s6, s0, $0xb8;
	[tilespmem:$0x1C180] =	vst v63  }
0x3e: {  	s14 =	sadd.s32 $0x0, s19  }
0x3f: {  	[tilespmem:s24], [sflag:$0x3] =	stream.linear.gather [hbm4b:s14+s3], $0x80, $0x38;
	[tilespmem:$0x1C180] =	vst v63  }
0x40: {  	_ =	swait.ge [sflag:s21], $0x80  }
0x41: {  	[sflag:s21] =	ssyncset.done $0x0  }
0x42: {  	p1 =	sne.s32 s12, $0x40;
	[sflag:s21] =	ssyncadd.s32 $0xFFFFFF80  }
.Ltmp1:
0x43: {  	_ =	swait.ge [sflag:s26], $0x4000;
	(pc) =	sbr.rel @!p1 .LBB2_4-.Ltmp1, $4  }
0x44: {  	[sflag:s26] =	ssyncset.done $0x0  }
0x45: {  	p2 =	sle.u32 s5, $0x3;
	s31 =	simm.s32 $0x40;
	[sflag:s26] =	ssyncadd.s32 $0xFFFFC000  }
0x46: {  	[spmem:s2] =	stream.indirect.scatter.add.f32 [tilespmem:s28], [sflag:$0x3], $0x80, s24, s22, $0xb8;
	[tilespmem:$0x1C180] =	vst v63  }
0x47: {  	s0 =	simm.s32 $0x4;
	p0 =	por $0x1, $0x1;
	_ =	swait.ge [sflag:s21], $0x4000  }
.LBB2_5:
0x48: {  	s6 =	sadd.s32 @!p2 s1, s18;
	s7 =	simm.s32 @!p2 $0x0;
	[sflag:s21] =	ssyncset.done $0x0  }
0x49: {  	s10 =	simm.s32 @!p2 $0x80;
	s11 =	simm.s32 @!p2 $0x3;
	[sflag:s21] =	ssyncadd.s32 $0xFFFFC000  }
0x4a: {  	[tilespmem:s10], [sflag:$0x3] =	stream.linear.gather @!p2 [hbm4b:s6+s7], $0x80, $0x38;
	[tilespmem:$0x1C180] =	vst v63  }
0x4b: {  	s6 =	smov.u32 s31;
	s31 =	sadd.s32 $0x20, s31;
	_ =	swait.ge @!p2 [sflag:s11], $0x80  }
0x4c: {  	s7 =	simm.s32 @!p2 $0x4180;
	p1 =	sne.s32 s12, s31;
	[sflag:s11] =	ssyncset.done @!p2 $0x0  }
0x4d: {  	[sflag:s11] =	ssyncadd.s32 @!p2 $0xFFFFFF80;
	s11 =	sadd.s32 s1, s13  }
0x4e: {  	[tilespmem:s7], [sflag:$0x2] =	stream.indirect.gather @!p2 [hbm4b:s4+s10], $0x80, s10, s10, $0xb8;
	[tilespmem:$0x1C180] =	vst v63  }
0x4f: {  	_ = 	snop  }
0x50: {  	[tilespmem:s24], [sflag:$0x3] =	stream.linear.gather [hbm4b:s11+s3], $0x80, $0x38;
	[tilespmem:$0x1C180] =	vst v63  }
0x51: {  	_ =	swait.ge [sflag:s21], $0x80  }
0x52: {  	[sflag:s21] =	ssyncset.done $0x0  }
0x53: {  	[sflag:s21] =	ssyncadd.s32 $0xFFFFFF80  }
0x54: {  	_ =	swait.ge [sflag:s25], $0x4000  }
0x55: {  	[sflag:s25] =	ssyncset.done $0x0  }
0x56: {  	[sflag:s25] =	ssyncadd.s32 $0xFFFFC000  }
0x57: {  	[spmem:s2] =	stream.indirect.scatter.add.f32 [tilespmem:s23], [sflag:$0x3], $0x80, s24, s22, $0xb8;
	[tilespmem:$0x1C180] =	vst v63  }
0x58: {  	p2 =	sge.u32 s0, s5;
	_ =	swait.ge [sflag:s21], $0x4000  }
0x59: {  	s7 =	sadd.s32 @!p2 s1, s20;
	s10 =	simm.s32 @!p2 $0x0;
	[sflag:s21] =	ssyncset.done $0x0  }
0x5a: {  	s11 =	simm.s32 @!p2 $0x3;
	[sflag:s21] =	ssyncadd.s32 $0xFFFFC000  }
0x5b: {  	[tilespmem:s10], [sflag:$0x3] =	stream.linear.gather @!p2 [hbm4b:s7+s10], $0x80, $0x38;
	[tilespmem:$0x1C180] =	vst v63  }
0x5c: {  	_ =	swait.ge @!p2 [sflag:s11], $0x80  }
0x5d: {  	s14 =	simm.s32 @!p2 $0x180;
	s7 =	simm.s32 @!p2 $0x80;
	[sflag:s11] =	ssyncset.done @!p2 $0x0  }
0x5e: {  	[sflag:s11] =	ssyncadd.s32 @!p2 $0xFFFFFF80;
	s11 =	sadd.s32 s1, s19;
	s1 =	smov.u32 s6  }
0x5f: {  	[tilespmem:s14], [sflag:$0x1] =	stream.indirect.gather @!p2 [hbm4b:s4+s7], $0x80, s10, s7, $0xb8;
	[tilespmem:$0x1C180] =	vst v63  }
0x60: {  	_ = 	snop  }
0x61: {  	[tilespmem:s24], [sflag:$0x3] =	stream.linear.gather [hbm4b:s11+s3], $0x80, $0x38;
	[tilespmem:$0x1C180] =	vst v63  }
0x62: {  	_ =	swait.ge [sflag:s21], $0x80  }
0x63: {  	[sflag:s21] =	ssyncset.done $0x0  }
0x64: {  	[sflag:s21] =	ssyncadd.s32 $0xFFFFFF80  }
.Ltmp2:
0x65: {  	_ =	swait.ge [sflag:s26], $0x4000;
	(pc) =	sbr.rel @p1 .LBB2_5-.Ltmp2, $4  }
0x66: {  	s0 =	sadd.s32 $0x2, s0;
	[sflag:s26] =	ssyncset.done $0x0  }
0x67: {  	s6 =	sadd.s32 $0xFFFFFFFF, s0;
	[sflag:s26] =	ssyncadd.s32 $0xFFFFC000  }
0x68: {  	[spmem:s2] =	stream.indirect.scatter.add.f32 [tilespmem:s28], [sflag:$0x3], $0x80, s24, s22, $0xb8;
	[tilespmem:$0x1C180] =	vst v63  }
0x69: {  	p2 =	sge.u32 s6, s5;
	_ =	swait.ge [sflag:s21], $0x4000  }
0x6a: {  	s6 =	smov.u32 s1;
	s1 =	smov.u32 s31  }
.LBB2_7:
0x6b: {  	s7 =	sadd.s32 @!p2 s6, s18;
	[sflag:s21] =	ssyncset.done @p0 $0x0  }
0x6c: {  	s10 =	simm.s32 @!p2 $0x0;
	s11 =	simm.s32 @!p2 $0x80;
	[sflag:s21] =	ssyncadd.s32 @p0 $0xFFFFC000  }
0x6d: {  	[tilespmem:s11], [sflag:$0x3] =	stream.linear.gather @!p2 [hbm4b:s7+s10], $0x80, $0x38;
	[tilespmem:$0x1C180] =	vst v63  }
0x6e: {  	s7 =	simm.s32 @!p2 $0x3  }
0x6f: {  	_ =	swait.ge @!p2 [sflag:s7], $0x80  }
0x70: {  	[sflag:s7] =	ssyncset.done @!p2 $0x0  }
0x71: {  	s10 =	simm.s32 @!p2 $0x4180;
	[sflag:s7] =	ssyncadd.s32 @!p2 $0xFFFFFF80  }
0x72: {  	[tilespmem:s10], [sflag:$0x2] =	stream.indirect.gather @!p2 [hbm4b:s4+s11], $0x80, s11, s11, $0xb8;
	[tilespmem:$0x1C180] =	vst v63  }
0x73: {  	s11 =	sadd.s32 s6, s13  }
0x74: {  	[tilespmem:s24], [sflag:$0x3] =	stream.linear.gather [hbm4b:s11+s3], $0x80, $0x38;
	[tilespmem:$0x1C180] =	vst v63  }
0x75: {  	_ =	swait.ge [sflag:s21], $0x80  }
0x76: {  	[sflag:s21] =	ssyncset.done $0x0  }
0x77: {  	[sflag:s21] =	ssyncadd.s32 $0xFFFFFF80  }
0x78: {  	_ =	swait.ge [sflag:s25], $0x4000  }
0x79: {  	[sflag:s25] =	ssyncset.done $0x0  }
0x7a: {  	[sflag:s25] =	ssyncadd.s32 $0xFFFFC000  }
0x7b: {  	[spmem:s2] =	stream.indirect.scatter.add.f32 [tilespmem:s23], [sflag:$0x3], $0x80, s24, s22, $0xb8;
	[tilespmem:$0x1C180] =	vst v63  }
0x7c: {  	p0 =	sge.u32 s0, s5;
	_ =	swait.ge [sflag:s21], $0x4000  }
0x7d: {  	s7 =	sadd.s32 @!p0 s6, s20;
	[sflag:s21] =	ssyncset.done $0x0  }
0x7e: {  	s10 =	simm.s32 @!p0 $0x0;
	s11 =	simm.s32 @!p0 $0x3;
	[sflag:s21] =	ssyncadd.s32 $0xFFFFC000  }
0x7f: {  	[tilespmem:s10], [sflag:$0x3] =	stream.linear.gather @!p0 [hbm4b:s7+s10], $0x80, $0x38;
	[tilespmem:$0x1C180] =	vst v63  }
0x80: {  	_ =	swait.ge @!p0 [sflag:s11], $0x80  }
0x81: {  	[sflag:s11] =	ssyncset.done @!p0 $0x0  }
0x82: {  	s7 =	simm.s32 @!p0 $0x80;
	[sflag:s11] =	ssyncadd.s32 @!p0 $0xFFFFFF80;
	s11 =	simm.s32 @!p0 $0x180  }
0x83: {  	[tilespmem:s11], [sflag:$0x1] =	stream.indirect.gather @!p0 [hbm4b:s4+s7], $0x80, s10, s7, $0xb8;
	[tilespmem:$0x1C180] =	vst v63  }
0x84: {  	s14 =	sadd.s32 s6, s19  }
0x85: {  	[tilespmem:s24], [sflag:$0x3] =	stream.linear.gather [hbm4b:s14+s3], $0x80, $0x38;
	[tilespmem:$0x1C180] =	vst v63  }
0x86: {  	_ =	swait.ge [sflag:s21], $0x80  }
0x87: {  	[sflag:s21] =	ssyncset.done $0x0  }
0x88: {  	[sflag:s21] =	ssyncadd.s32 $0xFFFFFF80  }
0x89: {  	_ =	swait.ge [sflag:s26], $0x4000  }
0x8a: {  	s31 =	sadd.s32 $0x2, s0;
	[sflag:s26] =	ssyncset.done $0x0  }
0x8b: {  	s7 =	sadd.s32 $0xFFFFFFFF, s31;
	[sflag:s26] =	ssyncadd.s32 $0xFFFFC000  }
0x8c: {  	[spmem:s2] =	stream.indirect.scatter.add.f32 [tilespmem:s28], [sflag:$0x3], $0x80, s24, s22, $0xb8;
	[tilespmem:$0x1C180] =	vst v63  }
0x8d: {  	p0 =	sge.u32 s7, s5;
	_ =	swait.ge [sflag:s21], $0x4000  }
0x8e: {  	s6 =	sadd.s32 @!p0 s1, s15;
	[sflag:s21] =	ssyncset.done $0x0  }
0x8f: {  	s7 =	simm.s32 @!p0 $0x0;
	s10 =	simm.s32 @!p0 $0x80;
	[sflag:s21] =	ssyncadd.s32 $0xFFFFC000  }
0x90: {  	[tilespmem:s10], [sflag:$0x3] =	stream.linear.gather @!p0 [hbm4b:s6+s7], $0x80, $0x38;
	[tilespmem:$0x1C180] =	vst v63  }
0x91: {  	s6 =	simm.s32 @!p0 $0x3  }
0x92: {  	_ =	swait.ge @!p0 [sflag:s6], $0x80  }
0x93: {  	[sflag:s6] =	ssyncset.done @!p0 $0x0  }
0x94: {  	[sflag:s6] =	ssyncadd.s32 @!p0 $0xFFFFFF80;
	s6 =	simm.s32 @!p0 $0x4180  }
0x95: {  	[tilespmem:s6], [sflag:$0x2] =	stream.indirect.gather @!p0 [hbm4b:s4+s10], $0x80, s10, s10, $0xb8;
	[tilespmem:$0x1C180] =	vst v63  }
0x96: {  	s10 =	sadd.s32 s1, s17  }
0x97: {  	[tilespmem:s24], [sflag:$0x3] =	stream.linear.gather [hbm4b:s10+s3], $0x80, $0x38;
	[tilespmem:$0x1C180] =	vst v63  }
0x98: {  	_ =	swait.ge [sflag:s21], $0x80  }
0x99: {  	[sflag:s21] =	ssyncset.done $0x0  }
0x9a: {  	[sflag:s21] =	ssyncadd.s32 $0xFFFFFF80  }
0x9b: {  	_ =	swait.ge [sflag:s25], $0x4000  }
0x9c: {  	[sflag:s25] =	ssyncset.done $0x0  }
0x9d: {  	[sflag:s25] =	ssyncadd.s32 $0xFFFFC000  }
0x9e: {  	[spmem:s2] =	stream.indirect.scatter.add.f32 [tilespmem:s23], [sflag:$0x3], $0x80, s24, s22, $0xb8;
	[tilespmem:$0x1C180] =	vst v63  }
0x9f: {  	_ =	swait.ge [sflag:s21], $0x4000  }
0xa0: {  	p0 =	sge.u32 s31, s5;
	[sflag:s21] =	ssyncset.done $0x0;
	s0 =	rddreg [dreg:$0x9]  }
0xa1: {  	s6 =	simm.s32 @!p0 $0x0;
	[sflag:s21] =	ssyncadd.s32 $0xFFFFC000;
	s0 =	sadd.s32 @!p0 s1, s0  }
0xa2: {  	[tilespmem:s6], [sflag:$0x3] =	stream.linear.gather @!p0 [hbm4b:s0+s6], $0x80, $0x38;
	[tilespmem:$0x1C180] =	vst v63  }
0xa3: {  	s0 =	simm.s32 @!p0 $0x3  }
0xa4: {  	_ =	swait.ge @!p0 [sflag:s0], $0x80  }
0xa5: {  	[sflag:s0] =	ssyncset.done @!p0 $0x0  }
0xa6: {  	s7 =	simm.s32 @!p0 $0x180;
	[sflag:s0] =	ssyncadd.s32 @!p0 $0xFFFFFF80;
	s0 =	simm.s32 @!p0 $0x80  }
0xa7: {  	[tilespmem:s7], [sflag:$0x1] =	stream.indirect.gather @!p0 [hbm4b:s4+s0], $0x80, s6, s0, $0xb8;
	[tilespmem:$0x1C180] =	vst v63  }
0xa8: {  	s11 =	sadd.s32 s1, s16  }
0xa9: {  	[tilespmem:s24], [sflag:$0x3] =	stream.linear.gather [hbm4b:s11+s3], $0x80, $0x38;
	[tilespmem:$0x1C180] =	vst v63  }
0xaa: {  	_ =	swait.ge [sflag:s21], $0x80  }
0xab: {  	[sflag:s21] =	ssyncset.done $0x0  }
0xac: {  	[sflag:s21] =	ssyncadd.s32 $0xFFFFFF80  }
0xad: {  	_ =	swait.ge [sflag:s26], $0x4000  }
0xae: {  	[sflag:s26] =	ssyncset.done $0x0  }
0xaf: {  	[sflag:s26] =	ssyncadd.s32 $0xFFFFC000  }
0xb0: {  	[spmem:s2] =	stream.indirect.scatter.add.f32 [tilespmem:s28], [sflag:$0x3], $0x80, s24, s22, $0xb8;
	[tilespmem:$0x1C180] =	vst v63  }
0xb1: {  	_ =	swait.ge [sflag:s21], $0x4000  }
0xb2: {  	[sflag:s21] =	ssyncset.done $0x0  }
0xb3: {  	[sflag:s21] =	ssyncadd.s32 $0xFFFFC000  }
0xb4: {  	[bflag:$0x0] =	sbarrier.arrive $0xFFFF  }
0xb5: {  	s14 =	rddreg [dreg:$0x7]  }
0xb6: {  	[hbm:s14], [sflag:s8] =	dma.local [spmem:s30], $0x2800  }
0xb7: {  	_ =	swait.ge [sflag:s21], $0x2800  }
0xb8: {  	s29 =	sadd.s32 $0x1, s29;
	s31 =	rddreg [dreg:$0x8]  }
0xb9: {  	p0 =	sne.s32 s29, s31  }
.Ltmp3:
0xba: {  	_ = 	snop;
	(pc) =	sbr.rel @p0 .LBB2_1-.Ltmp3, $4  }
.Ltmp4:
0xbb: {  	_ = 	snop;
	(pc) =	sbr.rel @!p0 .LBB2_8-.Ltmp4, $4  }
0xbc: {  	_ = 	snop  }
0xbd: {  	[sflag:s21] =	ssyncset.done $0x0  }
0xbe: {  	[sflag:s21] =	ssyncadd.s32 $0xFFFFD800  }
0xbf: {  	_ = 	snop  }
.LBB2_2:
.Ltmp5:
0xc0: {  	(pc) =	sbr.rel .LBB2_7-.Ltmp5, $2  }
0xc1: {  	_ =	sdelay $0x2  }
0xc2: {  	s6 =	simm.s32 $0x0;
	s0 =	simm.s32 $0x2  }
.LBB2_4:
.Ltmp6:
0xc3: {  	(pc) =	sbr.rel .LBB2_7-.Ltmp6, $2  }
0xc4: {  	_ =	sdelay $0x2  }
0xc5: {  	s6 =	simm.s32 $0x20;
	s1 =	simm.s32 $0x40  }
.LBB2_8:
0xc6: {  	_ =	sfence.sel $0x180000  }
0xc7: {  	[bflag:$0x0] =	sbarrier.arrive $0xFFFF  }
0xc8: {  	_ =	strace $0x90000053  }
0xc9: {  	s0 =	stileid.u32;
	[bflag:$0x2] =	sbarrier.arrive $0xFFFF  }
0xca: {  	p0 =	sne.s32 s0, $0x0;
	s0 =	rddreg [dreg:$0x4]  }
0xcb: {  	s0 =	sadd.s32 @!p0 $0x100000, s0  }
0xcc: {  	[sflag:s0] =	ssyncadd.tile.s32 @!p0 $0x1;
	_ =	shalt  }
.Lfunc_end2:
_tile_overlayer_lowered:
.L_overlay_start_2:
0xcd: {  	(tag) =	ssettag $0x2  }
0xce: {  	s0 =	rddreg [dreg:$0x0];
	s2 =	stileid.u32  }
0xcf: {  	s1 =	rddreg [dreg:$0x1];
	p0 =	sne.s32 s2, $0x0  }
0xd0: {  	s3 =	rddreg [dreg:$0x2];
	[bflag:$0x3] =	sbarrier.arrive $0xFFFF;
	s2 =	simm.s32 @!p0 $0x1C03  }
0xd1: {  	[timem:s3], [sflag:s2] =	dma.local @!p0 [hbm:s0], s1  }
0xd2: {  	s0 =	simm.s32 @!p0 $0x3  }
0xd3: {  	_ =	swait.ge @!p0 [sflag:s0], s1  }
0xd4: {  	s1 =	ssub.s32 @!p0 $0x0, s1;
	[sflag:s0] =	ssyncset.done @!p0 $0x0  }
0xd5: {  	[sflag:s0] =	ssyncadd.s32 @!p0 s1  }
0xd6: {  	[bflag:$0x3] =	sbarrier.arrive $0xFFFF  }
0xd7: {  	_ =	shalt  }

</sc_bundles>
